<compile_context>
chip_gen: v7x
topology: tpu7x:2x2x1
jax: 0.10.2.dev20260603
libtpu: 0.0.44.dev20260713+nightly
codegen_flags: <defaults>
</compile_context>

<pallas_src>
import jax
import jax.numpy as jnp
from jax import lax
from jax.experimental import pallas as pl
from jax.experimental.pallas import tpu as pltpu
from jax.experimental.pallas import tpu_sc as plsc

N = 10000
E = 320000
IN_F = 128
HID = 32
HEADS = 4
OUT_F = 40
ALPHA = 0.2
EPS = 1e-16

NP = 10240
DUMP = N
CHUNK = 128
TILES = 16
WORKERS = 32
CH1 = 157
CH2 = 79
D2P = 48
ROWS_PER = NP // TILES



def _mm_body(x_ref, w_ref, o_ref):
    o_ref[...] = jnp.dot(x_ref[...], w_ref[...],
                         preferred_element_type=jnp.float32)


def _tc_matmul(x, w, bn=1000):
    n = x.shape[0]
    k = x.shape[1]
    m = w.shape[1]
    return pl.pallas_call(
        _mm_body,
        grid=(n // bn,),
        in_specs=[pl.BlockSpec((bn, k), lambda i: (i, 0)),
                  pl.BlockSpec((k, m), lambda i: (0, 0))],
        out_specs=pl.BlockSpec((bn, m), lambda i: (i, 0)),
        out_shape=jax.ShapeDtypeStruct((n, m), jnp.float32),
    )(x, w)


def _norm_mm_body(a_ref, d_ref, w_ref, o_ref):
    h = a_ref[...] / (d_ref[...] + EPS)
    h = jnp.where(h > 0, h, jnp.exp(jnp.minimum(h, 0.0)) - 1.0)
    o_ref[...] = jnp.dot(h, w_ref[...], preferred_element_type=jnp.float32)


def _tc_norm_matmul(acc, den, w, bn=1000):
    n, k = acc.shape
    m = w.shape[1]
    return pl.pallas_call(
        _norm_mm_body,
        grid=(n // bn,),
        in_specs=[pl.BlockSpec((bn, k), lambda i: (i, 0)),
                  pl.BlockSpec((bn, k), lambda i: (i, 0)),
                  pl.BlockSpec((k, m), lambda i: (0, 0))],
        out_specs=pl.BlockSpec((bn, m), lambda i: (i, 0)),
        out_shape=jax.ShapeDtypeStruct((n, m), jnp.float32),
    )(acc, den, w)


def _final_body(a0_ref, a1_ref, d0_ref, d1_ref, o_ref):
    den = d0_ref[...] + d1_ref[...] + EPS
    o = (a0_ref[...] + a1_ref[...]) / den
    m = jnp.max(o, axis=1, keepdims=True)
    o = o - m
    lse = jnp.log(jnp.sum(jnp.exp(o), axis=1, keepdims=True))
    o_ref[...] = o - lse


def _tc_final(a0, a1, d0, d1, bn=1000):
    n, m = a0.shape
    return pl.pallas_call(
        _final_body,
        grid=(n // bn,),
        in_specs=[pl.BlockSpec((bn, m), lambda i: (i, 0)),
                  pl.BlockSpec((bn, m), lambda i: (i, 0)),
                  pl.BlockSpec((bn, 1), lambda i: (i, 0)),
                  pl.BlockSpec((bn, 1), lambda i: (i, 0))],
        out_specs=pl.BlockSpec((bn, m), lambda i: (i, 0)),
        out_shape=jax.ShapeDtypeStruct((n, m), jnp.float32),
    )(a0, a1, d0, d1)



_MESH = plsc.VectorSubcoreMesh(core_axis_name="c", subcore_axis_name="s")


def _edge_ex_phase(srcb, dstb, stab, dtab, exbuf, j):
    for i in range(CHUNK // 16):
        si = srcb[j, pl.ds(i * 16, 16)]
        di = dstb[j, pl.ds(i * 16, 16)]
        sval = plsc.load_gather(stab, [si])
        dval = plsc.load_gather(dtab, [di])
        e = sval + dval
        e = jnp.maximum(e, ALPHA * e)
        exbuf[pl.ds(i * 16, 16)] = jnp.exp(e)


def _scale_rows(rowbuf, exbuf, nreg, unroll=4):
    def body(eu, carry):
        for u in range(unroll):
            e = eu * unroll + u
            ev = jnp.full((16,), 0, jnp.int32) + e
            ex = plsc.load_gather(exbuf, [ev])
            for k in range(nreg):
                v = rowbuf[e, pl.ds(k * 16, 16)]
                rowbuf[e, pl.ds(k * 16, 16)] = v * ex
        return carry
    lax.fori_loop(0, CHUNK // unroll, body, 0)


def _zero_buf(buf, ncol_reg):
    zv = jnp.zeros((16,), jnp.float32)

    def zb(e, carry):
        for k in range(ncol_reg):
            buf[e, pl.ds(k * 16, 16)] = zv
        return carry
    lax.fori_loop(0, CHUNK, zb, 0)


def _sync_chunks(nchunks, tab, srcb, dstb, stab, dtab, row, ex,
                 ACCv, DENv, gs, nreg):
    def chunk_body(j, carry):
        cp = pltpu.async_copy(tab.at[srcb.at[j]], row, gs)
        _edge_ex_phase(srcb, dstb, stab, dtab, ex, j)
        cp.wait()
        _scale_rows(row, ex, nreg)
        pltpu.sync_copy(row, ACCv.at[dstb.at[j]], add=True)
        pltpu.sync_copy(ex, DENv.at[dstb.at[j]], add=True)
        return carry
    lax.fori_loop(0, nchunks, chunk_body, 0)


def _sc1_body(h1t, s1, d1, src1, dst1,
              acc_out, den_out,
              srcb, dstb, stab, dtab, rowA, rowB, exA, exB, ACC, DEN,
              gs, ss):
    c = lax.axis_index("c")
    s = lax.axis_index("s")
    r0 = s * ROWS_PER
    pltpu.sync_copy(src1.at[s], srcb)
    pltpu.sync_copy(dst1.at[s], dstb)
    _zero_buf(rowA, HID // 16)
    zv16 = jnp.zeros((16,), jnp.float32)
    for i in range(CHUNK // 16):
        exA[pl.ds(i * 16, 16)] = zv16
    for h in range(2):
        head = 2 * c + h
        pltpu.sync_copy(s1.at[head], stab.at[h])
        pltpu.sync_copy(d1.at[head], dtab.at[h])
        for b in range(ROWS_PER // CHUNK):
            pltpu.sync_copy(rowA, ACC.at[h].at[pl.ds(r0 + b * CHUNK, CHUNK)])
            pltpu.sync_copy(exA, DEN.at[h].at[pl.ds(r0 + b * CHUNK, CHUNK)])
    plsc.subcore_barrier()
    for h in range(2):
        head = 2 * c + h
        _sync_chunks(CH1, h1t.at[head], srcb, dstb,
                     stab.at[h], dtab.at[h], rowA, exA,
                     ACC.at[h], DEN.at[h], gs, HID // 16)
    plsc.subcore_barrier()
    for h in range(2):
        head = 2 * c + h
        pltpu.sync_copy(ACC.at[h].at[pl.ds(r0, ROWS_PER)],
                        acc_out.at[head].at[pl.ds(r0, ROWS_PER)])
        pltpu.sync_copy(DEN.at[h].at[pl.ds(r0, ROWS_PER)],
                        den_out.at[head].at[pl.ds(r0, ROWS_PER)])


def _sc2_body(h2t, s2, d2, src2, dst2,
              acc_out, den_out,
              srcb, dstb, stab, dtab, rowA, rowB, exA, exB, ACC, DEN,
              gs, ss):
    c = lax.axis_index("c")
    s = lax.axis_index("s")
    w = s * 2 + c
    r0 = s * ROWS_PER
    pltpu.sync_copy(src2.at[w], srcb)
    pltpu.sync_copy(dst2.at[w], dstb)
    pltpu.sync_copy(s2, stab)
    pltpu.sync_copy(d2, dtab)
    _zero_buf(rowA, D2P // 16)
    zv16 = jnp.zeros((16,), jnp.float32)
    for i in range(CHUNK // 16):
        exA[pl.ds(i * 16, 16)] = zv16
    for b in range(ROWS_PER // CHUNK):
        pltpu.sync_copy(rowA, ACC.at[pl.ds(r0 + b * CHUNK, CHUNK)])
        pltpu.sync_copy(exA, DEN.at[pl.ds(r0 + b * CHUNK, CHUNK)])
    plsc.subcore_barrier()
    _sync_chunks(CH2, h2t, srcb, dstb, stab, dtab, rowA, exA,
                 ACC, DEN, gs, D2P // 16)
    plsc.subcore_barrier()
    pltpu.sync_copy(ACC.at[pl.ds(r0, ROWS_PER)],
                    acc_out.at[c].at[pl.ds(r0, ROWS_PER)])
    pltpu.sync_copy(DEN.at[pl.ds(r0, ROWS_PER)],
                    den_out.at[c].at[pl.ds(r0, ROWS_PER)])


_sc1 = pl.kernel(
    _sc1_body,
    out_type=(jax.ShapeDtypeStruct((HEADS, NP, HID), jnp.float32),
              jax.ShapeDtypeStruct((HEADS, NP), jnp.float32)),
    mesh=_MESH,
    scratch_types=[
        pltpu.VMEM((CH1, CHUNK), jnp.int32),
        pltpu.VMEM((CH1, CHUNK), jnp.int32),
        pltpu.VMEM((2, NP), jnp.float32),
        pltpu.VMEM((2, NP), jnp.float32),
        pltpu.VMEM((CHUNK, HID), jnp.float32),
        pltpu.VMEM((CHUNK, HID), jnp.float32),
        pltpu.VMEM((CHUNK,), jnp.float32),
        pltpu.VMEM((CHUNK,), jnp.float32),
        pltpu.VMEM_SHARED((2, NP, HID), jnp.float32),
        pltpu.VMEM_SHARED((2, NP), jnp.float32),
        pltpu.SemaphoreType.DMA,
        pltpu.SemaphoreType.DMA,
    ],
    compiler_params=pltpu.CompilerParams(use_tc_tiling_on_sc=False,
                                         needs_layout_passes=False),
)

_sc2 = pl.kernel(
    _sc2_body,
    out_type=(jax.ShapeDtypeStruct((2, NP, D2P), jnp.float32),
              jax.ShapeDtypeStruct((2, NP), jnp.float32)),
    mesh=_MESH,
    scratch_types=[
        pltpu.VMEM((CH2, CHUNK), jnp.int32),
        pltpu.VMEM((CH2, CHUNK), jnp.int32),
        pltpu.VMEM((NP,), jnp.float32),
        pltpu.VMEM((NP,), jnp.float32),
        pltpu.VMEM((CHUNK, D2P), jnp.float32),
        pltpu.VMEM((CHUNK, D2P), jnp.float32),
        pltpu.VMEM((CHUNK,), jnp.float32),
        pltpu.VMEM((CHUNK,), jnp.float32),
        pltpu.VMEM_SHARED((NP, D2P), jnp.float32),
        pltpu.VMEM_SHARED((NP,), jnp.float32),
        pltpu.SemaphoreType.DMA,
        pltpu.SemaphoreType.DMA,
    ],
    compiler_params=pltpu.CompilerParams(use_tc_tiling_on_sc=False,
                                         needs_layout_passes=False),
)



def kernel(x, edge_index, W_att, a_att, W2, a2):
    src = edge_index[0]
    dst = edge_index[1]
    i32 = jnp.int32

    pad1 = TILES * CH1 * CHUNK - E
    src1 = jnp.concatenate([src, jnp.zeros((pad1,), i32)]).reshape(
        TILES, CH1, CHUNK)
    dst1 = jnp.concatenate([dst, jnp.full((pad1,), DUMP, i32)]).reshape(
        TILES, CH1, CHUNK)
    pad2 = WORKERS * CH2 * CHUNK - E
    src2 = jnp.concatenate([src, jnp.zeros((pad2,), i32)]).reshape(
        WORKERS, CH2, CHUNK)
    dst2 = jnp.concatenate([dst, jnp.full((pad2,), DUMP, i32)]).reshape(
        WORKERS, CH2, CHUNK)

    wcat = jnp.transpose(W_att, (1, 0, 2)).reshape(IN_F, HEADS * HID)
    scol = jnp.stack([W_att[h] @ a_att[h, :HID] for h in range(HEADS)], axis=1)
    dcol = jnp.stack([W_att[h] @ a_att[h, HID:] for h in range(HEADS)], axis=1)
    w1e = jnp.concatenate(
        [wcat, scol, dcol,
         jnp.zeros((IN_F, 256 - HEADS * HID - 2 * HEADS), jnp.float32)],
        axis=1)

    h1ext = _tc_matmul(x, w1e)
    h1 = jnp.pad(h1ext[:, :HEADS * HID], ((0, NP - N), (0, 0)))
    h1t = jnp.transpose(h1.reshape(NP, HEADS, HID), (1, 0, 2))
    s1 = jnp.pad(h1ext[:, HEADS * HID:HEADS * HID + HEADS].T,
                 ((0, 0), (0, NP - N)))
    d1 = jnp.pad(h1ext[:, HEADS * HID + HEADS:HEADS * HID + 2 * HEADS].T,
                 ((0, 0), (0, NP - N)))

    acc1, den1 = _sc1(h1t, s1, d1, src1, dst1)

    acc_cat = jnp.transpose(acc1[:, :N, :], (1, 0, 2)).reshape(N, HEADS * HID)
    den_rep = jnp.repeat(den1[:, :N].T, HID, axis=1)
    w2e = jnp.concatenate(
        [W2, jnp.zeros((IN_F, D2P - OUT_F), jnp.float32),
         (W2 @ a2[:OUT_F])[:, None], (W2 @ a2[OUT_F:])[:, None],
         jnp.zeros((IN_F, 256 - D2P - 2), jnp.float32)], axis=1)
    h2ext = _tc_norm_matmul(acc_cat, den_rep, w2e)

    h2t = jnp.pad(h2ext[:, :D2P], ((0, NP - N), (0, 0)))
    s2 = jnp.pad(h2ext[:, D2P], (0, NP - N))
    d2 = jnp.pad(h2ext[:, D2P + 1], (0, NP - N))

    acc2, den2 = _sc2(h2t, s2, d2, src2, dst2)

    out = _tc_final(acc2[0, :N, :OUT_F], acc2[1, :N, :OUT_F],
                    den2[0, :N, None], den2[1, :N, None])
    return out

# --- scband reference (transcript-rebuilt; emitter-appended) ---
"""Pipeline reference for scband-net-62182536511745 (READ-ONLY COPY).

The authoritative reference and input builder live on the scoring server;
editing this copy changes nothing except your own understanding.
"""

import jax, jax.numpy as jnp
import numpy as np

N = 10000
E = 320000
IN_F = 128
HID = 32
HEADS = 4
OUT_F = 40
ALPHA = 0.2


def setup_inputs(seed: int = 0) -> dict:
    key = jax.random.key(seed)
    ks = jax.random.split(key, 6)
    x = jax.random.normal(ks[0], (N, IN_F), dtype=jnp.float32)
    edge_index = jax.random.randint(ks[1], (2, E), 0, N, dtype=jnp.int32)
    W_att = jax.random.normal(ks[2], (HEADS, IN_F, HID), dtype=jnp.float32) * 0.1
    a_att = jax.random.normal(ks[3], (HEADS, 2 * HID), dtype=jnp.float32) * 0.1
    W2 = jax.random.normal(ks[4], (HID * HEADS, OUT_F), dtype=jnp.float32) * 0.1
    a2 = jax.random.normal(ks[5], (2 * OUT_F,), dtype=jnp.float32) * 0.1
    return {"x": x, "edge_index": edge_index, "W_att": W_att, "a_att": a_att, "W2": W2, "a2": a2}


def _gat_conv(x, W, a, src, dst):
    # GATConv: h = x W; e_ij = LeakyReLU(a_src . h_i + a_dst . h_j);
    # alpha_ij = softmax over incoming edges of dst; out_j = sum_i alpha_ij h_i
    h = x @ W
    d = h.shape[1]
    e = h[src] @ a[:d] + h[dst] @ a[d:]
    e = jax.nn.leaky_relu(e, negative_slope=ALPHA)
    m = jax.ops.segment_max(e, dst, num_segments=N)
    m = jnp.where(jnp.isfinite(m), m, 0.0)
    m = jax.lax.stop_gradient(m)
    ex = jnp.exp(e - m[dst])
    denom = jax.ops.segment_sum(ex, dst, num_segments=N)
    coef = ex / (denom[dst] + 1e-16)
    out = jax.ops.segment_sum(h[src] * coef[:, None], dst, num_segments=N)
    return out


def reference(x, edge_index, W_att, a_att, W2, a2):
    src = edge_index[0]
    dst = edge_index[1]
    # multi-head first GAT layer, concat heads
    heads = [_gat_conv(x, W_att[i], a_att[i], src, dst) for i in range(HEADS)]
    h = jnp.concatenate(heads, axis=1)
    h = jax.nn.elu(h)
    # output GAT layer
    out = _gat_conv(h, W2, a2, src, dst)
    return jax.nn.log_softmax(out, axis=1)

if __name__ == "__main__":
    import jax
    _d = setup_inputs()
    print(jax.jit(kernel)(*tuple(_d.values())))

</pallas_src>

<mosaic_0001>
#map = affine_map<(d0, d1) -> (0, 0, 0)>
#map1 = affine_map<(d0, d1) -> (0, 0)>
module attributes {stable_mosaic.version = 14 : i64} {
  func.func @_sc1_body(%arg0: i32, %arg1: i32, %arg2: memref<4x10240x32xf32, #tpu.memory_space<hbm>>, %arg3: memref<4x10240xf32, #tpu.memory_space<hbm>>, %arg4: memref<4x10240xf32, #tpu.memory_space<hbm>>, %arg5: memref<16x157x128xi32, #tpu.memory_space<hbm>>, %arg6: memref<16x157x128xi32, #tpu.memory_space<hbm>>, %arg7: memref<4x10240x32xf32, #tpu.memory_space<hbm>>, %arg8: memref<4x10240xf32, #tpu.memory_space<hbm>>, %arg9: memref<157x128xi32, #tpu.memory_space<vmem>>, %arg10: memref<157x128xi32, #tpu.memory_space<vmem>>, %arg11: memref<2x10240xf32, #tpu.memory_space<vmem>>, %arg12: memref<2x10240xf32, #tpu.memory_space<vmem>>, %arg13: memref<128x32xf32, #tpu.memory_space<vmem>>, %arg14: memref<128x32xf32, #tpu.memory_space<vmem>>, %arg15: memref<128xf32, #tpu.memory_space<vmem>>, %arg16: memref<128xf32, #tpu.memory_space<vmem>>, %arg17: memref<2x10240x32xf32, #tpu.memory_space<vmem_shared>>, %arg18: memref<2x10240xf32, #tpu.memory_space<vmem_shared>>, %arg19: memref<!tpu.dma_semaphore, #tpu.memory_space<semaphore_mem>>, %arg20: memref<!tpu.dma_semaphore, #tpu.memory_space<semaphore_mem>>) attributes {dimension_semantics = [#tpu.dimension_semantics<core_parallel>, #tpu.dimension_semantics<subcore_parallel>], iteration_bounds = array<i64: 2, 16>, scalar_prefetch = 0 : i64, scratch_operands = 12 : i64, tpu.core_type = #tpu.core_type<sc_vector_subcore>, window_params = [{transform_indices = #map}, {transform_indices = #map1}, {transform_indices = #map1}, {transform_indices = #map}, {transform_indices = #map}, {transform_indices = #map}, {transform_indices = #map1}]} {
    %mul3A = arith.constant 640 : i32
    %mul3A_0 = arith.muli %arg1, %mul3A : i32
    "tpu.region"() ({
      %run_scoped3A_135 = tpu.sem_alloc : memref<!tpu.dma_semaphore, #tpu.memory_space<semaphore_mem>>
      %dma_start3A = arith.constant 0 : i32
      %dma_start3A_136 = arith.constant 0 : i32
      %dma_start3A_137 = tpu.memref_slice %arg5[%arg1, %dma_start3A, %dma_start3A_136] : memref<16x157x128xi32, #tpu.memory_space<hbm>> -> memref<1x157x128xi32, #tpu.memory_space<hbm>>
      %dma_start3A_138 = tpu.memref_squeeze %dma_start3A_137 : memref<1x157x128xi32, #tpu.memory_space<hbm>> -> memref<157x128xi32, #tpu.memory_space<hbm>>
      %dma_start3A_139 = arith.constant 0 : i32
      %dma_start3A_140 = arith.constant 0 : i32
      %dma_start3A_141 = tpu.memref_slice %arg5[%arg1, %dma_start3A_139, %dma_start3A_140] : memref<16x157x128xi32, #tpu.memory_space<hbm>> -> memref<1x157x128xi32, #tpu.memory_space<hbm>>
      %dma_start3A_142 = tpu.memref_squeeze %dma_start3A_141 : memref<1x157x128xi32, #tpu.memory_space<hbm>> -> memref<157x128xi32, #tpu.memory_space<hbm>>
      tpu.enqueue_dma source(%dma_start3A_142 : memref<157x128xi32, #tpu.memory_space<hbm>>) target(%arg9 : memref<157x128xi32, #tpu.memory_space<vmem>>) target_semaphore(%run_scoped3A_135 : memref<!tpu.dma_semaphore, #tpu.memory_space<semaphore_mem>>)
      %dma_wait3A = arith.constant 0 : i32
      %dma_wait3A_143 = arith.constant 0 : i32
      %dma_wait3A_144 = tpu.memref_slice %arg5[%arg1, %dma_wait3A, %dma_wait3A_143] : memref<16x157x128xi32, #tpu.memory_space<hbm>> -> memref<1x157x128xi32, #tpu.memory_space<hbm>>
      %dma_wait3A_145 = tpu.memref_squeeze %dma_wait3A_144 : memref<1x157x128xi32, #tpu.memory_space<hbm>> -> memref<157x128xi32, #tpu.memory_space<hbm>>
      %dma_wait3A_146 = arith.constant 0 : i32
      %dma_wait3A_147 = arith.constant 0 : i32
      %dma_wait3A_148 = tpu.memref_slice %arg5[%arg1, %dma_wait3A_146, %dma_wait3A_147] : memref<16x157x128xi32, #tpu.memory_space<hbm>> -> memref<1x157x128xi32, #tpu.memory_space<hbm>>
      %dma_wait3A_149 = tpu.memref_squeeze %dma_wait3A_148 : memref<1x157x128xi32, #tpu.memory_space<hbm>> -> memref<157x128xi32, #tpu.memory_space<hbm>>
      tpu.wait_dma2 semaphore(%run_scoped3A_135 : memref<!tpu.dma_semaphore, #tpu.memory_space<semaphore_mem>>) src(%dma_wait3A_149 : memref<157x128xi32, #tpu.memory_space<hbm>>) dst(%arg9 : memref<157x128xi32, #tpu.memory_space<vmem>>)
      tpu.yield
    }) : () -> ()
    "tpu.region"() ({
      %run_scoped3A_135 = tpu.sem_alloc : memref<!tpu.dma_semaphore, #tpu.memory_space<semaphore_mem>>
      %dma_start3A = arith.constant 0 : i32
      %dma_start3A_136 = arith.constant 0 : i32
      %dma_start3A_137 = tpu.memref_slice %arg6[%arg1, %dma_start3A, %dma_start3A_136] : memref<16x157x128xi32, #tpu.memory_space<hbm>> -> memref<1x157x128xi32, #tpu.memory_space<hbm>>
      %dma_start3A_138 = tpu.memref_squeeze %dma_start3A_137 : memref<1x157x128xi32, #tpu.memory_space<hbm>> -> memref<157x128xi32, #tpu.memory_space<hbm>>
      %dma_start3A_139 = arith.constant 0 : i32
      %dma_start3A_140 = arith.constant 0 : i32
      %dma_start3A_141 = tpu.memref_slice %arg6[%arg1, %dma_start3A_139, %dma_start3A_140] : memref<16x157x128xi32, #tpu.memory_space<hbm>> -> memref<1x157x128xi32, #tpu.memory_space<hbm>>
      %dma_start3A_142 = tpu.memref_squeeze %dma_start3A_141 : memref<1x157x128xi32, #tpu.memory_space<hbm>> -> memref<157x128xi32, #tpu.memory_space<hbm>>
      tpu.enqueue_dma source(%dma_start3A_142 : memref<157x128xi32, #tpu.memory_space<hbm>>) target(%arg10 : memref<157x128xi32, #tpu.memory_space<vmem>>) target_semaphore(%run_scoped3A_135 : memref<!tpu.dma_semaphore, #tpu.memory_space<semaphore_mem>>)
      %dma_wait3A = arith.constant 0 : i32
      %dma_wait3A_143 = arith.constant 0 : i32
      %dma_wait3A_144 = tpu.memref_slice %arg6[%arg1, %dma_wait3A, %dma_wait3A_143] : memref<16x157x128xi32, #tpu.memory_space<hbm>> -> memref<1x157x128xi32, #tpu.memory_space<hbm>>
      %dma_wait3A_145 = tpu.memref_squeeze %dma_wait3A_144 : memref<1x157x128xi32, #tpu.memory_space<hbm>> -> memref<157x128xi32, #tpu.memory_space<hbm>>
      %dma_wait3A_146 = arith.constant 0 : i32
      %dma_wait3A_147 = arith.constant 0 : i32
      %dma_wait3A_148 = tpu.memref_slice %arg6[%arg1, %dma_wait3A_146, %dma_wait3A_147] : memref<16x157x128xi32, #tpu.memory_space<hbm>> -> memref<1x157x128xi32, #tpu.memory_space<hbm>>
      %dma_wait3A_149 = tpu.memref_squeeze %dma_wait3A_148 : memref<1x157x128xi32, #tpu.memory_space<hbm>> -> memref<157x128xi32, #tpu.memory_space<hbm>>
      tpu.wait_dma2 semaphore(%run_scoped3A_135 : memref<!tpu.dma_semaphore, #tpu.memory_space<semaphore_mem>>) src(%dma_wait3A_149 : memref<157x128xi32, #tpu.memory_space<hbm>>) dst(%arg10 : memref<157x128xi32, #tpu.memory_space<vmem>>)
      tpu.yield
    }) : () -> ()
    %broadcast_in_dim3A = arith.constant 0.000000e+00 : f32
    %broadcast_in_dim3A_1 = vector.broadcast %broadcast_in_dim3A : f32 to vector<16xf32>
    %scan3A = arith.constant 0 : i32
    %scan3A_2 = arith.constant 0 : i32
    %scan3A_3 = arith.constant 128 : i32
    %scan3A_4 = arith.addi %scan3A_2, %scan3A_3 : i32
    %scan3A_5 = arith.constant 1 : i32
    scf.for %scan3A_135 = %scan3A_2 to %scan3A_4 step %scan3A_5  : i32 {
      %swap3A_136 = arith.index_cast %scan3A_135 : i32 to index
      %swap3A_137 = arith.constant 0 : index
      %swap3A_138 = tpu.vector_load %arg13[%swap3A_136, %swap3A_137] {strides = array<i32>} : memref<128x32xf32, #tpu.memory_space<vmem>>, vector<16xf32>,
      tpu.vector_store %arg13[%swap3A_136, %swap3A_137], %broadcast_in_dim3A_1 {strides = array<i32>} : memref<128x32xf32, #tpu.memory_space<vmem>>, vector<16xf32>,
      %swap3A_139 = arith.index_cast %scan3A_135 : i32 to index
      %swap3A_140 = arith.constant 16 : index
      %swap3A_141 = tpu.vector_load %arg13[%swap3A_139, %swap3A_140] {strides = array<i32>} : memref<128x32xf32, #tpu.memory_space<vmem>>, vector<16xf32>,
      tpu.vector_store %arg13[%swap3A_139, %swap3A_140], %broadcast_in_dim3A_1 {strides = array<i32>} : memref<128x32xf32, #tpu.memory_space<vmem>>, vector<16xf32>,
    }
    %scan3A_6 = arith.constant 128 : i32
    %broadcast_in_dim3A_7 = arith.constant 0.000000e+00 : f32
    %broadcast_in_dim3A_8 = vector.broadcast %broadcast_in_dim3A_7 : f32 to vector<16xf32>
    %swap3A = arith.constant 0 : index
    %swap3A_9 = tpu.vector_load %arg15[%swap3A] {strides = array<i32>} : memref<128xf32, #tpu.memory_space<vmem>>, vector<16xf32>,
    tpu.vector_store %arg15[%swap3A], %broadcast_in_dim3A_8 {strides = array<i32>} : memref<128xf32, #tpu.memory_space<vmem>>, vector<16xf32>,
    %swap3A_10 = arith.constant 16 : index
    %swap3A_11 = tpu.vector_load %arg15[%swap3A_10] {strides = array<i32>} : memref<128xf32, #tpu.memory_space<vmem>>, vector<16xf32>,
    tpu.vector_store %arg15[%swap3A_10], %broadcast_in_dim3A_8 {strides = array<i32>} : memref<128xf32, #tpu.memory_space<vmem>>, vector<16xf32>,
    %swap3A_12 = arith.constant 32 : index
    %swap3A_13 = tpu.vector_load %arg15[%swap3A_12] {strides = array<i32>} : memref<128xf32, #tpu.memory_space<vmem>>, vector<16xf32>,
    tpu.vector_store %arg15[%swap3A_12], %broadcast_in_dim3A_8 {strides = array<i32>} : memref<128xf32, #tpu.memory_space<vmem>>, vector<16xf32>,
    %swap3A_14 = arith.constant 48 : index
    %swap3A_15 = tpu.vector_load %arg15[%swap3A_14] {strides = array<i32>} : memref<128xf32, #tpu.memory_space<vmem>>, vector<16xf32>,
    tpu.vector_store %arg15[%swap3A_14], %broadcast_in_dim3A_8 {strides = array<i32>} : memref<128xf32, #tpu.memory_space<vmem>>, vector<16xf32>,
    %swap3A_16 = arith.constant 64 : index
    %swap3A_17 = tpu.vector_load %arg15[%swap3A_16] {strides = array<i32>} : memref<128xf32, #tpu.memory_space<vmem>>, vector<16xf32>,
    tpu.vector_store %arg15[%swap3A_16], %broadcast_in_dim3A_8 {strides = array<i32>} : memref<128xf32, #tpu.memory_space<vmem>>, vector<16xf32>,
    %swap3A_18 = arith.constant 80 : index
    %swap3A_19 = tpu.vector_load %arg15[%swap3A_18] {strides = array<i32>} : memref<128xf32, #tpu.memory_space<vmem>>, vector<16xf32>,
    tpu.vector_store %arg15[%swap3A_18], %broadcast_in_dim3A_8 {strides = array<i32>} : memref<128xf32, #tpu.memory_space<vmem>>, vector<16xf32>,
    %swap3A_20 = arith.constant 96 : index
    %swap3A_21 = tpu.vector_load %arg15[%swap3A_20] {strides = array<i32>} : memref<128xf32, #tpu.memory_space<vmem>>, vector<16xf32>,
    tpu.vector_store %arg15[%swap3A_20], %broadcast_in_dim3A_8 {strides = array<i32>} : memref<128xf32, #tpu.memory_space<vmem>>, vector<16xf32>,
    %swap3A_22 = arith.constant 112 : index
    %swap3A_23 = tpu.vector_load %arg15[%swap3A_22] {strides = array<i32>} : memref<128xf32, #tpu.memory_space<vmem>>, vector<16xf32>,
    tpu.vector_store %arg15[%swap3A_22], %broadcast_in_dim3A_8 {strides = array<i32>} : memref<128xf32, #tpu.memory_space<vmem>>, vector<16xf32>,
    %mul3A_24 = arith.constant 2 : i32
    %mul3A_25 = arith.muli %mul3A_24, %arg0 : i32
    %add3A = arith.constant 0 : i32
    %add3A_26 = arith.addi %mul3A_25, %add3A : i32
    %run_scoped3A = arith.constant 0 : i32
    "tpu.region"() ({
      %run_scoped3A_135 = tpu.sem_alloc : memref<!tpu.dma_semaphore, #tpu.memory_space<semaphore_mem>>
      %dma_start3A = arith.constant 0 : i32
      %dma_start3A_136 = tpu.memref_slice %arg11[%run_scoped3A, %dma_start3A] : memref<2x10240xf32, #tpu.memory_space<vmem>> -> memref<1x10240xf32, #tpu.memory_space<vmem>>
      %dma_start3A_137 = tpu.memref_squeeze %dma_start3A_136 : memref<1x10240xf32, #tpu.memory_space<vmem>> -> memref<10240xf32, #tpu.memory_space<vmem>>
      %dma_start3A_138 = arith.constant 0 : i32
      %dma_start3A_139 = tpu.memref_slice %arg3[%add3A_26, %dma_start3A_138] : memref<4x10240xf32, #tpu.memory_space<hbm>> -> memref<1x10240xf32, #tpu.memory_space<hbm>>
      %dma_start3A_140 = tpu.memref_squeeze %dma_start3A_139 : memref<1x10240xf32, #tpu.memory_space<hbm>> -> memref<10240xf32, #tpu.memory_space<hbm>>
      %dma_start3A_141 = arith.constant 0 : i32
      %dma_start3A_142 = tpu.memref_slice %arg11[%run_scoped3A, %dma_start3A_141] : memref<2x10240xf32, #tpu.memory_space<vmem>> -> memref<1x10240xf32, #tpu.memory_space<vmem>>
      %dma_start3A_143 = tpu.memref_squeeze %dma_start3A_142 : memref<1x10240xf32, #tpu.memory_space<vmem>> -> memref<10240xf32, #tpu.memory_space<vmem>>
      %dma_start3A_144 = arith.constant 0 : i32
      %dma_start3A_145 = tpu.memref_slice %arg3[%add3A_26, %dma_start3A_144] : memref<4x10240xf32, #tpu.memory_space<hbm>> -> memref<1x10240xf32, #tpu.memory_space<hbm>>
      %dma_start3A_146 = tpu.memref_squeeze %dma_start3A_145 : memref<1x10240xf32, #tpu.memory_space<hbm>> -> memref<10240xf32, #tpu.memory_space<hbm>>
      tpu.enqueue_dma source(%dma_start3A_146 : memref<10240xf32, #tpu.memory_space<hbm>>) target(%dma_start3A_143 : memref<10240xf32, #tpu.memory_space<vmem>>) target_semaphore(%run_scoped3A_135 : memref<!tpu.dma_semaphore, #tpu.memory_space<semaphore_mem>>)
      %dma_wait3A = arith.constant 0 : i32
      %dma_wait3A_147 = tpu.memref_slice %arg11[%run_scoped3A, %dma_wait3A] : memref<2x10240xf32, #tpu.memory_space<vmem>> -> memref<1x10240xf32, #tpu.memory_space<vmem>>
      %dma_wait3A_148 = tpu.memref_squeeze %dma_wait3A_147 : memref<1x10240xf32, #tpu.memory_space<vmem>> -> memref<10240xf32, #tpu.memory_space<vmem>>
      %dma_wait3A_149 = arith.constant 0 : i32
      %dma_wait3A_150 = tpu.memref_slice %arg3[%add3A_26, %dma_wait3A_149] : memref<4x10240xf32, #tpu.memory_space<hbm>> -> memref<1x10240xf32, #tpu.memory_space<hbm>>
      %dma_wait3A_151 = tpu.memref_squeeze %dma_wait3A_150 : memref<1x10240xf32, #tpu.memory_space<hbm>> -> memref<10240xf32, #tpu.memory_space<hbm>>
      %dma_wait3A_152 = arith.constant 0 : i32
      %dma_wait3A_153 = tpu.memref_slice %arg11[%run_scoped3A, %dma_wait3A_152] : memref<2x10240xf32, #tpu.memory_space<vmem>> -> memref<1x10240xf32, #tpu.memory_space<vmem>>
      %dma_wait3A_154 = tpu.memref_squeeze %dma_wait3A_153 : memref<1x10240xf32, #tpu.memory_space<vmem>> -> memref<10240xf32, #tpu.memory_space<vmem>>
      %dma_wait3A_155 = arith.constant 0 : i32
      %dma_wait3A_156 = tpu.memref_slice %arg3[%add3A_26, %dma_wait3A_155] : memref<4x10240xf32, #tpu.memory_space<hbm>> -> memref<1x10240xf32, #tpu.memory_space<hbm>>
      %dma_wait3A_157 = tpu.memref_squeeze %dma_wait3A_156 : memref<1x10240xf32, #tpu.memory_space<hbm>> -> memref<10240xf32, #tpu.memory_space<hbm>>
      tpu.wait_dma2 semaphore(%run_scoped3A_135 : memref<!tpu.dma_semaphore, #tpu.memory_space<semaphore_mem>>) src(%dma_wait3A_157 : memref<10240xf32, #tpu.memory_space<hbm>>) dst(%dma_wait3A_154 : memref<10240xf32, #tpu.memory_space<vmem>>)
      tpu.yield
    }) : () -> ()
    %run_scoped3A_27 = arith.constant 0 : i32
    "tpu.region"() ({
      %run_scoped3A_135 = tpu.sem_alloc : memref<!tpu.dma_semaphore, #tpu.memory_space<semaphore_mem>>
      %dma_start3A = arith.constant 0 : i32
      %dma_start3A_136 = tpu.memref_slice %arg12[%run_scoped3A_27, %dma_start3A] : memref<2x10240xf32, #tpu.memory_space<vmem>> -> memref<1x10240xf32, #tpu.memory_space<vmem>>
      %dma_start3A_137 = tpu.memref_squeeze %dma_start3A_136 : memref<1x10240xf32, #tpu.memory_space<vmem>> -> memref<10240xf32, #tpu.memory_space<vmem>>
      %dma_start3A_138 = arith.constant 0 : i32
      %dma_start3A_139 = tpu.memref_slice %arg4[%add3A_26, %dma_start3A_138] : memref<4x10240xf32, #tpu.memory_space<hbm>> -> memref<1x10240xf32, #tpu.memory_space<hbm>>
      %dma_start3A_140 = tpu.memref_squeeze %dma_start3A_139 : memref<1x10240xf32, #tpu.memory_space<hbm>> -> memref<10240xf32, #tpu.memory_space<hbm>>
      %dma_start3A_141 = arith.constant 0 : i32
      %dma_start3A_142 = tpu.memref_slice %arg12[%run_scoped3A_27, %dma_start3A_141] : memref<2x10240xf32, #tpu.memory_space<vmem>> -> memref<1x10240xf32, #tpu.memory_space<vmem>>
      %dma_start3A_143 = tpu.memref_squeeze %dma_start3A_142 : memref<1x10240xf32, #tpu.memory_space<vmem>> -> memref<10240xf32, #tpu.memory_space<vmem>>
      %dma_start3A_144 = arith.constant 0 : i32
      %dma_start3A_145 = tpu.memref_slice %arg4[%add3A_26, %dma_start3A_144] : memref<4x10240xf32, #tpu.memory_space<hbm>> -> memref<1x10240xf32, #tpu.memory_space<hbm>>
      %dma_start3A_146 = tpu.memref_squeeze %dma_start3A_145 : memref<1x10240xf32, #tpu.memory_space<hbm>> -> memref<10240xf32, #tpu.memory_space<hbm>>
      tpu.enqueue_dma source(%dma_start3A_146 : memref<10240xf32, #tpu.memory_space<hbm>>) target(%dma_start3A_143 : memref<10240xf32, #tpu.memory_space<vmem>>) target_semaphore(%run_scoped3A_135 : memref<!tpu.dma_semaphore, #tpu.memory_space<semaphore_mem>>)
      %dma_wait3A = arith.constant 0 : i32
      %dma_wait3A_147 = tpu.memref_slice %arg12[%run_scoped3A_27, %dma_wait3A] : memref<2x10240xf32, #tpu.memory_space<vmem>> -> memref<1x10240xf32, #tpu.memory_space<vmem>>
      %dma_wait3A_148 = tpu.memref_squeeze %dma_wait3A_147 : memref<1x10240xf32, #tpu.memory_space<vmem>> -> memref<10240xf32, #tpu.memory_space<vmem>>
      %dma_wait3A_149 = arith.constant 0 : i32
      %dma_wait3A_150 = tpu.memref_slice %arg4[%add3A_26, %dma_wait3A_149] : memref<4x10240xf32, #tpu.memory_space<hbm>> -> memref<1x10240xf32, #tpu.memory_space<hbm>>
      %dma_wait3A_151 = tpu.memref_squeeze %dma_wait3A_150 : memref<1x10240xf32, #tpu.memory_space<hbm>> -> memref<10240xf32, #tpu.memory_space<hbm>>
      %dma_wait3A_152 = arith.constant 0 : i32
      %dma_wait3A_153 = tpu.memref_slice %arg12[%run_scoped3A_27, %dma_wait3A_152] : memref<2x10240xf32, #tpu.memory_space<vmem>> -> memref<1x10240xf32, #tpu.memory_space<vmem>>
      %dma_wait3A_154 = tpu.memref_squeeze %dma_wait3A_153 : memref<1x10240xf32, #tpu.memory_space<vmem>> -> memref<10240xf32, #tpu.memory_space<vmem>>
      %dma_wait3A_155 = arith.constant 0 : i32
      %dma_wait3A_156 = tpu.memref_slice %arg4[%add3A_26, %dma_wait3A_155] : memref<4x10240xf32, #tpu.memory_space<hbm>> -> memref<1x10240xf32, #tpu.memory_space<hbm>>
      %dma_wait3A_157 = tpu.memref_squeeze %dma_wait3A_156 : memref<1x10240xf32, #tpu.memory_space<hbm>> -> memref<10240xf32, #tpu.memory_space<hbm>>
      tpu.wait_dma2 semaphore(%run_scoped3A_135 : memref<!tpu.dma_semaphore, #tpu.memory_space<semaphore_mem>>) src(%dma_wait3A_157 : memref<10240xf32, #tpu.memory_space<hbm>>) dst(%dma_wait3A_154 : memref<10240xf32, #tpu.memory_space<vmem>>)
      tpu.yield
    }) : () -> ()
    %add3A_28 = arith.constant 0 : i32
    %add3A_29 = arith.addi %mul3A_0, %add3A_28 : i32
    %run_scoped3A_30 = arith.constant 0 : i32
    "tpu.region"() ({
      %run_scoped3A_135 = tpu.sem_alloc : memref<!tpu.dma_semaphore, #tpu.memory_space<semaphore_mem>>
      %dma_start3A = arith.constant 0 : i32
      %dma_start3A_136 = arith.constant 0 : i32
      %dma_start3A_137 = tpu.memref_slice %arg17[%run_scoped3A_30, %dma_start3A, %dma_start3A_136] : memref<2x10240x32xf32, #tpu.memory_space<vmem_shared>> -> memref<1x10240x32xf32, #tpu.memory_space<vmem_shared>>
      %dma_start3A_138 = tpu.memref_squeeze %dma_start3A_137 : memref<1x10240x32xf32, #tpu.memory_space<vmem_shared>> -> memref<10240x32xf32, #tpu.memory_space<vmem_shared>>
      %dma_start3A_139 = arith.constant 0 : i32
      %dma_start3A_140 = tpu.memref_slice %dma_start3A_138[%add3A_29, %dma_start3A_139] : memref<10240x32xf32, #tpu.memory_space<vmem_shared>> -> memref<128x32xf32, #tpu.memory_space<vmem_shared>>
      %dma_start3A_141 = arith.constant 0 : i32
      %dma_start3A_142 = arith.constant 0 : i32
      %dma_start3A_143 = tpu.memref_slice %arg17[%run_scoped3A_30, %dma_start3A_141, %dma_start3A_142] : memref<2x10240x32xf32, #tpu.memory_space<vmem_shared>> -> memref<1x10240x32xf32, #tpu.memory_space<vmem_shared>>
      %dma_start3A_144 = tpu.memref_squeeze %dma_start3A_143 : memref<1x10240x32xf32, #tpu.memory_space<vmem_shared>> -> memref<10240x32xf32, #tpu.memory_space<vmem_shared>>
      %dma_start3A_145 = arith.constant 0 : i32
      %dma_start3A_146 = tpu.memref_slice %dma_start3A_144[%add3A_29, %dma_start3A_145] : memref<10240x32xf32, #tpu.memory_space<vmem_shared>> -> memref<128x32xf32, #tpu.memory_space<vmem_shared>>
      tpu.enqueue_dma source(%arg13 : memref<128x32xf32, #tpu.memory_space<vmem>>) target(%dma_start3A_146 : memref<128x32xf32, #tpu.memory_space<vmem_shared>>) target_semaphore(%run_scoped3A_135 : memref<!tpu.dma_semaphore, #tpu.memory_space<semaphore_mem>>)
      %dma_wait3A = arith.constant 0 : i32
      %dma_wait3A_147 = arith.constant 0 : i32
      %dma_wait3A_148 = tpu.memref_slice %arg17[%run_scoped3A_30, %dma_wait3A, %dma_wait3A_147] : memref<2x10240x32xf32, #tpu.memory_space<vmem_shared>> -> memref<1x10240x32xf32, #tpu.memory_space<vmem_shared>>
      %dma_wait3A_149 = tpu.memref_squeeze %dma_wait3A_148 : memref<1x10240x32xf32, #tpu.memory_space<vmem_shared>> -> memref<10240x32xf32, #tpu.memory_space<vmem_shared>>
      %dma_wait3A_150 = arith.constant 0 : i32
      %dma_wait3A_151 = tpu.memref_slice %dma_wait3A_149[%add3A_29, %dma_wait3A_150] : memref<10240x32xf32, #tpu.memory_space<vmem_shared>> -> memref<128x32xf32, #tpu.memory_space<vmem_shared>>
      %dma_wait3A_152 = arith.constant 0 : i32
      %dma_wait3A_153 = arith.constant 0 : i32
      %dma_wait3A_154 = tpu.memref_slice %arg17[%run_scoped3A_30, %dma_wait3A_152, %dma_wait3A_153] : memref<2x10240x32xf32, #tpu.memory_space<vmem_shared>> -> memref<1x10240x32xf32, #tpu.memory_space<vmem_shared>>
      %dma_wait3A_155 = tpu.memref_squeeze %dma_wait3A_154 : memref<1x10240x32xf32, #tpu.memory_space<vmem_shared>> -> memref<10240x32xf32, #tpu.memory_space<vmem_shared>>
      %dma_wait3A_156 = arith.constant 0 : i32
      %dma_wait3A_157 = tpu.memref_slice %dma_wait3A_155[%add3A_29, %dma_wait3A_156] : memref<10240x32xf32, #tpu.memory_space<vmem_shared>> -> memref<128x32xf32, #tpu.memory_space<vmem_shared>>
      tpu.wait_dma2 semaphore(%run_scoped3A_135 : memref<!tpu.dma_semaphore, #tpu.memory_space<semaphore_mem>>) src(%arg13 : memref<128x32xf32, #tpu.memory_space<vmem>>) dst(%dma_wait3A_157 : memref<128x32xf32, #tpu.memory_space<vmem_shared>>)
      tpu.yield
    }) : () -> ()
    %add3A_31 = arith.constant 0 : i32
    %add3A_32 = arith.addi %mul3A_0, %add3A_31 : i32
    %run_scoped3A_33 = arith.constant 0 : i32
    "tpu.region"() ({
      %run_scoped3A_135 = tpu.sem_alloc : memref<!tpu.dma_semaphore, #tpu.memory_space<semaphore_mem>>
      %dma_start3A = arith.constant 0 : i32
      %dma_start3A_136 = tpu.memref_slice %arg18[%run_scoped3A_33, %dma_start3A] : memref<2x10240xf32, #tpu.memory_space<vmem_shared>> -> memref<1x10240xf32, #tpu.memory_space<vmem_shared>>
      %dma_start3A_137 = tpu.memref_squeeze %dma_start3A_136 : memref<1x10240xf32, #tpu.memory_space<vmem_shared>> -> memref<10240xf32, #tpu.memory_space<vmem_shared>>
      %dma_start3A_138 = tpu.memref_slice %dma_start3A_137[%add3A_32] : memref<10240xf32, #tpu.memory_space<vmem_shared>> -> memref<128xf32, #tpu.memory_space<vmem_shared>>
      %dma_start3A_139 = arith.constant 0 : i32
      %dma_start3A_140 = tpu.memref_slice %arg18[%run_scoped3A_33, %dma_start3A_139] : memref<2x10240xf32, #tpu.memory_space<vmem_shared>> -> memref<1x10240xf32, #tpu.memory_space<vmem_shared>>
      %dma_start3A_141 = tpu.memref_squeeze %dma_start3A_140 : memref<1x10240xf32, #tpu.memory_space<vmem_shared>> -> memref<10240xf32, #tpu.memory_space<vmem_shared>>
      %dma_start3A_142 = tpu.memref_slice %dma_start3A_141[%add3A_32] : memref<10240xf32, #tpu.memory_space<vmem_shared>> -> memref<128xf32, #tpu.memory_space<vmem_shared>>
      tpu.enqueue_dma source(%arg15 : memref<128xf32, #tpu.memory_space<vmem>>) target(%dma_start3A_142 : memref<128xf32, #tpu.memory_space<vmem_shared>>) target_semaphore(%run_scoped3A_135 : memref<!tpu.dma_semaphore, #tpu.memory_space<semaphore_mem>>)
      %dma_wait3A = arith.constant 0 : i32
      %dma_wait3A_143 = tpu.memref_slice %arg18[%run_scoped3A_33, %dma_wait3A] : memref<2x10240xf32, #tpu.memory_space<vmem_shared>> -> memref<1x10240xf32, #tpu.memory_space<vmem_shared>>
      %dma_wait3A_144 = tpu.memref_squeeze %dma_wait3A_143 : memref<1x10240xf32, #tpu.memory_space<vmem_shared>> -> memref<10240xf32, #tpu.memory_space<vmem_shared>>
      %dma_wait3A_145 = tpu.memref_slice %dma_wait3A_144[%add3A_32] : memref<10240xf32, #tpu.memory_space<vmem_shared>> -> memref<128xf32, #tpu.memory_space<vmem_shared>>
      %dma_wait3A_146 = arith.constant 0 : i32
      %dma_wait3A_147 = tpu.memref_slice %arg18[%run_scoped3A_33, %dma_wait3A_146] : memref<2x10240xf32, #tpu.memory_space<vmem_shared>> -> memref<1x10240xf32, #tpu.memory_space<vmem_shared>>
      %dma_wait3A_148 = tpu.memref_squeeze %dma_wait3A_147 : memref<1x10240xf32, #tpu.memory_space<vmem_shared>> -> memref<10240xf32, #tpu.memory_space<vmem_shared>>
      %dma_wait3A_149 = tpu.memref_slice %dma_wait3A_148[%add3A_32] : memref<10240xf32, #tpu.memory_space<vmem_shared>> -> memref<128xf32, #tpu.memory_space<vmem_shared>>
      tpu.wait_dma2 semaphore(%run_scoped3A_135 : memref<!tpu.dma_semaphore, #tpu.memory_space<semaphore_mem>>) src(%arg15 : memref<128xf32, #tpu.memory_space<vmem>>) dst(%dma_wait3A_149 : memref<128xf32, #tpu.memory_space<vmem_shared>>)
      tpu.yield
    }) : () -> ()
    %add3A_34 = arith.constant 128 : i32
    %add3A_35 = arith.addi %mul3A_0, %add3A_34 : i32
    %run_scoped3A_36 = arith.constant 0 : i32
    "tpu.region"() ({
      %run_scoped3A_135 = tpu.sem_alloc : memref<!tpu.dma_semaphore, #tpu.memory_space<semaphore_mem>>
      %dma_start3A = arith.constant 0 : i32
      %dma_start3A_136 = arith.constant 0 : i32
      %dma_start3A_137 = tpu.memref_slice %arg17[%run_scoped3A_36, %dma_start3A, %dma_start3A_136] : memref<2x10240x32xf32, #tpu.memory_space<vmem_shared>> -> memref<1x10240x32xf32, #tpu.memory_space<vmem_shared>>
      %dma_start3A_138 = tpu.memref_squeeze %dma_start3A_137 : memref<1x10240x32xf32, #tpu.memory_space<vmem_shared>> -> memref<10240x32xf32, #tpu.memory_space<vmem_shared>>
      %dma_start3A_139 = arith.constant 0 : i32
      %dma_start3A_140 = tpu.memref_slice %dma_start3A_138[%add3A_35, %dma_start3A_139] : memref<10240x32xf32, #tpu.memory_space<vmem_shared>> -> memref<128x32xf32, #tpu.memory_space<vmem_shared>>
      %dma_start3A_141 = arith.constant 0 : i32
      %dma_start3A_142 = arith.constant 0 : i32
      %dma_start3A_143 = tpu.memref_slice %arg17[%run_scoped3A_36, %dma_start3A_141, %dma_start3A_142] : memref<2x10240x32xf32, #tpu.memory_space<vmem_shared>> -> memref<1x10240x32xf32, #tpu.memory_space<vmem_shared>>
      %dma_start3A_144 = tpu.memref_squeeze %dma_start3A_143 : memref<1x10240x32xf32, #tpu.memory_space<vmem_shared>> -> memref<10240x32xf32, #tpu.memory_space<vmem_shared>>
      %dma_start3A_145 = arith.constant 0 : i32
      %dma_start3A_146 = tpu.memref_slice %dma_start3A_144[%add3A_35, %dma_start3A_145] : memref<10240x32xf32, #tpu.memory_space<vmem_shared>> -> memref<128x32xf32, #tpu.memory_space<vmem_shared>>
      tpu.enqueue_dma source(%arg13 : memref<128x32xf32, #tpu.memory_space<vmem>>) target(%dma_start3A_146 : memref<128x32xf32, #tpu.memory_space<vmem_shared>>) target_semaphore(%run_scoped3A_135 : memref<!tpu.dma_semaphore, #tpu.memory_space<semaphore_mem>>)
      %dma_wait3A = arith.constant 0 : i32
      %dma_wait3A_147 = arith.constant 0 : i32
      %dma_wait3A_148 = tpu.memref_slice %arg17[%run_scoped3A_36, %dma_wait3A, %dma_wait3A_147] : memref<2x10240x32xf32, #tpu.memory_space<vmem_shared>> -> memref<1x10240x32xf32, #tpu.memory_space<vmem_shared>>
      %dma_wait3A_149 = tpu.memref_squeeze %dma_wait3A_148 : memref<1x10240x32xf32, #tpu.memory_space<vmem_shared>> -> memref<10240x32xf32, #tpu.memory_space<vmem_shared>>
      %dma_wait3A_150 = arith.constant 0 : i32
      %dma_wait3A_151 = tpu.memref_slice %dma_wait3A_149[%add3A_35, %dma_wait3A_150] : memref<10240x32xf32, #tpu.memory_space<vmem_shared>> -> memref<128x32xf32, #tpu.memory_space<vmem_shared>>
      %dma_wait3A_152 = arith.constant 0 : i32
      %dma_wait3A_153 = arith.constant 0 : i32
      %dma_wait3A_154 = tpu.memref_slice %arg17[%run_scoped3A_36, %dma_wait3A_152, %dma_wait3A_153] : memref<2x10240x32xf32, #tpu.memory_space<vmem_shared>> -> memref<1x10240x32xf32, #tpu.memory_space<vmem_shared>>
      %dma_wait3A_155 = tpu.memref_squeeze %dma_wait3A_154 : memref<1x10240x32xf32, #tpu.memory_space<vmem_shared>> -> memref<10240x32xf32, #tpu.memory_space<vmem_shared>>
      %dma_wait3A_156 = arith.constant 0 : i32
      %dma_wait3A_157 = tpu.memref_slice %dma_wait3A_155[%add3A_35, %dma_wait3A_156] : memref<10240x32xf32, #tpu.memory_space<vmem_shared>> -> memref<128x32xf32, #tpu.memory_space<vmem_shared>>
      tpu.wait_dma2 semaphore(%run_scoped3A_135 : memref<!tpu.dma_semaphore, #tpu.memory_space<semaphore_mem>>) src(%arg13 : memref<128x32xf32, #tpu.memory_space<vmem>>) dst(%dma_wait3A_157 : memref<128x32xf32, #tpu.memory_space<vmem_shared>>)
      tpu.yield
    }) : () -> ()
    %add3A_37 = arith.constant 128 : i32
    %add3A_38 = arith.addi %mul3A_0, %add3A_37 : i32
    %run_scoped3A_39 = arith.constant 0 : i32
    "tpu.region"() ({
      %run_scoped3A_135 = tpu.sem_alloc : memref<!tpu.dma_semaphore, #tpu.memory_space<semaphore_mem>>
      %dma_start3A = arith.constant 0 : i32
      %dma_start3A_136 = tpu.memref_slice %arg18[%run_scoped3A_39, %dma_start3A] : memref<2x10240xf32, #tpu.memory_space<vmem_shared>> -> memref<1x10240xf32, #tpu.memory_space<vmem_shared>>
      %dma_start3A_137 = tpu.memref_squeeze %dma_start3A_136 : memref<1x10240xf32, #tpu.memory_space<vmem_shared>> -> memref<10240xf32, #tpu.memory_space<vmem_shared>>
      %dma_start3A_138 = tpu.memref_slice %dma_start3A_137[%add3A_38] : memref<10240xf32, #tpu.memory_space<vmem_shared>> -> memref<128xf32, #tpu.memory_space<vmem_shared>>
      %dma_start3A_139 = arith.constant 0 : i32
      %dma_start3A_140 = tpu.memref_slice %arg18[%run_scoped3A_39, %dma_start3A_139] : memref<2x10240xf32, #tpu.memory_space<vmem_shared>> -> memref<1x10240xf32, #tpu.memory_space<vmem_shared>>
      %dma_start3A_141 = tpu.memref_squeeze %dma_start3A_140 : memref<1x10240xf32, #tpu.memory_space<vmem_shared>> -> memref<10240xf32, #tpu.memory_space<vmem_shared>>
      %dma_start3A_142 = tpu.memref_slice %dma_start3A_141[%add3A_38] : memref<10240xf32, #tpu.memory_space<vmem_shared>> -> memref<128xf32, #tpu.memory_space<vmem_shared>>
      tpu.enqueue_dma source(%arg15 : memref<128xf32, #tpu.memory_space<vmem>>) target(%dma_start3A_142 : memref<128xf32, #tpu.memory_space<vmem_shared>>) target_semaphore(%run_scoped3A_135 : memref<!tpu.dma_semaphore, #tpu.memory_space<semaphore_mem>>)
      %dma_wait3A = arith.constant 0 : i32
      %dma_wait3A_143 = tpu.memref_slice %arg18[%run_scoped3A_39, %dma_wait3A] : memref<2x10240xf32, #tpu.memory_space<vmem_shared>> -> memref<1x10240xf32, #tpu.memory_space<vmem_shared>>
      %dma_wait3A_144 = tpu.memref_squeeze %dma_wait3A_143 : memref<1x10240xf32, #tpu.memory_space<vmem_shared>> -> memref<10240xf32, #tpu.memory_space<vmem_shared>>
      %dma_wait3A_145 = tpu.memref_slice %dma_wait3A_144[%add3A_38] : memref<10240xf32, #tpu.memory_space<vmem_shared>> -> memref<128xf32, #tpu.memory_space<vmem_shared>>
      %dma_wait3A_146 = arith.constant 0 : i32
      %dma_wait3A_147 = tpu.memref_slice %arg18[%run_scoped3A_39, %dma_wait3A_146] : memref<2x10240xf32, #tpu.memory_space<vmem_shared>> -> memref<1x10240xf32, #tpu.memory_space<vmem_shared>>
      %dma_wait3A_148 = tpu.memref_squeeze %dma_wait3A_147 : memref<1x10240xf32, #tpu.memory_space<vmem_shared>> -> memref<10240xf32, #tpu.memory_space<vmem_shared>>
      %dma_wait3A_149 = tpu.memref_slice %dma_wait3A_148[%add3A_38] : memref<10240xf32, #tpu.memory_space<vmem_shared>> -> memref<128xf32, #tpu.memory_space<vmem_shared>>
      tpu.wait_dma2 semaphore(%run_scoped3A_135 : memref<!tpu.dma_semaphore, #tpu.memory_space<semaphore_mem>>) src(%arg15 : memref<128xf32, #tpu.memory_space<vmem>>) dst(%dma_wait3A_149 : memref<128xf32, #tpu.memory_space<vmem_shared>>)
      tpu.yield
    }) : () -> ()
    %add3A_40 = arith.constant 256 : i32
    %add3A_41 = arith.addi %mul3A_0, %add3A_40 : i32
    %run_scoped3A_42 = arith.constant 0 : i32
    "tpu.region"() ({
      %run_scoped3A_135 = tpu.sem_alloc : memref<!tpu.dma_semaphore, #tpu.memory_space<semaphore_mem>>
      %dma_start3A = arith.constant 0 : i32
      %dma_start3A_136 = arith.constant 0 : i32
      %dma_start3A_137 = tpu.memref_slice %arg17[%run_scoped3A_42, %dma_start3A, %dma_start3A_136] : memref<2x10240x32xf32, #tpu.memory_space<vmem_shared>> -> memref<1x10240x32xf32, #tpu.memory_space<vmem_shared>>
      %dma_start3A_138 = tpu.memref_squeeze %dma_start3A_137 : memref<1x10240x32xf32, #tpu.memory_space<vmem_shared>> -> memref<10240x32xf32, #tpu.memory_space<vmem_shared>>
      %dma_start3A_139 = arith.constant 0 : i32
      %dma_start3A_140 = tpu.memref_slice %dma_start3A_138[%add3A_41, %dma_start3A_139] : memref<10240x32xf32, #tpu.memory_space<vmem_shared>> -> memref<128x32xf32, #tpu.memory_space<vmem_shared>>
      %dma_start3A_141 = arith.constant 0 : i32
      %dma_start3A_142 = arith.constant 0 : i32
      %dma_start3A_143 = tpu.memref_slice %arg17[%run_scoped3A_42, %dma_start3A_141, %dma_start3A_142] : memref<2x10240x32xf32, #tpu.memory_space<vmem_shared>> -> memref<1x10240x32xf32, #tpu.memory_space<vmem_shared>>
      %dma_start3A_144 = tpu.memref_squeeze %dma_start3A_143 : memref<1x10240x32xf32, #tpu.memory_space<vmem_shared>> -> memref<10240x32xf32, #tpu.memory_space<vmem_shared>>
      %dma_start3A_145 = arith.constant 0 : i32
      %dma_start3A_146 = tpu.memref_slice %dma_start3A_144[%add3A_41, %dma_start3A_145] : memref<10240x32xf32, #tpu.memory_space<vmem_shared>> -> memref<128x32xf32, #tpu.memory_space<vmem_shared>>
      tpu.enqueue_dma source(%arg13 : memref<128x32xf32, #tpu.memory_space<vmem>>) target(%dma_start3A_146 : memref<128x32xf32, #tpu.memory_space<vmem_shared>>) target_semaphore(%run_scoped3A_135 : memref<!tpu.dma_semaphore, #tpu.memory_space<semaphore_mem>>)
      %dma_wait3A = arith.constant 0 : i32
      %dma_wait3A_147 = arith.constant 0 : i32
      %dma_wait3A_148 = tpu.memref_slice %arg17[%run_scoped3A_42, %dma_wait3A, %dma_wait3A_147] : memref<2x10240x32xf32, #tpu.memory_space<vmem_shared>> -> memref<1x10240x32xf32, #tpu.memory_space<vmem_shared>>
      %dma_wait3A_149 = tpu.memref_squeeze %dma_wait3A_148 : memref<1x10240x32xf32, #tpu.memory_space<vmem_shared>> -> memref<10240x32xf32, #tpu.memory_space<vmem_shared>>
      %dma_wait3A_150 = arith.constant 0 : i32
      %dma_wait3A_151 = tpu.memref_slice %dma_wait3A_149[%add3A_41, %dma_wait3A_150] : memref<10240x32xf32, #tpu.memory_space<vmem_shared>> -> memref<128x32xf32, #tpu.memory_space<vmem_shared>>
      %dma_wait3A_152 = arith.constant 0 : i32
      %dma_wait3A_153 = arith.constant 0 : i32
      %dma_wait3A_154 = tpu.memref_slice %arg17[%run_scoped3A_42, %dma_wait3A_152, %dma_wait3A_153] : memref<2x10240x32xf32, #tpu.memory_space<vmem_shared>> -> memref<1x10240x32xf32, #tpu.memory_space<vmem_shared>>
      %dma_wait3A_155 = tpu.memref_squeeze %dma_wait3A_154 : memref<1x10240x32xf32, #tpu.memory_space<vmem_shared>> -> memref<10240x32xf32, #tpu.memory_space<vmem_shared>>
      %dma_wait3A_156 = arith.constant 0 : i32
      %dma_wait3A_157 = tpu.memref_slice %dma_wait3A_155[%add3A_41, %dma_wait3A_156] : memref<10240x32xf32, #tpu.memory_space<vmem_shared>> -> memref<128x32xf32, #tpu.memory_space<vmem_shared>>
      tpu.wait_dma2 semaphore(%run_scoped3A_135 : memref<!tpu.dma_semaphore, #tpu.memory_space<semaphore_mem>>) src(%arg13 : memref<128x32xf32, #tpu.memory_space<vmem>>) dst(%dma_wait3A_157 : memref<128x32xf32, #tpu.memory_space<vmem_shared>>)
      tpu.yield
    }) : () -> ()
    %add3A_43 = arith.constant 256 : i32
    %add3A_44 = arith.addi %mul3A_0, %add3A_43 : i32
    %run_scoped3A_45 = arith.constant 0 : i32
    "tpu.region"() ({
      %run_scoped3A_135 = tpu.sem_alloc : memref<!tpu.dma_semaphore, #tpu.memory_space<semaphore_mem>>
      %dma_start3A = arith.constant 0 : i32
      %dma_start3A_136 = tpu.memref_slice %arg18[%run_scoped3A_45, %dma_start3A] : memref<2x10240xf32, #tpu.memory_space<vmem_shared>> -> memref<1x10240xf32, #tpu.memory_space<vmem_shared>>
      %dma_start3A_137 = tpu.memref_squeeze %dma_start3A_136 : memref<1x10240xf32, #tpu.memory_space<vmem_shared>> -> memref<10240xf32, #tpu.memory_space<vmem_shared>>
      %dma_start3A_138 = tpu.memref_slice %dma_start3A_137[%add3A_44] : memref<10240xf32, #tpu.memory_space<vmem_shared>> -> memref<128xf32, #tpu.memory_space<vmem_shared>>
      %dma_start3A_139 = arith.constant 0 : i32
      %dma_start3A_140 = tpu.memref_slice %arg18[%run_scoped3A_45, %dma_start3A_139] : memref<2x10240xf32, #tpu.memory_space<vmem_shared>> -> memref<1x10240xf32, #tpu.memory_space<vmem_shared>>
      %dma_start3A_141 = tpu.memref_squeeze %dma_start3A_140 : memref<1x10240xf32, #tpu.memory_space<vmem_shared>> -> memref<10240xf32, #tpu.memory_space<vmem_shared>>
      %dma_start3A_142 = tpu.memref_slice %dma_start3A_141[%add3A_44] : memref<10240xf32, #tpu.memory_space<vmem_shared>> -> memref<128xf32, #tpu.memory_space<vmem_shared>>
      tpu.enqueue_dma source(%arg15 : memref<128xf32, #tpu.memory_space<vmem>>) target(%dma_start3A_142 : memref<128xf32, #tpu.memory_space<vmem_shared>>) target_semaphore(%run_scoped3A_135 : memref<!tpu.dma_semaphore, #tpu.memory_space<semaphore_mem>>)
      %dma_wait3A = arith.constant 0 : i32
      %dma_wait3A_143 = tpu.memref_slice %arg18[%run_scoped3A_45, %dma_wait3A] : memref<2x10240xf32, #tpu.memory_space<vmem_shared>> -> memref<1x10240xf32, #tpu.memory_space<vmem_shared>>
      %dma_wait3A_144 = tpu.memref_squeeze %dma_wait3A_143 : memref<1x10240xf32, #tpu.memory_space<vmem_shared>> -> memref<10240xf32, #tpu.memory_space<vmem_shared>>
      %dma_wait3A_145 = tpu.memref_slice %dma_wait3A_144[%add3A_44] : memref<10240xf32, #tpu.memory_space<vmem_shared>> -> memref<128xf32, #tpu.memory_space<vmem_shared>>
      %dma_wait3A_146 = arith.constant 0 : i32
      %dma_wait3A_147 = tpu.memref_slice %arg18[%run_scoped3A_45, %dma_wait3A_146] : memref<2x10240xf32, #tpu.memory_space<vmem_shared>> -> memref<1x10240xf32, #tpu.memory_space<vmem_shared>>
      %dma_wait3A_148 = tpu.memref_squeeze %dma_wait3A_147 : memref<1x10240xf32, #tpu.memory_space<vmem_shared>> -> memref<10240xf32, #tpu.memory_space<vmem_shared>>
      %dma_wait3A_149 = tpu.memref_slice %dma_wait3A_148[%add3A_44] : memref<10240xf32, #tpu.memory_space<vmem_shared>> -> memref<128xf32, #tpu.memory_space<vmem_shared>>
      tpu.wait_dma2 semaphore(%run_scoped3A_135 : memref<!tpu.dma_semaphore, #tpu.memory_space<semaphore_mem>>) src(%arg15 : memref<128xf32, #tpu.memory_space<vmem>>) dst(%dma_wait3A_149 : memref<128xf32, #tpu.memory_space<vmem_shared>>)
      tpu.yield
    }) : () -> ()
    %add3A_46 = arith.constant 384 : i32
    %add3A_47 = arith.addi %mul3A_0, %add3A_46 : i32
    %run_scoped3A_48 = arith.constant 0 : i32
    "tpu.region"() ({
      %run_scoped3A_135 = tpu.sem_alloc : memref<!tpu.dma_semaphore, #tpu.memory_space<semaphore_mem>>
      %dma_start3A = arith.constant 0 : i32
      %dma_start3A_136 = arith.constant 0 : i32
      %dma_start3A_137 = tpu.memref_slice %arg17[%run_scoped3A_48, %dma_start3A, %dma_start3A_136] : memref<2x10240x32xf32, #tpu.memory_space<vmem_shared>> -> memref<1x10240x32xf32, #tpu.memory_space<vmem_shared>>
      %dma_start3A_138 = tpu.memref_squeeze %dma_start3A_137 : memref<1x10240x32xf32, #tpu.memory_space<vmem_shared>> -> memref<10240x32xf32, #tpu.memory_space<vmem_shared>>
      %dma_start3A_139 = arith.constant 0 : i32
      %dma_start3A_140 = tpu.memref_slice %dma_start3A_138[%add3A_47, %dma_start3A_139] : memref<10240x32xf32, #tpu.memory_space<vmem_shared>> -> memref<128x32xf32, #tpu.memory_space<vmem_shared>>
      %dma_start3A_141 = arith.constant 0 : i32
      %dma_start3A_142 = arith.constant 0 : i32
      %dma_start3A_143 = tpu.memref_slice %arg17[%run_scoped3A_48, %dma_start3A_141, %dma_start3A_142] : memref<2x10240x32xf32, #tpu.memory_space<vmem_shared>> -> memref<1x10240x32xf32, #tpu.memory_space<vmem_shared>>
      %dma_start3A_144 = tpu.memref_squeeze %dma_start3A_143 : memref<1x10240x32xf32, #tpu.memory_space<vmem_shared>> -> memref<10240x32xf32, #tpu.memory_space<vmem_shared>>
      %dma_start3A_145 = arith.constant 0 : i32
      %dma_start3A_146 = tpu.memref_slice %dma_start3A_144[%add3A_47, %dma_start3A_145] : memref<10240x32xf32, #tpu.memory_space<vmem_shared>> -> memref<128x32xf32, #tpu.memory_space<vmem_shared>>
      tpu.enqueue_dma source(%arg13 : memref<128x32xf32, #tpu.memory_space<vmem>>) target(%dma_start3A_146 : memref<128x32xf32, #tpu.memory_space<vmem_shared>>) target_semaphore(%run_scoped3A_135 : memref<!tpu.dma_semaphore, #tpu.memory_space<semaphore_mem>>)
      %dma_wait3A = arith.constant 0 : i32
      %dma_wait3A_147 = arith.constant 0 : i32
      %dma_wait3A_148 = tpu.memref_slice %arg17[%run_scoped3A_48, %dma_wait3A, %dma_wait3A_147] : memref<2x10240x32xf32, #tpu.memory_space<vmem_shared>> -> memref<1x10240x32xf32, #tpu.memory_space<vmem_shared>>
      %dma_wait3A_149 = tpu.memref_squeeze %dma_wait3A_148 : memref<1x10240x32xf32, #tpu.memory_space<vmem_shared>> -> memref<10240x32xf32, #tpu.memory_space<vmem_shared>>
      %dma_wait3A_150 = arith.constant 0 : i32
      %dma_wait3A_151 = tpu.memref_slice %dma_wait3A_149[%add3A_47, %dma_wait3A_150] : memref<10240x32xf32, #tpu.memory_space<vmem_shared>> -> memref<128x32xf32, #tpu.memory_space<vmem_shared>>
      %dma_wait3A_152 = arith.constant 0 : i32
      %dma_wait3A_153 = arith.constant 0 : i32
      %dma_wait3A_154 = tpu.memref_slice %arg17[%run_scoped3A_48, %dma_wait3A_152, %dma_wait3A_153] : memref<2x10240x32xf32, #tpu.memory_space<vmem_shared>> -> memref<1x10240x32xf32, #tpu.memory_space<vmem_shared>>
      %dma_wait3A_155 = tpu.memref_squeeze %dma_wait3A_154 : memref<1x10240x32xf32, #tpu.memory_space<vmem_shared>> -> memref<10240x32xf32, #tpu.memory_space<vmem_shared>>
      %dma_wait3A_156 = arith.constant 0 : i32
      %dma_wait3A_157 = tpu.memref_slice %dma_wait3A_155[%add3A_47, %dma_wait3A_156] : memref<10240x32xf32, #tpu.memory_space<vmem_shared>> -> memref<128x32xf32, #tpu.memory_space<vmem_shared>>
      tpu.wait_dma2 semaphore(%run_scoped3A_135 : memref<!tpu.dma_semaphore, #tpu.memory_space<semaphore_mem>>) src(%arg13 : memref<128x32xf32, #tpu.memory_space<vmem>>) dst(%dma_wait3A_157 : memref<128x32xf32, #tpu.memory_space<vmem_shared>>)
      tpu.yield
    }) : () -> ()
    %add3A_49 = arith.constant 384 : i32
    %add3A_50 = arith.addi %mul3A_0, %add3A_49 : i32
    %run_scoped3A_51 = arith.constant 0 : i32
    "tpu.region"() ({
      %run_scoped3A_135 = tpu.sem_alloc : memref<!tpu.dma_semaphore, #tpu.memory_space<semaphore_mem>>
      %dma_start3A = arith.constant 0 : i32
      %dma_start3A_136 = tpu.memref_slice %arg18[%run_scoped3A_51, %dma_start3A] : memref<2x10240xf32, #tpu.memory_space<vmem_shared>> -> memref<1x10240xf32, #tpu.memory_space<vmem_shared>>
      %dma_start3A_137 = tpu.memref_squeeze %dma_start3A_136 : memref<1x10240xf32, #tpu.memory_space<vmem_shared>> -> memref<10240xf32, #tpu.memory_space<vmem_shared>>
      %dma_start3A_138 = tpu.memref_slice %dma_start3A_137[%add3A_50] : memref<10240xf32, #tpu.memory_space<vmem_shared>> -> memref<128xf32, #tpu.memory_space<vmem_shared>>
      %dma_start3A_139 = arith.constant 0 : i32
      %dma_start3A_140 = tpu.memref_slice %arg18[%run_scoped3A_51, %dma_start3A_139] : memref<2x10240xf32, #tpu.memory_space<vmem_shared>> -> memref<1x10240xf32, #tpu.memory_space<vmem_shared>>
      %dma_start3A_141 = tpu.memref_squeeze %dma_start3A_140 : memref<1x10240xf32, #tpu.memory_space<vmem_shared>> -> memref<10240xf32, #tpu.memory_space<vmem_shared>>
      %dma_start3A_142 = tpu.memref_slice %dma_start3A_141[%add3A_50] : memref<10240xf32, #tpu.memory_space<vmem_shared>> -> memref<128xf32, #tpu.memory_space<vmem_shared>>
      tpu.enqueue_dma source(%arg15 : memref<128xf32, #tpu.memory_space<vmem>>) target(%dma_start3A_142 : memref<128xf32, #tpu.memory_space<vmem_shared>>) target_semaphore(%run_scoped3A_135 : memref<!tpu.dma_semaphore, #tpu.memory_space<semaphore_mem>>)
      %dma_wait3A = arith.constant 0 : i32
      %dma_wait3A_143 = tpu.memref_slice %arg18[%run_scoped3A_51, %dma_wait3A] : memref<2x10240xf32, #tpu.memory_space<vmem_shared>> -> memref<1x10240xf32, #tpu.memory_space<vmem_shared>>
      %dma_wait3A_144 = tpu.memref_squeeze %dma_wait3A_143 : memref<1x10240xf32, #tpu.memory_space<vmem_shared>> -> memref<10240xf32, #tpu.memory_space<vmem_shared>>
      %dma_wait3A_145 = tpu.memref_slice %dma_wait3A_144[%add3A_50] : memref<10240xf32, #tpu.memory_space<vmem_shared>> -> memref<128xf32, #tpu.memory_space<vmem_shared>>
      %dma_wait3A_146 = arith.constant 0 : i32
      %dma_wait3A_147 = tpu.memref_slice %arg18[%run_scoped3A_51, %dma_wait3A_146] : memref<2x10240xf32, #tpu.memory_space<vmem_shared>> -> memref<1x10240xf32, #tpu.memory_space<vmem_shared>>
      %dma_wait3A_148 = tpu.memref_squeeze %dma_wait3A_147 : memref<1x10240xf32, #tpu.memory_space<vmem_shared>> -> memref<10240xf32, #tpu.memory_space<vmem_shared>>
      %dma_wait3A_149 = tpu.memref_slice %dma_wait3A_148[%add3A_50] : memref<10240xf32, #tpu.memory_space<vmem_shared>> -> memref<128xf32, #tpu.memory_space<vmem_shared>>
      tpu.wait_dma2 semaphore(%run_scoped3A_135 : memref<!tpu.dma_semaphore, #tpu.memory_space<semaphore_mem>>) src(%arg15 : memref<128xf32, #tpu.memory_space<vmem>>) dst(%dma_wait3A_149 : memref<128xf32, #tpu.memory_space<vmem_shared>>)
      tpu.yield
    }) : () -> ()
    %add3A_52 = arith.constant 512 : i32
    %add3A_53 = arith.addi %mul3A_0, %add3A_52 : i32
    %run_scoped3A_54 = arith.constant 0 : i32
    "tpu.region"() ({
      %run_scoped3A_135 = tpu.sem_alloc : memref<!tpu.dma_semaphore, #tpu.memory_space<semaphore_mem>>
      %dma_start3A = arith.constant 0 : i32
      %dma_start3A_136 = arith.constant 0 : i32
      %dma_start3A_137 = tpu.memref_slice %arg17[%run_scoped3A_54, %dma_start3A, %dma_start3A_136] : memref<2x10240x32xf32, #tpu.memory_space<vmem_shared>> -> memref<1x10240x32xf32, #tpu.memory_space<vmem_shared>>
      %dma_start3A_138 = tpu.memref_squeeze %dma_start3A_137 : memref<1x10240x32xf32, #tpu.memory_space<vmem_shared>> -> memref<10240x32xf32, #tpu.memory_space<vmem_shared>>
      %dma_start3A_139 = arith.constant 0 : i32
      %dma_start3A_140 = tpu.memref_slice %dma_start3A_138[%add3A_53, %dma_start3A_139] : memref<10240x32xf32, #tpu.memory_space<vmem_shared>> -> memref<128x32xf32, #tpu.memory_space<vmem_shared>>
      %dma_start3A_141 = arith.constant 0 : i32
      %dma_start3A_142 = arith.constant 0 : i32
      %dma_start3A_143 = tpu.memref_slice %arg17[%run_scoped3A_54, %dma_start3A_141, %dma_start3A_142] : memref<2x10240x32xf32, #tpu.memory_space<vmem_shared>> -> memref<1x10240x32xf32, #tpu.memory_space<vmem_shared>>
      %dma_start3A_144 = tpu.memref_squeeze %dma_start3A_143 : memref<1x10240x32xf32, #tpu.memory_space<vmem_shared>> -> memref<10240x32xf32, #tpu.memory_space<vmem_shared>>
      %dma_start3A_145 = arith.constant 0 : i32
      %dma_start3A_146 = tpu.memref_slice %dma_start3A_144[%add3A_53, %dma_start3A_145] : memref<10240x32xf32, #tpu.memory_space<vmem_shared>> -> memref<128x32xf32, #tpu.memory_space<vmem_shared>>
      tpu.enqueue_dma source(%arg13 : memref<128x32xf32, #tpu.memory_space<vmem>>) target(%dma_start3A_146 : memref<128x32xf32, #tpu.memory_space<vmem_shared>>) target_semaphore(%run_scoped3A_135 : memref<!tpu.dma_semaphore, #tpu.memory_space<semaphore_mem>>)
      %dma_wait3A = arith.constant 0 : i32
      %dma_wait3A_147 = arith.constant 0 : i32
      %dma_wait3A_148 = tpu.memref_slice %arg17[%run_scoped3A_54, %dma_wait3A, %dma_wait3A_147] : memref<2x10240x32xf32, #tpu.memory_space<vmem_shared>> -> memref<1x10240x32xf32, #tpu.memory_space<vmem_shared>>
      %dma_wait3A_149 = tpu.memref_squeeze %dma_wait3A_148 : memref<1x10240x32xf32, #tpu.memory_space<vmem_shared>> -> memref<10240x32xf32, #tpu.memory_space<vmem_shared>>
      %dma_wait3A_150 = arith.constant 0 : i32
      %dma_wait3A_151 = tpu.memref_slice %dma_wait3A_149[%add3A_53, %dma_wait3A_150] : memref<10240x32xf32, #tpu.memory_space<vmem_shared>> -> memref<128x32xf32, #tpu.memory_space<vmem_shared>>
      %dma_wait3A_152 = arith.constant 0 : i32
      %dma_wait3A_153 = arith.constant 0 : i32
      %dma_wait3A_154 = tpu.memref_slice %arg17[%run_scoped3A_54, %dma_wait3A_152, %dma_wait3A_153] : memref<2x10240x32xf32, #tpu.memory_space<vmem_shared>> -> memref<1x10240x32xf32, #tpu.memory_space<vmem_shared>>
      %dma_wait3A_155 = tpu.memref_squeeze %dma_wait3A_154 : memref<1x10240x32xf32, #tpu.memory_space<vmem_shared>> -> memref<10240x32xf32, #tpu.memory_space<vmem_shared>>
      %dma_wait3A_156 = arith.constant 0 : i32
      %dma_wait3A_157 = tpu.memref_slice %dma_wait3A_155[%add3A_53, %dma_wait3A_156] : memref<10240x32xf32, #tpu.memory_space<vmem_shared>> -> memref<128x32xf32, #tpu.memory_space<vmem_shared>>
      tpu.wait_dma2 semaphore(%run_scoped3A_135 : memref<!tpu.dma_semaphore, #tpu.memory_space<semaphore_mem>>) src(%arg13 : memref<128x32xf32, #tpu.memory_space<vmem>>) dst(%dma_wait3A_157 : memref<128x32xf32, #tpu.memory_space<vmem_shared>>)
      tpu.yield
    }) : () -> ()
    %add3A_55 = arith.constant 512 : i32
    %add3A_56 = arith.addi %mul3A_0, %add3A_55 : i32
    %run_scoped3A_57 = arith.constant 0 : i32
    "tpu.region"() ({
      %run_scoped3A_135 = tpu.sem_alloc : memref<!tpu.dma_semaphore, #tpu.memory_space<semaphore_mem>>
      %dma_start3A = arith.constant 0 : i32
      %dma_start3A_136 = tpu.memref_slice %arg18[%run_scoped3A_57, %dma_start3A] : memref<2x10240xf32, #tpu.memory_space<vmem_shared>> -> memref<1x10240xf32, #tpu.memory_space<vmem_shared>>
      %dma_start3A_137 = tpu.memref_squeeze %dma_start3A_136 : memref<1x10240xf32, #tpu.memory_space<vmem_shared>> -> memref<10240xf32, #tpu.memory_space<vmem_shared>>
      %dma_start3A_138 = tpu.memref_slice %dma_start3A_137[%add3A_56] : memref<10240xf32, #tpu.memory_space<vmem_shared>> -> memref<128xf32, #tpu.memory_space<vmem_shared>>
      %dma_start3A_139 = arith.constant 0 : i32
      %dma_start3A_140 = tpu.memref_slice %arg18[%run_scoped3A_57, %dma_start3A_139] : memref<2x10240xf32, #tpu.memory_space<vmem_shared>> -> memref<1x10240xf32, #tpu.memory_space<vmem_shared>>
      %dma_start3A_141 = tpu.memref_squeeze %dma_start3A_140 : memref<1x10240xf32, #tpu.memory_space<vmem_shared>> -> memref<10240xf32, #tpu.memory_space<vmem_shared>>
      %dma_start3A_142 = tpu.memref_slice %dma_start3A_141[%add3A_56] : memref<10240xf32, #tpu.memory_space<vmem_shared>> -> memref<128xf32, #tpu.memory_space<vmem_shared>>
      tpu.enqueue_dma source(%arg15 : memref<128xf32, #tpu.memory_space<vmem>>) target(%dma_start3A_142 : memref<128xf32, #tpu.memory_space<vmem_shared>>) target_semaphore(%run_scoped3A_135 : memref<!tpu.dma_semaphore, #tpu.memory_space<semaphore_mem>>)
      %dma_wait3A = arith.constant 0 : i32
      %dma_wait3A_143 = tpu.memref_slice %arg18[%run_scoped3A_57, %dma_wait3A] : memref<2x10240xf32, #tpu.memory_space<vmem_shared>> -> memref<1x10240xf32, #tpu.memory_space<vmem_shared>>
      %dma_wait3A_144 = tpu.memref_squeeze %dma_wait3A_143 : memref<1x10240xf32, #tpu.memory_space<vmem_shared>> -> memref<10240xf32, #tpu.memory_space<vmem_shared>>
      %dma_wait3A_145 = tpu.memref_slice %dma_wait3A_144[%add3A_56] : memref<10240xf32, #tpu.memory_space<vmem_shared>> -> memref<128xf32, #tpu.memory_space<vmem_shared>>
      %dma_wait3A_146 = arith.constant 0 : i32
      %dma_wait3A_147 = tpu.memref_slice %arg18[%run_scoped3A_57, %dma_wait3A_146] : memref<2x10240xf32, #tpu.memory_space<vmem_shared>> -> memref<1x10240xf32, #tpu.memory_space<vmem_shared>>
      %dma_wait3A_148 = tpu.memref_squeeze %dma_wait3A_147 : memref<1x10240xf32, #tpu.memory_space<vmem_shared>> -> memref<10240xf32, #tpu.memory_space<vmem_shared>>
      %dma_wait3A_149 = tpu.memref_slice %dma_wait3A_148[%add3A_56] : memref<10240xf32, #tpu.memory_space<vmem_shared>> -> memref<128xf32, #tpu.memory_space<vmem_shared>>
      tpu.wait_dma2 semaphore(%run_scoped3A_135 : memref<!tpu.dma_semaphore, #tpu.memory_space<semaphore_mem>>) src(%arg15 : memref<128xf32, #tpu.memory_space<vmem>>) dst(%dma_wait3A_149 : memref<128xf32, #tpu.memory_space<vmem_shared>>)
      tpu.yield
    }) : () -> ()
    %mul3A_58 = arith.constant 2 : i32
    %mul3A_59 = arith.muli %mul3A_58, %arg0 : i32
    %add3A_60 = arith.constant 1 : i32
    %add3A_61 = arith.addi %mul3A_59, %add3A_60 : i32
    %run_scoped3A_62 = arith.constant 1 : i32
    "tpu.region"() ({
      %run_scoped3A_135 = tpu.sem_alloc : memref<!tpu.dma_semaphore, #tpu.memory_space<semaphore_mem>>
      %dma_start3A = arith.constant 0 : i32
      %dma_start3A_136 = tpu.memref_slice %arg11[%run_scoped3A_62, %dma_start3A] : memref<2x10240xf32, #tpu.memory_space<vmem>> -> memref<1x10240xf32, #tpu.memory_space<vmem>>
      %dma_start3A_137 = tpu.memref_squeeze %dma_start3A_136 : memref<1x10240xf32, #tpu.memory_space<vmem>> -> memref<10240xf32, #tpu.memory_space<vmem>>
      %dma_start3A_138 = arith.constant 0 : i32
      %dma_start3A_139 = tpu.memref_slice %arg3[%add3A_61, %dma_start3A_138] : memref<4x10240xf32, #tpu.memory_space<hbm>> -> memref<1x10240xf32, #tpu.memory_space<hbm>>
      %dma_start3A_140 = tpu.memref_squeeze %dma_start3A_139 : memref<1x10240xf32, #tpu.memory_space<hbm>> -> memref<10240xf32, #tpu.memory_space<hbm>>
      %dma_start3A_141 = arith.constant 0 : i32
      %dma_start3A_142 = tpu.memref_slice %arg11[%run_scoped3A_62, %dma_start3A_141] : memref<2x10240xf32, #tpu.memory_space<vmem>> -> memref<1x10240xf32, #tpu.memory_space<vmem>>
      %dma_start3A_143 = tpu.memref_squeeze %dma_start3A_142 : memref<1x10240xf32, #tpu.memory_space<vmem>> -> memref<10240xf32, #tpu.memory_space<vmem>>
      %dma_start3A_144 = arith.constant 0 : i32
      %dma_start3A_145 = tpu.memref_slice %arg3[%add3A_61, %dma_start3A_144] : memref<4x10240xf32, #tpu.memory_space<hbm>> -> memref<1x10240xf32, #tpu.memory_space<hbm>>
      %dma_start3A_146 = tpu.memref_squeeze %dma_start3A_145 : memref<1x10240xf32, #tpu.memory_space<hbm>> -> memref<10240xf32, #tpu.memory_space<hbm>>
      tpu.enqueue_dma source(%dma_start3A_146 : memref<10240xf32, #tpu.memory_space<hbm>>) target(%dma_start3A_143 : memref<10240xf32, #tpu.memory_space<vmem>>) target_semaphore(%run_scoped3A_135 : memref<!tpu.dma_semaphore, #tpu.memory_space<semaphore_mem>>)
      %dma_wait3A = arith.constant 0 : i32
      %dma_wait3A_147 = tpu.memref_slice %arg11[%run_scoped3A_62, %dma_wait3A] : memref<2x10240xf32, #tpu.memory_space<vmem>> -> memref<1x10240xf32, #tpu.memory_space<vmem>>
      %dma_wait3A_148 = tpu.memref_squeeze %dma_wait3A_147 : memref<1x10240xf32, #tpu.memory_space<vmem>> -> memref<10240xf32, #tpu.memory_space<vmem>>
      %dma_wait3A_149 = arith.constant 0 : i32
      %dma_wait3A_150 = tpu.memref_slice %arg3[%add3A_61, %dma_wait3A_149] : memref<4x10240xf32, #tpu.memory_space<hbm>> -> memref<1x10240xf32, #tpu.memory_space<hbm>>
      %dma_wait3A_151 = tpu.memref_squeeze %dma_wait3A_150 : memref<1x10240xf32, #tpu.memory_space<hbm>> -> memref<10240xf32, #tpu.memory_space<hbm>>
      %dma_wait3A_152 = arith.constant 0 : i32
      %dma_wait3A_153 = tpu.memref_slice %arg11[%run_scoped3A_62, %dma_wait3A_152] : memref<2x10240xf32, #tpu.memory_space<vmem>> -> memref<1x10240xf32, #tpu.memory_space<vmem>>
      %dma_wait3A_154 = tpu.memref_squeeze %dma_wait3A_153 : memref<1x10240xf32, #tpu.memory_space<vmem>> -> memref<10240xf32, #tpu.memory_space<vmem>>
      %dma_wait3A_155 = arith.constant 0 : i32
      %dma_wait3A_156 = tpu.memref_slice %arg3[%add3A_61, %dma_wait3A_155] : memref<4x10240xf32, #tpu.memory_space<hbm>> -> memref<1x10240xf32, #tpu.memory_space<hbm>>
      %dma_wait3A_157 = tpu.memref_squeeze %dma_wait3A_156 : memref<1x10240xf32, #tpu.memory_space<hbm>> -> memref<10240xf32, #tpu.memory_space<hbm>>
      tpu.wait_dma2 semaphore(%run_scoped3A_135 : memref<!tpu.dma_semaphore, #tpu.memory_space<semaphore_mem>>) src(%dma_wait3A_157 : memref<10240xf32, #tpu.memory_space<hbm>>) dst(%dma_wait3A_154 : memref<10240xf32, #tpu.memory_space<vmem>>)
      tpu.yield
    }) : () -> ()
    %run_scoped3A_63 = arith.constant 1 : i32
    "tpu.region"() ({
      %run_scoped3A_135 = tpu.sem_alloc : memref<!tpu.dma_semaphore, #tpu.memory_space<semaphore_mem>>
      %dma_start3A = arith.constant 0 : i32
      %dma_start3A_136 = tpu.memref_slice %arg12[%run_scoped3A_63, %dma_start3A] : memref<2x10240xf32, #tpu.memory_space<vmem>> -> memref<1x10240xf32, #tpu.memory_space<vmem>>
      %dma_start3A_137 = tpu.memref_squeeze %dma_start3A_136 : memref<1x10240xf32, #tpu.memory_space<vmem>> -> memref<10240xf32, #tpu.memory_space<vmem>>
      %dma_start3A_138 = arith.constant 0 : i32
      %dma_start3A_139 = tpu.memref_slice %arg4[%add3A_61, %dma_start3A_138] : memref<4x10240xf32, #tpu.memory_space<hbm>> -> memref<1x10240xf32, #tpu.memory_space<hbm>>
      %dma_start3A_140 = tpu.memref_squeeze %dma_start3A_139 : memref<1x10240xf32, #tpu.memory_space<hbm>> -> memref<10240xf32, #tpu.memory_space<hbm>>
      %dma_start3A_141 = arith.constant 0 : i32
      %dma_start3A_142 = tpu.memref_slice %arg12[%run_scoped3A_63, %dma_start3A_141] : memref<2x10240xf32, #tpu.memory_space<vmem>> -> memref<1x10240xf32, #tpu.memory_space<vmem>>
      %dma_start3A_143 = tpu.memref_squeeze %dma_start3A_142 : memref<1x10240xf32, #tpu.memory_space<vmem>> -> memref<10240xf32, #tpu.memory_space<vmem>>
      %dma_start3A_144 = arith.constant 0 : i32
      %dma_start3A_145 = tpu.memref_slice %arg4[%add3A_61, %dma_start3A_144] : memref<4x10240xf32, #tpu.memory_space<hbm>> -> memref<1x10240xf32, #tpu.memory_space<hbm>>
      %dma_start3A_146 = tpu.memref_squeeze %dma_start3A_145 : memref<1x10240xf32, #tpu.memory_space<hbm>> -> memref<10240xf32, #tpu.memory_space<hbm>>
      tpu.enqueue_dma source(%dma_start3A_146 : memref<10240xf32, #tpu.memory_space<hbm>>) target(%dma_start3A_143 : memref<10240xf32, #tpu.memory_space<vmem>>) target_semaphore(%run_scoped3A_135 : memref<!tpu.dma_semaphore, #tpu.memory_space<semaphore_mem>>)
      %dma_wait3A = arith.constant 0 : i32
      %dma_wait3A_147 = tpu.memref_slice %arg12[%run_scoped3A_63, %dma_wait3A] : memref<2x10240xf32, #tpu.memory_space<vmem>> -> memref<1x10240xf32, #tpu.memory_space<vmem>>
      %dma_wait3A_148 = tpu.memref_squeeze %dma_wait3A_147 : memref<1x10240xf32, #tpu.memory_space<vmem>> -> memref<10240xf32, #tpu.memory_space<vmem>>
      %dma_wait3A_149 = arith.constant 0 : i32
      %dma_wait3A_150 = tpu.memref_slice %arg4[%add3A_61, %dma_wait3A_149] : memref<4x10240xf32, #tpu.memory_space<hbm>> -> memref<1x10240xf32, #tpu.memory_space<hbm>>
      %dma_wait3A_151 = tpu.memref_squeeze %dma_wait3A_150 : memref<1x10240xf32, #tpu.memory_space<hbm>> -> memref<10240xf32, #tpu.memory_space<hbm>>
      %dma_wait3A_152 = arith.constant 0 : i32
      %dma_wait3A_153 = tpu.memref_slice %arg12[%run_scoped3A_63, %dma_wait3A_152] : memref<2x10240xf32, #tpu.memory_space<vmem>> -> memref<1x10240xf32, #tpu.memory_space<vmem>>
      %dma_wait3A_154 = tpu.memref_squeeze %dma_wait3A_153 : memref<1x10240xf32, #tpu.memory_space<vmem>> -> memref<10240xf32, #tpu.memory_space<vmem>>
      %dma_wait3A_155 = arith.constant 0 : i32
      %dma_wait3A_156 = tpu.memref_slice %arg4[%add3A_61, %dma_wait3A_155] : memref<4x10240xf32, #tpu.memory_space<hbm>> -> memref<1x10240xf32, #tpu.memory_space<hbm>>
      %dma_wait3A_157 = tpu.memref_squeeze %dma_wait3A_156 : memref<1x10240xf32, #tpu.memory_space<hbm>> -> memref<10240xf32, #tpu.memory_space<hbm>>
      tpu.wait_dma2 semaphore(%run_scoped3A_135 : memref<!tpu.dma_semaphore, #tpu.memory_space<semaphore_mem>>) src(%dma_wait3A_157 : memref<10240xf32, #tpu.memory_space<hbm>>) dst(%dma_wait3A_154 : memref<10240xf32, #tpu.memory_space<vmem>>)
      tpu.yield
    }) : () -> ()
    %add3A_64 = arith.constant 0 : i32
    %add3A_65 = arith.addi %mul3A_0, %add3A_64 : i32
    %run_scoped3A_66 = arith.constant 1 : i32
    "tpu.region"() ({
      %run_scoped3A_135 = tpu.sem_alloc : memref<!tpu.dma_semaphore, #tpu.memory_space<semaphore_mem>>
      %dma_start3A = arith.constant 0 : i32
      %dma_start3A_136 = arith.constant 0 : i32
      %dma_start3A_137 = tpu.memref_slice %arg17[%run_scoped3A_66, %dma_start3A, %dma_start3A_136] : memref<2x10240x32xf32, #tpu.memory_space<vmem_shared>> -> memref<1x10240x32xf32, #tpu.memory_space<vmem_shared>>
      %dma_start3A_138 = tpu.memref_squeeze %dma_start3A_137 : memref<1x10240x32xf32, #tpu.memory_space<vmem_shared>> -> memref<10240x32xf32, #tpu.memory_space<vmem_shared>>
      %dma_start3A_139 = arith.constant 0 : i32
      %dma_start3A_140 = tpu.memref_slice %dma_start3A_138[%add3A_65, %dma_start3A_139] : memref<10240x32xf32, #tpu.memory_space<vmem_shared>> -> memref<128x32xf32, #tpu.memory_space<vmem_shared>>
      %dma_start3A_141 = arith.constant 0 : i32
      %dma_start3A_142 = arith.constant 0 : i32
      %dma_start3A_143 = tpu.memref_slice %arg17[%run_scoped3A_66, %dma_start3A_141, %dma_start3A_142] : memref<2x10240x32xf32, #tpu.memory_space<vmem_shared>> -> memref<1x10240x32xf32, #tpu.memory_space<vmem_shared>>
      %dma_start3A_144 = tpu.memref_squeeze %dma_start3A_143 : memref<1x10240x32xf32, #tpu.memory_space<vmem_shared>> -> memref<10240x32xf32, #tpu.memory_space<vmem_shared>>
      %dma_start3A_145 = arith.constant 0 : i32
      %dma_start3A_146 = tpu.memref_slice %dma_start3A_144[%add3A_65, %dma_start3A_145] : memref<10240x32xf32, #tpu.memory_space<vmem_shared>> -> memref<128x32xf32, #tpu.memory_space<vmem_shared>>
      tpu.enqueue_dma source(%arg13 : memref<128x32xf32, #tpu.memory_space<vmem>>) target(%dma_start3A_146 : memref<128x32xf32, #tpu.memory_space<vmem_shared>>) target_semaphore(%run_scoped3A_135 : memref<!tpu.dma_semaphore, #tpu.memory_space<semaphore_mem>>)
      %dma_wait3A = arith.constant 0 : i32
      %dma_wait3A_147 = arith.constant 0 : i32
      %dma_wait3A_148 = tpu.memref_slice %arg17[%run_scoped3A_66, %dma_wait3A, %dma_wait3A_147] : memref<2x10240x32xf32, #tpu.memory_space<vmem_shared>> -> memref<1x10240x32xf32, #tpu.memory_space<vmem_shared>>
      %dma_wait3A_149 = tpu.memref_squeeze %dma_wait3A_148 : memref<1x10240x32xf32, #tpu.memory_space<vmem_shared>> -> memref<10240x32xf32, #tpu.memory_space<vmem_shared>>
      %dma_wait3A_150 = arith.constant 0 : i32
      %dma_wait3A_151 = tpu.memref_slice %dma_wait3A_149[%add3A_65, %dma_wait3A_150] : memref<10240x32xf32, #tpu.memory_space<vmem_shared>> -> memref<128x32xf32, #tpu.memory_space<vmem_shared>>
      %dma_wait3A_152 = arith.constant 0 : i32
      %dma_wait3A_153 = arith.constant 0 : i32
      %dma_wait3A_154 = tpu.memref_slice %arg17[%run_scoped3A_66, %dma_wait3A_152, %dma_wait3A_153] : memref<2x10240x32xf32, #tpu.memory_space<vmem_shared>> -> memref<1x10240x32xf32, #tpu.memory_space<vmem_shared>>
      %dma_wait3A_155 = tpu.memref_squeeze %dma_wait3A_154 : memref<1x10240x32xf32, #tpu.memory_space<vmem_shared>> -> memref<10240x32xf32, #tpu.memory_space<vmem_shared>>
      %dma_wait3A_156 = arith.constant 0 : i32
      %dma_wait3A_157 = tpu.memref_slice %dma_wait3A_155[%add3A_65, %dma_wait3A_156] : memref<10240x32xf32, #tpu.memory_space<vmem_shared>> -> memref<128x32xf32, #tpu.memory_space<vmem_shared>>
      tpu.wait_dma2 semaphore(%run_scoped3A_135 : memref<!tpu.dma_semaphore, #tpu.memory_space<semaphore_mem>>) src(%arg13 : memref<128x32xf32, #tpu.memory_space<vmem>>) dst(%dma_wait3A_157 : memref<128x32xf32, #tpu.memory_space<vmem_shared>>)
      tpu.yield
    }) : () -> ()
    %add3A_67 = arith.constant 0 : i32
    %add3A_68 = arith.addi %mul3A_0, %add3A_67 : i32
    %run_scoped3A_69 = arith.constant 1 : i32
    "tpu.region"() ({
      %run_scoped3A_135 = tpu.sem_alloc : memref<!tpu.dma_semaphore, #tpu.memory_space<semaphore_mem>>
      %dma_start3A = arith.constant 0 : i32
      %dma_start3A_136 = tpu.memref_slice %arg18[%run_scoped3A_69, %dma_start3A] : memref<2x10240xf32, #tpu.memory_space<vmem_shared>> -> memref<1x10240xf32, #tpu.memory_space<vmem_shared>>
      %dma_start3A_137 = tpu.memref_squeeze %dma_start3A_136 : memref<1x10240xf32, #tpu.memory_space<vmem_shared>> -> memref<10240xf32, #tpu.memory_space<vmem_shared>>
      %dma_start3A_138 = tpu.memref_slice %dma_start3A_137[%add3A_68] : memref<10240xf32, #tpu.memory_space<vmem_shared>> -> memref<128xf32, #tpu.memory_space<vmem_shared>>
      %dma_start3A_139 = arith.constant 0 : i32
      %dma_start3A_140 = tpu.memref_slice %arg18[%run_scoped3A_69, %dma_start3A_139] : memref<2x10240xf32, #tpu.memory_space<vmem_shared>> -> memref<1x10240xf32, #tpu.memory_space<vmem_shared>>
      %dma_start3A_141 = tpu.memref_squeeze %dma_start3A_140 : memref<1x10240xf32, #tpu.memory_space<vmem_shared>> -> memref<10240xf32, #tpu.memory_space<vmem_shared>>
      %dma_start3A_142 = tpu.memref_slice %dma_start3A_141[%add3A_68] : memref<10240xf32, #tpu.memory_space<vmem_shared>> -> memref<128xf32, #tpu.memory_space<vmem_shared>>
      tpu.enqueue_dma source(%arg15 : memref<128xf32, #tpu.memory_space<vmem>>) target(%dma_start3A_142 : memref<128xf32, #tpu.memory_space<vmem_shared>>) target_semaphore(%run_scoped3A_135 : memref<!tpu.dma_semaphore, #tpu.memory_space<semaphore_mem>>)
      %dma_wait3A = arith.constant 0 : i32
      %dma_wait3A_143 = tpu.memref_slice %arg18[%run_scoped3A_69, %dma_wait3A] : memref<2x10240xf32, #tpu.memory_space<vmem_shared>> -> memref<1x10240xf32, #tpu.memory_space<vmem_shared>>
      %dma_wait3A_144 = tpu.memref_squeeze %dma_wait3A_143 : memref<1x10240xf32, #tpu.memory_space<vmem_shared>> -> memref<10240xf32, #tpu.memory_space<vmem_shared>>
      %dma_wait3A_145 = tpu.memref_slice %dma_wait3A_144[%add3A_68] : memref<10240xf32, #tpu.memory_space<vmem_shared>> -> memref<128xf32, #tpu.memory_space<vmem_shared>>
      %dma_wait3A_146 = arith.constant 0 : i32
      %dma_wait3A_147 = tpu.memref_slice %arg18[%run_scoped3A_69, %dma_wait3A_146] : memref<2x10240xf32, #tpu.memory_space<vmem_shared>> -> memref<1x10240xf32, #tpu.memory_space<vmem_shared>>
      %dma_wait3A_148 = tpu.memref_squeeze %dma_wait3A_147 : memref<1x10240xf32, #tpu.memory_space<vmem_shared>> -> memref<10240xf32, #tpu.memory_space<vmem_shared>>
      %dma_wait3A_149 = tpu.memref_slice %dma_wait3A_148[%add3A_68] : memref<10240xf32, #tpu.memory_space<vmem_shared>> -> memref<128xf32, #tpu.memory_space<vmem_shared>>
      tpu.wait_dma2 semaphore(%run_scoped3A_135 : memref<!tpu.dma_semaphore, #tpu.memory_space<semaphore_mem>>) src(%arg15 : memref<128xf32, #tpu.memory_space<vmem>>) dst(%dma_wait3A_149 : memref<128xf32, #tpu.memory_space<vmem_shared>>)
      tpu.yield
    }) : () -> ()
    %add3A_70 = arith.constant 128 : i32
    %add3A_71 = arith.addi %mul3A_0, %add3A_70 : i32
    %run_scoped3A_72 = arith.constant 1 : i32
    "tpu.region"() ({
      %run_scoped3A_135 = tpu.sem_alloc : memref<!tpu.dma_semaphore, #tpu.memory_space<semaphore_mem>>
      %dma_start3A = arith.constant 0 : i32
      %dma_start3A_136 = arith.constant 0 : i32
      %dma_start3A_137 = tpu.memref_slice %arg17[%run_scoped3A_72, %dma_start3A, %dma_start3A_136] : memref<2x10240x32xf32, #tpu.memory_space<vmem_shared>> -> memref<1x10240x32xf32, #tpu.memory_space<vmem_shared>>
      %dma_start3A_138 = tpu.memref_squeeze %dma_start3A_137 : memref<1x10240x32xf32, #tpu.memory_space<vmem_shared>> -> memref<10240x32xf32, #tpu.memory_space<vmem_shared>>
      %dma_start3A_139 = arith.constant 0 : i32
      %dma_start3A_140 = tpu.memref_slice %dma_start3A_138[%add3A_71, %dma_start3A_139] : memref<10240x32xf32, #tpu.memory_space<vmem_shared>> -> memref<128x32xf32, #tpu.memory_space<vmem_shared>>
      %dma_start3A_141 = arith.constant 0 : i32
      %dma_start3A_142 = arith.constant 0 : i32
      %dma_start3A_143 = tpu.memref_slice %arg17[%run_scoped3A_72, %dma_start3A_141, %dma_start3A_142] : memref<2x10240x32xf32, #tpu.memory_space<vmem_shared>> -> memref<1x10240x32xf32, #tpu.memory_space<vmem_shared>>
      %dma_start3A_144 = tpu.memref_squeeze %dma_start3A_143 : memref<1x10240x32xf32, #tpu.memory_space<vmem_shared>> -> memref<10240x32xf32, #tpu.memory_space<vmem_shared>>
      %dma_start3A_145 = arith.constant 0 : i32
      %dma_start3A_146 = tpu.memref_slice %dma_start3A_144[%add3A_71, %dma_start3A_145] : memref<10240x32xf32, #tpu.memory_space<vmem_shared>> -> memref<128x32xf32, #tpu.memory_space<vmem_shared>>
      tpu.enqueue_dma source(%arg13 : memref<128x32xf32, #tpu.memory_space<vmem>>) target(%dma_start3A_146 : memref<128x32xf32, #tpu.memory_space<vmem_shared>>) target_semaphore(%run_scoped3A_135 : memref<!tpu.dma_semaphore, #tpu.memory_space<semaphore_mem>>)
      %dma_wait3A = arith.constant 0 : i32
      %dma_wait3A_147 = arith.constant 0 : i32
      %dma_wait3A_148 = tpu.memref_slice %arg17[%run_scoped3A_72, %dma_wait3A, %dma_wait3A_147] : memref<2x10240x32xf32, #tpu.memory_space<vmem_shared>> -> memref<1x10240x32xf32, #tpu.memory_space<vmem_shared>>
      %dma_wait3A_149 = tpu.memref_squeeze %dma_wait3A_148 : memref<1x10240x32xf32, #tpu.memory_space<vmem_shared>> -> memref<10240x32xf32, #tpu.memory_space<vmem_shared>>
      %dma_wait3A_150 = arith.constant 0 : i32
      %dma_wait3A_151 = tpu.memref_slice %dma_wait3A_149[%add3A_71, %dma_wait3A_150] : memref<10240x32xf32, #tpu.memory_space<vmem_shared>> -> memref<128x32xf32, #tpu.memory_space<vmem_shared>>
      %dma_wait3A_152 = arith.constant 0 : i32
      %dma_wait3A_153 = arith.constant 0 : i32
      %dma_wait3A_154 = tpu.memref_slice %arg17[%run_scoped3A_72, %dma_wait3A_152, %dma_wait3A_153] : memref<2x10240x32xf32, #tpu.memory_space<vmem_shared>> -> memref<1x10240x32xf32, #tpu.memory_space<vmem_shared>>
      %dma_wait3A_155 = tpu.memref_squeeze %dma_wait3A_154 : memref<1x10240x32xf32, #tpu.memory_space<vmem_shared>> -> memref<10240x32xf32, #tpu.memory_space<vmem_shared>>
      %dma_wait3A_156 = arith.constant 0 : i32
      %dma_wait3A_157 = tpu.memref_slice %dma_wait3A_155[%add3A_71, %dma_wait3A_156] : memref<10240x32xf32, #tpu.memory_space<vmem_shared>> -> memref<128x32xf32, #tpu.memory_space<vmem_shared>>
      tpu.wait_dma2 semaphore(%run_scoped3A_135 : memref<!tpu.dma_semaphore, #tpu.memory_space<semaphore_mem>>) src(%arg13 : memref<128x32xf32, #tpu.memory_space<vmem>>) dst(%dma_wait3A_157 : memref<128x32xf32, #tpu.memory_space<vmem_shared>>)
      tpu.yield
    }) : () -> ()
    %add3A_73 = arith.constant 128 : i32
    %add3A_74 = arith.addi %mul3A_0, %add3A_73 : i32
    %run_scoped3A_75 = arith.constant 1 : i32
    "tpu.region"() ({
      %run_scoped3A_135 = tpu.sem_alloc : memref<!tpu.dma_semaphore, #tpu.memory_space<semaphore_mem>>
      %dma_start3A = arith.constant 0 : i32
      %dma_start3A_136 = tpu.memref_slice %arg18[%run_scoped3A_75, %dma_start3A] : memref<2x10240xf32, #tpu.memory_space<vmem_shared>> -> memref<1x10240xf32, #tpu.memory_space<vmem_shared>>
      %dma_start3A_137 = tpu.memref_squeeze %dma_start3A_136 : memref<1x10240xf32, #tpu.memory_space<vmem_shared>> -> memref<10240xf32, #tpu.memory_space<vmem_shared>>
      %dma_start3A_138 = tpu.memref_slice %dma_start3A_137[%add3A_74] : memref<10240xf32, #tpu.memory_space<vmem_shared>> -> memref<128xf32, #tpu.memory_space<vmem_shared>>
      %dma_start3A_139 = arith.constant 0 : i32
      %dma_start3A_140 = tpu.memref_slice %arg18[%run_scoped3A_75, %dma_start3A_139] : memref<2x10240xf32, #tpu.memory_space<vmem_shared>> -> memref<1x10240xf32, #tpu.memory_space<vmem_shared>>
      %dma_start3A_141 = tpu.memref_squeeze %dma_start3A_140 : memref<1x10240xf32, #tpu.memory_space<vmem_shared>> -> memref<10240xf32, #tpu.memory_space<vmem_shared>>
      %dma_start3A_142 = tpu.memref_slice %dma_start3A_141[%add3A_74] : memref<10240xf32, #tpu.memory_space<vmem_shared>> -> memref<128xf32, #tpu.memory_space<vmem_shared>>
      tpu.enqueue_dma source(%arg15 : memref<128xf32, #tpu.memory_space<vmem>>) target(%dma_start3A_142 : memref<128xf32, #tpu.memory_space<vmem_shared>>) target_semaphore(%run_scoped3A_135 : memref<!tpu.dma_semaphore, #tpu.memory_space<semaphore_mem>>)
      %dma_wait3A = arith.constant 0 : i32
      %dma_wait3A_143 = tpu.memref_slice %arg18[%run_scoped3A_75, %dma_wait3A] : memref<2x10240xf32, #tpu.memory_space<vmem_shared>> -> memref<1x10240xf32, #tpu.memory_space<vmem_shared>>
      %dma_wait3A_144 = tpu.memref_squeeze %dma_wait3A_143 : memref<1x10240xf32, #tpu.memory_space<vmem_shared>> -> memref<10240xf32, #tpu.memory_space<vmem_shared>>
      %dma_wait3A_145 = tpu.memref_slice %dma_wait3A_144[%add3A_74] : memref<10240xf32, #tpu.memory_space<vmem_shared>> -> memref<128xf32, #tpu.memory_space<vmem_shared>>
      %dma_wait3A_146 = arith.constant 0 : i32
      %dma_wait3A_147 = tpu.memref_slice %arg18[%run_scoped3A_75, %dma_wait3A_146] : memref<2x10240xf32, #tpu.memory_space<vmem_shared>> -> memref<1x10240xf32, #tpu.memory_space<vmem_shared>>
      %dma_wait3A_148 = tpu.memref_squeeze %dma_wait3A_147 : memref<1x10240xf32, #tpu.memory_space<vmem_shared>> -> memref<10240xf32, #tpu.memory_space<vmem_shared>>
      %dma_wait3A_149 = tpu.memref_slice %dma_wait3A_148[%add3A_74] : memref<10240xf32, #tpu.memory_space<vmem_shared>> -> memref<128xf32, #tpu.memory_space<vmem_shared>>
      tpu.wait_dma2 semaphore(%run_scoped3A_135 : memref<!tpu.dma_semaphore, #tpu.memory_space<semaphore_mem>>) src(%arg15 : memref<128xf32, #tpu.memory_space<vmem>>) dst(%dma_wait3A_149 : memref<128xf32, #tpu.memory_space<vmem_shared>>)
      tpu.yield
    }) : () -> ()
    %add3A_76 = arith.constant 256 : i32
    %add3A_77 = arith.addi %mul3A_0, %add3A_76 : i32
    %run_scoped3A_78 = arith.constant 1 : i32
    "tpu.region"() ({
      %run_scoped3A_135 = tpu.sem_alloc : memref<!tpu.dma_semaphore, #tpu.memory_space<semaphore_mem>>
      %dma_start3A = arith.constant 0 : i32
      %dma_start3A_136 = arith.constant 0 : i32
      %dma_start3A_137 = tpu.memref_slice %arg17[%run_scoped3A_78, %dma_start3A, %dma_start3A_136] : memref<2x10240x32xf32, #tpu.memory_space<vmem_shared>> -> memref<1x10240x32xf32, #tpu.memory_space<vmem_shared>>
      %dma_start3A_138 = tpu.memref_squeeze %dma_start3A_137 : memref<1x10240x32xf32, #tpu.memory_space<vmem_shared>> -> memref<10240x32xf32, #tpu.memory_space<vmem_shared>>
      %dma_start3A_139 = arith.constant 0 : i32
      %dma_start3A_140 = tpu.memref_slice %dma_start3A_138[%add3A_77, %dma_start3A_139] : memref<10240x32xf32, #tpu.memory_space<vmem_shared>> -> memref<128x32xf32, #tpu.memory_space<vmem_shared>>
      %dma_start3A_141 = arith.constant 0 : i32
      %dma_start3A_142 = arith.constant 0 : i32
      %dma_start3A_143 = tpu.memref_slice %arg17[%run_scoped3A_78, %dma_start3A_141, %dma_start3A_142] : memref<2x10240x32xf32, #tpu.memory_space<vmem_shared>> -> memref<1x10240x32xf32, #tpu.memory_space<vmem_shared>>
      %dma_start3A_144 = tpu.memref_squeeze %dma_start3A_143 : memref<1x10240x32xf32, #tpu.memory_space<vmem_shared>> -> memref<10240x32xf32, #tpu.memory_space<vmem_shared>>
      %dma_start3A_145 = arith.constant 0 : i32
      %dma_start3A_146 = tpu.memref_slice %dma_start3A_144[%add3A_77, %dma_start3A_145] : memref<10240x32xf32, #tpu.memory_space<vmem_shared>> -> memref<128x32xf32, #tpu.memory_space<vmem_shared>>
      tpu.enqueue_dma source(%arg13 : memref<128x32xf32, #tpu.memory_space<vmem>>) target(%dma_start3A_146 : memref<128x32xf32, #tpu.memory_space<vmem_shared>>) target_semaphore(%run_scoped3A_135 : memref<!tpu.dma_semaphore, #tpu.memory_space<semaphore_mem>>)
      %dma_wait3A = arith.constant 0 : i32
      %dma_wait3A_147 = arith.constant 0 : i32
      %dma_wait3A_148 = tpu.memref_slice %arg17[%run_scoped3A_78, %dma_wait3A, %dma_wait3A_147] : memref<2x10240x32xf32, #tpu.memory_space<vmem_shared>> -> memref<1x10240x32xf32, #tpu.memory_space<vmem_shared>>
      %dma_wait3A_149 = tpu.memref_squeeze %dma_wait3A_148 : memref<1x10240x32xf32, #tpu.memory_space<vmem_shared>> -> memref<10240x32xf32, #tpu.memory_space<vmem_shared>>
      %dma_wait3A_150 = arith.constant 0 : i32
      %dma_wait3A_151 = tpu.memref_slice %dma_wait3A_149[%add3A_77, %dma_wait3A_150] : memref<10240x32xf32, #tpu.memory_space<vmem_shared>> -> memref<128x32xf32, #tpu.memory_space<vmem_shared>>
      %dma_wait3A_152 = arith.constant 0 : i32
      %dma_wait3A_153 = arith.constant 0 : i32
      %dma_wait3A_154 = tpu.memref_slice %arg17[%run_scoped3A_78, %dma_wait3A_152, %dma_wait3A_153] : memref<2x10240x32xf32, #tpu.memory_space<vmem_shared>> -> memref<1x10240x32xf32, #tpu.memory_space<vmem_shared>>
      %dma_wait3A_155 = tpu.memref_squeeze %dma_wait3A_154 : memref<1x10240x32xf32, #tpu.memory_space<vmem_shared>> -> memref<10240x32xf32, #tpu.memory_space<vmem_shared>>
      %dma_wait3A_156 = arith.constant 0 : i32
      %dma_wait3A_157 = tpu.memref_slice %dma_wait3A_155[%add3A_77, %dma_wait3A_156] : memref<10240x32xf32, #tpu.memory_space<vmem_shared>> -> memref<128x32xf32, #tpu.memory_space<vmem_shared>>
      tpu.wait_dma2 semaphore(%run_scoped3A_135 : memref<!tpu.dma_semaphore, #tpu.memory_space<semaphore_mem>>) src(%arg13 : memref<128x32xf32, #tpu.memory_space<vmem>>) dst(%dma_wait3A_157 : memref<128x32xf32, #tpu.memory_space<vmem_shared>>)
      tpu.yield
    }) : () -> ()
    %add3A_79 = arith.constant 256 : i32
    %add3A_80 = arith.addi %mul3A_0, %add3A_79 : i32
    %run_scoped3A_81 = arith.constant 1 : i32
    "tpu.region"() ({
      %run_scoped3A_135 = tpu.sem_alloc : memref<!tpu.dma_semaphore, #tpu.memory_space<semaphore_mem>>
      %dma_start3A = arith.constant 0 : i32
      %dma_start3A_136 = tpu.memref_slice %arg18[%run_scoped3A_81, %dma_start3A] : memref<2x10240xf32, #tpu.memory_space<vmem_shared>> -> memref<1x10240xf32, #tpu.memory_space<vmem_shared>>
      %dma_start3A_137 = tpu.memref_squeeze %dma_start3A_136 : memref<1x10240xf32, #tpu.memory_space<vmem_shared>> -> memref<10240xf32, #tpu.memory_space<vmem_shared>>
      %dma_start3A_138 = tpu.memref_slice %dma_start3A_137[%add3A_80] : memref<10240xf32, #tpu.memory_space<vmem_shared>> -> memref<128xf32, #tpu.memory_space<vmem_shared>>
      %dma_start3A_139 = arith.constant 0 : i32
      %dma_start3A_140 = tpu.memref_slice %arg18[%run_scoped3A_81, %dma_start3A_139] : memref<2x10240xf32, #tpu.memory_space<vmem_shared>> -> memref<1x10240xf32, #tpu.memory_space<vmem_shared>>
      %dma_start3A_141 = tpu.memref_squeeze %dma_start3A_140 : memref<1x10240xf32, #tpu.memory_space<vmem_shared>> -> memref<10240xf32, #tpu.memory_space<vmem_shared>>
      %dma_start3A_142 = tpu.memref_slice %dma_start3A_141[%add3A_80] : memref<10240xf32, #tpu.memory_space<vmem_shared>> -> memref<128xf32, #tpu.memory_space<vmem_shared>>
      tpu.enqueue_dma source(%arg15 : memref<128xf32, #tpu.memory_space<vmem>>) target(%dma_start3A_142 : memref<128xf32, #tpu.memory_space<vmem_shared>>) target_semaphore(%run_scoped3A_135 : memref<!tpu.dma_semaphore, #tpu.memory_space<semaphore_mem>>)
      %dma_wait3A = arith.constant 0 : i32
      %dma_wait3A_143 = tpu.memref_slice %arg18[%run_scoped3A_81, %dma_wait3A] : memref<2x10240xf32, #tpu.memory_space<vmem_shared>> -> memref<1x10240xf32, #tpu.memory_space<vmem_shared>>
      %dma_wait3A_144 = tpu.memref_squeeze %dma_wait3A_143 : memref<1x10240xf32, #tpu.memory_space<vmem_shared>> -> memref<10240xf32, #tpu.memory_space<vmem_shared>>
      %dma_wait3A_145 = tpu.memref_slice %dma_wait3A_144[%add3A_80] : memref<10240xf32, #tpu.memory_space<vmem_shared>> -> memref<128xf32, #tpu.memory_space<vmem_shared>>
      %dma_wait3A_146 = arith.constant 0 : i32
      %dma_wait3A_147 = tpu.memref_slice %arg18[%run_scoped3A_81, %dma_wait3A_146] : memref<2x10240xf32, #tpu.memory_space<vmem_shared>> -> memref<1x10240xf32, #tpu.memory_space<vmem_shared>>
      %dma_wait3A_148 = tpu.memref_squeeze %dma_wait3A_147 : memref<1x10240xf32, #tpu.memory_space<vmem_shared>> -> memref<10240xf32, #tpu.memory_space<vmem_shared>>
      %dma_wait3A_149 = tpu.memref_slice %dma_wait3A_148[%add3A_80] : memref<10240xf32, #tpu.memory_space<vmem_shared>> -> memref<128xf32, #tpu.memory_space<vmem_shared>>
      tpu.wait_dma2 semaphore(%run_scoped3A_135 : memref<!tpu.dma_semaphore, #tpu.memory_space<semaphore_mem>>) src(%arg15 : memref<128xf32, #tpu.memory_space<vmem>>) dst(%dma_wait3A_149 : memref<128xf32, #tpu.memory_space<vmem_shared>>)
      tpu.yield
    }) : () -> ()
    %add3A_82 = arith.constant 384 : i32
    %add3A_83 = arith.addi %mul3A_0, %add3A_82 : i32
    %run_scoped3A_84 = arith.constant 1 : i32
    "tpu.region"() ({
      %run_scoped3A_135 = tpu.sem_alloc : memref<!tpu.dma_semaphore, #tpu.memory_space<semaphore_mem>>
      %dma_start3A = arith.constant 0 : i32
      %dma_start3A_136 = arith.constant 0 : i32
      %dma_start3A_137 = tpu.memref_slice %arg17[%run_scoped3A_84, %dma_start3A, %dma_start3A_136] : memref<2x10240x32xf32, #tpu.memory_space<vmem_shared>> -> memref<1x10240x32xf32, #tpu.memory_space<vmem_shared>>
      %dma_start3A_138 = tpu.memref_squeeze %dma_start3A_137 : memref<1x10240x32xf32, #tpu.memory_space<vmem_shared>> -> memref<10240x32xf32, #tpu.memory_space<vmem_shared>>
      %dma_start3A_139 = arith.constant 0 : i32
      %dma_start3A_140 = tpu.memref_slice %dma_start3A_138[%add3A_83, %dma_start3A_139] : memref<10240x32xf32, #tpu.memory_space<vmem_shared>> -> memref<128x32xf32, #tpu.memory_space<vmem_shared>>
      %dma_start3A_141 = arith.constant 0 : i32
      %dma_start3A_142 = arith.constant 0 : i32
      %dma_start3A_143 = tpu.memref_slice %arg17[%run_scoped3A_84, %dma_start3A_141, %dma_start3A_142] : memref<2x10240x32xf32, #tpu.memory_space<vmem_shared>> -> memref<1x10240x32xf32, #tpu.memory_space<vmem_shared>>
      %dma_start3A_144 = tpu.memref_squeeze %dma_start3A_143 : memref<1x10240x32xf32, #tpu.memory_space<vmem_shared>> -> memref<10240x32xf32, #tpu.memory_space<vmem_shared>>
      %dma_start3A_145 = arith.constant 0 : i32
      %dma_start3A_146 = tpu.memref_slice %dma_start3A_144[%add3A_83, %dma_start3A_145] : memref<10240x32xf32, #tpu.memory_space<vmem_shared>> -> memref<128x32xf32, #tpu.memory_space<vmem_shared>>
      tpu.enqueue_dma source(%arg13 : memref<128x32xf32, #tpu.memory_space<vmem>>) target(%dma_start3A_146 : memref<128x32xf32, #tpu.memory_space<vmem_shared>>) target_semaphore(%run_scoped3A_135 : memref<!tpu.dma_semaphore, #tpu.memory_space<semaphore_mem>>)
      %dma_wait3A = arith.constant 0 : i32
      %dma_wait3A_147 = arith.constant 0 : i32
      %dma_wait3A_148 = tpu.memref_slice %arg17[%run_scoped3A_84, %dma_wait3A, %dma_wait3A_147] : memref<2x10240x32xf32, #tpu.memory_space<vmem_shared>> -> memref<1x10240x32xf32, #tpu.memory_space<vmem_shared>>
      %dma_wait3A_149 = tpu.memref_squeeze %dma_wait3A_148 : memref<1x10240x32xf32, #tpu.memory_space<vmem_shared>> -> memref<10240x32xf32, #tpu.memory_space<vmem_shared>>
      %dma_wait3A_150 = arith.constant 0 : i32
      %dma_wait3A_151 = tpu.memref_slice %dma_wait3A_149[%add3A_83, %dma_wait3A_150] : memref<10240x32xf32, #tpu.memory_space<vmem_shared>> -> memref<128x32xf32, #tpu.memory_space<vmem_shared>>
      %dma_wait3A_152 = arith.constant 0 : i32
      %dma_wait3A_153 = arith.constant 0 : i32
      %dma_wait3A_154 = tpu.memref_slice %arg17[%run_scoped3A_84, %dma_wait3A_152, %dma_wait3A_153] : memref<2x10240x32xf32, #tpu.memory_space<vmem_shared>> -> memref<1x10240x32xf32, #tpu.memory_space<vmem_shared>>
      %dma_wait3A_155 = tpu.memref_squeeze %dma_wait3A_154 : memref<1x10240x32xf32, #tpu.memory_space<vmem_shared>> -> memref<10240x32xf32, #tpu.memory_space<vmem_shared>>
      %dma_wait3A_156 = arith.constant 0 : i32
      %dma_wait3A_157 = tpu.memref_slice %dma_wait3A_155[%add3A_83, %dma_wait3A_156] : memref<10240x32xf32, #tpu.memory_space<vmem_shared>> -> memref<128x32xf32, #tpu.memory_space<vmem_shared>>
      tpu.wait_dma2 semaphore(%run_scoped3A_135 : memref<!tpu.dma_semaphore, #tpu.memory_space<semaphore_mem>>) src(%arg13 : memref<128x32xf32, #tpu.memory_space<vmem>>) dst(%dma_wait3A_157 : memref<128x32xf32, #tpu.memory_space<vmem_shared>>)
      tpu.yield
    }) : () -> ()
    %add3A_85 = arith.constant 384 : i32
    %add3A_86 = arith.addi %mul3A_0, %add3A_85 : i32
    %run_scoped3A_87 = arith.constant 1 : i32
    "tpu.region"() ({
      %run_scoped3A_135 = tpu.sem_alloc : memref<!tpu.dma_semaphore, #tpu.memory_space<semaphore_mem>>
      %dma_start3A = arith.constant 0 : i32
      %dma_start3A_136 = tpu.memref_slice %arg18[%run_scoped3A_87, %dma_start3A] : memref<2x10240xf32, #tpu.memory_space<vmem_shared>> -> memref<1x10240xf32, #tpu.memory_space<vmem_shared>>
      %dma_start3A_137 = tpu.memref_squeeze %dma_start3A_136 : memref<1x10240xf32, #tpu.memory_space<vmem_shared>> -> memref<10240xf32, #tpu.memory_space<vmem_shared>>
      %dma_start3A_138 = tpu.memref_slice %dma_start3A_137[%add3A_86] : memref<10240xf32, #tpu.memory_space<vmem_shared>> -> memref<128xf32, #tpu.memory_space<vmem_shared>>
      %dma_start3A_139 = arith.constant 0 : i32
      %dma_start3A_140 = tpu.memref_slice %arg18[%run_scoped3A_87, %dma_start3A_139] : memref<2x10240xf32, #tpu.memory_space<vmem_shared>> -> memref<1x10240xf32, #tpu.memory_space<vmem_shared>>
      %dma_start3A_141 = tpu.memref_squeeze %dma_start3A_140 : memref<1x10240xf32, #tpu.memory_space<vmem_shared>> -> memref<10240xf32, #tpu.memory_space<vmem_shared>>
      %dma_start3A_142 = tpu.memref_slice %dma_start3A_141[%add3A_86] : memref<10240xf32, #tpu.memory_space<vmem_shared>> -> memref<128xf32, #tpu.memory_space<vmem_shared>>
      tpu.enqueue_dma source(%arg15 : memref<128xf32, #tpu.memory_space<vmem>>) target(%dma_start3A_142 : memref<128xf32, #tpu.memory_space<vmem_shared>>) target_semaphore(%run_scoped3A_135 : memref<!tpu.dma_semaphore, #tpu.memory_space<semaphore_mem>>)
      %dma_wait3A = arith.constant 0 : i32
      %dma_wait3A_143 = tpu.memref_slice %arg18[%run_scoped3A_87, %dma_wait3A] : memref<2x10240xf32, #tpu.memory_space<vmem_shared>> -> memref<1x10240xf32, #tpu.memory_space<vmem_shared>>
      %dma_wait3A_144 = tpu.memref_squeeze %dma_wait3A_143 : memref<1x10240xf32, #tpu.memory_space<vmem_shared>> -> memref<10240xf32, #tpu.memory_space<vmem_shared>>
      %dma_wait3A_145 = tpu.memref_slice %dma_wait3A_144[%add3A_86] : memref<10240xf32, #tpu.memory_space<vmem_shared>> -> memref<128xf32, #tpu.memory_space<vmem_shared>>
      %dma_wait3A_146 = arith.constant 0 : i32
      %dma_wait3A_147 = tpu.memref_slice %arg18[%run_scoped3A_87, %dma_wait3A_146] : memref<2x10240xf32, #tpu.memory_space<vmem_shared>> -> memref<1x10240xf32, #tpu.memory_space<vmem_shared>>
      %dma_wait3A_148 = tpu.memref_squeeze %dma_wait3A_147 : memref<1x10240xf32, #tpu.memory_space<vmem_shared>> -> memref<10240xf32, #tpu.memory_space<vmem_shared>>
      %dma_wait3A_149 = tpu.memref_slice %dma_wait3A_148[%add3A_86] : memref<10240xf32, #tpu.memory_space<vmem_shared>> -> memref<128xf32, #tpu.memory_space<vmem_shared>>
      tpu.wait_dma2 semaphore(%run_scoped3A_135 : memref<!tpu.dma_semaphore, #tpu.memory_space<semaphore_mem>>) src(%arg15 : memref<128xf32, #tpu.memory_space<vmem>>) dst(%dma_wait3A_149 : memref<128xf32, #tpu.memory_space<vmem_shared>>)
      tpu.yield
    }) : () -> ()
    %add3A_88 = arith.constant 512 : i32
    %add3A_89 = arith.addi %mul3A_0, %add3A_88 : i32
    %run_scoped3A_90 = arith.constant 1 : i32
    "tpu.region"() ({
      %run_scoped3A_135 = tpu.sem_alloc : memref<!tpu.dma_semaphore, #tpu.memory_space<semaphore_mem>>
      %dma_start3A = arith.constant 0 : i32
      %dma_start3A_136 = arith.constant 0 : i32
      %dma_start3A_137 = tpu.memref_slice %arg17[%run_scoped3A_90, %dma_start3A, %dma_start3A_136] : memref<2x10240x32xf32, #tpu.memory_space<vmem_shared>> -> memref<1x10240x32xf32, #tpu.memory_space<vmem_shared>>
      %dma_start3A_138 = tpu.memref_squeeze %dma_start3A_137 : memref<1x10240x32xf32, #tpu.memory_space<vmem_shared>> -> memref<10240x32xf32, #tpu.memory_space<vmem_shared>>
      %dma_start3A_139 = arith.constant 0 : i32
      %dma_start3A_140 = tpu.memref_slice %dma_start3A_138[%add3A_89, %dma_start3A_139] : memref<10240x32xf32, #tpu.memory_space<vmem_shared>> -> memref<128x32xf32, #tpu.memory_space<vmem_shared>>
      %dma_start3A_141 = arith.constant 0 : i32
      %dma_start3A_142 = arith.constant 0 : i32
      %dma_start3A_143 = tpu.memref_slice %arg17[%run_scoped3A_90, %dma_start3A_141, %dma_start3A_142] : memref<2x10240x32xf32, #tpu.memory_space<vmem_shared>> -> memref<1x10240x32xf32, #tpu.memory_space<vmem_shared>>
      %dma_start3A_144 = tpu.memref_squeeze %dma_start3A_143 : memref<1x10240x32xf32, #tpu.memory_space<vmem_shared>> -> memref<10240x32xf32, #tpu.memory_space<vmem_shared>>
      %dma_start3A_145 = arith.constant 0 : i32
      %dma_start3A_146 = tpu.memref_slice %dma_start3A_144[%add3A_89, %dma_start3A_145] : memref<10240x32xf32, #tpu.memory_space<vmem_shared>> -> memref<128x32xf32, #tpu.memory_space<vmem_shared>>
      tpu.enqueue_dma source(%arg13 : memref<128x32xf32, #tpu.memory_space<vmem>>) target(%dma_start3A_146 : memref<128x32xf32, #tpu.memory_space<vmem_shared>>) target_semaphore(%run_scoped3A_135 : memref<!tpu.dma_semaphore, #tpu.memory_space<semaphore_mem>>)
      %dma_wait3A = arith.constant 0 : i32
      %dma_wait3A_147 = arith.constant 0 : i32
      %dma_wait3A_148 = tpu.memref_slice %arg17[%run_scoped3A_90, %dma_wait3A, %dma_wait3A_147] : memref<2x10240x32xf32, #tpu.memory_space<vmem_shared>> -> memref<1x10240x32xf32, #tpu.memory_space<vmem_shared>>
      %dma_wait3A_149 = tpu.memref_squeeze %dma_wait3A_148 : memref<1x10240x32xf32, #tpu.memory_space<vmem_shared>> -> memref<10240x32xf32, #tpu.memory_space<vmem_shared>>
      %dma_wait3A_150 = arith.constant 0 : i32
      %dma_wait3A_151 = tpu.memref_slice %dma_wait3A_149[%add3A_89, %dma_wait3A_150] : memref<10240x32xf32, #tpu.memory_space<vmem_shared>> -> memref<128x32xf32, #tpu.memory_space<vmem_shared>>
      %dma_wait3A_152 = arith.constant 0 : i32
      %dma_wait3A_153 = arith.constant 0 : i32
      %dma_wait3A_154 = tpu.memref_slice %arg17[%run_scoped3A_90, %dma_wait3A_152, %dma_wait3A_153] : memref<2x10240x32xf32, #tpu.memory_space<vmem_shared>> -> memref<1x10240x32xf32, #tpu.memory_space<vmem_shared>>
      %dma_wait3A_155 = tpu.memref_squeeze %dma_wait3A_154 : memref<1x10240x32xf32, #tpu.memory_space<vmem_shared>> -> memref<10240x32xf32, #tpu.memory_space<vmem_shared>>
      %dma_wait3A_156 = arith.constant 0 : i32
      %dma_wait3A_157 = tpu.memref_slice %dma_wait3A_155[%add3A_89, %dma_wait3A_156] : memref<10240x32xf32, #tpu.memory_space<vmem_shared>> -> memref<128x32xf32, #tpu.memory_space<vmem_shared>>
      tpu.wait_dma2 semaphore(%run_scoped3A_135 : memref<!tpu.dma_semaphore, #tpu.memory_space<semaphore_mem>>) src(%arg13 : memref<128x32xf32, #tpu.memory_space<vmem>>) dst(%dma_wait3A_157 : memref<128x32xf32, #tpu.memory_space<vmem_shared>>)
      tpu.yield
    }) : () -> ()
    %add3A_91 = arith.constant 512 : i32
    %add3A_92 = arith.addi %mul3A_0, %add3A_91 : i32
    %run_scoped3A_93 = arith.constant 1 : i32
    "tpu.region"() ({
      %run_scoped3A_135 = tpu.sem_alloc : memref<!tpu.dma_semaphore, #tpu.memory_space<semaphore_mem>>
      %dma_start3A = arith.constant 0 : i32
      %dma_start3A_136 = tpu.memref_slice %arg18[%run_scoped3A_93, %dma_start3A] : memref<2x10240xf32, #tpu.memory_space<vmem_shared>> -> memref<1x10240xf32, #tpu.memory_space<vmem_shared>>
      %dma_start3A_137 = tpu.memref_squeeze %dma_start3A_136 : memref<1x10240xf32, #tpu.memory_space<vmem_shared>> -> memref<10240xf32, #tpu.memory_space<vmem_shared>>
      %dma_start3A_138 = tpu.memref_slice %dma_start3A_137[%add3A_92] : memref<10240xf32, #tpu.memory_space<vmem_shared>> -> memref<128xf32, #tpu.memory_space<vmem_shared>>
      %dma_start3A_139 = arith.constant 0 : i32
      %dma_start3A_140 = tpu.memref_slice %arg18[%run_scoped3A_93, %dma_start3A_139] : memref<2x10240xf32, #tpu.memory_space<vmem_shared>> -> memref<1x10240xf32, #tpu.memory_space<vmem_shared>>
      %dma_start3A_141 = tpu.memref_squeeze %dma_start3A_140 : memref<1x10240xf32, #tpu.memory_space<vmem_shared>> -> memref<10240xf32, #tpu.memory_space<vmem_shared>>
      %dma_start3A_142 = tpu.memref_slice %dma_start3A_141[%add3A_92] : memref<10240xf32, #tpu.memory_space<vmem_shared>> -> memref<128xf32, #tpu.memory_space<vmem_shared>>
      tpu.enqueue_dma source(%arg15 : memref<128xf32, #tpu.memory_space<vmem>>) target(%dma_start3A_142 : memref<128xf32, #tpu.memory_space<vmem_shared>>) target_semaphore(%run_scoped3A_135 : memref<!tpu.dma_semaphore, #tpu.memory_space<semaphore_mem>>)
      %dma_wait3A = arith.constant 0 : i32
      %dma_wait3A_143 = tpu.memref_slice %arg18[%run_scoped3A_93, %dma_wait3A] : memref<2x10240xf32, #tpu.memory_space<vmem_shared>> -> memref<1x10240xf32, #tpu.memory_space<vmem_shared>>
      %dma_wait3A_144 = tpu.memref_squeeze %dma_wait3A_143 : memref<1x10240xf32, #tpu.memory_space<vmem_shared>> -> memref<10240xf32, #tpu.memory_space<vmem_shared>>
      %dma_wait3A_145 = tpu.memref_slice %dma_wait3A_144[%add3A_92] : memref<10240xf32, #tpu.memory_space<vmem_shared>> -> memref<128xf32, #tpu.memory_space<vmem_shared>>
      %dma_wait3A_146 = arith.constant 0 : i32
      %dma_wait3A_147 = tpu.memref_slice %arg18[%run_scoped3A_93, %dma_wait3A_146] : memref<2x10240xf32, #tpu.memory_space<vmem_shared>> -> memref<1x10240xf32, #tpu.memory_space<vmem_shared>>
      %dma_wait3A_148 = tpu.memref_squeeze %dma_wait3A_147 : memref<1x10240xf32, #tpu.memory_space<vmem_shared>> -> memref<10240xf32, #tpu.memory_space<vmem_shared>>
      %dma_wait3A_149 = tpu.memref_slice %dma_wait3A_148[%add3A_92] : memref<10240xf32, #tpu.memory_space<vmem_shared>> -> memref<128xf32, #tpu.memory_space<vmem_shared>>
      tpu.wait_dma2 semaphore(%run_scoped3A_135 : memref<!tpu.dma_semaphore, #tpu.memory_space<semaphore_mem>>) src(%arg15 : memref<128xf32, #tpu.memory_space<vmem>>) dst(%dma_wait3A_149 : memref<128xf32, #tpu.memory_space<vmem_shared>>)
      tpu.yield
    }) : () -> ()
    %barrier3A = arith.constant 0 : index
    tpu.barrier barrier_id(%barrier3A)
    %mul3A_94 = arith.constant 2 : i32
    %mul3A_95 = arith.muli %mul3A_94, %arg0 : i32
    %add3A_96 = arith.constant 0 : i32
    %add3A_97 = arith.addi %mul3A_95, %add3A_96 : i32
    %scan3A_98 = arith.constant 0 : i32
    %scan3A_99 = arith.constant 0 : i32
    %scan3A_100 = arith.constant 0 : i32
    %scan3A_101 = arith.constant 0 : i32
    %scan3A_102 = arith.constant 0 : i32
    %scan3A_103 = arith.constant 0 : i32
    %scan3A_104 = arith.constant 157 : i32
    %scan3A_105 = arith.addi %scan3A_103, %scan3A_104 : i32
    %scan3A_106 = arith.constant 1 : i32
    scf.for %scan3A_135 = %scan3A_103 to %scan3A_105 step %scan3A_106  : i32 {
      %dma_start3A = arith.constant 0 : i32
      %dma_start3A_136 = tpu.memref_slice %arg9[%scan3A_135, %dma_start3A] : memref<157x128xi32, #tpu.memory_space<vmem>> -> memref<1x128xi32, #tpu.memory_space<vmem>>
      %dma_start3A_137 = tpu.memref_squeeze %dma_start3A_136 : memref<1x128xi32, #tpu.memory_space<vmem>> -> memref<128xi32, #tpu.memory_space<vmem>>
      %dma_start3A_138 = arith.constant 0 : i32
      %dma_start3A_139 = arith.constant 0 : i32
      %dma_start3A_140 = tpu.memref_slice %arg2[%add3A_97, %dma_start3A_138, %dma_start3A_139] : memref<4x10240x32xf32, #tpu.memory_space<hbm>> -> memref<1x10240x32xf32, #tpu.memory_space<hbm>>
      %dma_start3A_141 = tpu.memref_squeeze %dma_start3A_140 : memref<1x10240x32xf32, #tpu.memory_space<hbm>> -> memref<10240x32xf32, #tpu.memory_space<hbm>>
      %dma_start3A_142 = arith.constant 0 : i32
      %dma_start3A_143 = arith.constant 0 : i32
      %dma_start3A_144 = tpu.memref_slice %dma_start3A_141[%dma_start3A_142, %dma_start3A_143] : memref<10240x32xf32, #tpu.memory_space<hbm>> -> memref<10240x32xf32, #tpu.memory_space<hbm>>
      tpu.enqueue_indirect_dma source(%dma_start3A_144 : memref<10240x32xf32, #tpu.memory_space<hbm>>) target(%arg13 : memref<128x32xf32, #tpu.memory_space<vmem>>) offsets(%dma_start3A_137 : memref<128xi32, #tpu.memory_space<vmem>>) semaphore(%arg19 : memref<!tpu.dma_semaphore, #tpu.memory_space<semaphore_mem>>)
      %get3A = arith.index_cast %scan3A_135 : i32 to index
      %get3A_145 = arith.constant 0 : index
      %get3A_146 = tpu.vector_load %arg9[%get3A, %get3A_145] {strides = array<i32>} : memref<157x128xi32, #tpu.memory_space<vmem>>, vector<16xi32>,
      %get3A_147 = arith.index_cast %scan3A_135 : i32 to index
      %get3A_148 = arith.constant 0 : index
      %get3A_149 = tpu.vector_load %arg10[%get3A_147, %get3A_148] {strides = array<i32>} : memref<157x128xi32, #tpu.memory_space<vmem>>, vector<16xi32>,
      %gather3A = arith.constant 0 : i32
      %gather3A_150 = tpu.memref_slice %arg11[%scan3A_99, %gather3A] : memref<2x10240xf32, #tpu.memory_space<vmem>> -> memref<1x10240xf32, #tpu.memory_space<vmem>>
      %gather3A_151 = tpu.memref_squeeze %gather3A_150 : memref<1x10240xf32, #tpu.memory_space<vmem>> -> memref<10240xf32, #tpu.memory_space<vmem>>
      %gather3A_152 = tpu.vector_load_idx %gather3A_151[%get3A_146] : memref<10240xf32, #tpu.memory_space<vmem>>[vector<16xi32>], vector<16xf32>,
      %gather3A_153 = arith.constant 0 : i32
      %gather3A_154 = tpu.memref_slice %arg12[%scan3A_100, %gather3A_153] : memref<2x10240xf32, #tpu.memory_space<vmem>> -> memref<1x10240xf32, #tpu.memory_space<vmem>>
      %gather3A_155 = tpu.memref_squeeze %gather3A_154 : memref<1x10240xf32, #tpu.memory_space<vmem>> -> memref<10240xf32, #tpu.memory_space<vmem>>
      %gather3A_156 = tpu.vector_load_idx %gather3A_155[%get3A_149] : memref<10240xf32, #tpu.memory_space<vmem>>[vector<16xi32>], vector<16xf32>,
      %add3A_157 = arith.addf %gather3A_152, %gather3A_156 : vector<16xf32>
      %mul3A_158 = arith.constant 2.000000e-01 : f32
      %mul3A_159 = vector.broadcast %mul3A_158 : f32 to vector<16xf32>
      %mul3A_160 = arith.mulf %mul3A_159, %add3A_157 : vector<16xf32>
      %max3A = arith.maximumf %add3A_157, %mul3A_160 : vector<16xf32>
      %exp3A = math.exp %max3A : vector<16xf32>
      %swap3A_161 = arith.constant 0 : index
      %swap3A_162 = tpu.vector_load %arg15[%swap3A_161] {strides = array<i32>} : memref<128xf32, #tpu.memory_space<vmem>>, vector<16xf32>,
      tpu.vector_store %arg15[%swap3A_161], %exp3A {strides = array<i32>} : memref<128xf32, #tpu.memory_space<vmem>>, vector<16xf32>,
      %get3A_163 = arith.index_cast %scan3A_135 : i32 to index
      %get3A_164 = arith.constant 16 : index
      %get3A_165 = tpu.vector_load %arg9[%get3A_163, %get3A_164] {strides = array<i32>} : memref<157x128xi32, #tpu.memory_space<vmem>>, vector<16xi32>,
      %get3A_166 = arith.index_cast %scan3A_135 : i32 to index
      %get3A_167 = arith.constant 16 : index
      %get3A_168 = tpu.vector_load %arg10[%get3A_166, %get3A_167] {strides = array<i32>} : memref<157x128xi32, #tpu.memory_space<vmem>>, vector<16xi32>,
      %gather3A_169 = arith.constant 0 : i32
      %gather3A_170 = tpu.memref_slice %arg11[%scan3A_99, %gather3A_169] : memref<2x10240xf32, #tpu.memory_space<vmem>> -> memref<1x10240xf32, #tpu.memory_space<vmem>>
      %gather3A_171 = tpu.memref_squeeze %gather3A_170 : memref<1x10240xf32, #tpu.memory_space<vmem>> -> memref<10240xf32, #tpu.memory_space<vmem>>
      %gather3A_172 = tpu.vector_load_idx %gather3A_171[%get3A_165] : memref<10240xf32, #tpu.memory_space<vmem>>[vector<16xi32>], vector<16xf32>,
      %gather3A_173 = arith.constant 0 : i32
      %gather3A_174 = tpu.memref_slice %arg12[%scan3A_100, %gather3A_173] : memref<2x10240xf32, #tpu.memory_space<vmem>> -> memref<1x10240xf32, #tpu.memory_space<vmem>>
      %gather3A_175 = tpu.memref_squeeze %gather3A_174 : memref<1x10240xf32, #tpu.memory_space<vmem>> -> memref<10240xf32, #tpu.memory_space<vmem>>
      %gather3A_176 = tpu.vector_load_idx %gather3A_175[%get3A_168] : memref<10240xf32, #tpu.memory_space<vmem>>[vector<16xi32>], vector<16xf32>,
      %add3A_177 = arith.addf %gather3A_172, %gather3A_176 : vector<16xf32>
      %mul3A_178 = arith.constant 2.000000e-01 : f32
      %mul3A_179 = vector.broadcast %mul3A_178 : f32 to vector<16xf32>
      %mul3A_180 = arith.mulf %mul3A_179, %add3A_177 : vector<16xf32>
      %max3A_181 = arith.maximumf %add3A_177, %mul3A_180 : vector<16xf32>
      %exp3A_182 = math.exp %max3A_181 : vector<16xf32>
      %swap3A_183 = arith.constant 16 : index
      %swap3A_184 = tpu.vector_load %arg15[%swap3A_183] {strides = array<i32>} : memref<128xf32, #tpu.memory_space<vmem>>, vector<16xf32>,
      tpu.vector_store %arg15[%swap3A_183], %exp3A_182 {strides = array<i32>} : memref<128xf32, #tpu.memory_space<vmem>>, vector<16xf32>,
      %get3A_185 = arith.index_cast %scan3A_135 : i32 to index
      %get3A_186 = arith.constant 32 : index
      %get3A_187 = tpu.vector_load %arg9[%get3A_185, %get3A_186] {strides = array<i32>} : memref<157x128xi32, #tpu.memory_space<vmem>>, vector<16xi32>,
      %get3A_188 = arith.index_cast %scan3A_135 : i32 to index
      %get3A_189 = arith.constant 32 : index
      %get3A_190 = tpu.vector_load %arg10[%get3A_188, %get3A_189] {strides = array<i32>} : memref<157x128xi32, #tpu.memory_space<vmem>>, vector<16xi32>,
      %gather3A_191 = arith.constant 0 : i32
      %gather3A_192 = tpu.memref_slice %arg11[%scan3A_99, %gather3A_191] : memref<2x10240xf32, #tpu.memory_space<vmem>> -> memref<1x10240xf32, #tpu.memory_space<vmem>>
      %gather3A_193 = tpu.memref_squeeze %gather3A_192 : memref<1x10240xf32, #tpu.memory_space<vmem>> -> memref<10240xf32, #tpu.memory_space<vmem>>
      %gather3A_194 = tpu.vector_load_idx %gather3A_193[%get3A_187] : memref<10240xf32, #tpu.memory_space<vmem>>[vector<16xi32>], vector<16xf32>,
      %gather3A_195 = arith.constant 0 : i32
      %gather3A_196 = tpu.memref_slice %arg12[%scan3A_100, %gather3A_195] : memref<2x10240xf32, #tpu.memory_space<vmem>> -> memref<1x10240xf32, #tpu.memory_space<vmem>>
      %gather3A_197 = tpu.memref_squeeze %gather3A_196 : memref<1x10240xf32, #tpu.memory_space<vmem>> -> memref<10240xf32, #tpu.memory_space<vmem>>
      %gather3A_198 = tpu.vector_load_idx %gather3A_197[%get3A_190] : memref<10240xf32, #tpu.memory_space<vmem>>[vector<16xi32>], vector<16xf32>,
      %add3A_199 = arith.addf %gather3A_194, %gather3A_198 : vector<16xf32>
      %mul3A_200 = arith.constant 2.000000e-01 : f32
      %mul3A_201 = vector.broadcast %mul3A_200 : f32 to vector<16xf32>
      %mul3A_202 = arith.mulf %mul3A_201, %add3A_199 : vector<16xf32>
      %max3A_203 = arith.maximumf %add3A_199, %mul3A_202 : vector<16xf32>
      %exp3A_204 = math.exp %max3A_203 : vector<16xf32>
      %swap3A_205 = arith.constant 32 : index
      %swap3A_206 = tpu.vector_load %arg15[%swap3A_205] {strides = array<i32>} : memref<128xf32, #tpu.memory_space<vmem>>, vector<16xf32>,
      tpu.vector_store %arg15[%swap3A_205], %exp3A_204 {strides = array<i32>} : memref<128xf32, #tpu.memory_space<vmem>>, vector<16xf32>,
      %get3A_207 = arith.index_cast %scan3A_135 : i32 to index
      %get3A_208 = arith.constant 48 : index
      %get3A_209 = tpu.vector_load %arg9[%get3A_207, %get3A_208] {strides = array<i32>} : memref<157x128xi32, #tpu.memory_space<vmem>>, vector<16xi32>,
      %get3A_210 = arith.index_cast %scan3A_135 : i32 to index
      %get3A_211 = arith.constant 48 : index
      %get3A_212 = tpu.vector_load %arg10[%get3A_210, %get3A_211] {strides = array<i32>} : memref<157x128xi32, #tpu.memory_space<vmem>>, vector<16xi32>,
      %gather3A_213 = arith.constant 0 : i32
      %gather3A_214 = tpu.memref_slice %arg11[%scan3A_99, %gather3A_213] : memref<2x10240xf32, #tpu.memory_space<vmem>> -> memref<1x10240xf32, #tpu.memory_space<vmem>>
      %gather3A_215 = tpu.memref_squeeze %gather3A_214 : memref<1x10240xf32, #tpu.memory_space<vmem>> -> memref<10240xf32, #tpu.memory_space<vmem>>
      %gather3A_216 = tpu.vector_load_idx %gather3A_215[%get3A_209] : memref<10240xf32, #tpu.memory_space<vmem>>[vector<16xi32>], vector<16xf32>,
      %gather3A_217 = arith.constant 0 : i32
      %gather3A_218 = tpu.memref_slice %arg12[%scan3A_100, %gather3A_217] : memref<2x10240xf32, #tpu.memory_space<vmem>> -> memref<1x10240xf32, #tpu.memory_space<vmem>>
      %gather3A_219 = tpu.memref_squeeze %gather3A_218 : memref<1x10240xf32, #tpu.memory_space<vmem>> -> memref<10240xf32, #tpu.memory_space<vmem>>
      %gather3A_220 = tpu.vector_load_idx %gather3A_219[%get3A_212] : memref<10240xf32, #tpu.memory_space<vmem>>[vector<16xi32>], vector<16xf32>,
      %add3A_221 = arith.addf %gather3A_216, %gather3A_220 : vector<16xf32>
      %mul3A_222 = arith.constant 2.000000e-01 : f32
      %mul3A_223 = vector.broadcast %mul3A_222 : f32 to vector<16xf32>
      %mul3A_224 = arith.mulf %mul3A_223, %add3A_221 : vector<16xf32>
      %max3A_225 = arith.maximumf %add3A_221, %mul3A_224 : vector<16xf32>
      %exp3A_226 = math.exp %max3A_225 : vector<16xf32>
      %swap3A_227 = arith.constant 48 : index
      %swap3A_228 = tpu.vector_load %arg15[%swap3A_227] {strides = array<i32>} : memref<128xf32, #tpu.memory_space<vmem>>, vector<16xf32>,
      tpu.vector_store %arg15[%swap3A_227], %exp3A_226 {strides = array<i32>} : memref<128xf32, #tpu.memory_space<vmem>>, vector<16xf32>,
      %get3A_229 = arith.index_cast %scan3A_135 : i32 to index
      %get3A_230 = arith.constant 64 : index
      %get3A_231 = tpu.vector_load %arg9[%get3A_229, %get3A_230] {strides = array<i32>} : memref<157x128xi32, #tpu.memory_space<vmem>>, vector<16xi32>,
      %get3A_232 = arith.index_cast %scan3A_135 : i32 to index
      %get3A_233 = arith.constant 64 : index
      %get3A_234 = tpu.vector_load %arg10[%get3A_232, %get3A_233] {strides = array<i32>} : memref<157x128xi32, #tpu.memory_space<vmem>>, vector<16xi32>,
      %gather3A_235 = arith.constant 0 : i32
      %gather3A_236 = tpu.memref_slice %arg11[%scan3A_99, %gather3A_235] : memref<2x10240xf32, #tpu.memory_space<vmem>> -> memref<1x10240xf32, #tpu.memory_space<vmem>>
      %gather3A_237 = tpu.memref_squeeze %gather3A_236 : memref<1x10240xf32, #tpu.memory_space<vmem>> -> memref<10240xf32, #tpu.memory_space<vmem>>
      %gather3A_238 = tpu.vector_load_idx %gather3A_237[%get3A_231] : memref<10240xf32, #tpu.memory_space<vmem>>[vector<16xi32>], vector<16xf32>,
      %gather3A_239 = arith.constant 0 : i32
      %gather3A_240 = tpu.memref_slice %arg12[%scan3A_100, %gather3A_239] : memref<2x10240xf32, #tpu.memory_space<vmem>> -> memref<1x10240xf32, #tpu.memory_space<vmem>>
      %gather3A_241 = tpu.memref_squeeze %gather3A_240 : memref<1x10240xf32, #tpu.memory_space<vmem>> -> memref<10240xf32, #tpu.memory_space<vmem>>
      %gather3A_242 = tpu.vector_load_idx %gather3A_241[%get3A_234] : memref<10240xf32, #tpu.memory_space<vmem>>[vector<16xi32>], vector<16xf32>,
      %add3A_243 = arith.addf %gather3A_238, %gather3A_242 : vector<16xf32>
      %mul3A_244 = arith.constant 2.000000e-01 : f32
      %mul3A_245 = vector.broadcast %mul3A_244 : f32 to vector<16xf32>
      %mul3A_246 = arith.mulf %mul3A_245, %add3A_243 : vector<16xf32>
      %max3A_247 = arith.maximumf %add3A_243, %mul3A_246 : vector<16xf32>
      %exp3A_248 = math.exp %max3A_247 : vector<16xf32>
      %swap3A_249 = arith.constant 64 : index
      %swap3A_250 = tpu.vector_load %arg15[%swap3A_249] {strides = array<i32>} : memref<128xf32, #tpu.memory_space<vmem>>, vector<16xf32>,
      tpu.vector_store %arg15[%swap3A_249], %exp3A_248 {strides = array<i32>} : memref<128xf32, #tpu.memory_space<vmem>>, vector<16xf32>,
      %get3A_251 = arith.index_cast %scan3A_135 : i32 to index
      %get3A_252 = arith.constant 80 : index
      %get3A_253 = tpu.vector_load %arg9[%get3A_251, %get3A_252] {strides = array<i32>} : memref<157x128xi32, #tpu.memory_space<vmem>>, vector<16xi32>,
      %get3A_254 = arith.index_cast %scan3A_135 : i32 to index
      %get3A_255 = arith.constant 80 : index
      %get3A_256 = tpu.vector_load %arg10[%get3A_254, %get3A_255] {strides = array<i32>} : memref<157x128xi32, #tpu.memory_space<vmem>>, vector<16xi32>,
      %gather3A_257 = arith.constant 0 : i32
      %gather3A_258 = tpu.memref_slice %arg11[%scan3A_99, %gather3A_257] : memref<2x10240xf32, #tpu.memory_space<vmem>> -> memref<1x10240xf32, #tpu.memory_space<vmem>>
      %gather3A_259 = tpu.memref_squeeze %gather3A_258 : memref<1x10240xf32, #tpu.memory_space<vmem>> -> memref<10240xf32, #tpu.memory_space<vmem>>
      %gather3A_260 = tpu.vector_load_idx %gather3A_259[%get3A_253] : memref<10240xf32, #tpu.memory_space<vmem>>[vector<16xi32>], vector<16xf32>,
      %gather3A_261 = arith.constant 0 : i32
      %gather3A_262 = tpu.memref_slice %arg12[%scan3A_100, %gather3A_261] : memref<2x10240xf32, #tpu.memory_space<vmem>> -> memref<1x10240xf32, #tpu.memory_space<vmem>>
      %gather3A_263 = tpu.memref_squeeze %gather3A_262 : memref<1x10240xf32, #tpu.memory_space<vmem>> -> memref<10240xf32, #tpu.memory_space<vmem>>
      %gather3A_264 = tpu.vector_load_idx %gather3A_263[%get3A_256] : memref<10240xf32, #tpu.memory_space<vmem>>[vector<16xi32>], vector<16xf32>,
      %add3A_265 = arith.addf %gather3A_260, %gather3A_264 : vector<16xf32>
      %mul3A_266 = arith.constant 2.000000e-01 : f32
      %mul3A_267 = vector.broadcast %mul3A_266 : f32 to vector<16xf32>
      %mul3A_268 = arith.mulf %mul3A_267, %add3A_265 : vector<16xf32>
      %max3A_269 = arith.maximumf %add3A_265, %mul3A_268 : vector<16xf32>
      %exp3A_270 = math.exp %max3A_269 : vector<16xf32>
      %swap3A_271 = arith.constant 80 : index
      %swap3A_272 = tpu.vector_load %arg15[%swap3A_271] {strides = array<i32>} : memref<128xf32, #tpu.memory_space<vmem>>, vector<16xf32>,
      tpu.vector_store %arg15[%swap3A_271], %exp3A_270 {strides = array<i32>} : memref<128xf32, #tpu.memory_space<vmem>>, vector<16xf32>,
      %get3A_273 = arith.index_cast %scan3A_135 : i32 to index
      %get3A_274 = arith.constant 96 : index
      %get3A_275 = tpu.vector_load %arg9[%get3A_273, %get3A_274] {strides = array<i32>} : memref<157x128xi32, #tpu.memory_space<vmem>>, vector<16xi32>,
      %get3A_276 = arith.index_cast %scan3A_135 : i32 to index
      %get3A_277 = arith.constant 96 : index
      %get3A_278 = tpu.vector_load %arg10[%get3A_276, %get3A_277] {strides = array<i32>} : memref<157x128xi32, #tpu.memory_space<vmem>>, vector<16xi32>,
      %gather3A_279 = arith.constant 0 : i32
      %gather3A_280 = tpu.memref_slice %arg11[%scan3A_99, %gather3A_279] : memref<2x10240xf32, #tpu.memory_space<vmem>> -> memref<1x10240xf32, #tpu.memory_space<vmem>>
      %gather3A_281 = tpu.memref_squeeze %gather3A_280 : memref<1x10240xf32, #tpu.memory_space<vmem>> -> memref<10240xf32, #tpu.memory_space<vmem>>
      %gather3A_282 = tpu.vector_load_idx %gather3A_281[%get3A_275] : memref<10240xf32, #tpu.memory_space<vmem>>[vector<16xi32>], vector<16xf32>,
      %gather3A_283 = arith.constant 0 : i32
      %gather3A_284 = tpu.memref_slice %arg12[%scan3A_100, %gather3A_283] : memref<2x10240xf32, #tpu.memory_space<vmem>> -> memref<1x10240xf32, #tpu.memory_space<vmem>>
      %gather3A_285 = tpu.memref_squeeze %gather3A_284 : memref<1x10240xf32, #tpu.memory_space<vmem>> -> memref<10240xf32, #tpu.memory_space<vmem>>
      %gather3A_286 = tpu.vector_load_idx %gather3A_285[%get3A_278] : memref<10240xf32, #tpu.memory_space<vmem>>[vector<16xi32>], vector<16xf32>,
      %add3A_287 = arith.addf %gather3A_282, %gather3A_286 : vector<16xf32>
      %mul3A_288 = arith.constant 2.000000e-01 : f32
      %mul3A_289 = vector.broadcast %mul3A_288 : f32 to vector<16xf32>
      %mul3A_290 = arith.mulf %mul3A_289, %add3A_287 : vector<16xf32>
      %max3A_291 = arith.maximumf %add3A_287, %mul3A_290 : vector<16xf32>
      %exp3A_292 = math.exp %max3A_291 : vector<16xf32>
      %swap3A_293 = arith.constant 96 : index
      %swap3A_294 = tpu.vector_load %arg15[%swap3A_293] {strides = array<i32>} : memref<128xf32, #tpu.memory_space<vmem>>, vector<16xf32>,
      tpu.vector_store %arg15[%swap3A_293], %exp3A_292 {strides = array<i32>} : memref<128xf32, #tpu.memory_space<vmem>>, vector<16xf32>,
      %get3A_295 = arith.index_cast %scan3A_135 : i32 to index
      %get3A_296 = arith.constant 112 : index
      %get3A_297 = tpu.vector_load %arg9[%get3A_295, %get3A_296] {strides = array<i32>} : memref<157x128xi32, #tpu.memory_space<vmem>>, vector<16xi32>,
      %get3A_298 = arith.index_cast %scan3A_135 : i32 to index
      %get3A_299 = arith.constant 112 : index
      %get3A_300 = tpu.vector_load %arg10[%get3A_298, %get3A_299] {strides = array<i32>} : memref<157x128xi32, #tpu.memory_space<vmem>>, vector<16xi32>,
      %gather3A_301 = arith.constant 0 : i32
      %gather3A_302 = tpu.memref_slice %arg11[%scan3A_99, %gather3A_301] : memref<2x10240xf32, #tpu.memory_space<vmem>> -> memref<1x10240xf32, #tpu.memory_space<vmem>>
      %gather3A_303 = tpu.memref_squeeze %gather3A_302 : memref<1x10240xf32, #tpu.memory_space<vmem>> -> memref<10240xf32, #tpu.memory_space<vmem>>
      %gather3A_304 = tpu.vector_load_idx %gather3A_303[%get3A_297] : memref<10240xf32, #tpu.memory_space<vmem>>[vector<16xi32>], vector<16xf32>,
      %gather3A_305 = arith.constant 0 : i32
      %gather3A_306 = tpu.memref_slice %arg12[%scan3A_100, %gather3A_305] : memref<2x10240xf32, #tpu.memory_space<vmem>> -> memref<1x10240xf32, #tpu.memory_space<vmem>>
      %gather3A_307 = tpu.memref_squeeze %gather3A_306 : memref<1x10240xf32, #tpu.memory_space<vmem>> -> memref<10240xf32, #tpu.memory_space<vmem>>
      %gather3A_308 = tpu.vector_load_idx %gather3A_307[%get3A_300] : memref<10240xf32, #tpu.memory_space<vmem>>[vector<16xi32>], vector<16xf32>,
      %add3A_309 = arith.addf %gather3A_304, %gather3A_308 : vector<16xf32>
      %mul3A_310 = arith.constant 2.000000e-01 : f32
      %mul3A_311 = vector.broadcast %mul3A_310 : f32 to vector<16xf32>
      %mul3A_312 = arith.mulf %mul3A_311, %add3A_309 : vector<16xf32>
      %max3A_313 = arith.maximumf %add3A_309, %mul3A_312 : vector<16xf32>
      %exp3A_314 = math.exp %max3A_313 : vector<16xf32>
      %swap3A_315 = arith.constant 112 : index
      %swap3A_316 = tpu.vector_load %arg15[%swap3A_315] {strides = array<i32>} : memref<128xf32, #tpu.memory_space<vmem>>, vector<16xf32>,
      tpu.vector_store %arg15[%swap3A_315], %exp3A_314 {strides = array<i32>} : memref<128xf32, #tpu.memory_space<vmem>>, vector<16xf32>,
      %dma_wait3A = arith.constant 0 : i32
      %dma_wait3A_317 = tpu.memref_slice %arg9[%scan3A_135, %dma_wait3A] : memref<157x128xi32, #tpu.memory_space<vmem>> -> memref<1x128xi32, #tpu.memory_space<vmem>>
      %dma_wait3A_318 = tpu.memref_squeeze %dma_wait3A_317 : memref<1x128xi32, #tpu.memory_space<vmem>> -> memref<128xi32, #tpu.memory_space<vmem>>
      %dma_wait3A_319 = arith.constant 0 : i32
      %dma_wait3A_320 = arith.constant 0 : i32
      %dma_wait3A_321 = tpu.memref_slice %arg2[%add3A_97, %dma_wait3A_319, %dma_wait3A_320] : memref<4x10240x32xf32, #tpu.memory_space<hbm>> -> memref<1x10240x32xf32, #tpu.memory_space<hbm>>
      %dma_wait3A_322 = tpu.memref_squeeze %dma_wait3A_321 : memref<1x10240x32xf32, #tpu.memory_space<hbm>> -> memref<10240x32xf32, #tpu.memory_space<hbm>>
      %dma_wait3A_323 = arith.constant 0 : i32
      %dma_wait3A_324 = arith.constant 0 : i32
      %dma_wait3A_325 = tpu.memref_slice %dma_wait3A_322[%dma_wait3A_323, %dma_wait3A_324] : memref<10240x32xf32, #tpu.memory_space<hbm>> -> memref<10240x32xf32, #tpu.memory_space<hbm>>
      tpu.wait_indirect_dma semaphore(%arg19 : memref<!tpu.dma_semaphore, #tpu.memory_space<semaphore_mem>>) src(%dma_wait3A_325 : memref<10240x32xf32, #tpu.memory_space<hbm>>) dst(%arg13 : memref<128x32xf32, #tpu.memory_space<vmem>>)
      %scan3A_326 = arith.constant 0 : i32
      %scan3A_327 = arith.constant 0 : i32
      %scan3A_328 = arith.constant 32 : i32
      %scan3A_329 = arith.addi %scan3A_327, %scan3A_328 : i32
      %scan3A_330 = arith.constant 1 : i32
      scf.for %scan3A_332 = %scan3A_327 to %scan3A_329 step %scan3A_330  : i32 {
        %mul3A_333 = arith.constant 4 : i32
        %mul3A_334 = arith.muli %scan3A_332, %mul3A_333 : i32
        %add3A_335 = arith.constant 0 : i32
        %add3A_336 = arith.addi %mul3A_334, %add3A_335 : i32
        %broadcast_in_dim3A_337 = arith.constant 0 : i32
        %broadcast_in_dim3A_338 = vector.broadcast %broadcast_in_dim3A_337 : i32 to vector<16xi32>
        %add3A_339 = vector.broadcast %add3A_336 : i32 to vector<16xi32>
        %add3A_340 = arith.addi %broadcast_in_dim3A_338, %add3A_339 : vector<16xi32>
        %gather3A_341 = tpu.vector_load_idx %arg15[%add3A_340] : memref<128xf32, #tpu.memory_space<vmem>>[vector<16xi32>], vector<16xf32>,
        %get3A_342 = arith.index_cast %add3A_336 : i32 to index
        %get3A_343 = arith.constant 0 : index
        %get3A_344 = tpu.vector_load %arg13[%get3A_342, %get3A_343] {strides = array<i32>} : memref<128x32xf32, #tpu.memory_space<vmem>>, vector<16xf32>,
        %mul3A_345 = arith.mulf %get3A_344, %gather3A_341 : vector<16xf32>
        %swap3A_346 = arith.index_cast %add3A_336 : i32 to index
        %swap3A_347 = arith.constant 0 : index
        %swap3A_348 = tpu.vector_load %arg13[%swap3A_346, %swap3A_347] {strides = array<i32>} : memref<128x32xf32, #tpu.memory_space<vmem>>, vector<16xf32>,
        tpu.vector_store %arg13[%swap3A_346, %swap3A_347], %mul3A_345 {strides = array<i32>} : memref<128x32xf32, #tpu.memory_space<vmem>>, vector<16xf32>,
        %get3A_349 = arith.index_cast %add3A_336 : i32 to index
        %get3A_350 = arith.constant 16 : index
        %get3A_351 = tpu.vector_load %arg13[%get3A_349, %get3A_350] {strides = array<i32>} : memref<128x32xf32, #tpu.memory_space<vmem>>, vector<16xf32>,
        %mul3A_352 = arith.mulf %get3A_351, %gather3A_341 : vector<16xf32>
        %swap3A_353 = arith.index_cast %add3A_336 : i32 to index
        %swap3A_354 = arith.constant 16 : index
        %swap3A_355 = tpu.vector_load %arg13[%swap3A_353, %swap3A_354] {strides = array<i32>} : memref<128x32xf32, #tpu.memory_space<vmem>>, vector<16xf32>,
        tpu.vector_store %arg13[%swap3A_353, %swap3A_354], %mul3A_352 {strides = array<i32>} : memref<128x32xf32, #tpu.memory_space<vmem>>, vector<16xf32>,
        %mul3A_356 = arith.constant 4 : i32
        %mul3A_357 = arith.muli %scan3A_332, %mul3A_356 : i32
        %add3A_358 = arith.constant 1 : i32
        %add3A_359 = arith.addi %mul3A_357, %add3A_358 : i32
        %broadcast_in_dim3A_360 = arith.constant 0 : i32
        %broadcast_in_dim3A_361 = vector.broadcast %broadcast_in_dim3A_360 : i32 to vector<16xi32>
        %add3A_362 = vector.broadcast %add3A_359 : i32 to vector<16xi32>
        %add3A_363 = arith.addi %broadcast_in_dim3A_361, %add3A_362 : vector<16xi32>
        %gather3A_364 = tpu.vector_load_idx %arg15[%add3A_363] : memref<128xf32, #tpu.memory_space<vmem>>[vector<16xi32>], vector<16xf32>,
        %get3A_365 = arith.index_cast %add3A_359 : i32 to index
        %get3A_366 = arith.constant 0 : index
        %get3A_367 = tpu.vector_load %arg13[%get3A_365, %get3A_366] {strides = array<i32>} : memref<128x32xf32, #tpu.memory_space<vmem>>, vector<16xf32>,
        %mul3A_368 = arith.mulf %get3A_367, %gather3A_364 : vector<16xf32>
        %swap3A_369 = arith.index_cast %add3A_359 : i32 to index
        %swap3A_370 = arith.constant 0 : index
        %swap3A_371 = tpu.vector_load %arg13[%swap3A_369, %swap3A_370] {strides = array<i32>} : memref<128x32xf32, #tpu.memory_space<vmem>>, vector<16xf32>,
        tpu.vector_store %arg13[%swap3A_369, %swap3A_370], %mul3A_368 {strides = array<i32>} : memref<128x32xf32, #tpu.memory_space<vmem>>, vector<16xf32>,
        %get3A_372 = arith.index_cast %add3A_359 : i32 to index
        %get3A_373 = arith.constant 16 : index
        %get3A_374 = tpu.vector_load %arg13[%get3A_372, %get3A_373] {strides = array<i32>} : memref<128x32xf32, #tpu.memory_space<vmem>>, vector<16xf32>,
        %mul3A_375 = arith.mulf %get3A_374, %gather3A_364 : vector<16xf32>
        %swap3A_376 = arith.index_cast %add3A_359 : i32 to index
        %swap3A_377 = arith.constant 16 : index
        %swap3A_378 = tpu.vector_load %arg13[%swap3A_376, %swap3A_377] {strides = array<i32>} : memref<128x32xf32, #tpu.memory_space<vmem>>, vector<16xf32>,
        tpu.vector_store %arg13[%swap3A_376, %swap3A_377], %mul3A_375 {strides = array<i32>} : memref<128x32xf32, #tpu.memory_space<vmem>>, vector<16xf32>,
        %mul3A_379 = arith.constant 4 : i32
        %mul3A_380 = arith.muli %scan3A_332, %mul3A_379 : i32
        %add3A_381 = arith.constant 2 : i32
        %add3A_382 = arith.addi %mul3A_380, %add3A_381 : i32
        %broadcast_in_dim3A_383 = arith.constant 0 : i32
        %broadcast_in_dim3A_384 = vector.broadcast %broadcast_in_dim3A_383 : i32 to vector<16xi32>
        %add3A_385 = vector.broadcast %add3A_382 : i32 to vector<16xi32>
        %add3A_386 = arith.addi %broadcast_in_dim3A_384, %add3A_385 : vector<16xi32>
        %gather3A_387 = tpu.vector_load_idx %arg15[%add3A_386] : memref<128xf32, #tpu.memory_space<vmem>>[vector<16xi32>], vector<16xf32>,
        %get3A_388 = arith.index_cast %add3A_382 : i32 to index
        %get3A_389 = arith.constant 0 : index
        %get3A_390 = tpu.vector_load %arg13[%get3A_388, %get3A_389] {strides = array<i32>} : memref<128x32xf32, #tpu.memory_space<vmem>>, vector<16xf32>,
        %mul3A_391 = arith.mulf %get3A_390, %gather3A_387 : vector<16xf32>
        %swap3A_392 = arith.index_cast %add3A_382 : i32 to index
        %swap3A_393 = arith.constant 0 : index
        %swap3A_394 = tpu.vector_load %arg13[%swap3A_392, %swap3A_393] {strides = array<i32>} : memref<128x32xf32, #tpu.memory_space<vmem>>, vector<16xf32>,
        tpu.vector_store %arg13[%swap3A_392, %swap3A_393], %mul3A_391 {strides = array<i32>} : memref<128x32xf32, #tpu.memory_space<vmem>>, vector<16xf32>,
        %get3A_395 = arith.index_cast %add3A_382 : i32 to index
        %get3A_396 = arith.constant 16 : index
        %get3A_397 = tpu.vector_load %arg13[%get3A_395, %get3A_396] {strides = array<i32>} : memref<128x32xf32, #tpu.memory_space<vmem>>, vector<16xf32>,
        %mul3A_398 = arith.mulf %get3A_397, %gather3A_387 : vector<16xf32>
        %swap3A_399 = arith.index_cast %add3A_382 : i32 to index
        %swap3A_400 = arith.constant 16 : index
        %swap3A_401 = tpu.vector_load %arg13[%swap3A_399, %swap3A_400] {strides = array<i32>} : memref<128x32xf32, #tpu.memory_space<vmem>>, vector<16xf32>,
        tpu.vector_store %arg13[%swap3A_399, %swap3A_400], %mul3A_398 {strides = array<i32>} : memref<128x32xf32, #tpu.memory_space<vmem>>, vector<16xf32>,
        %mul3A_402 = arith.constant 4 : i32
        %mul3A_403 = arith.muli %scan3A_332, %mul3A_402 : i32
        %add3A_404 = arith.constant 3 : i32
        %add3A_405 = arith.addi %mul3A_403, %add3A_404 : i32
        %broadcast_in_dim3A_406 = arith.constant 0 : i32
        %broadcast_in_dim3A_407 = vector.broadcast %broadcast_in_dim3A_406 : i32 to vector<16xi32>
        %add3A_408 = vector.broadcast %add3A_405 : i32 to vector<16xi32>
        %add3A_409 = arith.addi %broadcast_in_dim3A_407, %add3A_408 : vector<16xi32>
        %gather3A_410 = tpu.vector_load_idx %arg15[%add3A_409] : memref<128xf32, #tpu.memory_space<vmem>>[vector<16xi32>], vector<16xf32>,
        %get3A_411 = arith.index_cast %add3A_405 : i32 to index
        %get3A_412 = arith.constant 0 : index
        %get3A_413 = tpu.vector_load %arg13[%get3A_411, %get3A_412] {strides = array<i32>} : memref<128x32xf32, #tpu.memory_space<vmem>>, vector<16xf32>,
        %mul3A_414 = arith.mulf %get3A_413, %gather3A_410 : vector<16xf32>
        %swap3A_415 = arith.index_cast %add3A_405 : i32 to index
        %swap3A_416 = arith.constant 0 : index
        %swap3A_417 = tpu.vector_load %arg13[%swap3A_415, %swap3A_416] {strides = array<i32>} : memref<128x32xf32, #tpu.memory_space<vmem>>, vector<16xf32>,
        tpu.vector_store %arg13[%swap3A_415, %swap3A_416], %mul3A_414 {strides = array<i32>} : memref<128x32xf32, #tpu.memory_space<vmem>>, vector<16xf32>,
        %get3A_418 = arith.index_cast %add3A_405 : i32 to index
        %get3A_419 = arith.constant 16 : index
        %get3A_420 = tpu.vector_load %arg13[%get3A_418, %get3A_419] {strides = array<i32>} : memref<128x32xf32, #tpu.memory_space<vmem>>, vector<16xf32>,
        %mul3A_421 = arith.mulf %get3A_420, %gather3A_410 : vector<16xf32>
        %swap3A_422 = arith.index_cast %add3A_405 : i32 to index
        %swap3A_423 = arith.constant 16 : index
        %swap3A_424 = tpu.vector_load %arg13[%swap3A_422, %swap3A_423] {strides = array<i32>} : memref<128x32xf32, #tpu.memory_space<vmem>>, vector<16xf32>,
        tpu.vector_store %arg13[%swap3A_422, %swap3A_423], %mul3A_421 {strides = array<i32>} : memref<128x32xf32, #tpu.memory_space<vmem>>, vector<16xf32>,
      }
      %scan3A_331 = arith.constant 32 : i32
      "tpu.region"() ({
        %run_scoped3A_332 = tpu.sem_alloc : memref<!tpu.dma_semaphore, #tpu.memory_space<semaphore_mem>>
        %dma_start3A_333 = arith.constant 0 : i32
        %dma_start3A_334 = tpu.memref_slice %arg10[%scan3A_135, %dma_start3A_333] : memref<157x128xi32, #tpu.memory_space<vmem>> -> memref<1x128xi32, #tpu.memory_space<vmem>>
        %dma_start3A_335 = tpu.memref_squeeze %dma_start3A_334 : memref<1x128xi32, #tpu.memory_space<vmem>> -> memref<128xi32, #tpu.memory_space<vmem>>
        %dma_start3A_336 = arith.constant 0 : i32
        %dma_start3A_337 = arith.constant 0 : i32
        %dma_start3A_338 = tpu.memref_slice %arg17[%scan3A_101, %dma_start3A_336, %dma_start3A_337] : memref<2x10240x32xf32, #tpu.memory_space<vmem_shared>> -> memref<1x10240x32xf32, #tpu.memory_space<vmem_shared>>
        %dma_start3A_339 = tpu.memref_squeeze %dma_start3A_338 : memref<1x10240x32xf32, #tpu.memory_space<vmem_shared>> -> memref<10240x32xf32, #tpu.memory_space<vmem_shared>>
        %dma_start3A_340 = arith.constant 0 : i32
        %dma_start3A_341 = arith.constant 0 : i32
        %dma_start3A_342 = tpu.memref_slice %dma_start3A_339[%dma_start3A_340, %dma_start3A_341] : memref<10240x32xf32, #tpu.memory_space<vmem_shared>> -> memref<10240x32xf32, #tpu.memory_space<vmem_shared>>
        tpu.enqueue_indirect_dma source(%arg13 : memref<128x32xf32, #tpu.memory_space<vmem>>) target(%dma_start3A_342 : memref<10240x32xf32, #tpu.memory_space<vmem_shared>>) offsets(%dma_start3A_335 : memref<128xi32, #tpu.memory_space<vmem>>) semaphore(%run_scoped3A_332 : memref<!tpu.dma_semaphore, #tpu.memory_space<semaphore_mem>>) {add = true}
        %dma_wait3A_343 = arith.constant 0 : i32
        %dma_wait3A_344 = tpu.memref_slice %arg10[%scan3A_135, %dma_wait3A_343] : memref<157x128xi32, #tpu.memory_space<vmem>> -> memref<1x128xi32, #tpu.memory_space<vmem>>
        %dma_wait3A_345 = tpu.memref_squeeze %dma_wait3A_344 : memref<1x128xi32, #tpu.memory_space<vmem>> -> memref<128xi32, #tpu.memory_space<vmem>>
        %dma_wait3A_346 = arith.constant 0 : i32
        %dma_wait3A_347 = arith.constant 0 : i32
        %dma_wait3A_348 = tpu.memref_slice %arg17[%scan3A_101, %dma_wait3A_346, %dma_wait3A_347] : memref<2x10240x32xf32, #tpu.memory_space<vmem_shared>> -> memref<1x10240x32xf32, #tpu.memory_space<vmem_shared>>
        %dma_wait3A_349 = tpu.memref_squeeze %dma_wait3A_348 : memref<1x10240x32xf32, #tpu.memory_space<vmem_shared>> -> memref<10240x32xf32, #tpu.memory_space<vmem_shared>>
        %dma_wait3A_350 = arith.constant 0 : i32
        %dma_wait3A_351 = arith.constant 0 : i32
        %dma_wait3A_352 = tpu.memref_slice %dma_wait3A_349[%dma_wait3A_350, %dma_wait3A_351] : memref<10240x32xf32, #tpu.memory_space<vmem_shared>> -> memref<10240x32xf32, #tpu.memory_space<vmem_shared>>
        tpu.wait_indirect_dma semaphore(%run_scoped3A_332 : memref<!tpu.dma_semaphore, #tpu.memory_space<semaphore_mem>>) src(%arg13 : memref<128x32xf32, #tpu.memory_space<vmem>>) dst(%dma_wait3A_352 : memref<10240x32xf32, #tpu.memory_space<vmem_shared>>)
        tpu.yield
      }) : () -> ()
      "tpu.region"() ({
        %run_scoped3A_332 = tpu.sem_alloc : memref<!tpu.dma_semaphore, #tpu.memory_space<semaphore_mem>>
        %dma_start3A_333 = arith.constant 0 : i32
        %dma_start3A_334 = tpu.memref_slice %arg10[%scan3A_135, %dma_start3A_333] : memref<157x128xi32, #tpu.memory_space<vmem>> -> memref<1x128xi32, #tpu.memory_space<vmem>>
        %dma_start3A_335 = tpu.memref_squeeze %dma_start3A_334 : memref<1x128xi32, #tpu.memory_space<vmem>> -> memref<128xi32, #tpu.memory_space<vmem>>
        %dma_start3A_336 = arith.constant 0 : i32
        %dma_start3A_337 = tpu.memref_slice %arg18[%scan3A_102, %dma_start3A_336] : memref<2x10240xf32, #tpu.memory_space<vmem_shared>> -> memref<1x10240xf32, #tpu.memory_space<vmem_shared>>
        %dma_start3A_338 = tpu.memref_squeeze %dma_start3A_337 : memref<1x10240xf32, #tpu.memory_space<vmem_shared>> -> memref<10240xf32, #tpu.memory_space<vmem_shared>>
        %dma_start3A_339 = arith.constant 0 : i32
        %dma_start3A_340 = tpu.memref_slice %dma_start3A_338[%dma_start3A_339] : memref<10240xf32, #tpu.memory_space<vmem_shared>> -> memref<10240xf32, #tpu.memory_space<vmem_shared>>
        tpu.enqueue_indirect_dma source(%arg15 : memref<128xf32, #tpu.memory_space<vmem>>) target(%dma_start3A_340 : memref<10240xf32, #tpu.memory_space<vmem_shared>>) offsets(%dma_start3A_335 : memref<128xi32, #tpu.memory_space<vmem>>) semaphore(%run_scoped3A_332 : memref<!tpu.dma_semaphore, #tpu.memory_space<semaphore_mem>>) {add = true}
        %dma_wait3A_341 = arith.constant 0 : i32
        %dma_wait3A_342 = tpu.memref_slice %arg10[%scan3A_135, %dma_wait3A_341] : memref<157x128xi32, #tpu.memory_space<vmem>> -> memref<1x128xi32, #tpu.memory_space<vmem>>
        %dma_wait3A_343 = tpu.memref_squeeze %dma_wait3A_342 : memref<1x128xi32, #tpu.memory_space<vmem>> -> memref<128xi32, #tpu.memory_space<vmem>>
        %dma_wait3A_344 = arith.constant 0 : i32
        %dma_wait3A_345 = tpu.memref_slice %arg18[%scan3A_102, %dma_wait3A_344] : memref<2x10240xf32, #tpu.memory_space<vmem_shared>> -> memref<1x10240xf32, #tpu.memory_space<vmem_shared>>
        %dma_wait3A_346 = tpu.memref_squeeze %dma_wait3A_345 : memref<1x10240xf32, #tpu.memory_space<vmem_shared>> -> memref<10240xf32, #tpu.memory_space<vmem_shared>>
        %dma_wait3A_347 = arith.constant 0 : i32
        %dma_wait3A_348 = tpu.memref_slice %dma_wait3A_346[%dma_wait3A_347] : memref<10240xf32, #tpu.memory_space<vmem_shared>> -> memref<10240xf32, #tpu.memory_space<vmem_shared>>
        tpu.wait_indirect_dma semaphore(%run_scoped3A_332 : memref<!tpu.dma_semaphore, #tpu.memory_space<semaphore_mem>>) src(%arg15 : memref<128xf32, #tpu.memory_space<vmem>>) dst(%dma_wait3A_348 : memref<10240xf32, #tpu.memory_space<vmem_shared>>)
        tpu.yield
      }) : () -> ()
    }
    %scan3A_107 = arith.constant 157 : i32
    %mul3A_108 = arith.constant 2 : i32
    %mul3A_109 = arith.muli %mul3A_108, %arg0 : i32
    %add3A_110 = arith.constant 1 : i32
    %add3A_111 = arith.addi %mul3A_109, %add3A_110 : i32
    %scan3A_112 = arith.constant 0 : i32
    %scan3A_113 = arith.constant 1 : i32
    %scan3A_114 = arith.constant 1 : i32
    %scan3A_115 = arith.constant 1 : i32
    %scan3A_116 = arith.constant 1 : i32
    %scan3A_117 = arith.constant 0 : i32
    %scan3A_118 = arith.constant 157 : i32
    %scan3A_119 = arith.addi %scan3A_117, %scan3A_118 : i32
    %scan3A_120 = arith.constant 1 : i32
    scf.for %scan3A_135 = %scan3A_117 to %scan3A_119 step %scan3A_120  : i32 {
      %dma_start3A = arith.constant 0 : i32
      %dma_start3A_136 = tpu.memref_slice %arg9[%scan3A_135, %dma_start3A] : memref<157x128xi32, #tpu.memory_space<vmem>> -> memref<1x128xi32, #tpu.memory_space<vmem>>
      %dma_start3A_137 = tpu.memref_squeeze %dma_start3A_136 : memref<1x128xi32, #tpu.memory_space<vmem>> -> memref<128xi32, #tpu.memory_space<vmem>>
      %dma_start3A_138 = arith.constant 0 : i32
      %dma_start3A_139 = arith.constant 0 : i32
      %dma_start3A_140 = tpu.memref_slice %arg2[%add3A_111, %dma_start3A_138, %dma_start3A_139] : memref<4x10240x32xf32, #tpu.memory_space<hbm>> -> memref<1x10240x32xf32, #tpu.memory_space<hbm>>
      %dma_start3A_141 = tpu.memref_squeeze %dma_start3A_140 : memref<1x10240x32xf32, #tpu.memory_space<hbm>> -> memref<10240x32xf32, #tpu.memory_space<hbm>>
      %dma_start3A_142 = arith.constant 0 : i32
      %dma_start3A_143 = arith.constant 0 : i32
      %dma_start3A_144 = tpu.memref_slice %dma_start3A_141[%dma_start3A_142, %dma_start3A_143] : memref<10240x32xf32, #tpu.memory_space<hbm>> -> memref<10240x32xf32, #tpu.memory_space<hbm>>
      tpu.enqueue_indirect_dma source(%dma_start3A_144 : memref<10240x32xf32, #tpu.memory_space<hbm>>) target(%arg13 : memref<128x32xf32, #tpu.memory_space<vmem>>) offsets(%dma_start3A_137 : memref<128xi32, #tpu.memory_space<vmem>>) semaphore(%arg19 : memref<!tpu.dma_semaphore, #tpu.memory_space<semaphore_mem>>)
      %get3A = arith.index_cast %scan3A_135 : i32 to index
      %get3A_145 = arith.constant 0 : index
      %get3A_146 = tpu.vector_load %arg9[%get3A, %get3A_145] {strides = array<i32>} : memref<157x128xi32, #tpu.memory_space<vmem>>, vector<16xi32>,
      %get3A_147 = arith.index_cast %scan3A_135 : i32 to index
      %get3A_148 = arith.constant 0 : index
      %get3A_149 = tpu.vector_load %arg10[%get3A_147, %get3A_148] {strides = array<i32>} : memref<157x128xi32, #tpu.memory_space<vmem>>, vector<16xi32>,
      %gather3A = arith.constant 0 : i32
      %gather3A_150 = tpu.memref_slice %arg11[%scan3A_113, %gather3A] : memref<2x10240xf32, #tpu.memory_space<vmem>> -> memref<1x10240xf32, #tpu.memory_space<vmem>>
      %gather3A_151 = tpu.memref_squeeze %gather3A_150 : memref<1x10240xf32, #tpu.memory_space<vmem>> -> memref<10240xf32, #tpu.memory_space<vmem>>
      %gather3A_152 = tpu.vector_load_idx %gather3A_151[%get3A_146] : memref<10240xf32, #tpu.memory_space<vmem>>[vector<16xi32>], vector<16xf32>,
      %gather3A_153 = arith.constant 0 : i32
      %gather3A_154 = tpu.memref_slice %arg12[%scan3A_114, %gather3A_153] : memref<2x10240xf32, #tpu.memory_space<vmem>> -> memref<1x10240xf32, #tpu.memory_space<vmem>>
      %gather3A_155 = tpu.memref_squeeze %gather3A_154 : memref<1x10240xf32, #tpu.memory_space<vmem>> -> memref<10240xf32, #tpu.memory_space<vmem>>
      %gather3A_156 = tpu.vector_load_idx %gather3A_155[%get3A_149] : memref<10240xf32, #tpu.memory_space<vmem>>[vector<16xi32>], vector<16xf32>,
      %add3A_157 = arith.addf %gather3A_152, %gather3A_156 : vector<16xf32>
      %mul3A_158 = arith.constant 2.000000e-01 : f32
      %mul3A_159 = vector.broadcast %mul3A_158 : f32 to vector<16xf32>
      %mul3A_160 = arith.mulf %mul3A_159, %add3A_157 : vector<16xf32>
      %max3A = arith.maximumf %add3A_157, %mul3A_160 : vector<16xf32>
      %exp3A = math.exp %max3A : vector<16xf32>
      %swap3A_161 = arith.constant 0 : index
      %swap3A_162 = tpu.vector_load %arg15[%swap3A_161] {strides = array<i32>} : memref<128xf32, #tpu.memory_space<vmem>>, vector<16xf32>,
      tpu.vector_store %arg15[%swap3A_161], %exp3A {strides = array<i32>} : memref<128xf32, #tpu.memory_space<vmem>>, vector<16xf32>,
      %get3A_163 = arith.index_cast %scan3A_135 : i32 to index
      %get3A_164 = arith.constant 16 : index
      %get3A_165 = tpu.vector_load %arg9[%get3A_163, %get3A_164] {strides = array<i32>} : memref<157x128xi32, #tpu.memory_space<vmem>>, vector<16xi32>,
      %get3A_166 = arith.index_cast %scan3A_135 : i32 to index
      %get3A_167 = arith.constant 16 : index
      %get3A_168 = tpu.vector_load %arg10[%get3A_166, %get3A_167] {strides = array<i32>} : memref<157x128xi32, #tpu.memory_space<vmem>>, vector<16xi32>,
      %gather3A_169 = arith.constant 0 : i32
      %gather3A_170 = tpu.memref_slice %arg11[%scan3A_113, %gather3A_169] : memref<2x10240xf32, #tpu.memory_space<vmem>> -> memref<1x10240xf32, #tpu.memory_space<vmem>>
      %gather3A_171 = tpu.memref_squeeze %gather3A_170 : memref<1x10240xf32, #tpu.memory_space<vmem>> -> memref<10240xf32, #tpu.memory_space<vmem>>
      %gather3A_172 = tpu.vector_load_idx %gather3A_171[%get3A_165] : memref<10240xf32, #tpu.memory_space<vmem>>[vector<16xi32>], vector<16xf32>,
      %gather3A_173 = arith.constant 0 : i32
      %gather3A_174 = tpu.memref_slice %arg12[%scan3A_114, %gather3A_173] : memref<2x10240xf32, #tpu.memory_space<vmem>> -> memref<1x10240xf32, #tpu.memory_space<vmem>>
      %gather3A_175 = tpu.memref_squeeze %gather3A_174 : memref<1x10240xf32, #tpu.memory_space<vmem>> -> memref<10240xf32, #tpu.memory_space<vmem>>
      %gather3A_176 = tpu.vector_load_idx %gather3A_175[%get3A_168] : memref<10240xf32, #tpu.memory_space<vmem>>[vector<16xi32>], vector<16xf32>,
      %add3A_177 = arith.addf %gather3A_172, %gather3A_176 : vector<16xf32>
      %mul3A_178 = arith.constant 2.000000e-01 : f32
      %mul3A_179 = vector.broadcast %mul3A_178 : f32 to vector<16xf32>
      %mul3A_180 = arith.mulf %mul3A_179, %add3A_177 : vector<16xf32>
      %max3A_181 = arith.maximumf %add3A_177, %mul3A_180 : vector<16xf32>
      %exp3A_182 = math.exp %max3A_181 : vector<16xf32>
      %swap3A_183 = arith.constant 16 : index
      %swap3A_184 = tpu.vector_load %arg15[%swap3A_183] {strides = array<i32>} : memref<128xf32, #tpu.memory_space<vmem>>, vector<16xf32>,
      tpu.vector_store %arg15[%swap3A_183], %exp3A_182 {strides = array<i32>} : memref<128xf32, #tpu.memory_space<vmem>>, vector<16xf32>,
      %get3A_185 = arith.index_cast %scan3A_135 : i32 to index
      %get3A_186 = arith.constant 32 : index
      %get3A_187 = tpu.vector_load %arg9[%get3A_185, %get3A_186] {strides = array<i32>} : memref<157x128xi32, #tpu.memory_space<vmem>>, vector<16xi32>,
      %get3A_188 = arith.index_cast %scan3A_135 : i32 to index
      %get3A_189 = arith.constant 32 : index
      %get3A_190 = tpu.vector_load %arg10[%get3A_188, %get3A_189] {strides = array<i32>} : memref<157x128xi32, #tpu.memory_space<vmem>>, vector<16xi32>,
      %gather3A_191 = arith.constant 0 : i32
      %gather3A_192 = tpu.memref_slice %arg11[%scan3A_113, %gather3A_191] : memref<2x10240xf32, #tpu.memory_space<vmem>> -> memref<1x10240xf32, #tpu.memory_space<vmem>>
      %gather3A_193 = tpu.memref_squeeze %gather3A_192 : memref<1x10240xf32, #tpu.memory_space<vmem>> -> memref<10240xf32, #tpu.memory_space<vmem>>
      %gather3A_194 = tpu.vector_load_idx %gather3A_193[%get3A_187] : memref<10240xf32, #tpu.memory_space<vmem>>[vector<16xi32>], vector<16xf32>,
      %gather3A_195 = arith.constant 0 : i32
      %gather3A_196 = tpu.memref_slice %arg12[%scan3A_114, %gather3A_195] : memref<2x10240xf32, #tpu.memory_space<vmem>> -> memref<1x10240xf32, #tpu.memory_space<vmem>>
      %gather3A_197 = tpu.memref_squeeze %gather3A_196 : memref<1x10240xf32, #tpu.memory_space<vmem>> -> memref<10240xf32, #tpu.memory_space<vmem>>
      %gather3A_198 = tpu.vector_load_idx %gather3A_197[%get3A_190] : memref<10240xf32, #tpu.memory_space<vmem>>[vector<16xi32>], vector<16xf32>,
      %add3A_199 = arith.addf %gather3A_194, %gather3A_198 : vector<16xf32>
      %mul3A_200 = arith.constant 2.000000e-01 : f32
      %mul3A_201 = vector.broadcast %mul3A_200 : f32 to vector<16xf32>
      %mul3A_202 = arith.mulf %mul3A_201, %add3A_199 : vector<16xf32>
      %max3A_203 = arith.maximumf %add3A_199, %mul3A_202 : vector<16xf32>
      %exp3A_204 = math.exp %max3A_203 : vector<16xf32>
      %swap3A_205 = arith.constant 32 : index
      %swap3A_206 = tpu.vector_load %arg15[%swap3A_205] {strides = array<i32>} : memref<128xf32, #tpu.memory_space<vmem>>, vector<16xf32>,
      tpu.vector_store %arg15[%swap3A_205], %exp3A_204 {strides = array<i32>} : memref<128xf32, #tpu.memory_space<vmem>>, vector<16xf32>,
      %get3A_207 = arith.index_cast %scan3A_135 : i32 to index
      %get3A_208 = arith.constant 48 : index
      %get3A_209 = tpu.vector_load %arg9[%get3A_207, %get3A_208] {strides = array<i32>} : memref<157x128xi32, #tpu.memory_space<vmem>>, vector<16xi32>,
      %get3A_210 = arith.index_cast %scan3A_135 : i32 to index
      %get3A_211 = arith.constant 48 : index
      %get3A_212 = tpu.vector_load %arg10[%get3A_210, %get3A_211] {strides = array<i32>} : memref<157x128xi32, #tpu.memory_space<vmem>>, vector<16xi32>,
      %gather3A_213 = arith.constant 0 : i32
      %gather3A_214 = tpu.memref_slice %arg11[%scan3A_113, %gather3A_213] : memref<2x10240xf32, #tpu.memory_space<vmem>> -> memref<1x10240xf32, #tpu.memory_space<vmem>>
      %gather3A_215 = tpu.memref_squeeze %gather3A_214 : memref<1x10240xf32, #tpu.memory_space<vmem>> -> memref<10240xf32, #tpu.memory_space<vmem>>
      %gather3A_216 = tpu.vector_load_idx %gather3A_215[%get3A_209] : memref<10240xf32, #tpu.memory_space<vmem>>[vector<16xi32>], vector<16xf32>,
      %gather3A_217 = arith.constant 0 : i32
      %gather3A_218 = tpu.memref_slice %arg12[%scan3A_114, %gather3A_217] : memref<2x10240xf32, #tpu.memory_space<vmem>> -> memref<1x10240xf32, #tpu.memory_space<vmem>>
      %gather3A_219 = tpu.memref_squeeze %gather3A_218 : memref<1x10240xf32, #tpu.memory_space<vmem>> -> memref<10240xf32, #tpu.memory_space<vmem>>
      %gather3A_220 = tpu.vector_load_idx %gather3A_219[%get3A_212] : memref<10240xf32, #tpu.memory_space<vmem>>[vector<16xi32>], vector<16xf32>,
      %add3A_221 = arith.addf %gather3A_216, %gather3A_220 : vector<16xf32>
      %mul3A_222 = arith.constant 2.000000e-01 : f32
      %mul3A_223 = vector.broadcast %mul3A_222 : f32 to vector<16xf32>
      %mul3A_224 = arith.mulf %mul3A_223, %add3A_221 : vector<16xf32>
      %max3A_225 = arith.maximumf %add3A_221, %mul3A_224 : vector<16xf32>
      %exp3A_226 = math.exp %max3A_225 : vector<16xf32>
      %swap3A_227 = arith.constant 48 : index
      %swap3A_228 = tpu.vector_load %arg15[%swap3A_227] {strides = array<i32>} : memref<128xf32, #tpu.memory_space<vmem>>, vector<16xf32>,
      tpu.vector_store %arg15[%swap3A_227], %exp3A_226 {strides = array<i32>} : memref<128xf32, #tpu.memory_space<vmem>>, vector<16xf32>,
      %get3A_229 = arith.index_cast %scan3A_135 : i32 to index
      %get3A_230 = arith.constant 64 : index
      %get3A_231 = tpu.vector_load %arg9[%get3A_229, %get3A_230] {strides = array<i32>} : memref<157x128xi32, #tpu.memory_space<vmem>>, vector<16xi32>,
      %get3A_232 = arith.index_cast %scan3A_135 : i32 to index
      %get3A_233 = arith.constant 64 : index
      %get3A_234 = tpu.vector_load %arg10[%get3A_232, %get3A_233] {strides = array<i32>} : memref<157x128xi32, #tpu.memory_space<vmem>>, vector<16xi32>,
      %gather3A_235 = arith.constant 0 : i32
      %gather3A_236 = tpu.memref_slice %arg11[%scan3A_113, %gather3A_235] : memref<2x10240xf32, #tpu.memory_space<vmem>> -> memref<1x10240xf32, #tpu.memory_space<vmem>>
      %gather3A_237 = tpu.memref_squeeze %gather3A_236 : memref<1x10240xf32, #tpu.memory_space<vmem>> -> memref<10240xf32, #tpu.memory_space<vmem>>
      %gather3A_238 = tpu.vector_load_idx %gather3A_237[%get3A_231] : memref<10240xf32, #tpu.memory_space<vmem>>[vector<16xi32>], vector<16xf32>,
      %gather3A_239 = arith.constant 0 : i32
      %gather3A_240 = tpu.memref_slice %arg12[%scan3A_114, %gather3A_239] : memref<2x10240xf32, #tpu.memory_space<vmem>> -> memref<1x10240xf32, #tpu.memory_space<vmem>>
      %gather3A_241 = tpu.memref_squeeze %gather3A_240 : memref<1x10240xf32, #tpu.memory_space<vmem>> -> memref<10240xf32, #tpu.memory_space<vmem>>
      %gather3A_242 = tpu.vector_load_idx %gather3A_241[%get3A_234] : memref<10240xf32, #tpu.memory_space<vmem>>[vector<16xi32>], vector<16xf32>,
      %add3A_243 = arith.addf %gather3A_238, %gather3A_242 : vector<16xf32>
      %mul3A_244 = arith.constant 2.000000e-01 : f32
      %mul3A_245 = vector.broadcast %mul3A_244 : f32 to vector<16xf32>
      %mul3A_246 = arith.mulf %mul3A_245, %add3A_243 : vector<16xf32>
      %max3A_247 = arith.maximumf %add3A_243, %mul3A_246 : vector<16xf32>
      %exp3A_248 = math.exp %max3A_247 : vector<16xf32>
      %swap3A_249 = arith.constant 64 : index
      %swap3A_250 = tpu.vector_load %arg15[%swap3A_249] {strides = array<i32>} : memref<128xf32, #tpu.memory_space<vmem>>, vector<16xf32>,
      tpu.vector_store %arg15[%swap3A_249], %exp3A_248 {strides = array<i32>} : memref<128xf32, #tpu.memory_space<vmem>>, vector<16xf32>,
      %get3A_251 = arith.index_cast %scan3A_135 : i32 to index
      %get3A_252 = arith.constant 80 : index
      %get3A_253 = tpu.vector_load %arg9[%get3A_251, %get3A_252] {strides = array<i32>} : memref<157x128xi32, #tpu.memory_space<vmem>>, vector<16xi32>,
      %get3A_254 = arith.index_cast %scan3A_135 : i32 to index
      %get3A_255 = arith.constant 80 : index
      %get3A_256 = tpu.vector_load %arg10[%get3A_254, %get3A_255] {strides = array<i32>} : memref<157x128xi32, #tpu.memory_space<vmem>>, vector<16xi32>,
      %gather3A_257 = arith.constant 0 : i32
      %gather3A_258 = tpu.memref_slice %arg11[%scan3A_113, %gather3A_257] : memref<2x10240xf32, #tpu.memory_space<vmem>> -> memref<1x10240xf32, #tpu.memory_space<vmem>>
      %gather3A_259 = tpu.memref_squeeze %gather3A_258 : memref<1x10240xf32, #tpu.memory_space<vmem>> -> memref<10240xf32, #tpu.memory_space<vmem>>
      %gather3A_260 = tpu.vector_load_idx %gather3A_259[%get3A_253] : memref<10240xf32, #tpu.memory_space<vmem>>[vector<16xi32>], vector<16xf32>,
      %gather3A_261 = arith.constant 0 : i32
      %gather3A_262 = tpu.memref_slice %arg12[%scan3A_114, %gather3A_261] : memref<2x10240xf32, #tpu.memory_space<vmem>> -> memref<1x10240xf32, #tpu.memory_space<vmem>>
      %gather3A_263 = tpu.memref_squeeze %gather3A_262 : memref<1x10240xf32, #tpu.memory_space<vmem>> -> memref<10240xf32, #tpu.memory_space<vmem>>
      %gather3A_264 = tpu.vector_load_idx %gather3A_263[%get3A_256] : memref<10240xf32, #tpu.memory_space<vmem>>[vector<16xi32>], vector<16xf32>,
      %add3A_265 = arith.addf %gather3A_260, %gather3A_264 : vector<16xf32>
      %mul3A_266 = arith.constant 2.000000e-01 : f32
      %mul3A_267 = vector.broadcast %mul3A_266 : f32 to vector<16xf32>
      %mul3A_268 = arith.mulf %mul3A_267, %add3A_265 : vector<16xf32>
      %max3A_269 = arith.maximumf %add3A_265, %mul3A_268 : vector<16xf32>
      %exp3A_270 = math.exp %max3A_269 : vector<16xf32>
      %swap3A_271 = arith.constant 80 : index
      %swap3A_272 = tpu.vector_load %arg15[%swap3A_271] {strides = array<i32>} : memref<128xf32, #tpu.memory_space<vmem>>, vector<16xf32>,
      tpu.vector_store %arg15[%swap3A_271], %exp3A_270 {strides = array<i32>} : memref<128xf32, #tpu.memory_space<vmem>>, vector<16xf32>,
      %get3A_273 = arith.index_cast %scan3A_135 : i32 to index
      %get3A_274 = arith.constant 96 : index
      %get3A_275 = tpu.vector_load %arg9[%get3A_273, %get3A_274] {strides = array<i32>} : memref<157x128xi32, #tpu.memory_space<vmem>>, vector<16xi32>,
      %get3A_276 = arith.index_cast %scan3A_135 : i32 to index
      %get3A_277 = arith.constant 96 : index
      %get3A_278 = tpu.vector_load %arg10[%get3A_276, %get3A_277] {strides = array<i32>} : memref<157x128xi32, #tpu.memory_space<vmem>>, vector<16xi32>,
      %gather3A_279 = arith.constant 0 : i32
      %gather3A_280 = tpu.memref_slice %arg11[%scan3A_113, %gather3A_279] : memref<2x10240xf32, #tpu.memory_space<vmem>> -> memref<1x10240xf32, #tpu.memory_space<vmem>>
      %gather3A_281 = tpu.memref_squeeze %gather3A_280 : memref<1x10240xf32, #tpu.memory_space<vmem>> -> memref<10240xf32, #tpu.memory_space<vmem>>
      %gather3A_282 = tpu.vector_load_idx %gather3A_281[%get3A_275] : memref<10240xf32, #tpu.memory_space<vmem>>[vector<16xi32>], vector<16xf32>,
      %gather3A_283 = arith.constant 0 : i32
      %gather3A_284 = tpu.memref_slice %arg12[%scan3A_114, %gather3A_283] : memref<2x10240xf32, #tpu.memory_space<vmem>> -> memref<1x10240xf32, #tpu.memory_space<vmem>>
      %gather3A_285 = tpu.memref_squeeze %gather3A_284 : memref<1x10240xf32, #tpu.memory_space<vmem>> -> memref<10240xf32, #tpu.memory_space<vmem>>
      %gather3A_286 = tpu.vector_load_idx %gather3A_285[%get3A_278] : memref<10240xf32, #tpu.memory_space<vmem>>[vector<16xi32>], vector<16xf32>,
      %add3A_287 = arith.addf %gather3A_282, %gather3A_286 : vector<16xf32>
      %mul3A_288 = arith.constant 2.000000e-01 : f32
      %mul3A_289 = vector.broadcast %mul3A_288 : f32 to vector<16xf32>
      %mul3A_290 = arith.mulf %mul3A_289, %add3A_287 : vector<16xf32>
      %max3A_291 = arith.maximumf %add3A_287, %mul3A_290 : vector<16xf32>
      %exp3A_292 = math.exp %max3A_291 : vector<16xf32>
      %swap3A_293 = arith.constant 96 : index
      %swap3A_294 = tpu.vector_load %arg15[%swap3A_293] {strides = array<i32>} : memref<128xf32, #tpu.memory_space<vmem>>, vector<16xf32>,
      tpu.vector_store %arg15[%swap3A_293], %exp3A_292 {strides = array<i32>} : memref<128xf32, #tpu.memory_space<vmem>>, vector<16xf32>,
      %get3A_295 = arith.index_cast %scan3A_135 : i32 to index
      %get3A_296 = arith.constant 112 : index
      %get3A_297 = tpu.vector_load %arg9[%get3A_295, %get3A_296] {strides = array<i32>} : memref<157x128xi32, #tpu.memory_space<vmem>>, vector<16xi32>,
      %get3A_298 = arith.index_cast %scan3A_135 : i32 to index
      %get3A_299 = arith.constant 112 : index
      %get3A_300 = tpu.vector_load %arg10[%get3A_298, %get3A_299] {strides = array<i32>} : memref<157x128xi32, #tpu.memory_space<vmem>>, vector<16xi32>,
      %gather3A_301 = arith.constant 0 : i32
      %gather3A_302 = tpu.memref_slice %arg11[%scan3A_113, %gather3A_301] : memref<2x10240xf32, #tpu.memory_space<vmem>> -> memref<1x10240xf32, #tpu.memory_space<vmem>>
      %gather3A_303 = tpu.memref_squeeze %gather3A_302 : memref<1x10240xf32, #tpu.memory_space<vmem>> -> memref<10240xf32, #tpu.memory_space<vmem>>
      %gather3A_304 = tpu.vector_load_idx %gather3A_303[%get3A_297] : memref<10240xf32, #tpu.memory_space<vmem>>[vector<16xi32>], vector<16xf32>,
      %gather3A_305 = arith.constant 0 : i32
      %gather3A_306 = tpu.memref_slice %arg12[%scan3A_114, %gather3A_305] : memref<2x10240xf32, #tpu.memory_space<vmem>> -> memref<1x10240xf32, #tpu.memory_space<vmem>>
      %gather3A_307 = tpu.memref_squeeze %gather3A_306 : memref<1x10240xf32, #tpu.memory_space<vmem>> -> memref<10240xf32, #tpu.memory_space<vmem>>
      %gather3A_308 = tpu.vector_load_idx %gather3A_307[%get3A_300] : memref<10240xf32, #tpu.memory_space<vmem>>[vector<16xi32>], vector<16xf32>,
      %add3A_309 = arith.addf %gather3A_304, %gather3A_308 : vector<16xf32>
      %mul3A_310 = arith.constant 2.000000e-01 : f32
      %mul3A_311 = vector.broadcast %mul3A_310 : f32 to vector<16xf32>
      %mul3A_312 = arith.mulf %mul3A_311, %add3A_309 : vector<16xf32>
      %max3A_313 = arith.maximumf %add3A_309, %mul3A_312 : vector<16xf32>
      %exp3A_314 = math.exp %max3A_313 : vector<16xf32>
      %swap3A_315 = arith.constant 112 : index
      %swap3A_316 = tpu.vector_load %arg15[%swap3A_315] {strides = array<i32>} : memref<128xf32, #tpu.memory_space<vmem>>, vector<16xf32>,
      tpu.vector_store %arg15[%swap3A_315], %exp3A_314 {strides = array<i32>} : memref<128xf32, #tpu.memory_space<vmem>>, vector<16xf32>,
      %dma_wait3A = arith.constant 0 : i32
      %dma_wait3A_317 = tpu.memref_slice %arg9[%scan3A_135, %dma_wait3A] : memref<157x128xi32, #tpu.memory_space<vmem>> -> memref<1x128xi32, #tpu.memory_space<vmem>>
      %dma_wait3A_318 = tpu.memref_squeeze %dma_wait3A_317 : memref<1x128xi32, #tpu.memory_space<vmem>> -> memref<128xi32, #tpu.memory_space<vmem>>
      %dma_wait3A_319 = arith.constant 0 : i32
      %dma_wait3A_320 = arith.constant 0 : i32
      %dma_wait3A_321 = tpu.memref_slice %arg2[%add3A_111, %dma_wait3A_319, %dma_wait3A_320] : memref<4x10240x32xf32, #tpu.memory_space<hbm>> -> memref<1x10240x32xf32, #tpu.memory_space<hbm>>
      %dma_wait3A_322 = tpu.memref_squeeze %dma_wait3A_321 : memref<1x10240x32xf32, #tpu.memory_space<hbm>> -> memref<10240x32xf32, #tpu.memory_space<hbm>>
      %dma_wait3A_323 = arith.constant 0 : i32
      %dma_wait3A_324 = arith.constant 0 : i32
      %dma_wait3A_325 = tpu.memref_slice %dma_wait3A_322[%dma_wait3A_323, %dma_wait3A_324] : memref<10240x32xf32, #tpu.memory_space<hbm>> -> memref<10240x32xf32, #tpu.memory_space<hbm>>
      tpu.wait_indirect_dma semaphore(%arg19 : memref<!tpu.dma_semaphore, #tpu.memory_space<semaphore_mem>>) src(%dma_wait3A_325 : memref<10240x32xf32, #tpu.memory_space<hbm>>) dst(%arg13 : memref<128x32xf32, #tpu.memory_space<vmem>>)
      %scan3A_326 = arith.constant 0 : i32
      %scan3A_327 = arith.constant 0 : i32
      %scan3A_328 = arith.constant 32 : i32
      %scan3A_329 = arith.addi %scan3A_327, %scan3A_328 : i32
      %scan3A_330 = arith.constant 1 : i32
      scf.for %scan3A_332 = %scan3A_327 to %scan3A_329 step %scan3A_330  : i32 {
        %mul3A_333 = arith.constant 4 : i32
        %mul3A_334 = arith.muli %scan3A_332, %mul3A_333 : i32
        %add3A_335 = arith.constant 0 : i32
        %add3A_336 = arith.addi %mul3A_334, %add3A_335 : i32
        %broadcast_in_dim3A_337 = arith.constant 0 : i32
        %broadcast_in_dim3A_338 = vector.broadcast %broadcast_in_dim3A_337 : i32 to vector<16xi32>
        %add3A_339 = vector.broadcast %add3A_336 : i32 to vector<16xi32>
        %add3A_340 = arith.addi %broadcast_in_dim3A_338, %add3A_339 : vector<16xi32>
        %gather3A_341 = tpu.vector_load_idx %arg15[%add3A_340] : memref<128xf32, #tpu.memory_space<vmem>>[vector<16xi32>], vector<16xf32>,
        %get3A_342 = arith.index_cast %add3A_336 : i32 to index
        %get3A_343 = arith.constant 0 : index
        %get3A_344 = tpu.vector_load %arg13[%get3A_342, %get3A_343] {strides = array<i32>} : memref<128x32xf32, #tpu.memory_space<vmem>>, vector<16xf32>,
        %mul3A_345 = arith.mulf %get3A_344, %gather3A_341 : vector<16xf32>
        %swap3A_346 = arith.index_cast %add3A_336 : i32 to index
        %swap3A_347 = arith.constant 0 : index
        %swap3A_348 = tpu.vector_load %arg13[%swap3A_346, %swap3A_347] {strides = array<i32>} : memref<128x32xf32, #tpu.memory_space<vmem>>, vector<16xf32>,
        tpu.vector_store %arg13[%swap3A_346, %swap3A_347], %mul3A_345 {strides = array<i32>} : memref<128x32xf32, #tpu.memory_space<vmem>>, vector<16xf32>,
        %get3A_349 = arith.index_cast %add3A_336 : i32 to index
        %get3A_350 = arith.constant 16 : index
        %get3A_351 = tpu.vector_load %arg13[%get3A_349, %get3A_350] {strides = array<i32>} : memref<128x32xf32, #tpu.memory_space<vmem>>, vector<16xf32>,
        %mul3A_352 = arith.mulf %get3A_351, %gather3A_341 : vector<16xf32>
        %swap3A_353 = arith.index_cast %add3A_336 : i32 to index
        %swap3A_354 = arith.constant 16 : index
        %swap3A_355 = tpu.vector_load %arg13[%swap3A_353, %swap3A_354] {strides = array<i32>} : memref<128x32xf32, #tpu.memory_space<vmem>>, vector<16xf32>,
        tpu.vector_store %arg13[%swap3A_353, %swap3A_354], %mul3A_352 {strides = array<i32>} : memref<128x32xf32, #tpu.memory_space<vmem>>, vector<16xf32>,
        %mul3A_356 = arith.constant 4 : i32
        %mul3A_357 = arith.muli %scan3A_332, %mul3A_356 : i32
        %add3A_358 = arith.constant 1 : i32
        %add3A_359 = arith.addi %mul3A_357, %add3A_358 : i32
        %broadcast_in_dim3A_360 = arith.constant 0 : i32
        %broadcast_in_dim3A_361 = vector.broadcast %broadcast_in_dim3A_360 : i32 to vector<16xi32>
        %add3A_362 = vector.broadcast %add3A_359 : i32 to vector<16xi32>
        %add3A_363 = arith.addi %broadcast_in_dim3A_361, %add3A_362 : vector<16xi32>
        %gather3A_364 = tpu.vector_load_idx %arg15[%add3A_363] : memref<128xf32, #tpu.memory_space<vmem>>[vector<16xi32>], vector<16xf32>,
        %get3A_365 = arith.index_cast %add3A_359 : i32 to index
        %get3A_366 = arith.constant 0 : index
        %get3A_367 = tpu.vector_load %arg13[%get3A_365, %get3A_366] {strides = array<i32>} : memref<128x32xf32, #tpu.memory_space<vmem>>, vector<16xf32>,
        %mul3A_368 = arith.mulf %get3A_367, %gather3A_364 : vector<16xf32>
        %swap3A_369 = arith.index_cast %add3A_359 : i32 to index
        %swap3A_370 = arith.constant 0 : index
        %swap3A_371 = tpu.vector_load %arg13[%swap3A_369, %swap3A_370] {strides = array<i32>} : memref<128x32xf32, #tpu.memory_space<vmem>>, vector<16xf32>,
        tpu.vector_store %arg13[%swap3A_369, %swap3A_370], %mul3A_368 {strides = array<i32>} : memref<128x32xf32, #tpu.memory_space<vmem>>, vector<16xf32>,
        %get3A_372 = arith.index_cast %add3A_359 : i32 to index
        %get3A_373 = arith.constant 16 : index
        %get3A_374 = tpu.vector_load %arg13[%get3A_372, %get3A_373] {strides = array<i32>} : memref<128x32xf32, #tpu.memory_space<vmem>>, vector<16xf32>,
        %mul3A_375 = arith.mulf %get3A_374, %gather3A_364 : vector<16xf32>
        %swap3A_376 = arith.index_cast %add3A_359 : i32 to index
        %swap3A_377 = arith.constant 16 : index
        %swap3A_378 = tpu.vector_load %arg13[%swap3A_376, %swap3A_377] {strides = array<i32>} : memref<128x32xf32, #tpu.memory_space<vmem>>, vector<16xf32>,
        tpu.vector_store %arg13[%swap3A_376, %swap3A_377], %mul3A_375 {strides = array<i32>} : memref<128x32xf32, #tpu.memory_space<vmem>>, vector<16xf32>,
        %mul3A_379 = arith.constant 4 : i32
        %mul3A_380 = arith.muli %scan3A_332, %mul3A_379 : i32
        %add3A_381 = arith.constant 2 : i32
        %add3A_382 = arith.addi %mul3A_380, %add3A_381 : i32
        %broadcast_in_dim3A_383 = arith.constant 0 : i32
        %broadcast_in_dim3A_384 = vector.broadcast %broadcast_in_dim3A_383 : i32 to vector<16xi32>
        %add3A_385 = vector.broadcast %add3A_382 : i32 to vector<16xi32>
        %add3A_386 = arith.addi %broadcast_in_dim3A_384, %add3A_385 : vector<16xi32>
        %gather3A_387 = tpu.vector_load_idx %arg15[%add3A_386] : memref<128xf32, #tpu.memory_space<vmem>>[vector<16xi32>], vector<16xf32>,
        %get3A_388 = arith.index_cast %add3A_382 : i32 to index
        %get3A_389 = arith.constant 0 : index
        %get3A_390 = tpu.vector_load %arg13[%get3A_388, %get3A_389] {strides = array<i32>} : memref<128x32xf32, #tpu.memory_space<vmem>>, vector<16xf32>,
        %mul3A_391 = arith.mulf %get3A_390, %gather3A_387 : vector<16xf32>
        %swap3A_392 = arith.index_cast %add3A_382 : i32 to index
        %swap3A_393 = arith.constant 0 : index
        %swap3A_394 = tpu.vector_load %arg13[%swap3A_392, %swap3A_393] {strides = array<i32>} : memref<128x32xf32, #tpu.memory_space<vmem>>, vector<16xf32>,
        tpu.vector_store %arg13[%swap3A_392, %swap3A_393], %mul3A_391 {strides = array<i32>} : memref<128x32xf32, #tpu.memory_space<vmem>>, vector<16xf32>,
        %get3A_395 = arith.index_cast %add3A_382 : i32 to index
        %get3A_396 = arith.constant 16 : index
        %get3A_397 = tpu.vector_load %arg13[%get3A_395, %get3A_396] {strides = array<i32>} : memref<128x32xf32, #tpu.memory_space<vmem>>, vector<16xf32>,
        %mul3A_398 = arith.mulf %get3A_397, %gather3A_387 : vector<16xf32>
        %swap3A_399 = arith.index_cast %add3A_382 : i32 to index
        %swap3A_400 = arith.constant 16 : index
        %swap3A_401 = tpu.vector_load %arg13[%swap3A_399, %swap3A_400] {strides = array<i32>} : memref<128x32xf32, #tpu.memory_space<vmem>>, vector<16xf32>,
        tpu.vector_store %arg13[%swap3A_399, %swap3A_400], %mul3A_398 {strides = array<i32>} : memref<128x32xf32, #tpu.memory_space<vmem>>, vector<16xf32>,
        %mul3A_402 = arith.constant 4 : i32
        %mul3A_403 = arith.muli %scan3A_332, %mul3A_402 : i32
        %add3A_404 = arith.constant 3 : i32
        %add3A_405 = arith.addi %mul3A_403, %add3A_404 : i32
        %broadcast_in_dim3A_406 = arith.constant 0 : i32
        %broadcast_in_dim3A_407 = vector.broadcast %broadcast_in_dim3A_406 : i32 to vector<16xi32>
        %add3A_408 = vector.broadcast %add3A_405 : i32 to vector<16xi32>
        %add3A_409 = arith.addi %broadcast_in_dim3A_407, %add3A_408 : vector<16xi32>
        %gather3A_410 = tpu.vector_load_idx %arg15[%add3A_409] : memref<128xf32, #tpu.memory_space<vmem>>[vector<16xi32>], vector<16xf32>,
        %get3A_411 = arith.index_cast %add3A_405 : i32 to index
        %get3A_412 = arith.constant 0 : index
        %get3A_413 = tpu.vector_load %arg13[%get3A_411, %get3A_412] {strides = array<i32>} : memref<128x32xf32, #tpu.memory_space<vmem>>, vector<16xf32>,
        %mul3A_414 = arith.mulf %get3A_413, %gather3A_410 : vector<16xf32>
        %swap3A_415 = arith.index_cast %add3A_405 : i32 to index
        %swap3A_416 = arith.constant 0 : index
        %swap3A_417 = tpu.vector_load %arg13[%swap3A_415, %swap3A_416] {strides = array<i32>} : memref<128x32xf32, #tpu.memory_space<vmem>>, vector<16xf32>,
        tpu.vector_store %arg13[%swap3A_415, %swap3A_416], %mul3A_414 {strides = array<i32>} : memref<128x32xf32, #tpu.memory_space<vmem>>, vector<16xf32>,
        %get3A_418 = arith.index_cast %add3A_405 : i32 to index
        %get3A_419 = arith.constant 16 : index
        %get3A_420 = tpu.vector_load %arg13[%get3A_418, %get3A_419] {strides = array<i32>} : memref<128x32xf32, #tpu.memory_space<vmem>>, vector<16xf32>,
        %mul3A_421 = arith.mulf %get3A_420, %gather3A_410 : vector<16xf32>
        %swap3A_422 = arith.index_cast %add3A_405 : i32 to index
        %swap3A_423 = arith.constant 16 : index
        %swap3A_424 = tpu.vector_load %arg13[%swap3A_422, %swap3A_423] {strides = array<i32>} : memref<128x32xf32, #tpu.memory_space<vmem>>, vector<16xf32>,
        tpu.vector_store %arg13[%swap3A_422, %swap3A_423], %mul3A_421 {strides = array<i32>} : memref<128x32xf32, #tpu.memory_space<vmem>>, vector<16xf32>,
      }
      %scan3A_331 = arith.constant 32 : i32
      "tpu.region"() ({
        %run_scoped3A_332 = tpu.sem_alloc : memref<!tpu.dma_semaphore, #tpu.memory_space<semaphore_mem>>
        %dma_start3A_333 = arith.constant 0 : i32
        %dma_start3A_334 = tpu.memref_slice %arg10[%scan3A_135, %dma_start3A_333] : memref<157x128xi32, #tpu.memory_space<vmem>> -> memref<1x128xi32, #tpu.memory_space<vmem>>
        %dma_start3A_335 = tpu.memref_squeeze %dma_start3A_334 : memref<1x128xi32, #tpu.memory_space<vmem>> -> memref<128xi32, #tpu.memory_space<vmem>>
        %dma_start3A_336 = arith.constant 0 : i32
        %dma_start3A_337 = arith.constant 0 : i32
        %dma_start3A_338 = tpu.memref_slice %arg17[%scan3A_115, %dma_start3A_336, %dma_start3A_337] : memref<2x10240x32xf32, #tpu.memory_space<vmem_shared>> -> memref<1x10240x32xf32, #tpu.memory_space<vmem_shared>>
        %dma_start3A_339 = tpu.memref_squeeze %dma_start3A_338 : memref<1x10240x32xf32, #tpu.memory_space<vmem_shared>> -> memref<10240x32xf32, #tpu.memory_space<vmem_shared>>
        %dma_start3A_340 = arith.constant 0 : i32
        %dma_start3A_341 = arith.constant 0 : i32
        %dma_start3A_342 = tpu.memref_slice %dma_start3A_339[%dma_start3A_340, %dma_start3A_341] : memref<10240x32xf32, #tpu.memory_space<vmem_shared>> -> memref<10240x32xf32, #tpu.memory_space<vmem_shared>>
        tpu.enqueue_indirect_dma source(%arg13 : memref<128x32xf32, #tpu.memory_space<vmem>>) target(%dma_start3A_342 : memref<10240x32xf32, #tpu.memory_space<vmem_shared>>) offsets(%dma_start3A_335 : memref<128xi32, #tpu.memory_space<vmem>>) semaphore(%run_scoped3A_332 : memref<!tpu.dma_semaphore, #tpu.memory_space<semaphore_mem>>) {add = true}
        %dma_wait3A_343 = arith.constant 0 : i32
        %dma_wait3A_344 = tpu.memref_slice %arg10[%scan3A_135, %dma_wait3A_343] : memref<157x128xi32, #tpu.memory_space<vmem>> -> memref<1x128xi32, #tpu.memory_space<vmem>>
        %dma_wait3A_345 = tpu.memref_squeeze %dma_wait3A_344 : memref<1x128xi32, #tpu.memory_space<vmem>> -> memref<128xi32, #tpu.memory_space<vmem>>
        %dma_wait3A_346 = arith.constant 0 : i32
        %dma_wait3A_347 = arith.constant 0 : i32
        %dma_wait3A_348 = tpu.memref_slice %arg17[%scan3A_115, %dma_wait3A_346, %dma_wait3A_347] : memref<2x10240x32xf32, #tpu.memory_space<vmem_shared>> -> memref<1x10240x32xf32, #tpu.memory_space<vmem_shared>>
        %dma_wait3A_349 = tpu.memref_squeeze %dma_wait3A_348 : memref<1x10240x32xf32, #tpu.memory_space<vmem_shared>> -> memref<10240x32xf32, #tpu.memory_space<vmem_shared>>
        %dma_wait3A_350 = arith.constant 0 : i32
        %dma_wait3A_351 = arith.constant 0 : i32
        %dma_wait3A_352 = tpu.memref_slice %dma_wait3A_349[%dma_wait3A_350, %dma_wait3A_351] : memref<10240x32xf32, #tpu.memory_space<vmem_shared>> -> memref<10240x32xf32, #tpu.memory_space<vmem_shared>>
        tpu.wait_indirect_dma semaphore(%run_scoped3A_332 : memref<!tpu.dma_semaphore, #tpu.memory_space<semaphore_mem>>) src(%arg13 : memref<128x32xf32, #tpu.memory_space<vmem>>) dst(%dma_wait3A_352 : memref<10240x32xf32, #tpu.memory_space<vmem_shared>>)
        tpu.yield
      }) : () -> ()
      "tpu.region"() ({
        %run_scoped3A_332 = tpu.sem_alloc : memref<!tpu.dma_semaphore, #tpu.memory_space<semaphore_mem>>
        %dma_start3A_333 = arith.constant 0 : i32
        %dma_start3A_334 = tpu.memref_slice %arg10[%scan3A_135, %dma_start3A_333] : memref<157x128xi32, #tpu.memory_space<vmem>> -> memref<1x128xi32, #tpu.memory_space<vmem>>
        %dma_start3A_335 = tpu.memref_squeeze %dma_start3A_334 : memref<1x128xi32, #tpu.memory_space<vmem>> -> memref<128xi32, #tpu.memory_space<vmem>>
        %dma_start3A_336 = arith.constant 0 : i32
        %dma_start3A_337 = tpu.memref_slice %arg18[%scan3A_116, %dma_start3A_336] : memref<2x10240xf32, #tpu.memory_space<vmem_shared>> -> memref<1x10240xf32, #tpu.memory_space<vmem_shared>>
        %dma_start3A_338 = tpu.memref_squeeze %dma_start3A_337 : memref<1x10240xf32, #tpu.memory_space<vmem_shared>> -> memref<10240xf32, #tpu.memory_space<vmem_shared>>
        %dma_start3A_339 = arith.constant 0 : i32
        %dma_start3A_340 = tpu.memref_slice %dma_start3A_338[%dma_start3A_339] : memref<10240xf32, #tpu.memory_space<vmem_shared>> -> memref<10240xf32, #tpu.memory_space<vmem_shared>>
        tpu.enqueue_indirect_dma source(%arg15 : memref<128xf32, #tpu.memory_space<vmem>>) target(%dma_start3A_340 : memref<10240xf32, #tpu.memory_space<vmem_shared>>) offsets(%dma_start3A_335 : memref<128xi32, #tpu.memory_space<vmem>>) semaphore(%run_scoped3A_332 : memref<!tpu.dma_semaphore, #tpu.memory_space<semaphore_mem>>) {add = true}
        %dma_wait3A_341 = arith.constant 0 : i32
        %dma_wait3A_342 = tpu.memref_slice %arg10[%scan3A_135, %dma_wait3A_341] : memref<157x128xi32, #tpu.memory_space<vmem>> -> memref<1x128xi32, #tpu.memory_space<vmem>>
        %dma_wait3A_343 = tpu.memref_squeeze %dma_wait3A_342 : memref<1x128xi32, #tpu.memory_space<vmem>> -> memref<128xi32, #tpu.memory_space<vmem>>
        %dma_wait3A_344 = arith.constant 0 : i32
        %dma_wait3A_345 = tpu.memref_slice %arg18[%scan3A_116, %dma_wait3A_344] : memref<2x10240xf32, #tpu.memory_space<vmem_shared>> -> memref<1x10240xf32, #tpu.memory_space<vmem_shared>>
        %dma_wait3A_346 = tpu.memref_squeeze %dma_wait3A_345 : memref<1x10240xf32, #tpu.memory_space<vmem_shared>> -> memref<10240xf32, #tpu.memory_space<vmem_shared>>
        %dma_wait3A_347 = arith.constant 0 : i32
        %dma_wait3A_348 = tpu.memref_slice %dma_wait3A_346[%dma_wait3A_347] : memref<10240xf32, #tpu.memory_space<vmem_shared>> -> memref<10240xf32, #tpu.memory_space<vmem_shared>>
        tpu.wait_indirect_dma semaphore(%run_scoped3A_332 : memref<!tpu.dma_semaphore, #tpu.memory_space<semaphore_mem>>) src(%arg15 : memref<128xf32, #tpu.memory_space<vmem>>) dst(%dma_wait3A_348 : memref<10240xf32, #tpu.memory_space<vmem_shared>>)
        tpu.yield
      }) : () -> ()
    }
    %scan3A_121 = arith.constant 157 : i32
    %barrier3A_122 = arith.constant 0 : index
    tpu.barrier barrier_id(%barrier3A_122)
    %mul3A_123 = arith.constant 2 : i32
    %mul3A_124 = arith.muli %mul3A_123, %arg0 : i32
    %add3A_125 = arith.constant 0 : i32
    %add3A_126 = arith.addi %mul3A_124, %add3A_125 : i32
    %run_scoped3A_127 = arith.constant 0 : i32
    "tpu.region"() ({
      %run_scoped3A_135 = tpu.sem_alloc : memref<!tpu.dma_semaphore, #tpu.memory_space<semaphore_mem>>
      %dma_start3A = arith.constant 0 : i32
      %dma_start3A_136 = arith.constant 0 : i32
      %dma_start3A_137 = tpu.memref_slice %arg7[%add3A_126, %dma_start3A, %dma_start3A_136] : memref<4x10240x32xf32, #tpu.memory_space<hbm>> -> memref<1x10240x32xf32, #tpu.memory_space<hbm>>
      %dma_start3A_138 = tpu.memref_squeeze %dma_start3A_137 : memref<1x10240x32xf32, #tpu.memory_space<hbm>> -> memref<10240x32xf32, #tpu.memory_space<hbm>>
      %dma_start3A_139 = arith.constant 0 : i32
      %dma_start3A_140 = tpu.memref_slice %dma_start3A_138[%mul3A_0, %dma_start3A_139] : memref<10240x32xf32, #tpu.memory_space<hbm>> -> memref<640x32xf32, #tpu.memory_space<hbm>>
      %dma_start3A_141 = arith.constant 0 : i32
      %dma_start3A_142 = arith.constant 0 : i32
      %dma_start3A_143 = tpu.memref_slice %arg17[%run_scoped3A_127, %dma_start3A_141, %dma_start3A_142] : memref<2x10240x32xf32, #tpu.memory_space<vmem_shared>> -> memref<1x10240x32xf32, #tpu.memory_space<vmem_shared>>
      %dma_start3A_144 = tpu.memref_squeeze %dma_start3A_143 : memref<1x10240x32xf32, #tpu.memory_space<vmem_shared>> -> memref<10240x32xf32, #tpu.memory_space<vmem_shared>>
      %dma_start3A_145 = arith.constant 0 : i32
      %dma_start3A_146 = tpu.memref_slice %dma_start3A_144[%mul3A_0, %dma_start3A_145] : memref<10240x32xf32, #tpu.memory_space<vmem_shared>> -> memref<640x32xf32, #tpu.memory_space<vmem_shared>>
      tpu.enqueue_dma source(%dma_start3A_146 : memref<640x32xf32, #tpu.memory_space<vmem_shared>>) target(%dma_start3A_140 : memref<640x32xf32, #tpu.memory_space<hbm>>) target_semaphore(%run_scoped3A_135 : memref<!tpu.dma_semaphore, #tpu.memory_space<semaphore_mem>>)
      %dma_wait3A = arith.constant 0 : i32
      %dma_wait3A_147 = arith.constant 0 : i32
      %dma_wait3A_148 = tpu.memref_slice %arg7[%add3A_126, %dma_wait3A, %dma_wait3A_147] : memref<4x10240x32xf32, #tpu.memory_space<hbm>> -> memref<1x10240x32xf32, #tpu.memory_space<hbm>>
      %dma_wait3A_149 = tpu.memref_squeeze %dma_wait3A_148 : memref<1x10240x32xf32, #tpu.memory_space<hbm>> -> memref<10240x32xf32, #tpu.memory_space<hbm>>
      %dma_wait3A_150 = arith.constant 0 : i32
      %dma_wait3A_151 = tpu.memref_slice %dma_wait3A_149[%mul3A_0, %dma_wait3A_150] : memref<10240x32xf32, #tpu.memory_space<hbm>> -> memref<640x32xf32, #tpu.memory_space<hbm>>
      %dma_wait3A_152 = arith.constant 0 : i32
      %dma_wait3A_153 = arith.constant 0 : i32
      %dma_wait3A_154 = tpu.memref_slice %arg17[%run_scoped3A_127, %dma_wait3A_152, %dma_wait3A_153] : memref<2x10240x32xf32, #tpu.memory_space<vmem_shared>> -> memref<1x10240x32xf32, #tpu.memory_space<vmem_shared>>
      %dma_wait3A_155 = tpu.memref_squeeze %dma_wait3A_154 : memref<1x10240x32xf32, #tpu.memory_space<vmem_shared>> -> memref<10240x32xf32, #tpu.memory_space<vmem_shared>>
      %dma_wait3A_156 = arith.constant 0 : i32
      %dma_wait3A_157 = tpu.memref_slice %dma_wait3A_155[%mul3A_0, %dma_wait3A_156] : memref<10240x32xf32, #tpu.memory_space<vmem_shared>> -> memref<640x32xf32, #tpu.memory_space<vmem_shared>>
      tpu.wait_dma2 semaphore(%run_scoped3A_135 : memref<!tpu.dma_semaphore, #tpu.memory_space<semaphore_mem>>) src(%dma_wait3A_157 : memref<640x32xf32, #tpu.memory_space<vmem_shared>>) dst(%dma_wait3A_151 : memref<640x32xf32, #tpu.memory_space<hbm>>)
      tpu.yield
    }) : () -> ()
    %run_scoped3A_128 = arith.constant 0 : i32
    "tpu.region"() ({
      %run_scoped3A_135 = tpu.sem_alloc : memref<!tpu.dma_semaphore, #tpu.memory_space<semaphore_mem>>
      %dma_start3A = arith.constant 0 : i32
      %dma_start3A_136 = tpu.memref_slice %arg8[%add3A_126, %dma_start3A] : memref<4x10240xf32, #tpu.memory_space<hbm>> -> memref<1x10240xf32, #tpu.memory_space<hbm>>
      %dma_start3A_137 = tpu.memref_squeeze %dma_start3A_136 : memref<1x10240xf32, #tpu.memory_space<hbm>> -> memref<10240xf32, #tpu.memory_space<hbm>>
      %dma_start3A_138 = tpu.memref_slice %dma_start3A_137[%mul3A_0] : memref<10240xf32, #tpu.memory_space<hbm>> -> memref<640xf32, #tpu.memory_space<hbm>>
      %dma_start3A_139 = arith.constant 0 : i32
      %dma_start3A_140 = tpu.memref_slice %arg18[%run_scoped3A_128, %dma_start3A_139] : memref<2x10240xf32, #tpu.memory_space<vmem_shared>> -> memref<1x10240xf32, #tpu.memory_space<vmem_shared>>
      %dma_start3A_141 = tpu.memref_squeeze %dma_start3A_140 : memref<1x10240xf32, #tpu.memory_space<vmem_shared>> -> memref<10240xf32, #tpu.memory_space<vmem_shared>>
      %dma_start3A_142 = tpu.memref_slice %dma_start3A_141[%mul3A_0] : memref<10240xf32, #tpu.memory_space<vmem_shared>> -> memref<640xf32, #tpu.memory_space<vmem_shared>>
      tpu.enqueue_dma source(%dma_start3A_142 : memref<640xf32, #tpu.memory_space<vmem_shared>>) target(%dma_start3A_138 : memref<640xf32, #tpu.memory_space<hbm>>) target_semaphore(%run_scoped3A_135 : memref<!tpu.dma_semaphore, #tpu.memory_space<semaphore_mem>>)
      %dma_wait3A = arith.constant 0 : i32
      %dma_wait3A_143 = tpu.memref_slice %arg8[%add3A_126, %dma_wait3A] : memref<4x10240xf32, #tpu.memory_space<hbm>> -> memref<1x10240xf32, #tpu.memory_space<hbm>>
      %dma_wait3A_144 = tpu.memref_squeeze %dma_wait3A_143 : memref<1x10240xf32, #tpu.memory_space<hbm>> -> memref<10240xf32, #tpu.memory_space<hbm>>
      %dma_wait3A_145 = tpu.memref_slice %dma_wait3A_144[%mul3A_0] : memref<10240xf32, #tpu.memory_space<hbm>> -> memref<640xf32, #tpu.memory_space<hbm>>
      %dma_wait3A_146 = arith.constant 0 : i32
      %dma_wait3A_147 = tpu.memref_slice %arg18[%run_scoped3A_128, %dma_wait3A_146] : memref<2x10240xf32, #tpu.memory_space<vmem_shared>> -> memref<1x10240xf32, #tpu.memory_space<vmem_shared>>
      %dma_wait3A_148 = tpu.memref_squeeze %dma_wait3A_147 : memref<1x10240xf32, #tpu.memory_space<vmem_shared>> -> memref<10240xf32, #tpu.memory_space<vmem_shared>>
      %dma_wait3A_149 = tpu.memref_slice %dma_wait3A_148[%mul3A_0] : memref<10240xf32, #tpu.memory_space<vmem_shared>> -> memref<640xf32, #tpu.memory_space<vmem_shared>>
      tpu.wait_dma2 semaphore(%run_scoped3A_135 : memref<!tpu.dma_semaphore, #tpu.memory_space<semaphore_mem>>) src(%dma_wait3A_149 : memref<640xf32, #tpu.memory_space<vmem_shared>>) dst(%dma_wait3A_145 : memref<640xf32, #tpu.memory_space<hbm>>)
      tpu.yield
    }) : () -> ()
    %mul3A_129 = arith.constant 2 : i32
    %mul3A_130 = arith.muli %mul3A_129, %arg0 : i32
    %add3A_131 = arith.constant 1 : i32
    %add3A_132 = arith.addi %mul3A_130, %add3A_131 : i32
    %run_scoped3A_133 = arith.constant 1 : i32
    "tpu.region"() ({
      %run_scoped3A_135 = tpu.sem_alloc : memref<!tpu.dma_semaphore, #tpu.memory_space<semaphore_mem>>
      %dma_start3A = arith.constant 0 : i32
      %dma_start3A_136 = arith.constant 0 : i32
      %dma_start3A_137 = tpu.memref_slice %arg7[%add3A_132, %dma_start3A, %dma_start3A_136] : memref<4x10240x32xf32, #tpu.memory_space<hbm>> -> memref<1x10240x32xf32, #tpu.memory_space<hbm>>
      %dma_start3A_138 = tpu.memref_squeeze %dma_start3A_137 : memref<1x10240x32xf32, #tpu.memory_space<hbm>> -> memref<10240x32xf32, #tpu.memory_space<hbm>>
      %dma_start3A_139 = arith.constant 0 : i32
      %dma_start3A_140 = tpu.memref_slice %dma_start3A_138[%mul3A_0, %dma_start3A_139] : memref<10240x32xf32, #tpu.memory_space<hbm>> -> memref<640x32xf32, #tpu.memory_space<hbm>>
      %dma_start3A_141 = arith.constant 0 : i32
      %dma_start3A_142 = arith.constant 0 : i32
      %dma_start3A_143 = tpu.memref_slice %arg17[%run_scoped3A_133, %dma_start3A_141, %dma_start3A_142] : memref<2x10240x32xf32, #tpu.memory_space<vmem_shared>> -> memref<1x10240x32xf32, #tpu.memory_space<vmem_shared>>
      %dma_start3A_144 = tpu.memref_squeeze %dma_start3A_143 : memref<1x10240x32xf32, #tpu.memory_space<vmem_shared>> -> memref<10240x32xf32, #tpu.memory_space<vmem_shared>>
      %dma_start3A_145 = arith.constant 0 : i32
      %dma_start3A_146 = tpu.memref_slice %dma_start3A_144[%mul3A_0, %dma_start3A_145] : memref<10240x32xf32, #tpu.memory_space<vmem_shared>> -> memref<640x32xf32, #tpu.memory_space<vmem_shared>>
      tpu.enqueue_dma source(%dma_start3A_146 : memref<640x32xf32, #tpu.memory_space<vmem_shared>>) target(%dma_start3A_140 : memref<640x32xf32, #tpu.memory_space<hbm>>) target_semaphore(%run_scoped3A_135 : memref<!tpu.dma_semaphore, #tpu.memory_space<semaphore_mem>>)
      %dma_wait3A = arith.constant 0 : i32
      %dma_wait3A_147 = arith.constant 0 : i32
      %dma_wait3A_148 = tpu.memref_slice %arg7[%add3A_132, %dma_wait3A, %dma_wait3A_147] : memref<4x10240x32xf32, #tpu.memory_space<hbm>> -> memref<1x10240x32xf32, #tpu.memory_space<hbm>>
      %dma_wait3A_149 = tpu.memref_squeeze %dma_wait3A_148 : memref<1x10240x32xf32, #tpu.memory_space<hbm>> -> memref<10240x32xf32, #tpu.memory_space<hbm>>
      %dma_wait3A_150 = arith.constant 0 : i32
      %dma_wait3A_151 = tpu.memref_slice %dma_wait3A_149[%mul3A_0, %dma_wait3A_150] : memref<10240x32xf32, #tpu.memory_space<hbm>> -> memref<640x32xf32, #tpu.memory_space<hbm>>
      %dma_wait3A_152 = arith.constant 0 : i32
      %dma_wait3A_153 = arith.constant 0 : i32
      %dma_wait3A_154 = tpu.memref_slice %arg17[%run_scoped3A_133, %dma_wait3A_152, %dma_wait3A_153] : memref<2x10240x32xf32, #tpu.memory_space<vmem_shared>> -> memref<1x10240x32xf32, #tpu.memory_space<vmem_shared>>
      %dma_wait3A_155 = tpu.memref_squeeze %dma_wait3A_154 : memref<1x10240x32xf32, #tpu.memory_space<vmem_shared>> -> memref<10240x32xf32, #tpu.memory_space<vmem_shared>>
      %dma_wait3A_156 = arith.constant 0 : i32
      %dma_wait3A_157 = tpu.memref_slice %dma_wait3A_155[%mul3A_0, %dma_wait3A_156] : memref<10240x32xf32, #tpu.memory_space<vmem_shared>> -> memref<640x32xf32, #tpu.memory_space<vmem_shared>>
      tpu.wait_dma2 semaphore(%run_scoped3A_135 : memref<!tpu.dma_semaphore, #tpu.memory_space<semaphore_mem>>) src(%dma_wait3A_157 : memref<640x32xf32, #tpu.memory_space<vmem_shared>>) dst(%dma_wait3A_151 : memref<640x32xf32, #tpu.memory_space<hbm>>)
      tpu.yield
    }) : () -> ()
    %run_scoped3A_134 = arith.constant 1 : i32
    "tpu.region"() ({
      %run_scoped3A_135 = tpu.sem_alloc : memref<!tpu.dma_semaphore, #tpu.memory_space<semaphore_mem>>
      %dma_start3A = arith.constant 0 : i32
      %dma_start3A_136 = tpu.memref_slice %arg8[%add3A_132, %dma_start3A] : memref<4x10240xf32, #tpu.memory_space<hbm>> -> memref<1x10240xf32, #tpu.memory_space<hbm>>
      %dma_start3A_137 = tpu.memref_squeeze %dma_start3A_136 : memref<1x10240xf32, #tpu.memory_space<hbm>> -> memref<10240xf32, #tpu.memory_space<hbm>>
      %dma_start3A_138 = tpu.memref_slice %dma_start3A_137[%mul3A_0] : memref<10240xf32, #tpu.memory_space<hbm>> -> memref<640xf32, #tpu.memory_space<hbm>>
      %dma_start3A_139 = arith.constant 0 : i32
      %dma_start3A_140 = tpu.memref_slice %arg18[%run_scoped3A_134, %dma_start3A_139] : memref<2x10240xf32, #tpu.memory_space<vmem_shared>> -> memref<1x10240xf32, #tpu.memory_space<vmem_shared>>
      %dma_start3A_141 = tpu.memref_squeeze %dma_start3A_140 : memref<1x10240xf32, #tpu.memory_space<vmem_shared>> -> memref<10240xf32, #tpu.memory_space<vmem_shared>>
      %dma_start3A_142 = tpu.memref_slice %dma_start3A_141[%mul3A_0] : memref<10240xf32, #tpu.memory_space<vmem_shared>> -> memref<640xf32, #tpu.memory_space<vmem_shared>>
      tpu.enqueue_dma source(%dma_start3A_142 : memref<640xf32, #tpu.memory_space<vmem_shared>>) target(%dma_start3A_138 : memref<640xf32, #tpu.memory_space<hbm>>) target_semaphore(%run_scoped3A_135 : memref<!tpu.dma_semaphore, #tpu.memory_space<semaphore_mem>>)
      %dma_wait3A = arith.constant 0 : i32
      %dma_wait3A_143 = tpu.memref_slice %arg8[%add3A_132, %dma_wait3A] : memref<4x10240xf32, #tpu.memory_space<hbm>> -> memref<1x10240xf32, #tpu.memory_space<hbm>>
      %dma_wait3A_144 = tpu.memref_squeeze %dma_wait3A_143 : memref<1x10240xf32, #tpu.memory_space<hbm>> -> memref<10240xf32, #tpu.memory_space<hbm>>
      %dma_wait3A_145 = tpu.memref_slice %dma_wait3A_144[%mul3A_0] : memref<10240xf32, #tpu.memory_space<hbm>> -> memref<640xf32, #tpu.memory_space<hbm>>
      %dma_wait3A_146 = arith.constant 0 : i32
      %dma_wait3A_147 = tpu.memref_slice %arg18[%run_scoped3A_134, %dma_wait3A_146] : memref<2x10240xf32, #tpu.memory_space<vmem_shared>> -> memref<1x10240xf32, #tpu.memory_space<vmem_shared>>
      %dma_wait3A_148 = tpu.memref_squeeze %dma_wait3A_147 : memref<1x10240xf32, #tpu.memory_space<vmem_shared>> -> memref<10240xf32, #tpu.memory_space<vmem_shared>>
      %dma_wait3A_149 = tpu.memref_slice %dma_wait3A_148[%mul3A_0] : memref<10240xf32, #tpu.memory_space<vmem_shared>> -> memref<640xf32, #tpu.memory_space<vmem_shared>>
      tpu.wait_dma2 semaphore(%run_scoped3A_135 : memref<!tpu.dma_semaphore, #tpu.memory_space<semaphore_mem>>) src(%dma_wait3A_149 : memref<640xf32, #tpu.memory_space<vmem_shared>>) dst(%dma_wait3A_145 : memref<640xf32, #tpu.memory_space<hbm>>)
      tpu.yield
    }) : () -> ()
    return
  }
}

#map = affine_map<(d0, d1) -> (0, 0)>
#map1 = affine_map<(d0, d1) -> (0)>
#map2 = affine_map<(d0, d1) -> (0, 0, 0)>
module attributes {stable_mosaic.version = 14 : i64} {
  func.func @_sc2_body(%arg0: i32, %arg1: i32, %arg2: memref<10240x48xf32, #tpu.memory_space<hbm>>, %arg3: memref<10240xf32, #tpu.memory_space<hbm>>, %arg4: memref<10240xf32, #tpu.memory_space<hbm>>, %arg5: memref<32x79x128xi32, #tpu.memory_space<hbm>>, %arg6: memref<32x79x128xi32, #tpu.memory_space<hbm>>, %arg7: memref<2x10240x48xf32, #tpu.memory_space<hbm>>, %arg8: memref<2x10240xf32, #tpu.memory_space<hbm>>, %arg9: memref<79x128xi32, #tpu.memory_space<vmem>>, %arg10: memref<79x128xi32, #tpu.memory_space<vmem>>, %arg11: memref<10240xf32, #tpu.memory_space<vmem>>, %arg12: memref<10240xf32, #tpu.memory_space<vmem>>, %arg13: memref<128x48xf32, #tpu.memory_space<vmem>>, %arg14: memref<128x48xf32, #tpu.memory_space<vmem>>, %arg15: memref<128xf32, #tpu.memory_space<vmem>>, %arg16: memref<128xf32, #tpu.memory_space<vmem>>, %arg17: memref<10240x48xf32, #tpu.memory_space<vmem_shared>>, %arg18: memref<10240xf32, #tpu.memory_space<vmem_shared>>, %arg19: memref<!tpu.dma_semaphore, #tpu.memory_space<semaphore_mem>>, %arg20: memref<!tpu.dma_semaphore, #tpu.memory_space<semaphore_mem>>) attributes {dimension_semantics = [#tpu.dimension_semantics<core_parallel>, #tpu.dimension_semantics<subcore_parallel>], iteration_bounds = array<i64: 2, 16>, scalar_prefetch = 0 : i64, scratch_operands = 12 : i64, tpu.core_type = #tpu.core_type<sc_vector_subcore>, window_params = [{transform_indices = #map}, {transform_indices = #map1}, {transform_indices = #map1}, {transform_indices = #map2}, {transform_indices = #map2}, {transform_indices = #map2}, {transform_indices = #map}]} {
    %mul3A = arith.constant 2 : i32
    %mul3A_0 = arith.muli %arg1, %mul3A : i32
    %add3A = arith.addi %mul3A_0, %arg0 : i32
    %mul3A_1 = arith.constant 640 : i32
    %mul3A_2 = arith.muli %arg1, %mul3A_1 : i32
    "tpu.region"() ({
      %run_scoped3A = tpu.sem_alloc : memref<!tpu.dma_semaphore, #tpu.memory_space<semaphore_mem>>
      %dma_start3A = arith.constant 0 : i32
      %dma_start3A_53 = arith.constant 0 : i32
      %dma_start3A_54 = tpu.memref_slice %arg5[%add3A, %dma_start3A, %dma_start3A_53] : memref<32x79x128xi32, #tpu.memory_space<hbm>> -> memref<1x79x128xi32, #tpu.memory_space<hbm>>
      %dma_start3A_55 = tpu.memref_squeeze %dma_start3A_54 : memref<1x79x128xi32, #tpu.memory_space<hbm>> -> memref<79x128xi32, #tpu.memory_space<hbm>>
      %dma_start3A_56 = arith.constant 0 : i32
      %dma_start3A_57 = arith.constant 0 : i32
      %dma_start3A_58 = tpu.memref_slice %arg5[%add3A, %dma_start3A_56, %dma_start3A_57] : memref<32x79x128xi32, #tpu.memory_space<hbm>> -> memref<1x79x128xi32, #tpu.memory_space<hbm>>
      %dma_start3A_59 = tpu.memref_squeeze %dma_start3A_58 : memref<1x79x128xi32, #tpu.memory_space<hbm>> -> memref<79x128xi32, #tpu.memory_space<hbm>>
      tpu.enqueue_dma source(%dma_start3A_59 : memref<79x128xi32, #tpu.memory_space<hbm>>) target(%arg9 : memref<79x128xi32, #tpu.memory_space<vmem>>) target_semaphore(%run_scoped3A : memref<!tpu.dma_semaphore, #tpu.memory_space<semaphore_mem>>)
      %dma_wait3A = arith.constant 0 : i32
      %dma_wait3A_60 = arith.constant 0 : i32
      %dma_wait3A_61 = tpu.memref_slice %arg5[%add3A, %dma_wait3A, %dma_wait3A_60] : memref<32x79x128xi32, #tpu.memory_space<hbm>> -> memref<1x79x128xi32, #tpu.memory_space<hbm>>
      %dma_wait3A_62 = tpu.memref_squeeze %dma_wait3A_61 : memref<1x79x128xi32, #tpu.memory_space<hbm>> -> memref<79x128xi32, #tpu.memory_space<hbm>>
      %dma_wait3A_63 = arith.constant 0 : i32
      %dma_wait3A_64 = arith.constant 0 : i32
      %dma_wait3A_65 = tpu.memref_slice %arg5[%add3A, %dma_wait3A_63, %dma_wait3A_64] : memref<32x79x128xi32, #tpu.memory_space<hbm>> -> memref<1x79x128xi32, #tpu.memory_space<hbm>>
      %dma_wait3A_66 = tpu.memref_squeeze %dma_wait3A_65 : memref<1x79x128xi32, #tpu.memory_space<hbm>> -> memref<79x128xi32, #tpu.memory_space<hbm>>
      tpu.wait_dma2 semaphore(%run_scoped3A : memref<!tpu.dma_semaphore, #tpu.memory_space<semaphore_mem>>) src(%dma_wait3A_66 : memref<79x128xi32, #tpu.memory_space<hbm>>) dst(%arg9 : memref<79x128xi32, #tpu.memory_space<vmem>>)
      tpu.yield
    }) : () -> ()
    "tpu.region"() ({
      %run_scoped3A = tpu.sem_alloc : memref<!tpu.dma_semaphore, #tpu.memory_space<semaphore_mem>>
      %dma_start3A = arith.constant 0 : i32
      %dma_start3A_53 = arith.constant 0 : i32
      %dma_start3A_54 = tpu.memref_slice %arg6[%add3A, %dma_start3A, %dma_start3A_53] : memref<32x79x128xi32, #tpu.memory_space<hbm>> -> memref<1x79x128xi32, #tpu.memory_space<hbm>>
      %dma_start3A_55 = tpu.memref_squeeze %dma_start3A_54 : memref<1x79x128xi32, #tpu.memory_space<hbm>> -> memref<79x128xi32, #tpu.memory_space<hbm>>
      %dma_start3A_56 = arith.constant 0 : i32
      %dma_start3A_57 = arith.constant 0 : i32
      %dma_start3A_58 = tpu.memref_slice %arg6[%add3A, %dma_start3A_56, %dma_start3A_57] : memref<32x79x128xi32, #tpu.memory_space<hbm>> -> memref<1x79x128xi32, #tpu.memory_space<hbm>>
      %dma_start3A_59 = tpu.memref_squeeze %dma_start3A_58 : memref<1x79x128xi32, #tpu.memory_space<hbm>> -> memref<79x128xi32, #tpu.memory_space<hbm>>
      tpu.enqueue_dma source(%dma_start3A_59 : memref<79x128xi32, #tpu.memory_space<hbm>>) target(%arg10 : memref<79x128xi32, #tpu.memory_space<vmem>>) target_semaphore(%run_scoped3A : memref<!tpu.dma_semaphore, #tpu.memory_space<semaphore_mem>>)
      %dma_wait3A = arith.constant 0 : i32
      %dma_wait3A_60 = arith.constant 0 : i32
      %dma_wait3A_61 = tpu.memref_slice %arg6[%add3A, %dma_wait3A, %dma_wait3A_60] : memref<32x79x128xi32, #tpu.memory_space<hbm>> -> memref<1x79x128xi32, #tpu.memory_space<hbm>>
      %dma_wait3A_62 = tpu.memref_squeeze %dma_wait3A_61 : memref<1x79x128xi32, #tpu.memory_space<hbm>> -> memref<79x128xi32, #tpu.memory_space<hbm>>
      %dma_wait3A_63 = arith.constant 0 : i32
      %dma_wait3A_64 = arith.constant 0 : i32
      %dma_wait3A_65 = tpu.memref_slice %arg6[%add3A, %dma_wait3A_63, %dma_wait3A_64] : memref<32x79x128xi32, #tpu.memory_space<hbm>> -> memref<1x79x128xi32, #tpu.memory_space<hbm>>
      %dma_wait3A_66 = tpu.memref_squeeze %dma_wait3A_65 : memref<1x79x128xi32, #tpu.memory_space<hbm>> -> memref<79x128xi32, #tpu.memory_space<hbm>>
      tpu.wait_dma2 semaphore(%run_scoped3A : memref<!tpu.dma_semaphore, #tpu.memory_space<semaphore_mem>>) src(%dma_wait3A_66 : memref<79x128xi32, #tpu.memory_space<hbm>>) dst(%arg10 : memref<79x128xi32, #tpu.memory_space<vmem>>)
      tpu.yield
    }) : () -> ()
    "tpu.region"() ({
      %run_scoped3A = tpu.sem_alloc : memref<!tpu.dma_semaphore, #tpu.memory_space<semaphore_mem>>
      tpu.enqueue_dma source(%arg3 : memref<10240xf32, #tpu.memory_space<hbm>>) target(%arg11 : memref<10240xf32, #tpu.memory_space<vmem>>) target_semaphore(%run_scoped3A : memref<!tpu.dma_semaphore, #tpu.memory_space<semaphore_mem>>)
      tpu.wait_dma2 semaphore(%run_scoped3A : memref<!tpu.dma_semaphore, #tpu.memory_space<semaphore_mem>>) src(%arg3 : memref<10240xf32, #tpu.memory_space<hbm>>) dst(%arg11 : memref<10240xf32, #tpu.memory_space<vmem>>)
      tpu.yield
    }) : () -> ()
    "tpu.region"() ({
      %run_scoped3A = tpu.sem_alloc : memref<!tpu.dma_semaphore, #tpu.memory_space<semaphore_mem>>
      tpu.enqueue_dma source(%arg4 : memref<10240xf32, #tpu.memory_space<hbm>>) target(%arg12 : memref<10240xf32, #tpu.memory_space<vmem>>) target_semaphore(%run_scoped3A : memref<!tpu.dma_semaphore, #tpu.memory_space<semaphore_mem>>)
      tpu.wait_dma2 semaphore(%run_scoped3A : memref<!tpu.dma_semaphore, #tpu.memory_space<semaphore_mem>>) src(%arg4 : memref<10240xf32, #tpu.memory_space<hbm>>) dst(%arg12 : memref<10240xf32, #tpu.memory_space<vmem>>)
      tpu.yield
    }) : () -> ()
    %broadcast_in_dim3A = arith.constant 0.000000e+00 : f32
    %broadcast_in_dim3A_3 = vector.broadcast %broadcast_in_dim3A : f32 to vector<16xf32>
    %scan3A = arith.constant 0 : i32
    %scan3A_4 = arith.constant 0 : i32
    %scan3A_5 = arith.constant 128 : i32
    %scan3A_6 = arith.addi %scan3A_4, %scan3A_5 : i32
    %scan3A_7 = arith.constant 1 : i32
    scf.for %scan3A_53 = %scan3A_4 to %scan3A_6 step %scan3A_7  : i32 {
      %swap3A_54 = arith.index_cast %scan3A_53 : i32 to index
      %swap3A_55 = arith.constant 0 : index
      %swap3A_56 = tpu.vector_load %arg13[%swap3A_54, %swap3A_55] {strides = array<i32>} : memref<128x48xf32, #tpu.memory_space<vmem>>, vector<16xf32>,
      tpu.vector_store %arg13[%swap3A_54, %swap3A_55], %broadcast_in_dim3A_3 {strides = array<i32>} : memref<128x48xf32, #tpu.memory_space<vmem>>, vector<16xf32>,
      %swap3A_57 = arith.index_cast %scan3A_53 : i32 to index
      %swap3A_58 = arith.constant 16 : index
      %swap3A_59 = tpu.vector_load %arg13[%swap3A_57, %swap3A_58] {strides = array<i32>} : memref<128x48xf32, #tpu.memory_space<vmem>>, vector<16xf32>,
      tpu.vector_store %arg13[%swap3A_57, %swap3A_58], %broadcast_in_dim3A_3 {strides = array<i32>} : memref<128x48xf32, #tpu.memory_space<vmem>>, vector<16xf32>,
      %swap3A_60 = arith.index_cast %scan3A_53 : i32 to index
      %swap3A_61 = arith.constant 32 : index
      %swap3A_62 = tpu.vector_load %arg13[%swap3A_60, %swap3A_61] {strides = array<i32>} : memref<128x48xf32, #tpu.memory_space<vmem>>, vector<16xf32>,
      tpu.vector_store %arg13[%swap3A_60, %swap3A_61], %broadcast_in_dim3A_3 {strides = array<i32>} : memref<128x48xf32, #tpu.memory_space<vmem>>, vector<16xf32>,
    }
    %scan3A_8 = arith.constant 128 : i32
    %broadcast_in_dim3A_9 = arith.constant 0.000000e+00 : f32
    %broadcast_in_dim3A_10 = vector.broadcast %broadcast_in_dim3A_9 : f32 to vector<16xf32>
    %swap3A = arith.constant 0 : index
    %swap3A_11 = tpu.vector_load %arg15[%swap3A] {strides = array<i32>} : memref<128xf32, #tpu.memory_space<vmem>>, vector<16xf32>,
    tpu.vector_store %arg15[%swap3A], %broadcast_in_dim3A_10 {strides = array<i32>} : memref<128xf32, #tpu.memory_space<vmem>>, vector<16xf32>,
    %swap3A_12 = arith.constant 16 : index
    %swap3A_13 = tpu.vector_load %arg15[%swap3A_12] {strides = array<i32>} : memref<128xf32, #tpu.memory_space<vmem>>, vector<16xf32>,
    tpu.vector_store %arg15[%swap3A_12], %broadcast_in_dim3A_10 {strides = array<i32>} : memref<128xf32, #tpu.memory_space<vmem>>, vector<16xf32>,
    %swap3A_14 = arith.constant 32 : index
    %swap3A_15 = tpu.vector_load %arg15[%swap3A_14] {strides = array<i32>} : memref<128xf32, #tpu.memory_space<vmem>>, vector<16xf32>,
    tpu.vector_store %arg15[%swap3A_14], %broadcast_in_dim3A_10 {strides = array<i32>} : memref<128xf32, #tpu.memory_space<vmem>>, vector<16xf32>,
    %swap3A_16 = arith.constant 48 : index
    %swap3A_17 = tpu.vector_load %arg15[%swap3A_16] {strides = array<i32>} : memref<128xf32, #tpu.memory_space<vmem>>, vector<16xf32>,
    tpu.vector_store %arg15[%swap3A_16], %broadcast_in_dim3A_10 {strides = array<i32>} : memref<128xf32, #tpu.memory_space<vmem>>, vector<16xf32>,
    %swap3A_18 = arith.constant 64 : index
    %swap3A_19 = tpu.vector_load %arg15[%swap3A_18] {strides = array<i32>} : memref<128xf32, #tpu.memory_space<vmem>>, vector<16xf32>,
    tpu.vector_store %arg15[%swap3A_18], %broadcast_in_dim3A_10 {strides = array<i32>} : memref<128xf32, #tpu.memory_space<vmem>>, vector<16xf32>,
    %swap3A_20 = arith.constant 80 : index
    %swap3A_21 = tpu.vector_load %arg15[%swap3A_20] {strides = array<i32>} : memref<128xf32, #tpu.memory_space<vmem>>, vector<16xf32>,
    tpu.vector_store %arg15[%swap3A_20], %broadcast_in_dim3A_10 {strides = array<i32>} : memref<128xf32, #tpu.memory_space<vmem>>, vector<16xf32>,
    %swap3A_22 = arith.constant 96 : index
    %swap3A_23 = tpu.vector_load %arg15[%swap3A_22] {strides = array<i32>} : memref<128xf32, #tpu.memory_space<vmem>>, vector<16xf32>,
    tpu.vector_store %arg15[%swap3A_22], %broadcast_in_dim3A_10 {strides = array<i32>} : memref<128xf32, #tpu.memory_space<vmem>>, vector<16xf32>,
    %swap3A_24 = arith.constant 112 : index
    %swap3A_25 = tpu.vector_load %arg15[%swap3A_24] {strides = array<i32>} : memref<128xf32, #tpu.memory_space<vmem>>, vector<16xf32>,
    tpu.vector_store %arg15[%swap3A_24], %broadcast_in_dim3A_10 {strides = array<i32>} : memref<128xf32, #tpu.memory_space<vmem>>, vector<16xf32>,
    %add3A_26 = arith.constant 0 : i32
    %add3A_27 = arith.addi %mul3A_2, %add3A_26 : i32
    "tpu.region"() ({
      %run_scoped3A = tpu.sem_alloc : memref<!tpu.dma_semaphore, #tpu.memory_space<semaphore_mem>>
      %dma_start3A = arith.constant 0 : i32
      %dma_start3A_53 = tpu.memref_slice %arg17[%add3A_27, %dma_start3A] : memref<10240x48xf32, #tpu.memory_space<vmem_shared>> -> memref<128x48xf32, #tpu.memory_space<vmem_shared>>
      %dma_start3A_54 = arith.constant 0 : i32
      %dma_start3A_55 = tpu.memref_slice %arg17[%add3A_27, %dma_start3A_54] : memref<10240x48xf32, #tpu.memory_space<vmem_shared>> -> memref<128x48xf32, #tpu.memory_space<vmem_shared>>
      tpu.enqueue_dma source(%arg13 : memref<128x48xf32, #tpu.memory_space<vmem>>) target(%dma_start3A_55 : memref<128x48xf32, #tpu.memory_space<vmem_shared>>) target_semaphore(%run_scoped3A : memref<!tpu.dma_semaphore, #tpu.memory_space<semaphore_mem>>)
      %dma_wait3A = arith.constant 0 : i32
      %dma_wait3A_56 = tpu.memref_slice %arg17[%add3A_27, %dma_wait3A] : memref<10240x48xf32, #tpu.memory_space<vmem_shared>> -> memref<128x48xf32, #tpu.memory_space<vmem_shared>>
      %dma_wait3A_57 = arith.constant 0 : i32
      %dma_wait3A_58 = tpu.memref_slice %arg17[%add3A_27, %dma_wait3A_57] : memref<10240x48xf32, #tpu.memory_space<vmem_shared>> -> memref<128x48xf32, #tpu.memory_space<vmem_shared>>
      tpu.wait_dma2 semaphore(%run_scoped3A : memref<!tpu.dma_semaphore, #tpu.memory_space<semaphore_mem>>) src(%arg13 : memref<128x48xf32, #tpu.memory_space<vmem>>) dst(%dma_wait3A_58 : memref<128x48xf32, #tpu.memory_space<vmem_shared>>)
      tpu.yield
    }) : () -> ()
    %add3A_28 = arith.constant 0 : i32
    %add3A_29 = arith.addi %mul3A_2, %add3A_28 : i32
    "tpu.region"() ({
      %run_scoped3A = tpu.sem_alloc : memref<!tpu.dma_semaphore, #tpu.memory_space<semaphore_mem>>
      %dma_start3A = tpu.memref_slice %arg18[%add3A_29] : memref<10240xf32, #tpu.memory_space<vmem_shared>> -> memref<128xf32, #tpu.memory_space<vmem_shared>>
      %dma_start3A_53 = tpu.memref_slice %arg18[%add3A_29] : memref<10240xf32, #tpu.memory_space<vmem_shared>> -> memref<128xf32, #tpu.memory_space<vmem_shared>>
      tpu.enqueue_dma source(%arg15 : memref<128xf32, #tpu.memory_space<vmem>>) target(%dma_start3A_53 : memref<128xf32, #tpu.memory_space<vmem_shared>>) target_semaphore(%run_scoped3A : memref<!tpu.dma_semaphore, #tpu.memory_space<semaphore_mem>>)
      %dma_wait3A = tpu.memref_slice %arg18[%add3A_29] : memref<10240xf32, #tpu.memory_space<vmem_shared>> -> memref<128xf32, #tpu.memory_space<vmem_shared>>
      %dma_wait3A_54 = tpu.memref_slice %arg18[%add3A_29] : memref<10240xf32, #tpu.memory_space<vmem_shared>> -> memref<128xf32, #tpu.memory_space<vmem_shared>>
      tpu.wait_dma2 semaphore(%run_scoped3A : memref<!tpu.dma_semaphore, #tpu.memory_space<semaphore_mem>>) src(%arg15 : memref<128xf32, #tpu.memory_space<vmem>>) dst(%dma_wait3A_54 : memref<128xf32, #tpu.memory_space<vmem_shared>>)
      tpu.yield
    }) : () -> ()
    %add3A_30 = arith.constant 128 : i32
    %add3A_31 = arith.addi %mul3A_2, %add3A_30 : i32
    "tpu.region"() ({
      %run_scoped3A = tpu.sem_alloc : memref<!tpu.dma_semaphore, #tpu.memory_space<semaphore_mem>>
      %dma_start3A = arith.constant 0 : i32
      %dma_start3A_53 = tpu.memref_slice %arg17[%add3A_31, %dma_start3A] : memref<10240x48xf32, #tpu.memory_space<vmem_shared>> -> memref<128x48xf32, #tpu.memory_space<vmem_shared>>
      %dma_start3A_54 = arith.constant 0 : i32
      %dma_start3A_55 = tpu.memref_slice %arg17[%add3A_31, %dma_start3A_54] : memref<10240x48xf32, #tpu.memory_space<vmem_shared>> -> memref<128x48xf32, #tpu.memory_space<vmem_shared>>
      tpu.enqueue_dma source(%arg13 : memref<128x48xf32, #tpu.memory_space<vmem>>) target(%dma_start3A_55 : memref<128x48xf32, #tpu.memory_space<vmem_shared>>) target_semaphore(%run_scoped3A : memref<!tpu.dma_semaphore, #tpu.memory_space<semaphore_mem>>)
      %dma_wait3A = arith.constant 0 : i32
      %dma_wait3A_56 = tpu.memref_slice %arg17[%add3A_31, %dma_wait3A] : memref<10240x48xf32, #tpu.memory_space<vmem_shared>> -> memref<128x48xf32, #tpu.memory_space<vmem_shared>>
      %dma_wait3A_57 = arith.constant 0 : i32
      %dma_wait3A_58 = tpu.memref_slice %arg17[%add3A_31, %dma_wait3A_57] : memref<10240x48xf32, #tpu.memory_space<vmem_shared>> -> memref<128x48xf32, #tpu.memory_space<vmem_shared>>
      tpu.wait_dma2 semaphore(%run_scoped3A : memref<!tpu.dma_semaphore, #tpu.memory_space<semaphore_mem>>) src(%arg13 : memref<128x48xf32, #tpu.memory_space<vmem>>) dst(%dma_wait3A_58 : memref<128x48xf32, #tpu.memory_space<vmem_shared>>)
      tpu.yield
    }) : () -> ()
    %add3A_32 = arith.constant 128 : i32
    %add3A_33 = arith.addi %mul3A_2, %add3A_32 : i32
    "tpu.region"() ({
      %run_scoped3A = tpu.sem_alloc : memref<!tpu.dma_semaphore, #tpu.memory_space<semaphore_mem>>
      %dma_start3A = tpu.memref_slice %arg18[%add3A_33] : memref<10240xf32, #tpu.memory_space<vmem_shared>> -> memref<128xf32, #tpu.memory_space<vmem_shared>>
      %dma_start3A_53 = tpu.memref_slice %arg18[%add3A_33] : memref<10240xf32, #tpu.memory_space<vmem_shared>> -> memref<128xf32, #tpu.memory_space<vmem_shared>>
      tpu.enqueue_dma source(%arg15 : memref<128xf32, #tpu.memory_space<vmem>>) target(%dma_start3A_53 : memref<128xf32, #tpu.memory_space<vmem_shared>>) target_semaphore(%run_scoped3A : memref<!tpu.dma_semaphore, #tpu.memory_space<semaphore_mem>>)
      %dma_wait3A = tpu.memref_slice %arg18[%add3A_33] : memref<10240xf32, #tpu.memory_space<vmem_shared>> -> memref<128xf32, #tpu.memory_space<vmem_shared>>
      %dma_wait3A_54 = tpu.memref_slice %arg18[%add3A_33] : memref<10240xf32, #tpu.memory_space<vmem_shared>> -> memref<128xf32, #tpu.memory_space<vmem_shared>>
      tpu.wait_dma2 semaphore(%run_scoped3A : memref<!tpu.dma_semaphore, #tpu.memory_space<semaphore_mem>>) src(%arg15 : memref<128xf32, #tpu.memory_space<vmem>>) dst(%dma_wait3A_54 : memref<128xf32, #tpu.memory_space<vmem_shared>>)
      tpu.yield
    }) : () -> ()
    %add3A_34 = arith.constant 256 : i32
    %add3A_35 = arith.addi %mul3A_2, %add3A_34 : i32
    "tpu.region"() ({
      %run_scoped3A = tpu.sem_alloc : memref<!tpu.dma_semaphore, #tpu.memory_space<semaphore_mem>>
      %dma_start3A = arith.constant 0 : i32
      %dma_start3A_53 = tpu.memref_slice %arg17[%add3A_35, %dma_start3A] : memref<10240x48xf32, #tpu.memory_space<vmem_shared>> -> memref<128x48xf32, #tpu.memory_space<vmem_shared>>
      %dma_start3A_54 = arith.constant 0 : i32
      %dma_start3A_55 = tpu.memref_slice %arg17[%add3A_35, %dma_start3A_54] : memref<10240x48xf32, #tpu.memory_space<vmem_shared>> -> memref<128x48xf32, #tpu.memory_space<vmem_shared>>
      tpu.enqueue_dma source(%arg13 : memref<128x48xf32, #tpu.memory_space<vmem>>) target(%dma_start3A_55 : memref<128x48xf32, #tpu.memory_space<vmem_shared>>) target_semaphore(%run_scoped3A : memref<!tpu.dma_semaphore, #tpu.memory_space<semaphore_mem>>)
      %dma_wait3A = arith.constant 0 : i32
      %dma_wait3A_56 = tpu.memref_slice %arg17[%add3A_35, %dma_wait3A] : memref<10240x48xf32, #tpu.memory_space<vmem_shared>> -> memref<128x48xf32, #tpu.memory_space<vmem_shared>>
      %dma_wait3A_57 = arith.constant 0 : i32
      %dma_wait3A_58 = tpu.memref_slice %arg17[%add3A_35, %dma_wait3A_57] : memref<10240x48xf32, #tpu.memory_space<vmem_shared>> -> memref<128x48xf32, #tpu.memory_space<vmem_shared>>
      tpu.wait_dma2 semaphore(%run_scoped3A : memref<!tpu.dma_semaphore, #tpu.memory_space<semaphore_mem>>) src(%arg13 : memref<128x48xf32, #tpu.memory_space<vmem>>) dst(%dma_wait3A_58 : memref<128x48xf32, #tpu.memory_space<vmem_shared>>)
      tpu.yield
    }) : () -> ()
    %add3A_36 = arith.constant 256 : i32
    %add3A_37 = arith.addi %mul3A_2, %add3A_36 : i32
    "tpu.region"() ({
      %run_scoped3A = tpu.sem_alloc : memref<!tpu.dma_semaphore, #tpu.memory_space<semaphore_mem>>
      %dma_start3A = tpu.memref_slice %arg18[%add3A_37] : memref<10240xf32, #tpu.memory_space<vmem_shared>> -> memref<128xf32, #tpu.memory_space<vmem_shared>>
      %dma_start3A_53 = tpu.memref_slice %arg18[%add3A_37] : memref<10240xf32, #tpu.memory_space<vmem_shared>> -> memref<128xf32, #tpu.memory_space<vmem_shared>>
      tpu.enqueue_dma source(%arg15 : memref<128xf32, #tpu.memory_space<vmem>>) target(%dma_start3A_53 : memref<128xf32, #tpu.memory_space<vmem_shared>>) target_semaphore(%run_scoped3A : memref<!tpu.dma_semaphore, #tpu.memory_space<semaphore_mem>>)
      %dma_wait3A = tpu.memref_slice %arg18[%add3A_37] : memref<10240xf32, #tpu.memory_space<vmem_shared>> -> memref<128xf32, #tpu.memory_space<vmem_shared>>
      %dma_wait3A_54 = tpu.memref_slice %arg18[%add3A_37] : memref<10240xf32, #tpu.memory_space<vmem_shared>> -> memref<128xf32, #tpu.memory_space<vmem_shared>>
      tpu.wait_dma2 semaphore(%run_scoped3A : memref<!tpu.dma_semaphore, #tpu.memory_space<semaphore_mem>>) src(%arg15 : memref<128xf32, #tpu.memory_space<vmem>>) dst(%dma_wait3A_54 : memref<128xf32, #tpu.memory_space<vmem_shared>>)
      tpu.yield
    }) : () -> ()
    %add3A_38 = arith.constant 384 : i32
    %add3A_39 = arith.addi %mul3A_2, %add3A_38 : i32
    "tpu.region"() ({
      %run_scoped3A = tpu.sem_alloc : memref<!tpu.dma_semaphore, #tpu.memory_space<semaphore_mem>>
      %dma_start3A = arith.constant 0 : i32
      %dma_start3A_53 = tpu.memref_slice %arg17[%add3A_39, %dma_start3A] : memref<10240x48xf32, #tpu.memory_space<vmem_shared>> -> memref<128x48xf32, #tpu.memory_space<vmem_shared>>
      %dma_start3A_54 = arith.constant 0 : i32
      %dma_start3A_55 = tpu.memref_slice %arg17[%add3A_39, %dma_start3A_54] : memref<10240x48xf32, #tpu.memory_space<vmem_shared>> -> memref<128x48xf32, #tpu.memory_space<vmem_shared>>
      tpu.enqueue_dma source(%arg13 : memref<128x48xf32, #tpu.memory_space<vmem>>) target(%dma_start3A_55 : memref<128x48xf32, #tpu.memory_space<vmem_shared>>) target_semaphore(%run_scoped3A : memref<!tpu.dma_semaphore, #tpu.memory_space<semaphore_mem>>)
      %dma_wait3A = arith.constant 0 : i32
      %dma_wait3A_56 = tpu.memref_slice %arg17[%add3A_39, %dma_wait3A] : memref<10240x48xf32, #tpu.memory_space<vmem_shared>> -> memref<128x48xf32, #tpu.memory_space<vmem_shared>>
      %dma_wait3A_57 = arith.constant 0 : i32
      %dma_wait3A_58 = tpu.memref_slice %arg17[%add3A_39, %dma_wait3A_57] : memref<10240x48xf32, #tpu.memory_space<vmem_shared>> -> memref<128x48xf32, #tpu.memory_space<vmem_shared>>
      tpu.wait_dma2 semaphore(%run_scoped3A : memref<!tpu.dma_semaphore, #tpu.memory_space<semaphore_mem>>) src(%arg13 : memref<128x48xf32, #tpu.memory_space<vmem>>) dst(%dma_wait3A_58 : memref<128x48xf32, #tpu.memory_space<vmem_shared>>)
      tpu.yield
    }) : () -> ()
    %add3A_40 = arith.constant 384 : i32
    %add3A_41 = arith.addi %mul3A_2, %add3A_40 : i32
    "tpu.region"() ({
      %run_scoped3A = tpu.sem_alloc : memref<!tpu.dma_semaphore, #tpu.memory_space<semaphore_mem>>
      %dma_start3A = tpu.memref_slice %arg18[%add3A_41] : memref<10240xf32, #tpu.memory_space<vmem_shared>> -> memref<128xf32, #tpu.memory_space<vmem_shared>>
      %dma_start3A_53 = tpu.memref_slice %arg18[%add3A_41] : memref<10240xf32, #tpu.memory_space<vmem_shared>> -> memref<128xf32, #tpu.memory_space<vmem_shared>>
      tpu.enqueue_dma source(%arg15 : memref<128xf32, #tpu.memory_space<vmem>>) target(%dma_start3A_53 : memref<128xf32, #tpu.memory_space<vmem_shared>>) target_semaphore(%run_scoped3A : memref<!tpu.dma_semaphore, #tpu.memory_space<semaphore_mem>>)
      %dma_wait3A = tpu.memref_slice %arg18[%add3A_41] : memref<10240xf32, #tpu.memory_space<vmem_shared>> -> memref<128xf32, #tpu.memory_space<vmem_shared>>
      %dma_wait3A_54 = tpu.memref_slice %arg18[%add3A_41] : memref<10240xf32, #tpu.memory_space<vmem_shared>> -> memref<128xf32, #tpu.memory_space<vmem_shared>>
      tpu.wait_dma2 semaphore(%run_scoped3A : memref<!tpu.dma_semaphore, #tpu.memory_space<semaphore_mem>>) src(%arg15 : memref<128xf32, #tpu.memory_space<vmem>>) dst(%dma_wait3A_54 : memref<128xf32, #tpu.memory_space<vmem_shared>>)
      tpu.yield
    }) : () -> ()
    %add3A_42 = arith.constant 512 : i32
    %add3A_43 = arith.addi %mul3A_2, %add3A_42 : i32
    "tpu.region"() ({
      %run_scoped3A = tpu.sem_alloc : memref<!tpu.dma_semaphore, #tpu.memory_space<semaphore_mem>>
      %dma_start3A = arith.constant 0 : i32
      %dma_start3A_53 = tpu.memref_slice %arg17[%add3A_43, %dma_start3A] : memref<10240x48xf32, #tpu.memory_space<vmem_shared>> -> memref<128x48xf32, #tpu.memory_space<vmem_shared>>
      %dma_start3A_54 = arith.constant 0 : i32
      %dma_start3A_55 = tpu.memref_slice %arg17[%add3A_43, %dma_start3A_54] : memref<10240x48xf32, #tpu.memory_space<vmem_shared>> -> memref<128x48xf32, #tpu.memory_space<vmem_shared>>
      tpu.enqueue_dma source(%arg13 : memref<128x48xf32, #tpu.memory_space<vmem>>) target(%dma_start3A_55 : memref<128x48xf32, #tpu.memory_space<vmem_shared>>) target_semaphore(%run_scoped3A : memref<!tpu.dma_semaphore, #tpu.memory_space<semaphore_mem>>)
      %dma_wait3A = arith.constant 0 : i32
      %dma_wait3A_56 = tpu.memref_slice %arg17[%add3A_43, %dma_wait3A] : memref<10240x48xf32, #tpu.memory_space<vmem_shared>> -> memref<128x48xf32, #tpu.memory_space<vmem_shared>>
      %dma_wait3A_57 = arith.constant 0 : i32
      %dma_wait3A_58 = tpu.memref_slice %arg17[%add3A_43, %dma_wait3A_57] : memref<10240x48xf32, #tpu.memory_space<vmem_shared>> -> memref<128x48xf32, #tpu.memory_space<vmem_shared>>
      tpu.wait_dma2 semaphore(%run_scoped3A : memref<!tpu.dma_semaphore, #tpu.memory_space<semaphore_mem>>) src(%arg13 : memref<128x48xf32, #tpu.memory_space<vmem>>) dst(%dma_wait3A_58 : memref<128x48xf32, #tpu.memory_space<vmem_shared>>)
      tpu.yield
    }) : () -> ()
    %add3A_44 = arith.constant 512 : i32
    %add3A_45 = arith.addi %mul3A_2, %add3A_44 : i32
    "tpu.region"() ({
      %run_scoped3A = tpu.sem_alloc : memref<!tpu.dma_semaphore, #tpu.memory_space<semaphore_mem>>
      %dma_start3A = tpu.memref_slice %arg18[%add3A_45] : memref<10240xf32, #tpu.memory_space<vmem_shared>> -> memref<128xf32, #tpu.memory_space<vmem_shared>>
      %dma_start3A_53 = tpu.memref_slice %arg18[%add3A_45] : memref<10240xf32, #tpu.memory_space<vmem_shared>> -> memref<128xf32, #tpu.memory_space<vmem_shared>>
      tpu.enqueue_dma source(%arg15 : memref<128xf32, #tpu.memory_space<vmem>>) target(%dma_start3A_53 : memref<128xf32, #tpu.memory_space<vmem_shared>>) target_semaphore(%run_scoped3A : memref<!tpu.dma_semaphore, #tpu.memory_space<semaphore_mem>>)
      %dma_wait3A = tpu.memref_slice %arg18[%add3A_45] : memref<10240xf32, #tpu.memory_space<vmem_shared>> -> memref<128xf32, #tpu.memory_space<vmem_shared>>
      %dma_wait3A_54 = tpu.memref_slice %arg18[%add3A_45] : memref<10240xf32, #tpu.memory_space<vmem_shared>> -> memref<128xf32, #tpu.memory_space<vmem_shared>>
      tpu.wait_dma2 semaphore(%run_scoped3A : memref<!tpu.dma_semaphore, #tpu.memory_space<semaphore_mem>>) src(%arg15 : memref<128xf32, #tpu.memory_space<vmem>>) dst(%dma_wait3A_54 : memref<128xf32, #tpu.memory_space<vmem_shared>>)
      tpu.yield
    }) : () -> ()
    %barrier3A = arith.constant 0 : index
    tpu.barrier barrier_id(%barrier3A)
    %scan3A_46 = arith.constant 0 : i32
    %scan3A_47 = arith.constant 0 : i32
    %scan3A_48 = arith.constant 79 : i32
    %scan3A_49 = arith.addi %scan3A_47, %scan3A_48 : i32
    %scan3A_50 = arith.constant 1 : i32
    scf.for %scan3A_53 = %scan3A_47 to %scan3A_49 step %scan3A_50  : i32 {
      %dma_start3A = arith.constant 0 : i32
      %dma_start3A_54 = tpu.memref_slice %arg9[%scan3A_53, %dma_start3A] : memref<79x128xi32, #tpu.memory_space<vmem>> -> memref<1x128xi32, #tpu.memory_space<vmem>>
      %dma_start3A_55 = tpu.memref_squeeze %dma_start3A_54 : memref<1x128xi32, #tpu.memory_space<vmem>> -> memref<128xi32, #tpu.memory_space<vmem>>
      %dma_start3A_56 = arith.constant 0 : i32
      %dma_start3A_57 = arith.constant 0 : i32
      %dma_start3A_58 = tpu.memref_slice %arg2[%dma_start3A_56, %dma_start3A_57] : memref<10240x48xf32, #tpu.memory_space<hbm>> -> memref<10240x48xf32, #tpu.memory_space<hbm>>
      tpu.enqueue_indirect_dma source(%dma_start3A_58 : memref<10240x48xf32, #tpu.memory_space<hbm>>) target(%arg13 : memref<128x48xf32, #tpu.memory_space<vmem>>) offsets(%dma_start3A_55 : memref<128xi32, #tpu.memory_space<vmem>>) semaphore(%arg19 : memref<!tpu.dma_semaphore, #tpu.memory_space<semaphore_mem>>)
      %get3A = arith.index_cast %scan3A_53 : i32 to index
      %get3A_59 = arith.constant 0 : index
      %get3A_60 = tpu.vector_load %arg9[%get3A, %get3A_59] {strides = array<i32>} : memref<79x128xi32, #tpu.memory_space<vmem>>, vector<16xi32>,
      %get3A_61 = arith.index_cast %scan3A_53 : i32 to index
      %get3A_62 = arith.constant 0 : index
      %get3A_63 = tpu.vector_load %arg10[%get3A_61, %get3A_62] {strides = array<i32>} : memref<79x128xi32, #tpu.memory_space<vmem>>, vector<16xi32>,
      %gather3A = tpu.vector_load_idx %arg11[%get3A_60] : memref<10240xf32, #tpu.memory_space<vmem>>[vector<16xi32>], vector<16xf32>,
      %gather3A_64 = tpu.vector_load_idx %arg12[%get3A_63] : memref<10240xf32, #tpu.memory_space<vmem>>[vector<16xi32>], vector<16xf32>,
      %add3A_65 = arith.addf %gather3A, %gather3A_64 : vector<16xf32>
      %mul3A_66 = arith.constant 2.000000e-01 : f32
      %mul3A_67 = vector.broadcast %mul3A_66 : f32 to vector<16xf32>
      %mul3A_68 = arith.mulf %mul3A_67, %add3A_65 : vector<16xf32>
      %max3A = arith.maximumf %add3A_65, %mul3A_68 : vector<16xf32>
      %exp3A = math.exp %max3A : vector<16xf32>
      %swap3A_69 = arith.constant 0 : index
      %swap3A_70 = tpu.vector_load %arg15[%swap3A_69] {strides = array<i32>} : memref<128xf32, #tpu.memory_space<vmem>>, vector<16xf32>,
      tpu.vector_store %arg15[%swap3A_69], %exp3A {strides = array<i32>} : memref<128xf32, #tpu.memory_space<vmem>>, vector<16xf32>,
      %get3A_71 = arith.index_cast %scan3A_53 : i32 to index
      %get3A_72 = arith.constant 16 : index
      %get3A_73 = tpu.vector_load %arg9[%get3A_71, %get3A_72] {strides = array<i32>} : memref<79x128xi32, #tpu.memory_space<vmem>>, vector<16xi32>,
      %get3A_74 = arith.index_cast %scan3A_53 : i32 to index
      %get3A_75 = arith.constant 16 : index
      %get3A_76 = tpu.vector_load %arg10[%get3A_74, %get3A_75] {strides = array<i32>} : memref<79x128xi32, #tpu.memory_space<vmem>>, vector<16xi32>,
      %gather3A_77 = tpu.vector_load_idx %arg11[%get3A_73] : memref<10240xf32, #tpu.memory_space<vmem>>[vector<16xi32>], vector<16xf32>,
      %gather3A_78 = tpu.vector_load_idx %arg12[%get3A_76] : memref<10240xf32, #tpu.memory_space<vmem>>[vector<16xi32>], vector<16xf32>,
      %add3A_79 = arith.addf %gather3A_77, %gather3A_78 : vector<16xf32>
      %mul3A_80 = arith.constant 2.000000e-01 : f32
      %mul3A_81 = vector.broadcast %mul3A_80 : f32 to vector<16xf32>
      %mul3A_82 = arith.mulf %mul3A_81, %add3A_79 : vector<16xf32>
      %max3A_83 = arith.maximumf %add3A_79, %mul3A_82 : vector<16xf32>
      %exp3A_84 = math.exp %max3A_83 : vector<16xf32>
      %swap3A_85 = arith.constant 16 : index
      %swap3A_86 = tpu.vector_load %arg15[%swap3A_85] {strides = array<i32>} : memref<128xf32, #tpu.memory_space<vmem>>, vector<16xf32>,
      tpu.vector_store %arg15[%swap3A_85], %exp3A_84 {strides = array<i32>} : memref<128xf32, #tpu.memory_space<vmem>>, vector<16xf32>,
      %get3A_87 = arith.index_cast %scan3A_53 : i32 to index
      %get3A_88 = arith.constant 32 : index
      %get3A_89 = tpu.vector_load %arg9[%get3A_87, %get3A_88] {strides = array<i32>} : memref<79x128xi32, #tpu.memory_space<vmem>>, vector<16xi32>,
      %get3A_90 = arith.index_cast %scan3A_53 : i32 to index
      %get3A_91 = arith.constant 32 : index
      %get3A_92 = tpu.vector_load %arg10[%get3A_90, %get3A_91] {strides = array<i32>} : memref<79x128xi32, #tpu.memory_space<vmem>>, vector<16xi32>,
      %gather3A_93 = tpu.vector_load_idx %arg11[%get3A_89] : memref<10240xf32, #tpu.memory_space<vmem>>[vector<16xi32>], vector<16xf32>,
      %gather3A_94 = tpu.vector_load_idx %arg12[%get3A_92] : memref<10240xf32, #tpu.memory_space<vmem>>[vector<16xi32>], vector<16xf32>,
      %add3A_95 = arith.addf %gather3A_93, %gather3A_94 : vector<16xf32>
      %mul3A_96 = arith.constant 2.000000e-01 : f32
      %mul3A_97 = vector.broadcast %mul3A_96 : f32 to vector<16xf32>
      %mul3A_98 = arith.mulf %mul3A_97, %add3A_95 : vector<16xf32>
      %max3A_99 = arith.maximumf %add3A_95, %mul3A_98 : vector<16xf32>
      %exp3A_100 = math.exp %max3A_99 : vector<16xf32>
      %swap3A_101 = arith.constant 32 : index
      %swap3A_102 = tpu.vector_load %arg15[%swap3A_101] {strides = array<i32>} : memref<128xf32, #tpu.memory_space<vmem>>, vector<16xf32>,
      tpu.vector_store %arg15[%swap3A_101], %exp3A_100 {strides = array<i32>} : memref<128xf32, #tpu.memory_space<vmem>>, vector<16xf32>,
      %get3A_103 = arith.index_cast %scan3A_53 : i32 to index
      %get3A_104 = arith.constant 48 : index
      %get3A_105 = tpu.vector_load %arg9[%get3A_103, %get3A_104] {strides = array<i32>} : memref<79x128xi32, #tpu.memory_space<vmem>>, vector<16xi32>,
      %get3A_106 = arith.index_cast %scan3A_53 : i32 to index
      %get3A_107 = arith.constant 48 : index
      %get3A_108 = tpu.vector_load %arg10[%get3A_106, %get3A_107] {strides = array<i32>} : memref<79x128xi32, #tpu.memory_space<vmem>>, vector<16xi32>,
      %gather3A_109 = tpu.vector_load_idx %arg11[%get3A_105] : memref<10240xf32, #tpu.memory_space<vmem>>[vector<16xi32>], vector<16xf32>,
      %gather3A_110 = tpu.vector_load_idx %arg12[%get3A_108] : memref<10240xf32, #tpu.memory_space<vmem>>[vector<16xi32>], vector<16xf32>,
      %add3A_111 = arith.addf %gather3A_109, %gather3A_110 : vector<16xf32>
      %mul3A_112 = arith.constant 2.000000e-01 : f32
      %mul3A_113 = vector.broadcast %mul3A_112 : f32 to vector<16xf32>
      %mul3A_114 = arith.mulf %mul3A_113, %add3A_111 : vector<16xf32>
      %max3A_115 = arith.maximumf %add3A_111, %mul3A_114 : vector<16xf32>
      %exp3A_116 = math.exp %max3A_115 : vector<16xf32>
      %swap3A_117 = arith.constant 48 : index
      %swap3A_118 = tpu.vector_load %arg15[%swap3A_117] {strides = array<i32>} : memref<128xf32, #tpu.memory_space<vmem>>, vector<16xf32>,
      tpu.vector_store %arg15[%swap3A_117], %exp3A_116 {strides = array<i32>} : memref<128xf32, #tpu.memory_space<vmem>>, vector<16xf32>,
      %get3A_119 = arith.index_cast %scan3A_53 : i32 to index
      %get3A_120 = arith.constant 64 : index
      %get3A_121 = tpu.vector_load %arg9[%get3A_119, %get3A_120] {strides = array<i32>} : memref<79x128xi32, #tpu.memory_space<vmem>>, vector<16xi32>,
      %get3A_122 = arith.index_cast %scan3A_53 : i32 to index
      %get3A_123 = arith.constant 64 : index
      %get3A_124 = tpu.vector_load %arg10[%get3A_122, %get3A_123] {strides = array<i32>} : memref<79x128xi32, #tpu.memory_space<vmem>>, vector<16xi32>,
      %gather3A_125 = tpu.vector_load_idx %arg11[%get3A_121] : memref<10240xf32, #tpu.memory_space<vmem>>[vector<16xi32>], vector<16xf32>,
      %gather3A_126 = tpu.vector_load_idx %arg12[%get3A_124] : memref<10240xf32, #tpu.memory_space<vmem>>[vector<16xi32>], vector<16xf32>,
      %add3A_127 = arith.addf %gather3A_125, %gather3A_126 : vector<16xf32>
      %mul3A_128 = arith.constant 2.000000e-01 : f32
      %mul3A_129 = vector.broadcast %mul3A_128 : f32 to vector<16xf32>
      %mul3A_130 = arith.mulf %mul3A_129, %add3A_127 : vector<16xf32>
      %max3A_131 = arith.maximumf %add3A_127, %mul3A_130 : vector<16xf32>
      %exp3A_132 = math.exp %max3A_131 : vector<16xf32>
      %swap3A_133 = arith.constant 64 : index
      %swap3A_134 = tpu.vector_load %arg15[%swap3A_133] {strides = array<i32>} : memref<128xf32, #tpu.memory_space<vmem>>, vector<16xf32>,
      tpu.vector_store %arg15[%swap3A_133], %exp3A_132 {strides = array<i32>} : memref<128xf32, #tpu.memory_space<vmem>>, vector<16xf32>,
      %get3A_135 = arith.index_cast %scan3A_53 : i32 to index
      %get3A_136 = arith.constant 80 : index
      %get3A_137 = tpu.vector_load %arg9[%get3A_135, %get3A_136] {strides = array<i32>} : memref<79x128xi32, #tpu.memory_space<vmem>>, vector<16xi32>,
      %get3A_138 = arith.index_cast %scan3A_53 : i32 to index
      %get3A_139 = arith.constant 80 : index
      %get3A_140 = tpu.vector_load %arg10[%get3A_138, %get3A_139] {strides = array<i32>} : memref<79x128xi32, #tpu.memory_space<vmem>>, vector<16xi32>,
      %gather3A_141 = tpu.vector_load_idx %arg11[%get3A_137] : memref<10240xf32, #tpu.memory_space<vmem>>[vector<16xi32>], vector<16xf32>,
      %gather3A_142 = tpu.vector_load_idx %arg12[%get3A_140] : memref<10240xf32, #tpu.memory_space<vmem>>[vector<16xi32>], vector<16xf32>,
      %add3A_143 = arith.addf %gather3A_141, %gather3A_142 : vector<16xf32>
      %mul3A_144 = arith.constant 2.000000e-01 : f32
      %mul3A_145 = vector.broadcast %mul3A_144 : f32 to vector<16xf32>
      %mul3A_146 = arith.mulf %mul3A_145, %add3A_143 : vector<16xf32>
      %max3A_147 = arith.maximumf %add3A_143, %mul3A_146 : vector<16xf32>
      %exp3A_148 = math.exp %max3A_147 : vector<16xf32>
      %swap3A_149 = arith.constant 80 : index
      %swap3A_150 = tpu.vector_load %arg15[%swap3A_149] {strides = array<i32>} : memref<128xf32, #tpu.memory_space<vmem>>, vector<16xf32>,
      tpu.vector_store %arg15[%swap3A_149], %exp3A_148 {strides = array<i32>} : memref<128xf32, #tpu.memory_space<vmem>>, vector<16xf32>,
      %get3A_151 = arith.index_cast %scan3A_53 : i32 to index
      %get3A_152 = arith.constant 96 : index
      %get3A_153 = tpu.vector_load %arg9[%get3A_151, %get3A_152] {strides = array<i32>} : memref<79x128xi32, #tpu.memory_space<vmem>>, vector<16xi32>,
      %get3A_154 = arith.index_cast %scan3A_53 : i32 to index
      %get3A_155 = arith.constant 96 : index
      %get3A_156 = tpu.vector_load %arg10[%get3A_154, %get3A_155] {strides = array<i32>} : memref<79x128xi32, #tpu.memory_space<vmem>>, vector<16xi32>,
      %gather3A_157 = tpu.vector_load_idx %arg11[%get3A_153] : memref<10240xf32, #tpu.memory_space<vmem>>[vector<16xi32>], vector<16xf32>,
      %gather3A_158 = tpu.vector_load_idx %arg12[%get3A_156] : memref<10240xf32, #tpu.memory_space<vmem>>[vector<16xi32>], vector<16xf32>,
      %add3A_159 = arith.addf %gather3A_157, %gather3A_158 : vector<16xf32>
      %mul3A_160 = arith.constant 2.000000e-01 : f32
      %mul3A_161 = vector.broadcast %mul3A_160 : f32 to vector<16xf32>
      %mul3A_162 = arith.mulf %mul3A_161, %add3A_159 : vector<16xf32>
      %max3A_163 = arith.maximumf %add3A_159, %mul3A_162 : vector<16xf32>
      %exp3A_164 = math.exp %max3A_163 : vector<16xf32>
      %swap3A_165 = arith.constant 96 : index
      %swap3A_166 = tpu.vector_load %arg15[%swap3A_165] {strides = array<i32>} : memref<128xf32, #tpu.memory_space<vmem>>, vector<16xf32>,
      tpu.vector_store %arg15[%swap3A_165], %exp3A_164 {strides = array<i32>} : memref<128xf32, #tpu.memory_space<vmem>>, vector<16xf32>,
      %get3A_167 = arith.index_cast %scan3A_53 : i32 to index
      %get3A_168 = arith.constant 112 : index
      %get3A_169 = tpu.vector_load %arg9[%get3A_167, %get3A_168] {strides = array<i32>} : memref<79x128xi32, #tpu.memory_space<vmem>>, vector<16xi32>,
      %get3A_170 = arith.index_cast %scan3A_53 : i32 to index
      %get3A_171 = arith.constant 112 : index
      %get3A_172 = tpu.vector_load %arg10[%get3A_170, %get3A_171] {strides = array<i32>} : memref<79x128xi32, #tpu.memory_space<vmem>>, vector<16xi32>,
      %gather3A_173 = tpu.vector_load_idx %arg11[%get3A_169] : memref<10240xf32, #tpu.memory_space<vmem>>[vector<16xi32>], vector<16xf32>,
      %gather3A_174 = tpu.vector_load_idx %arg12[%get3A_172] : memref<10240xf32, #tpu.memory_space<vmem>>[vector<16xi32>], vector<16xf32>,
      %add3A_175 = arith.addf %gather3A_173, %gather3A_174 : vector<16xf32>
      %mul3A_176 = arith.constant 2.000000e-01 : f32
      %mul3A_177 = vector.broadcast %mul3A_176 : f32 to vector<16xf32>
      %mul3A_178 = arith.mulf %mul3A_177, %add3A_175 : vector<16xf32>
      %max3A_179 = arith.maximumf %add3A_175, %mul3A_178 : vector<16xf32>
      %exp3A_180 = math.exp %max3A_179 : vector<16xf32>
      %swap3A_181 = arith.constant 112 : index
      %swap3A_182 = tpu.vector_load %arg15[%swap3A_181] {strides = array<i32>} : memref<128xf32, #tpu.memory_space<vmem>>, vector<16xf32>,
      tpu.vector_store %arg15[%swap3A_181], %exp3A_180 {strides = array<i32>} : memref<128xf32, #tpu.memory_space<vmem>>, vector<16xf32>,
      %dma_wait3A = arith.constant 0 : i32
      %dma_wait3A_183 = tpu.memref_slice %arg9[%scan3A_53, %dma_wait3A] : memref<79x128xi32, #tpu.memory_space<vmem>> -> memref<1x128xi32, #tpu.memory_space<vmem>>
      %dma_wait3A_184 = tpu.memref_squeeze %dma_wait3A_183 : memref<1x128xi32, #tpu.memory_space<vmem>> -> memref<128xi32, #tpu.memory_space<vmem>>
      %dma_wait3A_185 = arith.constant 0 : i32
      %dma_wait3A_186 = arith.constant 0 : i32
      %dma_wait3A_187 = tpu.memref_slice %arg2[%dma_wait3A_185, %dma_wait3A_186] : memref<10240x48xf32, #tpu.memory_space<hbm>> -> memref<10240x48xf32, #tpu.memory_space<hbm>>
      tpu.wait_indirect_dma semaphore(%arg19 : memref<!tpu.dma_semaphore, #tpu.memory_space<semaphore_mem>>) src(%dma_wait3A_187 : memref<10240x48xf32, #tpu.memory_space<hbm>>) dst(%arg13 : memref<128x48xf32, #tpu.memory_space<vmem>>)
      %scan3A_188 = arith.constant 0 : i32
      %scan3A_189 = arith.constant 0 : i32
      %scan3A_190 = arith.constant 32 : i32
      %scan3A_191 = arith.addi %scan3A_189, %scan3A_190 : i32
      %scan3A_192 = arith.constant 1 : i32
      scf.for %scan3A_194 = %scan3A_189 to %scan3A_191 step %scan3A_192  : i32 {
        %mul3A_195 = arith.constant 4 : i32
        %mul3A_196 = arith.muli %scan3A_194, %mul3A_195 : i32
        %add3A_197 = arith.constant 0 : i32
        %add3A_198 = arith.addi %mul3A_196, %add3A_197 : i32
        %broadcast_in_dim3A_199 = arith.constant 0 : i32
        %broadcast_in_dim3A_200 = vector.broadcast %broadcast_in_dim3A_199 : i32 to vector<16xi32>
        %add3A_201 = vector.broadcast %add3A_198 : i32 to vector<16xi32>
        %add3A_202 = arith.addi %broadcast_in_dim3A_200, %add3A_201 : vector<16xi32>
        %gather3A_203 = tpu.vector_load_idx %arg15[%add3A_202] : memref<128xf32, #tpu.memory_space<vmem>>[vector<16xi32>], vector<16xf32>,
        %get3A_204 = arith.index_cast %add3A_198 : i32 to index
        %get3A_205 = arith.constant 0 : index
        %get3A_206 = tpu.vector_load %arg13[%get3A_204, %get3A_205] {strides = array<i32>} : memref<128x48xf32, #tpu.memory_space<vmem>>, vector<16xf32>,
        %mul3A_207 = arith.mulf %get3A_206, %gather3A_203 : vector<16xf32>
        %swap3A_208 = arith.index_cast %add3A_198 : i32 to index
        %swap3A_209 = arith.constant 0 : index
        %swap3A_210 = tpu.vector_load %arg13[%swap3A_208, %swap3A_209] {strides = array<i32>} : memref<128x48xf32, #tpu.memory_space<vmem>>, vector<16xf32>,
        tpu.vector_store %arg13[%swap3A_208, %swap3A_209], %mul3A_207 {strides = array<i32>} : memref<128x48xf32, #tpu.memory_space<vmem>>, vector<16xf32>,
        %get3A_211 = arith.index_cast %add3A_198 : i32 to index
        %get3A_212 = arith.constant 16 : index
        %get3A_213 = tpu.vector_load %arg13[%get3A_211, %get3A_212] {strides = array<i32>} : memref<128x48xf32, #tpu.memory_space<vmem>>, vector<16xf32>,
        %mul3A_214 = arith.mulf %get3A_213, %gather3A_203 : vector<16xf32>
        %swap3A_215 = arith.index_cast %add3A_198 : i32 to index
        %swap3A_216 = arith.constant 16 : index
        %swap3A_217 = tpu.vector_load %arg13[%swap3A_215, %swap3A_216] {strides = array<i32>} : memref<128x48xf32, #tpu.memory_space<vmem>>, vector<16xf32>,
        tpu.vector_store %arg13[%swap3A_215, %swap3A_216], %mul3A_214 {strides = array<i32>} : memref<128x48xf32, #tpu.memory_space<vmem>>, vector<16xf32>,
        %get3A_218 = arith.index_cast %add3A_198 : i32 to index
        %get3A_219 = arith.constant 32 : index
        %get3A_220 = tpu.vector_load %arg13[%get3A_218, %get3A_219] {strides = array<i32>} : memref<128x48xf32, #tpu.memory_space<vmem>>, vector<16xf32>,
        %mul3A_221 = arith.mulf %get3A_220, %gather3A_203 : vector<16xf32>
        %swap3A_222 = arith.index_cast %add3A_198 : i32 to index
        %swap3A_223 = arith.constant 32 : index
        %swap3A_224 = tpu.vector_load %arg13[%swap3A_222, %swap3A_223] {strides = array<i32>} : memref<128x48xf32, #tpu.memory_space<vmem>>, vector<16xf32>,
        tpu.vector_store %arg13[%swap3A_222, %swap3A_223], %mul3A_221 {strides = array<i32>} : memref<128x48xf32, #tpu.memory_space<vmem>>, vector<16xf32>,
        %mul3A_225 = arith.constant 4 : i32
        %mul3A_226 = arith.muli %scan3A_194, %mul3A_225 : i32
        %add3A_227 = arith.constant 1 : i32
        %add3A_228 = arith.addi %mul3A_226, %add3A_227 : i32
        %broadcast_in_dim3A_229 = arith.constant 0 : i32
        %broadcast_in_dim3A_230 = vector.broadcast %broadcast_in_dim3A_229 : i32 to vector<16xi32>
        %add3A_231 = vector.broadcast %add3A_228 : i32 to vector<16xi32>
        %add3A_232 = arith.addi %broadcast_in_dim3A_230, %add3A_231 : vector<16xi32>
        %gather3A_233 = tpu.vector_load_idx %arg15[%add3A_232] : memref<128xf32, #tpu.memory_space<vmem>>[vector<16xi32>], vector<16xf32>,
        %get3A_234 = arith.index_cast %add3A_228 : i32 to index
        %get3A_235 = arith.constant 0 : index
        %get3A_236 = tpu.vector_load %arg13[%get3A_234, %get3A_235] {strides = array<i32>} : memref<128x48xf32, #tpu.memory_space<vmem>>, vector<16xf32>,
        %mul3A_237 = arith.mulf %get3A_236, %gather3A_233 : vector<16xf32>
        %swap3A_238 = arith.index_cast %add3A_228 : i32 to index
        %swap3A_239 = arith.constant 0 : index
        %swap3A_240 = tpu.vector_load %arg13[%swap3A_238, %swap3A_239] {strides = array<i32>} : memref<128x48xf32, #tpu.memory_space<vmem>>, vector<16xf32>,
        tpu.vector_store %arg13[%swap3A_238, %swap3A_239], %mul3A_237 {strides = array<i32>} : memref<128x48xf32, #tpu.memory_space<vmem>>, vector<16xf32>,
        %get3A_241 = arith.index_cast %add3A_228 : i32 to index
        %get3A_242 = arith.constant 16 : index
        %get3A_243 = tpu.vector_load %arg13[%get3A_241, %get3A_242] {strides = array<i32>} : memref<128x48xf32, #tpu.memory_space<vmem>>, vector<16xf32>,
        %mul3A_244 = arith.mulf %get3A_243, %gather3A_233 : vector<16xf32>
        %swap3A_245 = arith.index_cast %add3A_228 : i32 to index
        %swap3A_246 = arith.constant 16 : index
        %swap3A_247 = tpu.vector_load %arg13[%swap3A_245, %swap3A_246] {strides = array<i32>} : memref<128x48xf32, #tpu.memory_space<vmem>>, vector<16xf32>,
        tpu.vector_store %arg13[%swap3A_245, %swap3A_246], %mul3A_244 {strides = array<i32>} : memref<128x48xf32, #tpu.memory_space<vmem>>, vector<16xf32>,
        %get3A_248 = arith.index_cast %add3A_228 : i32 to index
        %get3A_249 = arith.constant 32 : index
        %get3A_250 = tpu.vector_load %arg13[%get3A_248, %get3A_249] {strides = array<i32>} : memref<128x48xf32, #tpu.memory_space<vmem>>, vector<16xf32>,
        %mul3A_251 = arith.mulf %get3A_250, %gather3A_233 : vector<16xf32>
        %swap3A_252 = arith.index_cast %add3A_228 : i32 to index
        %swap3A_253 = arith.constant 32 : index
        %swap3A_254 = tpu.vector_load %arg13[%swap3A_252, %swap3A_253] {strides = array<i32>} : memref<128x48xf32, #tpu.memory_space<vmem>>, vector<16xf32>,
        tpu.vector_store %arg13[%swap3A_252, %swap3A_253], %mul3A_251 {strides = array<i32>} : memref<128x48xf32, #tpu.memory_space<vmem>>, vector<16xf32>,
        %mul3A_255 = arith.constant 4 : i32
        %mul3A_256 = arith.muli %scan3A_194, %mul3A_255 : i32
        %add3A_257 = arith.constant 2 : i32
        %add3A_258 = arith.addi %mul3A_256, %add3A_257 : i32
        %broadcast_in_dim3A_259 = arith.constant 0 : i32
        %broadcast_in_dim3A_260 = vector.broadcast %broadcast_in_dim3A_259 : i32 to vector<16xi32>
        %add3A_261 = vector.broadcast %add3A_258 : i32 to vector<16xi32>
        %add3A_262 = arith.addi %broadcast_in_dim3A_260, %add3A_261 : vector<16xi32>
        %gather3A_263 = tpu.vector_load_idx %arg15[%add3A_262] : memref<128xf32, #tpu.memory_space<vmem>>[vector<16xi32>], vector<16xf32>,
        %get3A_264 = arith.index_cast %add3A_258 : i32 to index
        %get3A_265 = arith.constant 0 : index
        %get3A_266 = tpu.vector_load %arg13[%get3A_264, %get3A_265] {strides = array<i32>} : memref<128x48xf32, #tpu.memory_space<vmem>>, vector<16xf32>,
        %mul3A_267 = arith.mulf %get3A_266, %gather3A_263 : vector<16xf32>
        %swap3A_268 = arith.index_cast %add3A_258 : i32 to index
        %swap3A_269 = arith.constant 0 : index
        %swap3A_270 = tpu.vector_load %arg13[%swap3A_268, %swap3A_269] {strides = array<i32>} : memref<128x48xf32, #tpu.memory_space<vmem>>, vector<16xf32>,
        tpu.vector_store %arg13[%swap3A_268, %swap3A_269], %mul3A_267 {strides = array<i32>} : memref<128x48xf32, #tpu.memory_space<vmem>>, vector<16xf32>,
        %get3A_271 = arith.index_cast %add3A_258 : i32 to index
        %get3A_272 = arith.constant 16 : index
        %get3A_273 = tpu.vector_load %arg13[%get3A_271, %get3A_272] {strides = array<i32>} : memref<128x48xf32, #tpu.memory_space<vmem>>, vector<16xf32>,
        %mul3A_274 = arith.mulf %get3A_273, %gather3A_263 : vector<16xf32>
        %swap3A_275 = arith.index_cast %add3A_258 : i32 to index
        %swap3A_276 = arith.constant 16 : index
        %swap3A_277 = tpu.vector_load %arg13[%swap3A_275, %swap3A_276] {strides = array<i32>} : memref<128x48xf32, #tpu.memory_space<vmem>>, vector<16xf32>,
        tpu.vector_store %arg13[%swap3A_275, %swap3A_276], %mul3A_274 {strides = array<i32>} : memref<128x48xf32, #tpu.memory_space<vmem>>, vector<16xf32>,
        %get3A_278 = arith.index_cast %add3A_258 : i32 to index
        %get3A_279 = arith.constant 32 : index
        %get3A_280 = tpu.vector_load %arg13[%get3A_278, %get3A_279] {strides = array<i32>} : memref<128x48xf32, #tpu.memory_space<vmem>>, vector<16xf32>,
        %mul3A_281 = arith.mulf %get3A_280, %gather3A_263 : vector<16xf32>
        %swap3A_282 = arith.index_cast %add3A_258 : i32 to index
        %swap3A_283 = arith.constant 32 : index
        %swap3A_284 = tpu.vector_load %arg13[%swap3A_282, %swap3A_283] {strides = array<i32>} : memref<128x48xf32, #tpu.memory_space<vmem>>, vector<16xf32>,
        tpu.vector_store %arg13[%swap3A_282, %swap3A_283], %mul3A_281 {strides = array<i32>} : memref<128x48xf32, #tpu.memory_space<vmem>>, vector<16xf32>,
        %mul3A_285 = arith.constant 4 : i32
        %mul3A_286 = arith.muli %scan3A_194, %mul3A_285 : i32
        %add3A_287 = arith.constant 3 : i32
        %add3A_288 = arith.addi %mul3A_286, %add3A_287 : i32
        %broadcast_in_dim3A_289 = arith.constant 0 : i32
        %broadcast_in_dim3A_290 = vector.broadcast %broadcast_in_dim3A_289 : i32 to vector<16xi32>
        %add3A_291 = vector.broadcast %add3A_288 : i32 to vector<16xi32>
        %add3A_292 = arith.addi %broadcast_in_dim3A_290, %add3A_291 : vector<16xi32>
        %gather3A_293 = tpu.vector_load_idx %arg15[%add3A_292] : memref<128xf32, #tpu.memory_space<vmem>>[vector<16xi32>], vector<16xf32>,
        %get3A_294 = arith.index_cast %add3A_288 : i32 to index
        %get3A_295 = arith.constant 0 : index
        %get3A_296 = tpu.vector_load %arg13[%get3A_294, %get3A_295] {strides = array<i32>} : memref<128x48xf32, #tpu.memory_space<vmem>>, vector<16xf32>,
        %mul3A_297 = arith.mulf %get3A_296, %gather3A_293 : vector<16xf32>
        %swap3A_298 = arith.index_cast %add3A_288 : i32 to index
        %swap3A_299 = arith.constant 0 : index
        %swap3A_300 = tpu.vector_load %arg13[%swap3A_298, %swap3A_299] {strides = array<i32>} : memref<128x48xf32, #tpu.memory_space<vmem>>, vector<16xf32>,
        tpu.vector_store %arg13[%swap3A_298, %swap3A_299], %mul3A_297 {strides = array<i32>} : memref<128x48xf32, #tpu.memory_space<vmem>>, vector<16xf32>,
        %get3A_301 = arith.index_cast %add3A_288 : i32 to index
        %get3A_302 = arith.constant 16 : index
        %get3A_303 = tpu.vector_load %arg13[%get3A_301, %get3A_302] {strides = array<i32>} : memref<128x48xf32, #tpu.memory_space<vmem>>, vector<16xf32>,
        %mul3A_304 = arith.mulf %get3A_303, %gather3A_293 : vector<16xf32>
        %swap3A_305 = arith.index_cast %add3A_288 : i32 to index
        %swap3A_306 = arith.constant 16 : index
        %swap3A_307 = tpu.vector_load %arg13[%swap3A_305, %swap3A_306] {strides = array<i32>} : memref<128x48xf32, #tpu.memory_space<vmem>>, vector<16xf32>,
        tpu.vector_store %arg13[%swap3A_305, %swap3A_306], %mul3A_304 {strides = array<i32>} : memref<128x48xf32, #tpu.memory_space<vmem>>, vector<16xf32>,
        %get3A_308 = arith.index_cast %add3A_288 : i32 to index
        %get3A_309 = arith.constant 32 : index
        %get3A_310 = tpu.vector_load %arg13[%get3A_308, %get3A_309] {strides = array<i32>} : memref<128x48xf32, #tpu.memory_space<vmem>>, vector<16xf32>,
        %mul3A_311 = arith.mulf %get3A_310, %gather3A_293 : vector<16xf32>
        %swap3A_312 = arith.index_cast %add3A_288 : i32 to index
        %swap3A_313 = arith.constant 32 : index
        %swap3A_314 = tpu.vector_load %arg13[%swap3A_312, %swap3A_313] {strides = array<i32>} : memref<128x48xf32, #tpu.memory_space<vmem>>, vector<16xf32>,
        tpu.vector_store %arg13[%swap3A_312, %swap3A_313], %mul3A_311 {strides = array<i32>} : memref<128x48xf32, #tpu.memory_space<vmem>>, vector<16xf32>,
      }
      %scan3A_193 = arith.constant 32 : i32
      "tpu.region"() ({
        %run_scoped3A = tpu.sem_alloc : memref<!tpu.dma_semaphore, #tpu.memory_space<semaphore_mem>>
        %dma_start3A_194 = arith.constant 0 : i32
        %dma_start3A_195 = tpu.memref_slice %arg10[%scan3A_53, %dma_start3A_194] : memref<79x128xi32, #tpu.memory_space<vmem>> -> memref<1x128xi32, #tpu.memory_space<vmem>>
        %dma_start3A_196 = tpu.memref_squeeze %dma_start3A_195 : memref<1x128xi32, #tpu.memory_space<vmem>> -> memref<128xi32, #tpu.memory_space<vmem>>
        %dma_start3A_197 = arith.constant 0 : i32
        %dma_start3A_198 = arith.constant 0 : i32
        %dma_start3A_199 = tpu.memref_slice %arg17[%dma_start3A_197, %dma_start3A_198] : memref<10240x48xf32, #tpu.memory_space<vmem_shared>> -> memref<10240x48xf32, #tpu.memory_space<vmem_shared>>
        tpu.enqueue_indirect_dma source(%arg13 : memref<128x48xf32, #tpu.memory_space<vmem>>) target(%dma_start3A_199 : memref<10240x48xf32, #tpu.memory_space<vmem_shared>>) offsets(%dma_start3A_196 : memref<128xi32, #tpu.memory_space<vmem>>) semaphore(%run_scoped3A : memref<!tpu.dma_semaphore, #tpu.memory_space<semaphore_mem>>) {add = true}
        %dma_wait3A_200 = arith.constant 0 : i32
        %dma_wait3A_201 = tpu.memref_slice %arg10[%scan3A_53, %dma_wait3A_200] : memref<79x128xi32, #tpu.memory_space<vmem>> -> memref<1x128xi32, #tpu.memory_space<vmem>>
        %dma_wait3A_202 = tpu.memref_squeeze %dma_wait3A_201 : memref<1x128xi32, #tpu.memory_space<vmem>> -> memref<128xi32, #tpu.memory_space<vmem>>
        %dma_wait3A_203 = arith.constant 0 : i32
        %dma_wait3A_204 = arith.constant 0 : i32
        %dma_wait3A_205 = tpu.memref_slice %arg17[%dma_wait3A_203, %dma_wait3A_204] : memref<10240x48xf32, #tpu.memory_space<vmem_shared>> -> memref<10240x48xf32, #tpu.memory_space<vmem_shared>>
        tpu.wait_indirect_dma semaphore(%run_scoped3A : memref<!tpu.dma_semaphore, #tpu.memory_space<semaphore_mem>>) src(%arg13 : memref<128x48xf32, #tpu.memory_space<vmem>>) dst(%dma_wait3A_205 : memref<10240x48xf32, #tpu.memory_space<vmem_shared>>)
        tpu.yield
      }) : () -> ()
      "tpu.region"() ({
        %run_scoped3A = tpu.sem_alloc : memref<!tpu.dma_semaphore, #tpu.memory_space<semaphore_mem>>
        %dma_start3A_194 = arith.constant 0 : i32
        %dma_start3A_195 = tpu.memref_slice %arg10[%scan3A_53, %dma_start3A_194] : memref<79x128xi32, #tpu.memory_space<vmem>> -> memref<1x128xi32, #tpu.memory_space<vmem>>
        %dma_start3A_196 = tpu.memref_squeeze %dma_start3A_195 : memref<1x128xi32, #tpu.memory_space<vmem>> -> memref<128xi32, #tpu.memory_space<vmem>>
        %dma_start3A_197 = arith.constant 0 : i32
        %dma_start3A_198 = tpu.memref_slice %arg18[%dma_start3A_197] : memref<10240xf32, #tpu.memory_space<vmem_shared>> -> memref<10240xf32, #tpu.memory_space<vmem_shared>>
        tpu.enqueue_indirect_dma source(%arg15 : memref<128xf32, #tpu.memory_space<vmem>>) target(%dma_start3A_198 : memref<10240xf32, #tpu.memory_space<vmem_shared>>) offsets(%dma_start3A_196 : memref<128xi32, #tpu.memory_space<vmem>>) semaphore(%run_scoped3A : memref<!tpu.dma_semaphore, #tpu.memory_space<semaphore_mem>>) {add = true}
        %dma_wait3A_199 = arith.constant 0 : i32
        %dma_wait3A_200 = tpu.memref_slice %arg10[%scan3A_53, %dma_wait3A_199] : memref<79x128xi32, #tpu.memory_space<vmem>> -> memref<1x128xi32, #tpu.memory_space<vmem>>
        %dma_wait3A_201 = tpu.memref_squeeze %dma_wait3A_200 : memref<1x128xi32, #tpu.memory_space<vmem>> -> memref<128xi32, #tpu.memory_space<vmem>>
        %dma_wait3A_202 = arith.constant 0 : i32
        %dma_wait3A_203 = tpu.memref_slice %arg18[%dma_wait3A_202] : memref<10240xf32, #tpu.memory_space<vmem_shared>> -> memref<10240xf32, #tpu.memory_space<vmem_shared>>
        tpu.wait_indirect_dma semaphore(%run_scoped3A : memref<!tpu.dma_semaphore, #tpu.memory_space<semaphore_mem>>) src(%arg15 : memref<128xf32, #tpu.memory_space<vmem>>) dst(%dma_wait3A_203 : memref<10240xf32, #tpu.memory_space<vmem_shared>>)
        tpu.yield
      }) : () -> ()
    }
    %scan3A_51 = arith.constant 79 : i32
    %barrier3A_52 = arith.constant 0 : index
    tpu.barrier barrier_id(%barrier3A_52)
    "tpu.region"() ({
      %run_scoped3A = tpu.sem_alloc : memref<!tpu.dma_semaphore, #tpu.memory_space<semaphore_mem>>
      %dma_start3A = arith.constant 0 : i32
      %dma_start3A_53 = arith.constant 0 : i32
      %dma_start3A_54 = tpu.memref_slice %arg7[%arg0, %dma_start3A, %dma_start3A_53] : memref<2x10240x48xf32, #tpu.memory_space<hbm>> -> memref<1x10240x48xf32, #tpu.memory_space<hbm>>
      %dma_start3A_55 = tpu.memref_squeeze %dma_start3A_54 : memref<1x10240x48xf32, #tpu.memory_space<hbm>> -> memref<10240x48xf32, #tpu.memory_space<hbm>>
      %dma_start3A_56 = arith.constant 0 : i32
      %dma_start3A_57 = tpu.memref_slice %dma_start3A_55[%mul3A_2, %dma_start3A_56] : memref<10240x48xf32, #tpu.memory_space<hbm>> -> memref<640x48xf32, #tpu.memory_space<hbm>>
      %dma_start3A_58 = arith.constant 0 : i32
      %dma_start3A_59 = tpu.memref_slice %arg17[%mul3A_2, %dma_start3A_58] : memref<10240x48xf32, #tpu.memory_space<vmem_shared>> -> memref<640x48xf32, #tpu.memory_space<vmem_shared>>
      tpu.enqueue_dma source(%dma_start3A_59 : memref<640x48xf32, #tpu.memory_space<vmem_shared>>) target(%dma_start3A_57 : memref<640x48xf32, #tpu.memory_space<hbm>>) target_semaphore(%run_scoped3A : memref<!tpu.dma_semaphore, #tpu.memory_space<semaphore_mem>>)
      %dma_wait3A = arith.constant 0 : i32
      %dma_wait3A_60 = arith.constant 0 : i32
      %dma_wait3A_61 = tpu.memref_slice %arg7[%arg0, %dma_wait3A, %dma_wait3A_60] : memref<2x10240x48xf32, #tpu.memory_space<hbm>> -> memref<1x10240x48xf32, #tpu.memory_space<hbm>>
      %dma_wait3A_62 = tpu.memref_squeeze %dma_wait3A_61 : memref<1x10240x48xf32, #tpu.memory_space<hbm>> -> memref<10240x48xf32, #tpu.memory_space<hbm>>
      %dma_wait3A_63 = arith.constant 0 : i32
      %dma_wait3A_64 = tpu.memref_slice %dma_wait3A_62[%mul3A_2, %dma_wait3A_63] : memref<10240x48xf32, #tpu.memory_space<hbm>> -> memref<640x48xf32, #tpu.memory_space<hbm>>
      %dma_wait3A_65 = arith.constant 0 : i32
      %dma_wait3A_66 = tpu.memref_slice %arg17[%mul3A_2, %dma_wait3A_65] : memref<10240x48xf32, #tpu.memory_space<vmem_shared>> -> memref<640x48xf32, #tpu.memory_space<vmem_shared>>
      tpu.wait_dma2 semaphore(%run_scoped3A : memref<!tpu.dma_semaphore, #tpu.memory_space<semaphore_mem>>) src(%dma_wait3A_66 : memref<640x48xf32, #tpu.memory_space<vmem_shared>>) dst(%dma_wait3A_64 : memref<640x48xf32, #tpu.memory_space<hbm>>)
      tpu.yield
    }) : () -> ()
    "tpu.region"() ({
      %run_scoped3A = tpu.sem_alloc : memref<!tpu.dma_semaphore, #tpu.memory_space<semaphore_mem>>
      %dma_start3A = arith.constant 0 : i32
      %dma_start3A_53 = tpu.memref_slice %arg8[%arg0, %dma_start3A] : memref<2x10240xf32, #tpu.memory_space<hbm>> -> memref<1x10240xf32, #tpu.memory_space<hbm>>
      %dma_start3A_54 = tpu.memref_squeeze %dma_start3A_53 : memref<1x10240xf32, #tpu.memory_space<hbm>> -> memref<10240xf32, #tpu.memory_space<hbm>>
      %dma_start3A_55 = tpu.memref_slice %dma_start3A_54[%mul3A_2] : memref<10240xf32, #tpu.memory_space<hbm>> -> memref<640xf32, #tpu.memory_space<hbm>>
      %dma_start3A_56 = tpu.memref_slice %arg18[%mul3A_2] : memref<10240xf32, #tpu.memory_space<vmem_shared>> -> memref<640xf32, #tpu.memory_space<vmem_shared>>
      tpu.enqueue_dma source(%dma_start3A_56 : memref<640xf32, #tpu.memory_space<vmem_shared>>) target(%dma_start3A_55 : memref<640xf32, #tpu.memory_space<hbm>>) target_semaphore(%run_scoped3A : memref<!tpu.dma_semaphore, #tpu.memory_space<semaphore_mem>>)
      %dma_wait3A = arith.constant 0 : i32
      %dma_wait3A_57 = tpu.memref_slice %arg8[%arg0, %dma_wait3A] : memref<2x10240xf32, #tpu.memory_space<hbm>> -> memref<1x10240xf32, #tpu.memory_space<hbm>>
      %dma_wait3A_58 = tpu.memref_squeeze %dma_wait3A_57 : memref<1x10240xf32, #tpu.memory_space<hbm>> -> memref<10240xf32, #tpu.memory_space<hbm>>
      %dma_wait3A_59 = tpu.memref_slice %dma_wait3A_58[%mul3A_2] : memref<10240xf32, #tpu.memory_space<hbm>> -> memref<640xf32, #tpu.memory_space<hbm>>
      %dma_wait3A_60 = tpu.memref_slice %arg18[%mul3A_2] : memref<10240xf32, #tpu.memory_space<vmem_shared>> -> memref<640xf32, #tpu.memory_space<vmem_shared>>
      tpu.wait_dma2 semaphore(%run_scoped3A : memref<!tpu.dma_semaphore, #tpu.memory_space<semaphore_mem>>) src(%dma_wait3A_60 : memref<640xf32, #tpu.memory_space<vmem_shared>>) dst(%dma_wait3A_59 : memref<640xf32, #tpu.memory_space<hbm>>)
      tpu.yield
    }) : () -> ()
    return
  }
}

module attributes {stable_mosaic.version = 14 : i64} {
  func.func @_mm_body(%arg0: i32, %arg1: memref<1000x128xf32, #tpu.memory_space<vmem>>, %arg2: memref<128x256xf32, #tpu.memory_space<vmem>>, %arg3: memref<1000x256xf32, #tpu.memory_space<vmem>>) attributes {dimension_semantics = [#tpu.dimension_semantics<arbitrary>], iteration_bounds = array<i64: 10>, scalar_prefetch = 0 : i64, scratch_operands = 0 : i64, tpu.core_type = #tpu.core_type<tc>, window_params = [{transform_indices = @transform_0, window_bounds = array<i64: 1000, 128>}, {pipeline_mode = #tpu.pipeline_mode<synchronous>, transform_indices = @transform_1, window_bounds = array<i64: 128, 256>}, {transform_indices = @transform_2, window_bounds = array<i64: 1000, 256>}]} {
    %get3A = arith.constant 0 : index
    %get3A_0 = arith.constant 0 : index
    %get3A_1 = vector.load %arg1[%get3A, %get3A_0] : memref<1000x128xf32, #tpu.memory_space<vmem>>, vector<1000x128xf32>
    %get3A_2 = arith.constant 0 : index
    %get3A_3 = arith.constant 0 : index
    %get3A_4 = vector.load %arg2[%get3A_2, %get3A_3] : memref<128x256xf32, #tpu.memory_space<vmem>>, vector<128x256xf32>
    %dot_general3A = arith.constant dense<0.000000e+00> : vector<1000x256xf32>
    %dot_general3A_5 = tpu.matmul %get3A_1, %get3A_4, %dot_general3A {dimension_numbers = #tpu.dot_dimension_numbers<[1], [0], [0], [1], [0, 0, 1, 1], [], []>, transpose_lhs_hint = false} : vector<1000x128xf32>, vector<128x256xf32>, vector<1000x256xf32> -> vector<1000x256xf32>
    %swap3A = arith.constant 0 : index
    %swap3A_6 = arith.constant 0 : index
    %swap3A_7 = vector.load %arg3[%swap3A, %swap3A_6] : memref<1000x256xf32, #tpu.memory_space<vmem>>, vector<1000x256xf32>
    tpu.vector_store %arg3[%swap3A, %swap3A_6], %dot_general3A_5 {strides = array<i32>} : memref<1000x256xf32, #tpu.memory_space<vmem>>, vector<1000x256xf32>,
    return
  }
  func.func @transform_0(%arg0: i32) -> (i32, i32) {
    %c0_i32 = arith.constant 0 : i32
    %c0_i32_0 = arith.constant 0 : i32
    return %arg0, %c0_i32 : i32, i32
  }
  func.func @transform_1(%arg0: i32) -> (i32, i32) {
    %c0_i32 = arith.constant 0 : i32
    %c0_i32_0 = arith.constant 0 : i32
    %c0_i32_1 = arith.constant 0 : i32
    return %c0_i32, %c0_i32_0 : i32, i32
  }
  func.func @transform_2(%arg0: i32) -> (i32, i32) {
    %c0_i32 = arith.constant 0 : i32
    %c0_i32_0 = arith.constant 0 : i32
    return %arg0, %c0_i32 : i32, i32
  }
}

module attributes {stable_mosaic.version = 14 : i64} {
  func.func @_norm_mm_body(%arg0: i32, %arg1: memref<1000x128xf32, #tpu.memory_space<vmem>>, %arg2: memref<1000x128xf32, #tpu.memory_space<vmem>>, %arg3: memref<128x256xf32, #tpu.memory_space<vmem>>, %arg4: memref<1000x256xf32, #tpu.memory_space<vmem>>) attributes {dimension_semantics = [#tpu.dimension_semantics<arbitrary>], iteration_bounds = array<i64: 10>, scalar_prefetch = 0 : i64, scratch_operands = 0 : i64, tpu.core_type = #tpu.core_type<tc>, window_params = [{transform_indices = @transform_0, window_bounds = array<i64: 1000, 128>}, {transform_indices = @transform_1, window_bounds = array<i64: 1000, 128>}, {pipeline_mode = #tpu.pipeline_mode<synchronous>, transform_indices = @transform_2, window_bounds = array<i64: 128, 256>}, {transform_indices = @transform_3, window_bounds = array<i64: 1000, 256>}]} {
    %get3A = arith.constant 0 : index
    %get3A_0 = arith.constant 0 : index
    %get3A_1 = vector.load %arg1[%get3A, %get3A_0] : memref<1000x128xf32, #tpu.memory_space<vmem>>, vector<1000x128xf32>
    %get3A_2 = arith.constant 0 : index
    %get3A_3 = arith.constant 0 : index
    %get3A_4 = vector.load %arg2[%get3A_2, %get3A_3] : memref<1000x128xf32, #tpu.memory_space<vmem>>, vector<1000x128xf32>
    %add3A = arith.constant 1.000000e-16 : f32
    %add3A_5 = vector.broadcast %add3A : f32 to vector<1000x128xf32>
    %add3A_6 = arith.addf %get3A_4, %add3A_5 : vector<1000x128xf32>
    %div3A = arith.divf %get3A_1, %add3A_6 : vector<1000x128xf32>
    %gt3A = arith.constant 0.000000e+00 : f32
    %gt3A_7 = vector.broadcast %gt3A : f32 to vector<1000x128xf32>
    %gt3A_8 = arith.cmpf ogt, %div3A, %gt3A_7 : vector<1000x128xf32>
    %min3A = arith.constant 0.000000e+00 : f32
    %min3A_9 = vector.broadcast %min3A : f32 to vector<1000x128xf32>
    %min3A_10 = arith.minimumf %div3A, %min3A_9 : vector<1000x128xf32>
    %exp3A = math.exp %min3A_10 : vector<1000x128xf32>
    %sub3A = arith.constant 1.000000e+00 : f32
    %sub3A_11 = vector.broadcast %sub3A : f32 to vector<1000x128xf32>
    %sub3A_12 = arith.subf %exp3A, %sub3A_11 : vector<1000x128xf32>
    %select_n3A = arith.select %gt3A_8, %div3A, %sub3A_12 : vector<1000x128xi1>, vector<1000x128xf32>
    %get3A_13 = arith.constant 0 : index
    %get3A_14 = arith.constant 0 : index
    %get3A_15 = vector.load %arg3[%get3A_13, %get3A_14] : memref<128x256xf32, #tpu.memory_space<vmem>>, vector<128x256xf32>
    %dot_general3A = arith.constant dense<0.000000e+00> : vector<1000x256xf32>
    %dot_general3A_16 = tpu.matmul %select_n3A, %get3A_15, %dot_general3A {dimension_numbers = #tpu.dot_dimension_numbers<[1], [0], [0], [1], [0, 0, 1, 1], [], []>, transpose_lhs_hint = false} : vector<1000x128xf32>, vector<128x256xf32>, vector<1000x256xf32> -> vector<1000x256xf32>
    %swap3A = arith.constant 0 : index
    %swap3A_17 = arith.constant 0 : index
    %swap3A_18 = vector.load %arg4[%swap3A, %swap3A_17] : memref<1000x256xf32, #tpu.memory_space<vmem>>, vector<1000x256xf32>
    tpu.vector_store %arg4[%swap3A, %swap3A_17], %dot_general3A_16 {strides = array<i32>} : memref<1000x256xf32, #tpu.memory_space<vmem>>, vector<1000x256xf32>,
    return
  }
  func.func @transform_0(%arg0: i32) -> (i32, i32) {
    %c0_i32 = arith.constant 0 : i32
    %c0_i32_0 = arith.constant 0 : i32
    return %arg0, %c0_i32 : i32, i32
  }
  func.func @transform_1(%arg0: i32) -> (i32, i32) {
    %c0_i32 = arith.constant 0 : i32
    %c0_i32_0 = arith.constant 0 : i32
    return %arg0, %c0_i32 : i32, i32
  }
  func.func @transform_2(%arg0: i32) -> (i32, i32) {
    %c0_i32 = arith.constant 0 : i32
    %c0_i32_0 = arith.constant 0 : i32
    %c0_i32_1 = arith.constant 0 : i32
    return %c0_i32, %c0_i32_0 : i32, i32
  }
  func.func @transform_3(%arg0: i32) -> (i32, i32) {
    %c0_i32 = arith.constant 0 : i32
    %c0_i32_0 = arith.constant 0 : i32
    return %arg0, %c0_i32 : i32, i32
  }
}

module attributes {stable_mosaic.version = 14 : i64} {
  func.func @_final_body(%arg0: i32, %arg1: memref<1000x40xf32, #tpu.memory_space<vmem>>, %arg2: memref<1000x40xf32, #tpu.memory_space<vmem>>, %arg3: memref<1000x1xf32, #tpu.memory_space<vmem>>, %arg4: memref<1000x1xf32, #tpu.memory_space<vmem>>, %arg5: memref<1000x40xf32, #tpu.memory_space<vmem>>) attributes {dimension_semantics = [#tpu.dimension_semantics<arbitrary>], iteration_bounds = array<i64: 10>, scalar_prefetch = 0 : i64, scratch_operands = 0 : i64, tpu.core_type = #tpu.core_type<tc>, window_params = [{transform_indices = @transform_0, window_bounds = array<i64: 1000, 40>}, {transform_indices = @transform_1, window_bounds = array<i64: 1000, 40>}, {transform_indices = @transform_2, window_bounds = array<i64: 1000, 1>}, {transform_indices = @transform_3, window_bounds = array<i64: 1000, 1>}, {transform_indices = @transform_4, window_bounds = array<i64: 1000, 40>}]} {
    %get3A = arith.constant 0 : index
    %get3A_0 = arith.constant 0 : index
    %get3A_1 = vector.load %arg3[%get3A, %get3A_0] : memref<1000x1xf32, #tpu.memory_space<vmem>>, vector<1000x1xf32>
    %get3A_2 = arith.constant 0 : index
    %get3A_3 = arith.constant 0 : index
    %get3A_4 = vector.load %arg4[%get3A_2, %get3A_3] : memref<1000x1xf32, #tpu.memory_space<vmem>>, vector<1000x1xf32>
    %add3A = arith.addf %get3A_1, %get3A_4 : vector<1000x1xf32>
    %add3A_5 = arith.constant 1.000000e-16 : f32
    %add3A_6 = vector.broadcast %add3A_5 : f32 to vector<1000x1xf32>
    %add3A_7 = arith.addf %add3A, %add3A_6 : vector<1000x1xf32>
    %get3A_8 = arith.constant 0 : index
    %get3A_9 = arith.constant 0 : index
    %get3A_10 = vector.load %arg1[%get3A_8, %get3A_9] : memref<1000x40xf32, #tpu.memory_space<vmem>>, vector<1000x40xf32>
    %get3A_11 = arith.constant 0 : index
    %get3A_12 = arith.constant 0 : index
    %get3A_13 = vector.load %arg2[%get3A_11, %get3A_12] : memref<1000x40xf32, #tpu.memory_space<vmem>>, vector<1000x40xf32>
    %add3A_14 = arith.addf %get3A_10, %get3A_13 : vector<1000x40xf32>
    %div3A = vector.broadcast %add3A_7 : vector<1000x1xf32> to vector<1000x40xf32>
    %div3A_15 = arith.divf %add3A_14, %div3A : vector<1000x40xf32>
    %reduce_max3A = arith.constant dense<0xFF800000> : vector<1000xf32>
    %reduce_max3A_16 = vector.multi_reduction <maximumf>, %div3A_15, %reduce_max3A [1] : vector<1000x40xf32> to vector<1000xf32>
    %broadcast_in_dim3A = vector.shape_cast %reduce_max3A_16 : vector<1000xf32> to vector<1000x1xf32>
    %sub3A = vector.broadcast %broadcast_in_dim3A : vector<1000x1xf32> to vector<1000x40xf32>
    %sub3A_17 = arith.subf %div3A_15, %sub3A : vector<1000x40xf32>
    %exp3A = math.exp %sub3A_17 : vector<1000x40xf32>
    %reduce_sum3A = arith.constant dense<0.000000e+00> : vector<1000xf32>
    %reduce_sum3A_18 = vector.multi_reduction <add>, %exp3A, %reduce_sum3A [1] : vector<1000x40xf32> to vector<1000xf32>
    %broadcast_in_dim3A_19 = vector.shape_cast %reduce_sum3A_18 : vector<1000xf32> to vector<1000x1xf32>
    %log3A = math.log %broadcast_in_dim3A_19 : vector<1000x1xf32>
    %sub3A_20 = vector.broadcast %log3A : vector<1000x1xf32> to vector<1000x40xf32>
    %sub3A_21 = arith.subf %sub3A_17, %sub3A_20 : vector<1000x40xf32>
    %swap3A = arith.constant 0 : index
    %swap3A_22 = arith.constant 0 : index
    %swap3A_23 = vector.load %arg5[%swap3A, %swap3A_22] : memref<1000x40xf32, #tpu.memory_space<vmem>>, vector<1000x40xf32>
    tpu.vector_store %arg5[%swap3A, %swap3A_22], %sub3A_21 {strides = array<i32>} : memref<1000x40xf32, #tpu.memory_space<vmem>>, vector<1000x40xf32>,
    return
  }
  func.func @transform_0(%arg0: i32) -> (i32, i32) {
    %c0_i32 = arith.constant 0 : i32
    %c0_i32_0 = arith.constant 0 : i32
    return %arg0, %c0_i32 : i32, i32
  }
  func.func @transform_1(%arg0: i32) -> (i32, i32) {
    %c0_i32 = arith.constant 0 : i32
    %c0_i32_0 = arith.constant 0 : i32
    return %arg0, %c0_i32 : i32, i32
  }
  func.func @transform_2(%arg0: i32) -> (i32, i32) {
    %c0_i32 = arith.constant 0 : i32
    %c0_i32_0 = arith.constant 0 : i32
    return %arg0, %c0_i32 : i32, i32
  }
  func.func @transform_3(%arg0: i32) -> (i32, i32) {
    %c0_i32 = arith.constant 0 : i32
    %c0_i32_0 = arith.constant 0 : i32
    return %arg0, %c0_i32 : i32, i32
  }
  func.func @transform_4(%arg0: i32) -> (i32, i32) {
    %c0_i32 = arith.constant 0 : i32
    %c0_i32_0 = arith.constant 0 : i32
    return %arg0, %c0_i32 : i32, i32
  }
}

</mosaic_0001>

<sc_bundles>
// kernel: kernel.10.cloned.1.call-start
scs
__scs_entry_jumppad:
0x0: {  	(pc) =	sbr.rel $0x88, $3  }
0x1: {  	(tag) =	ssettag $0x0;
	lr =	simm.s32 $0x1  }
0x2: {  	[smem:$0x3F9B] =	sst lr;
	_ =	strace $0xD0000000  }
0x3: {  	_ = 	snop  }
0x4: {  	_ = 	snop  }
0x5: {  	_ = 	snop  }
0x6: {  	_ = 	snop  }
0x7: {  	_ = 	snop  }
__scs_overlays_trampoline_lowered:
0x8: {  	[smem:$0x3FAA] =	sst s0  }
0x9: {  	[smem:$0x3FAB] =	sst s1  }
0xa: {  	[smem:$0x3FAC] =	sst s2  }
0xb: {  	[smem:$0x3FAD] =	sst s3  }
0xc: {  	[smem:$0x3FAE] =	sst s4  }
0xd: {  	[smem:$0x3FAF] =	sst s5  }
0xe: {  	[smem:$0x3FB0] =	sst s6  }
0xf: {  	[smem:$0x3FB1] =	sst s7  }
0x10: {  	[smem:$0x3FB2] =	sst s8  }
0x11: {  	[smem:$0x3FB3] =	sst s9;
	s0 =	simm.s32 @!p0 $0x0  }
0x12: {  	s1 =	sld [smem:$0x3F99];
	s0 =	simm.s32 @p0 $0x1  }
0x13: {  	[smem:$0x3FB4] =	sst s0;
	s0 =	simm.s32 @!p1 $0x0  }
0x14: {  	s2 =	sld [smem:$0x3F98];
	s0 =	simm.s32 @p1 $0x1  }
0x15: {  	[smem:$0x3FB5] =	sst s0;
	s0 =	simm.s32 @!p2 $0x0  }
0x16: {  	s3 =	sld [smem:$0x3FDB];
	s0 =	simm.s32 @p2 $0x1  }
0x17: {  	s4 =	simm.s32 $0x1BF5;
	[smem:$0x3FB7] =	sst s0  }
0x18: {  	s0 =	sld [smem:$0x3F9A];
	_ =	swait.ge [sflag:s4], $0x0  }
0x19: {  	s7 =	sld [smem:$0x3F9B]  }
0x1a: {  	s8 =	sadd.s32 $0xFFFFE003, lr  }
0x1b: {  	s9 =	sadd.s32 $0xFFFFFEF7, lr;
	s5 =	simm.s32 $0xFFFFFFFF;
	p2 =	slt.u32 s8, $0xFFFFF086  }
0x1c: {  	p1 =	slt.u32 s9, $0xF7A;
	s5 =	simm.s32 @!p2 $0x0  }
0x1d: {  	s5 =	simm.s32 @p1 $0x1;
	p0 =	seq.s32 s7, s2  }
0x1e: {  	s7 =	smul.u32 @!p0 $0xF7A, s2;
	p2 =	seq.s32 @!p0 s5, $0x0  }
0x1f: {  	s9 =	smul.u32 $0xF7A, s1;
	s8 =	simm.s32 @!p0 $0x1BF5;
	p2 =	por !p2, p0  }
0x20: {  	[sflag:s8] =	ssyncset.s32 @!p0 $0xFFFFF086;
	s6 =	sadd.s32 @!p0 s3, s7;
	s7 =	simm.s32 @!p0 $0x108  }
0x21: {  	s3 =	sadd.s32 s3, s9;
	s6 =	sadd.s32 @!p0 $0x88, s6;
	s7 =	simm.s32 @p2 $0x1082  }
0x22: {  	[simem:s7], [sflag:s8] =	dma.local @!p0 [hbm:s6], $0xF7A  }
0x23: {  	s9 =	sor.u32 $0xD0000000, s2;
	s6 =	simm.s32 $0x108;
	_ =	swait.ge @!p0 [sflag:s8], $0x0  }
0x24: {  	s3 =	sadd.s32 $0x88, s3;
	s6 =	simm.s32 @!p1 $0x1082;
	[sflag:s4] =	ssyncset.s32 $0xFFFFF086  }
0x25: {  	[simem:s6], [sflag:s4] =	dma.local [hbm:s3], $0xF7A  }
0x26: {  	[smem:$0x3F9B] =	sst s1;
	(tag) =	ssettag s2;
	_ =	strace s9  }
0x27: {  	s1 =	sld [smem:$0x3FAB]  }
0x28: {  	s2 =	sld [smem:$0x3FAC]  }
0x29: {  	s4 =	sld [smem:$0x3FAE]  }
0x2a: {  	p0 =	seq.s32 s5, $0x0;
	s5 =	sld [smem:$0x3FAF]  }
0x2b: {  	s6 =	sld [smem:$0x3FB0]  }
0x2c: {  	s7 =	sld [smem:$0x3FB1]  }
0x2d: {  	s3 =	simm.s32 $0x108;
	s8 =	sld [smem:$0x3FB2]  }
0x2e: {  	s3 =	simm.s32 @!p0 $0x1082;
	s9 =	sld [smem:$0x3FB3]  }
0x2f: {  	lr =	sadd.s32 s0, s3;
	s0 =	sld [smem:$0x3FAA]  }
0x30: {  	s3 =	sld [smem:$0x3FAD]  }
0x31: {  	[smem:$0x3FB6] =	sst s10  }
0x32: {  	s10 =	sld [smem:$0x3FB4];
	_ =	sdelay $0x3  }
0x33: {  	p0 =	seq.s32 s10, $0x1;
	s10 =	sld [smem:$0x3FB6];
	_ =	sdelay $0x3  }
0x34: {  	[smem:$0x3FB6] =	sst s10  }
0x35: {  	s10 =	sld [smem:$0x3FB5];
	_ =	sdelay $0x3  }
0x36: {  	p1 =	seq.s32 s10, $0x1;
	s10 =	sld [smem:$0x3FB6];
	_ =	sdelay $0x3  }
0x37: {  	[smem:$0x3FB6] =	sst s10  }
0x38: {  	s10 =	sld [smem:$0x3FB7]  }
0x39: {  	_ = 	snop;
	(pc) =	sbr.ind lr, $3  }
0x3a: {  	_ = 	snop  }
0x3b: {  	_ = 	snop  }
0x3c: {  	p2 =	seq.s32 s10, $0x1;
	s10 =	sld [smem:$0x3FB6]  }
0x3d: {  	_ =	shalt  }
0x3e: {  	_ =	shalt  }
0x3f: {  	_ =	shalt  }
0x40: {  	_ =	shalt  }
0x41: {  	_ =	shalt  }
0x42: {  	_ =	shalt  }
0x43: {  	_ =	shalt  }
0x44: {  	_ =	shalt  }
0x45: {  	_ =	shalt  }
0x46: {  	_ =	shalt  }
0x47: {  	_ =	shalt  }
0x48: {  	_ =	shalt  }
0x49: {  	_ =	shalt  }
0x4a: {  	_ =	shalt  }
0x4b: {  	_ =	shalt  }
0x4c: {  	_ =	shalt  }
0x4d: {  	_ =	shalt  }
0x4e: {  	_ =	shalt  }
0x4f: {  	_ =	shalt  }
0x50: {  	_ =	shalt  }
0x51: {  	_ =	shalt  }
0x52: {  	_ =	shalt  }
0x53: {  	_ =	shalt  }
0x54: {  	_ =	shalt  }
0x55: {  	_ =	shalt  }
0x56: {  	_ =	shalt  }
0x57: {  	_ =	shalt  }
0x58: {  	_ =	shalt  }
0x59: {  	_ =	shalt  }
0x5a: {  	_ =	shalt  }
0x5b: {  	_ =	shalt  }
0x5c: {  	_ =	shalt  }
0x5d: {  	_ =	shalt  }
0x5e: {  	_ =	shalt  }
0x5f: {  	_ =	shalt  }
0x60: {  	_ =	shalt  }
0x61: {  	_ =	shalt  }
0x62: {  	_ =	shalt  }
0x63: {  	_ =	shalt  }
0x64: {  	_ =	shalt  }
0x65: {  	_ =	shalt  }
0x66: {  	_ =	shalt  }
0x67: {  	_ =	shalt  }
0x68: {  	_ =	shalt  }
0x69: {  	_ =	shalt  }
0x6a: {  	_ =	shalt  }
0x6b: {  	_ =	shalt  }
0x6c: {  	_ =	shalt  }
0x6d: {  	_ =	shalt  }
0x6e: {  	_ =	shalt  }
0x6f: {  	_ =	shalt  }
0x70: {  	_ =	shalt  }
0x71: {  	_ =	shalt  }
0x72: {  	_ =	shalt  }
0x73: {  	_ =	shalt  }
0x74: {  	_ =	shalt  }
0x75: {  	_ =	shalt  }
0x76: {  	_ =	shalt  }
0x77: {  	_ =	shalt  }
0x78: {  	_ =	shalt  }
0x79: {  	_ =	shalt  }
0x7a: {  	_ =	shalt  }
0x7b: {  	_ =	shalt  }
0x7c: {  	_ =	shalt  }
0x7d: {  	_ =	shalt  }
0x7e: {  	_ =	shalt  }
0x7f: {  	_ =	shalt  }
0x80: {  	_ =	shalt  }
0x81: {  	_ =	shalt  }
0x82: {  	_ =	shalt  }
0x83: {  	_ =	shalt  }
0x84: {  	_ =	shalt  }
0x85: {  	_ =	shalt  }
0x86: {  	_ =	shalt  }
0x87: {  	_ =	shalt  }
.Lfunc_end0:
.L_simem_size_0:
called_computation.1_lowered:
.L_overlay_start_0:
0x88: {  	s2 =	sld [smem:$0x3FD9]  }
0x89: {  	s3 =	sld [smem:$0x3FFE];
	_ =	sdelay $0x1  }
0x8a: {  	s1 =	srdreg.scid  }
0x8b: {  	s0 =	sand.u32 $0x1, s1  }
0x8c: {  	s17 =	sshll.u32 s0, $0xA;
	s2 =	sadd.s32 s3, s2  }
0x8d: {  	s2 =	sadd.s32 s2, s17  }
0x8e: {  	[smem:$0x3FC2] =	sst s2  }
0x8f: {  	_ = 	snop  }
0x90: {  	s2 =	sld [smem:$0x3FD0];
	(tm) =	ssettm $0x1  }
0x91: {  	s18 =	sld [smem:$0x3FFB];
	_ =	sdelay $0x3  }
0x92: {  	_ =	strace s18  }
0x93: {  	s3 =	sld [smem:$0x3FFC];
	_ =	sdelay $0x3  }
0x94: {  	_ =	strace s3  }
0x95: {  	s3 =	sld [smem:$0x3FFD];
	_ =	sdelay $0x3  }
0x96: {  	_ =	strace s3  }
0x97: {  	_ =	strace $0x8FFFFFFF  }
0x98: {  	s19 =	sld [smem:$0x3FDB];
	_ =	sdelay $0x1  }
0x99: {  	s4 =	simm.s32 $_scs_section_size  }
0x9a: {  	s5 =	simm.s32 $_size__tile_overlayer_lowered;
	s6 =	simm.s32 $_tile_overlayer_lowered  }
0x9b: {  	s22 =	simm.s32 $0x1BFF;
	s21 =	sshll.u32 s6, $0x1;
	s3 =	sadd.s32 s4, s19  }
0x9c: {  	s7 =	simm.s32 $0x0;
	s20 =	sshll.u32 s5, $0x1;
	s5 =	sadd.s32 s21, s3  }
0x9d: {  	[timem:s7], [sflag:s22] =	dma.local [hbm:s5], s20  }
0x9e: {  	_ =	swait.ge [sflag:s22], s20  }
0x9f: {  	s4 =	ssub.s32 $0x0, s20;
	[sflag:s22] =	ssyncset.done $0x0  }
0xa0: {  	[sflag:s22] =	ssyncadd.s32 s4;
	_ =	sdelay $0x1  }
0xa1: {  	s23 =	simm.s32 $0x1B8B  }
0xa2: {  	_ =	swait.ge [sflag:s23], $0x1  }
0xa3: {  	[sflag:s23] =	ssyncset.done $0x0  }
0xa4: {  	s25 =	simm.s32 $0x1B8E;
	s24 =	sld [smem:$0x3FFE];
	[sflag:s23] =	ssyncadd.s32 $0xFFFFFFFF  }
0xa5: {  	s26 =	simm.s32 $execute0_lowered;
	[smem:$0x3FD2] =	sst s25  }
0xa6: {  	s5 =	sshll.u32 s26, $0x1;
	_ =	strace $0x80000049;
	[dreg:$0x1] =	wrdreg $0xFFFFFFFF  }
0xa7: {  	s28 =	simm.s32 $_size_execute0_lowered;
	s3 =	sadd.s32 s3, s5;
	[dreg:$0x0] =	wrdreg $0x0  }
0xa8: {  	s5 =	sshll.u32 s28, $0x1;
	[dreg:$0x2] =	wrdreg s3  }
0xa9: {  	[dreg:$0x3] =	wrdreg s5  }
0xaa: {  	[dreg:$0x4] =	wrdreg $0xC0  }
0xab: {  	_ =	task [dreg:s7], $0x5FFFF  }
0xac: {  	[dreg:$0x1] =	wrdreg $0xFFFFFFFF  }
0xad: {  	[dreg:$0x0] =	wrdreg $0x60  }
0xae: {  	[dreg:$0x2] =	wrdreg s24  }
0xaf: {  	[dreg:$0x3] =	wrdreg s2  }
0xb0: {  	[dreg:$0x4] =	wrdreg $0xB7800  }
0xb1: {  	[dreg:$0x5] =	wrdreg $0x12F800  }
0xb2: {  	[dreg:$0x6] =	wrdreg $0x9  }
0xb3: {  	_ =	task.clear_ibuf [dreg:s7], $0x7FFFF;
	_ =	strace $0x90000049  }
0xb4: {  	s29 =	simm.s32 $0x9;
	_ =	strace $0x8000004B  }
0xb5: {  	_ =	swait.ge [sflag:s29], $0x1  }
0xb6: {  	[sflag:s29] =	ssyncadd.s32 $0xFFFFFFFF  }
0xb7: {  	_ =	strace $0x9000004B  }
0xb8: {  	_ =	sfence  }
0xb9: {  	s30 =	sld [smem:$0x0];
	_ =	sdelay $0x2  }
0xba: {  	s31 =	sshll.u32 s1, $0xD;
	s1 =	sshrl.u32 s1, $0x2  }
0xbb: {  	s3 =	sand.u32 $0x4000, s31;
	s1 =	sadd.s32 s1, s30  }
0xbc: {  	s0 =	sor.u32 s3, s0;
	s1 =	sshll.u32 s1, $0x11  }
0xbd: {  	s0 =	sor.u32 s1, s0  }
0xbe: {  	s0 =	sadd.s32 $0x8F2B, s0  }
0xbf: {  	[sflag:s0] =	ssyncadd.remote.s32 $0x1  }
0xc0: {  	_ =	sfence.sel $0xFFFF  }
0xc1: {  	[dreg:$0x0] =	wrdreg $0xFFFFFFFF;
	(pc) =	sbr.abs _section_cstart, $3  }
0xc2: {  	[dreg:$0x1] =	wrdreg $0xFFFFFFFF  }
0xc3: {  	_ =	task.clear_ibuf [dreg:s7], $0x2FFFF;
	_ =	strace $0x9FFFFFFF  }
0xc4: {  	(tm) =	ssettm $0x7FFFFFFF  }
0xc5: {  	_ =	shalt  }
tec
execute0_lowered:
.L_overlay_start_1:
0x0: {  	(tag) =	ssettag $0x1  }
0x1: {  	s0 =	rddreg [dreg:$0x0]  }
0x2: {  	s1 =	rddreg [dreg:$0x1];
	s3 =	srdreg.scid  }
0x3: {  	s14 =	stileid.u32;
	s2 =	rddreg [dreg:$0x2];
	s28 =	simm.s32 $0x9F00  }
0x4: {  	s29 =	simm.s32 $0xB700;
	s30 =	simm.s32 $0x80;
	s9 =	smul.u32 $0x280, s14  }
0x5: {  	s31 =	simm.s32 $0x1;
	s6 =	sand.u32 $0x1, s3;
	s20 =	smul.u32 $0x7800, s14  }
0x6: {  	s4 =	sshll.u32 s14, $0x1;
	s3 =	rddreg [dreg:$0x3];
	s16 =	smul.u32 $0x1E000, s14  }
0x7: {  	s10 =	sadd.s32 $0x1C00, s0;
	s24 =	sadd.s32 $0x1600, s0;
	s8 =	smul.u32 $0xF000, s6  }
0x8: {  	s5 =	sor.u32 s6, s4;
	s4 =	simm.s32 $0x0;
	s25 =	smul.u32 $0x500, s6  }
0x9: {  	s6 =	ssub.s32 $0x2, s6;
	s7 =	smul.u32 $0x4F0, s5;
	[smem:$0x7FF] =	sst s4  }
0xa: {  	s5 =	sadd.s32 $0x2200, s0;
	s13 =	sadd.s32 $0x80, s9;
	s26 =	sshrl.u32 s6, $0x1  }
0xb: {  	s18 =	sadd.s32 $0xC000, s16;
	_ =	strace $0x8000004A;
	[dreg:$0x5] =	wrdreg s10  }
0xc: {  	s21 =	sadd.s32 $0x12000, s16;
	s22 =	sadd.s32 $0x18000, s16;
	[dreg:$0x6] =	wrdreg s24  }
0xd: {  	s8 =	sadd.s32 s8, s0;
	s12 =	smul.u32 $0xC0, s13;
	s6 =	ssub.s32 s6, s26  }
0xe: {  	s10 =	sadd.s32 s20, s2;
	s19 =	sshrl.u32 s18, $0x2;
	s13 =	sadd.s32 s13, s3  }
0xf: {  	s23 =	sshrl.u32 s22, $0x2;
	s26 =	sshrl.u32 s9, $0x3;
	s11 =	sadd.s32 s7, s0  }
0x10: {  	s0 =	sadd.s32 s25, s0;
	s1 =	sadd.s32 s1, s7;
	s14 =	sadd.s32 s19, s2  }
0x11: {  	s18 =	sadd.s32 s23, s2;
	s24 =	sadd.s32 $0x11200, s8;
	s25 =	sshrl.u32 s20, $0x3  }
0x12: {  	s20 =	smax.u32 s6, $0x1;
	s23 =	simm.s32 $0x0;
	[dreg:$0x7] =	wrdreg s1  }
0x13: {  	s15 =	sadd.s32 $0x3E600, s11;
	s17 =	sshrl.u32 s12, $0x2;
	s11 =	sadd.s32 s9, s3  }
0x14: {  	s0 =	sadd.s32 $0x2F200, s0;
	s22 =	sadd.s32 s25, s24;
	s25 =	simm.s32 $0x4F00  }
0x15: {  	[dreg:$0x8] =	wrdreg s15;
	s1 =	sadd.s32 s17, s2;
	s15 =	sadd.s32 $0x100, s11  }
0x16: {  	s17 =	sadd.s32 $0x180, s11;
	s19 =	sadd.s32 $0x200, s11;
	s24 =	sadd.s32 s26, s0  }
0x17: {  	s26 =	simm.s32 $0x7700;
	[dreg:$0x9] =	wrdreg s1;
	s1 =	sshrl.u32 s21, $0x2  }
0x18: {  	v0 =	vimm.f32 $0.0e+00;
	s21 =	simm.s32 $0x2;
	s16 =	sadd.s32 s1, s2;
	s1 =	simm.s32 $0x0  }
.LBB2_1:
0x19: {  	s0 =	rddreg [dreg:$0x7]  }
0x1a: {  	[tilespmem:s4], [sflag:$0x2] =	stream.linear.gather [hbm4b:s0+s4], $0x2780, $0x38;
	[tilespmem:$0x13200] =	vst v63  }
0x1b: {  	_ =	swait.ge [sflag:s21], $0x2780  }
0x1c: {  	[sflag:s21] =	ssyncset.done $0x0  }
0x1d: {  	s6 =	simm.s32 $0x2780;
	s8 =	rddreg [dreg:$0x8];
	[sflag:s21] =	ssyncadd.s32 $0xFFFFD880  }
0x1e: {  	[tilespmem:s6], [sflag:$0x2] =	stream.linear.gather [hbm4b:s8+s4], $0x2780, $0x38;
	[tilespmem:$0x13200] =	vst v63  }
0x1f: {  	_ =	swait.ge [sflag:s21], $0x2780  }
0x20: {  	[sflag:s21] =	ssyncset.done $0x0  }
0x21: {  	s9 =	rddreg [dreg:$0x5];
	[sflag:s21] =	ssyncadd.s32 $0xFFFFD880  }
0x22: {  	[tilespmem:s25], [sflag:$0x2] =	stream.linear.gather [hbm4b:s9+s4], $0x2800, $0x38;
	[tilespmem:$0x13200] =	vst v63  }
0x23: {  	_ =	swait.ge [sflag:s21], $0x2800  }
0x24: {  	[sflag:s21] =	ssyncset.done $0x0  }
0x25: {  	s12 =	rddreg [dreg:$0x6];
	[sflag:s21] =	ssyncadd.s32 $0xFFFFD800  }
0x26: {  	[tilespmem:s26], [sflag:$0x2] =	stream.linear.gather [hbm4b:s12+s4], $0x2800, $0x38;
	[tilespmem:$0x13200] =	vst v63  }
0x27: {  	_ =	swait.ge [sflag:s21], $0x2800  }
0x28: {  	[sflag:s21] =	ssyncset.done $0x0  }
0x29: {  	s0 =	simm.s32 $0xC0;
	s6 =	simm.s32 $0x0;
	[sflag:s21] =	ssyncadd.s32 $0xFFFFD800  }
.LBB2_2:
0x2a: {  	p0 =	sne.s32 s0, $0x5F40;
	[tilespmem:s6+$0x9F20] =	vst v0;
	s7 =	smov.u32 s0;
	s0 =	sadd.s32 $0xC0, s0  }
.Ltmp0:
0x2b: {  	[tilespmem:s6+$0x9F00] =	vst v0;
	(pc) =	sbr.rel @p0 .LBB2_2-.Ltmp0, $2  }
0x2c: {  	[tilespmem:s6+$0x9F10] =	vst v0;
	_ =	sdelay $0x2  }
0x2d: {  	s6 =	sshra.s32 s7, $0x2  }
0x2e: {  	[tilespmem:s6+$0x9F20] =	vst v0  }
0x2f: {  	[tilespmem:s6+$0x9F00] =	vst v0  }
0x30: {  	[tilespmem:s6+$0x9F10] =	vst v0  }
0x31: {  	[tilespmem:$0xB700] =	vst v0  }
0x32: {  	[tilespmem:$0xB710] =	vst v0  }
0x33: {  	[tilespmem:$0xB720] =	vst v0  }
0x34: {  	[tilespmem:$0xB730] =	vst v0  }
0x35: {  	[tilespmem:$0xB740] =	vst v0  }
0x36: {  	[tilespmem:$0xB750] =	vst v0  }
0x37: {  	[tilespmem:$0xB760] =	vst v0  }
0x38: {  	[tilespmem:$0xB770] =	vst v0  }
0x39: {  	[spmem:s10] =	stream.linear.scatter [tilespmem:s28], [sflag:$0x2], $0x1800, $0x38;
	[tilespmem:$0x13200] =	vst v63  }
0x3a: {  	_ =	swait.ge [sflag:s21], $0x1800  }
0x3b: {  	[sflag:s21] =	ssyncset.done $0x0  }
0x3c: {  	[sflag:s21] =	ssyncadd.s32 $0xFFFFE800  }
0x3d: {  	[spmem:s11] =	stream.linear.scatter [tilespmem:s29], [sflag:$0x2], $0x80, $0x38;
	[tilespmem:$0x13200] =	vst v63  }
0x3e: {  	_ =	swait.ge [sflag:s21], $0x80  }
0x3f: {  	[sflag:s21] =	ssyncset.done $0x0  }
0x40: {  	s0 =	rddreg [dreg:$0x9];
	[sflag:s21] =	ssyncadd.s32 $0xFFFFFF80  }
0x41: {  	[spmem:s0] =	stream.linear.scatter [tilespmem:s28], [sflag:$0x2], $0x1800, $0x38;
	[tilespmem:$0x13200] =	vst v63  }
0x42: {  	_ =	swait.ge [sflag:s21], $0x1800  }
0x43: {  	[sflag:s21] =	ssyncset.done $0x0  }
0x44: {  	[sflag:s21] =	ssyncadd.s32 $0xFFFFE800  }
0x45: {  	[spmem:s13] =	stream.linear.scatter [tilespmem:s29], [sflag:$0x2], $0x80, $0x38;
	[tilespmem:$0x13200] =	vst v63  }
0x46: {  	_ =	swait.ge [sflag:s21], $0x80  }
0x47: {  	[sflag:s21] =	ssyncset.done $0x0  }
0x48: {  	[sflag:s21] =	ssyncadd.s32 $0xFFFFFF80  }
0x49: {  	[spmem:s14] =	stream.linear.scatter [tilespmem:s28], [sflag:$0x2], $0x1800, $0x38;
	[tilespmem:$0x13200] =	vst v63  }
0x4a: {  	_ =	swait.ge [sflag:s21], $0x1800  }
0x4b: {  	[sflag:s21] =	ssyncset.done $0x0  }
0x4c: {  	[sflag:s21] =	ssyncadd.s32 $0xFFFFE800  }
0x4d: {  	[spmem:s15] =	stream.linear.scatter [tilespmem:s29], [sflag:$0x2], $0x80, $0x38;
	[tilespmem:$0x13200] =	vst v63  }
0x4e: {  	_ =	swait.ge [sflag:s21], $0x80  }
0x4f: {  	[sflag:s21] =	ssyncset.done $0x0  }
0x50: {  	[sflag:s21] =	ssyncadd.s32 $0xFFFFFF80  }
0x51: {  	[spmem:s16] =	stream.linear.scatter [tilespmem:s28], [sflag:$0x2], $0x1800, $0x38;
	[tilespmem:$0x13200] =	vst v63  }
0x52: {  	_ =	swait.ge [sflag:s21], $0x1800  }
0x53: {  	[sflag:s21] =	ssyncset.done $0x0  }
0x54: {  	[sflag:s21] =	ssyncadd.s32 $0xFFFFE800  }
0x55: {  	[spmem:s17] =	stream.linear.scatter [tilespmem:s29], [sflag:$0x2], $0x80, $0x38;
	[tilespmem:$0x13200] =	vst v63  }
0x56: {  	_ =	swait.ge [sflag:s21], $0x80  }
0x57: {  	[sflag:s21] =	ssyncset.done $0x0  }
0x58: {  	[sflag:s21] =	ssyncadd.s32 $0xFFFFFF80  }
0x59: {  	[spmem:s18] =	stream.linear.scatter [tilespmem:s28], [sflag:$0x2], $0x1800, $0x38;
	[tilespmem:$0x13200] =	vst v63  }
0x5a: {  	_ =	swait.ge [sflag:s21], $0x1800  }
0x5b: {  	[sflag:s21] =	ssyncset.done $0x0  }
0x5c: {  	[sflag:s21] =	ssyncadd.s32 $0xFFFFE800  }
0x5d: {  	[spmem:s19] =	stream.linear.scatter [tilespmem:s29], [sflag:$0x2], $0x80, $0x38;
	[tilespmem:$0x13200] =	vst v63  }
0x5e: {  	_ =	swait.ge [sflag:s21], $0x80  }
0x5f: {  	[sflag:s21] =	ssyncset.done $0x0  }
0x60: {  	[sflag:s21] =	ssyncadd.s32 $0xFFFFFF80  }
0x61: {  	s0 =	simm.s32 $0x0;
	[bflag:$0x0] =	sbarrier.arrive $0xFFFF  }
.LBB2_4:
0x62: {  	s6 =	sshll.u32 s0, $0x7  }
0x63: {  	[tilespmem:s28], [sflag:$0x1] =	stream.indirect.gather [hbm4b:s5+s30], $0x30, s6, s30, $0xb8;
	[tilespmem:$0x13200] =	vst v63  }
0x64: {  	v1 =	vld [tilespmem:s6+$0x0]  }
0x65: {  	v2 =	vld [tilespmem:s6+$0x2780];
	_ =	sdelay $0x6  }
0x66: {  	v1 =	vld.idx.msk [tilespmem:v1+s25+$0x0], $0xffff  }
0x67: {  	v2 =	vld.idx.msk [tilespmem:v2+s26+$0x0], $0xffff;
	_ =	sdelay $0x4  }
0x68: {  	v1 =	vadd.f32 v2, v1;
	_ =	sdelay $0x1  }
0x69: {  	v2 =	vmul.f32 $2.000000030e-01, v1;
	_ =	sdelay $0x1  }
0x6a: {  	v1 =	vmax.f32 v1, v2  }
0x6b: {  	v1 =	vmul.f32 $1.442695020e+00, v1;
	_ =	sdelay $0x1  }
0x6c: {  	(erf) = vpow2.f32 v1;
	_ =	sdelay $0x8  }
0x6d: {  	v1 =	vpop (erf)  }
0x6e: {  	[tilespmem:$0xB700] =	vst v1  }
0x6f: {  	v1 =	vld [tilespmem:s6+$0x10]  }
0x70: {  	v2 =	vld [tilespmem:s6+$0x2790];
	_ =	sdelay $0x6  }
0x71: {  	v1 =	vld.idx.msk [tilespmem:v1+s25+$0x0], $0xffff  }
0x72: {  	v2 =	vld.idx.msk [tilespmem:v2+s26+$0x0], $0xffff;
	_ =	sdelay $0x4  }
0x73: {  	v1 =	vadd.f32 v2, v1;
	_ =	sdelay $0x1  }
0x74: {  	v2 =	vmul.f32 $2.000000030e-01, v1;
	_ =	sdelay $0x1  }
0x75: {  	v1 =	vmax.f32 v1, v2  }
0x76: {  	v1 =	vmul.f32 $1.442695020e+00, v1;
	_ =	sdelay $0x1  }
0x77: {  	(erf) = vpow2.f32 v1;
	_ =	sdelay $0x8  }
0x78: {  	v1 =	vpop (erf)  }
0x79: {  	[tilespmem:$0xB710] =	vst v1  }
0x7a: {  	v1 =	vld [tilespmem:s6+$0x20]  }
0x7b: {  	v2 =	vld [tilespmem:s6+$0x27A0];
	_ =	sdelay $0x6  }
0x7c: {  	v1 =	vld.idx.msk [tilespmem:v1+s25+$0x0], $0xffff  }
0x7d: {  	v2 =	vld.idx.msk [tilespmem:v2+s26+$0x0], $0xffff;
	_ =	sdelay $0x4  }
0x7e: {  	v1 =	vadd.f32 v2, v1;
	_ =	sdelay $0x1  }
0x7f: {  	v2 =	vmul.f32 $2.000000030e-01, v1;
	_ =	sdelay $0x1  }
0x80: {  	v1 =	vmax.f32 v1, v2  }
0x81: {  	v1 =	vmul.f32 $1.442695020e+00, v1;
	_ =	sdelay $0x1  }
0x82: {  	(erf) = vpow2.f32 v1;
	_ =	sdelay $0x8  }
0x83: {  	v1 =	vpop (erf)  }
0x84: {  	[tilespmem:$0xB720] =	vst v1  }
0x85: {  	v1 =	vld [tilespmem:s6+$0x30]  }
0x86: {  	v2 =	vld [tilespmem:s6+$0x27B0];
	_ =	sdelay $0x6  }
0x87: {  	v1 =	vld.idx.msk [tilespmem:v1+s25+$0x0], $0xffff  }
0x88: {  	v2 =	vld.idx.msk [tilespmem:v2+s26+$0x0], $0xffff;
	_ =	sdelay $0x4  }
0x89: {  	v1 =	vadd.f32 v2, v1;
	_ =	sdelay $0x1  }
0x8a: {  	v2 =	vmul.f32 $2.000000030e-01, v1;
	_ =	sdelay $0x1  }
0x8b: {  	v1 =	vmax.f32 v1, v2  }
0x8c: {  	v1 =	vmul.f32 $1.442695020e+00, v1;
	_ =	sdelay $0x1  }
0x8d: {  	(erf) = vpow2.f32 v1;
	_ =	sdelay $0x8  }
0x8e: {  	v1 =	vpop (erf)  }
0x8f: {  	[tilespmem:$0xB730] =	vst v1  }
0x90: {  	v1 =	vld [tilespmem:s6+$0x40]  }
0x91: {  	v2 =	vld [tilespmem:s6+$0x27C0];
	_ =	sdelay $0x6  }
0x92: {  	v1 =	vld.idx.msk [tilespmem:v1+s25+$0x0], $0xffff  }
0x93: {  	v2 =	vld.idx.msk [tilespmem:v2+s26+$0x0], $0xffff;
	_ =	sdelay $0x4  }
0x94: {  	v1 =	vadd.f32 v2, v1;
	_ =	sdelay $0x1  }
0x95: {  	v2 =	vmul.f32 $2.000000030e-01, v1;
	_ =	sdelay $0x1  }
0x96: {  	v1 =	vmax.f32 v1, v2  }
0x97: {  	v1 =	vmul.f32 $1.442695020e+00, v1;
	_ =	sdelay $0x1  }
0x98: {  	(erf) = vpow2.f32 v1;
	_ =	sdelay $0x8  }
0x99: {  	v1 =	vpop (erf)  }
0x9a: {  	[tilespmem:$0xB740] =	vst v1  }
0x9b: {  	v1 =	vld [tilespmem:s6+$0x50]  }
0x9c: {  	v2 =	vld [tilespmem:s6+$0x27D0];
	_ =	sdelay $0x6  }
0x9d: {  	v1 =	vld.idx.msk [tilespmem:v1+s25+$0x0], $0xffff  }
0x9e: {  	v2 =	vld.idx.msk [tilespmem:v2+s26+$0x0], $0xffff;
	_ =	sdelay $0x4  }
0x9f: {  	v1 =	vadd.f32 v2, v1;
	_ =	sdelay $0x1  }
0xa0: {  	v2 =	vmul.f32 $2.000000030e-01, v1;
	_ =	sdelay $0x1  }
0xa1: {  	v1 =	vmax.f32 v1, v2  }
0xa2: {  	v1 =	vmul.f32 $1.442695020e+00, v1;
	_ =	sdelay $0x1  }
0xa3: {  	(erf) = vpow2.f32 v1;
	_ =	sdelay $0x8  }
0xa4: {  	v1 =	vpop (erf)  }
0xa5: {  	[tilespmem:$0xB750] =	vst v1  }
0xa6: {  	v1 =	vld [tilespmem:s6+$0x60]  }
0xa7: {  	v2 =	vld [tilespmem:s6+$0x27E0];
	_ =	sdelay $0x6  }
0xa8: {  	v1 =	vld.idx.msk [tilespmem:v1+s25+$0x0], $0xffff  }
0xa9: {  	v2 =	vld.idx.msk [tilespmem:v2+s26+$0x0], $0xffff;
	_ =	sdelay $0x4  }
0xaa: {  	v1 =	vadd.f32 v2, v1;
	_ =	sdelay $0x1  }
0xab: {  	v2 =	vmul.f32 $2.000000030e-01, v1;
	_ =	sdelay $0x1  }
0xac: {  	v1 =	vmax.f32 v1, v2  }
0xad: {  	v1 =	vmul.f32 $1.442695020e+00, v1;
	_ =	sdelay $0x1  }
0xae: {  	(erf) = vpow2.f32 v1;
	_ =	sdelay $0x8  }
0xaf: {  	v1 =	vpop (erf)  }
0xb0: {  	[tilespmem:$0xB760] =	vst v1  }
0xb1: {  	v1 =	vld [tilespmem:s6+$0x70]  }
0xb2: {  	v2 =	vld [tilespmem:s6+$0x27F0];
	_ =	sdelay $0x6  }
0xb3: {  	v1 =	vld.idx.msk [tilespmem:v1+s25+$0x0], $0xffff  }
0xb4: {  	v2 =	vld.idx.msk [tilespmem:v2+s26+$0x0], $0xffff;
	_ =	sdelay $0x4  }
0xb5: {  	v1 =	vadd.f32 v2, v1;
	_ =	sdelay $0x1  }
0xb6: {  	v2 =	vmul.f32 $2.000000030e-01, v1;
	_ =	sdelay $0x1  }
0xb7: {  	v1 =	vmax.f32 v1, v2  }
0xb8: {  	v1 =	vmul.f32 $1.442695020e+00, v1;
	_ =	sdelay $0x1  }
0xb9: {  	(erf) = vpow2.f32 v1;
	_ =	sdelay $0x5  }
0xba: {  	v1 =	vmov s23  }
0xbb: {  	v1 =	vand.u32 $0xFFFFFFFC, v1  }
0xbc: {  	v1 =	vbroadcast v1, $0x0  }
0xbd: {  	v2 =	vpop (erf)  }
0xbe: {  	[tilespmem:$0xB770] =	vst v2  }
0xbf: {  	_ =	swait.ge [sflag:s31], $0x1800  }
0xc0: {  	[sflag:s31] =	ssyncset.done $0x0  }
0xc1: {  	[sflag:s31] =	ssyncadd.s32 $0xFFFFE800  }
0xc2: {  	s7 =	simm.s32 $0x9F60;
	v1 =	vld.idx.msk [tilespmem:v1+s29+$0x0], $0xffff  }
0xc3: {  	v2 =	vld [tilespmem:s7+$0xFFFFFFA0]  }
0xc4: {  	s8 =	simm.s32 $0x1;
	v3 =	vld [tilespmem:s7+$0xFFFFFFB0]  }
0xc5: {  	v5 =	vmov s8;
	v4 =	vld [tilespmem:s7+$0xFFFFFFC0]  }
0xc6: {  	v5 =	vand.u32 $0xFFFFFFFD, v5  }
0xc7: {  	v5 =	vbroadcast v5, $0x0  }
0xc8: {  	v2 =	vmul.f32 v2, v1  }
0xc9: {  	v3 =	vmul.f32 v3, v1  }
0xca: {  	v1 =	vmul.f32 v4, v1;
	[tilespmem:s7+$0xFFFFFFA0] =	vst v2  }
0xcb: {  	[tilespmem:s7+$0xFFFFFFB0] =	vst v3  }
0xcc: {  	[tilespmem:s7+$0xFFFFFFC0] =	vst v1;
	v2 =	vld [tilespmem:s7+$0xFFFFFFD0]  }
0xcd: {  	v1 =	vld.idx.msk [tilespmem:v5+s29+$0x0], $0xffff  }
0xce: {  	s9 =	simm.s32 $0x2;
	v3 =	vld [tilespmem:s7+$0xFFFFFFE0]  }
0xcf: {  	v4 =	vld [tilespmem:s7+$0xFFFFFFF0];
	v5 =	vmov s9  }
0xd0: {  	v5 =	vand.u32 $0xFFFFFFFE, v5  }
0xd1: {  	v5 =	vbroadcast v5, $0x0  }
0xd2: {  	v2 =	vmul.f32 v2, v1  }
0xd3: {  	v3 =	vmul.f32 v3, v1  }
0xd4: {  	v1 =	vmul.f32 v4, v1;
	[tilespmem:s7+$0xFFFFFFD0] =	vst v2  }
0xd5: {  	[tilespmem:s7+$0xFFFFFFE0] =	vst v3  }
0xd6: {  	[tilespmem:s7+$0xFFFFFFF0] =	vst v1;
	v2 =	vld [tilespmem:s7+$0x20]  }
0xd7: {  	v1 =	vld.idx.msk [tilespmem:v5+s29+$0x0], $0xffff  }
0xd8: {  	v3 =	vld [tilespmem:s7+$0x10]  }
0xd9: {  	v4 =	vld [tilespmem:s7+$0x0];
	_ =	sdelay $0x1  }
0xda: {  	s12 =	simm.s32 $0x3  }
0xdb: {  	v5 =	vmov s12;
	v2 =	vmul.f32 v2, v1  }
0xdc: {  	v3 =	vmul.f32 v3, v1  }
0xdd: {  	v1 =	vmul.f32 v4, v1;
	[tilespmem:s7+$0x20] =	vst v2  }
0xde: {  	[tilespmem:s7+$0x10] =	vst v3;
	v3 =	vld [tilespmem:s7+$0x40]  }
0xdf: {  	[tilespmem:s7+$0x0] =	vst v1;
	v2 =	vld [tilespmem:s7+$0x30]  }
0xe0: {  	v4 =	vld.idx.msk [tilespmem:v5+s29+$0x0], $0xffff  }
0xe1: {  	s8 =	simm.s32 $0x4;
	v5 =	vld [tilespmem:s7+$0x50]  }
0xe2: {  	v1 =	vmov s8  }
0xe3: {  	v1 =	vand.u32 $0xFFFFFFFC, v1  }
0xe4: {  	v1 =	vbroadcast v1, $0x0  }
0xe5: {  	v2 =	vmul.f32 v2, v4  }
0xe6: {  	s6 =	sadd.s32 $0x2780, s6;
	s9 =	simm.s32 $0x8;
	v3 =	vmul.f32 v3, v4;
	v4 =	vmul.f32 v5, v4  }
.LBB2_5:
0xe7: {  	p0 =	sne.s32 s9, $0x7C;
	[tilespmem:s7+$0x30] =	vst v2  }
0xe8: {  	[tilespmem:s7+$0x40] =	vst v3  }
0xe9: {  	[tilespmem:s7+$0x50] =	vst v4  }
0xea: {  	s7 =	sadd.s32 $0xC0, s7;
	v1 =	vld.idx.msk [tilespmem:v1+s29+$0x0], $0xffff  }
0xeb: {  	v2 =	vld [tilespmem:s7+$0xFFFFFFA0]  }
0xec: {  	s12 =	sadd.s32 $0x1, s8;
	v3 =	vld [tilespmem:s7+$0xFFFFFFB0]  }
0xed: {  	v5 =	vmov s12;
	v4 =	vld [tilespmem:s7+$0xFFFFFFC0]  }
0xee: {  	v5 =	vand.u32 $0xFFFFFFFD, v5  }
0xef: {  	v5 =	vbroadcast v5, $0x0  }
0xf0: {  	v2 =	vmul.f32 v2, v1  }
0xf1: {  	v3 =	vmul.f32 v3, v1  }
0xf2: {  	[tilespmem:s7+$0xFFFFFFA0] =	vst v2;
	v1 =	vmul.f32 v4, v1  }
0xf3: {  	[tilespmem:s7+$0xFFFFFFB0] =	vst v3  }
0xf4: {  	[tilespmem:s7+$0xFFFFFFC0] =	vst v1  }
0xf5: {  	v1 =	vld.idx.msk [tilespmem:v5+s29+$0x0], $0xffff  }
0xf6: {  	v2 =	vld [tilespmem:s7+$0xFFFFFFD0]  }
0xf7: {  	s12 =	sadd.s32 $0x2, s8;
	v3 =	vld [tilespmem:s7+$0xFFFFFFE0]  }
0xf8: {  	v5 =	vmov s12;
	v4 =	vld [tilespmem:s7+$0xFFFFFFF0]  }
0xf9: {  	v5 =	vand.u32 $0xFFFFFFFE, v5  }
0xfa: {  	v5 =	vbroadcast v5, $0x0  }
0xfb: {  	v2 =	vmul.f32 v2, v1  }
0xfc: {  	v3 =	vmul.f32 v3, v1  }
0xfd: {  	[tilespmem:s7+$0xFFFFFFD0] =	vst v2;
	v1 =	vmul.f32 v4, v1  }
0xfe: {  	[tilespmem:s7+$0xFFFFFFE0] =	vst v3  }
0xff: {  	[tilespmem:s7+$0xFFFFFFF0] =	vst v1;
	v1 =	vld [tilespmem:s7+$0x10]  }
0x100: {  	v2 =	vld.idx.msk [tilespmem:v5+s29+$0x0], $0xffff  }
0x101: {  	v3 =	vld [tilespmem:s7+$0x20]  }
0x102: {  	v4 =	vld [tilespmem:s7+$0x0];
	_ =	sdelay $0x2  }
0x103: {  	s12 =	sadd.s32 $0x3, s8;
	s8 =	smov.u32 s9  }
0x104: {  	v5 =	vmov s12;
	v1 =	vmul.f32 v1, v2;
	v3 =	vmul.f32 v3, v2  }
0x105: {  	v2 =	vmul.f32 v4, v2  }
0x106: {  	[tilespmem:s7+$0x20] =	vst v3  }
0x107: {  	[tilespmem:s7+$0x10] =	vst v1  }
0x108: {  	[tilespmem:s7+$0x0] =	vst v2;
	v3 =	vld [tilespmem:s7+$0x40]  }
0x109: {  	v4 =	vld.idx.msk [tilespmem:v5+s29+$0x0], $0xffff  }
0x10a: {  	v2 =	vld [tilespmem:s7+$0x30]  }
0x10b: {  	v5 =	vld [tilespmem:s7+$0x50]  }
.Ltmp1:
0x10c: {  	v1 =	vmov s9;
	(pc) =	sbr.rel @p0 .LBB2_5-.Ltmp1, $4  }
0x10d: {  	v1 =	vand.u32 $0xFFFFFFFC, v1  }
0x10e: {  	v1 =	vbroadcast v1, $0x0  }
0x10f: {  	v3 =	vmul.f32 v3, v4;
	v2 =	vmul.f32 v2, v4  }
0x110: {  	s9 =	sadd.s32 $0x4, s9;
	v4 =	vmul.f32 v5, v4  }
0x111: {  	_ = 	snop  }
0x112: {  	[tilespmem:s7+$0x30] =	vst v2  }
0x113: {  	[tilespmem:s7+$0x40] =	vst v3  }
0x114: {  	[tilespmem:s7+$0x50] =	vst v4  }
0x115: {  	s7 =	sadd.s32 $0xC0, s7;
	v1 =	vld.idx.msk [tilespmem:v1+s29+$0x0], $0xffff  }
0x116: {  	v2 =	vld [tilespmem:s7+$0xFFFFFFA0]  }
0x117: {  	s9 =	sadd.s32 $0x1, s8;
	v3 =	vld [tilespmem:s7+$0xFFFFFFB0]  }
0x118: {  	v5 =	vmov s9;
	v58 =	vld [tilespmem:s7+$0xFFFFFFC0]  }
0x119: {  	v5 =	vand.u32 $0xFFFFFFFD, v5  }
0x11a: {  	v5 =	vbroadcast v5, $0x0  }
0x11b: {  	v2 =	vmul.f32 v2, v1  }
0x11c: {  	v3 =	vmul.f32 v3, v1  }
0x11d: {  	v1 =	vmul.f32 v58, v1;
	[tilespmem:s7+$0xFFFFFFA0] =	vst v2  }
0x11e: {  	[tilespmem:s7+$0xFFFFFFB0] =	vst v3  }
0x11f: {  	[tilespmem:s7+$0xFFFFFFC0] =	vst v1;
	v2 =	vld [tilespmem:s7+$0xFFFFFFD0]  }
0x120: {  	v1 =	vld.idx.msk [tilespmem:v5+s29+$0x0], $0xffff  }
0x121: {  	s12 =	sadd.s32 $0x2, s8;
	v3 =	vld [tilespmem:s7+$0xFFFFFFE0]  }
0x122: {  	v60 =	vmov s12;
	v59 =	vld [tilespmem:s7+$0xFFFFFFF0]  }
0x123: {  	v5 =	vand.u32 $0xFFFFFFFE, v60  }
0x124: {  	v5 =	vbroadcast v5, $0x0  }
0x125: {  	v2 =	vmul.f32 v2, v1  }
0x126: {  	v3 =	vmul.f32 v3, v1  }
0x127: {  	v1 =	vmul.f32 v59, v1;
	[tilespmem:s7+$0xFFFFFFD0] =	vst v2  }
0x128: {  	[tilespmem:s7+$0xFFFFFFE0] =	vst v3  }
0x129: {  	[tilespmem:s7+$0xFFFFFFF0] =	vst v1;
	v2 =	vld [tilespmem:s7+$0x20]  }
0x12a: {  	v1 =	vld.idx.msk [tilespmem:v5+s29+$0x0], $0xffff  }
0x12b: {  	v3 =	vld [tilespmem:s7+$0x10]  }
0x12c: {  	v61 =	vld [tilespmem:s7+$0x0];
	_ =	sdelay $0x1  }
0x12d: {  	s12 =	sadd.s32 $0x3, s8  }
0x12e: {  	v62 =	vmov s12;
	v2 =	vmul.f32 v2, v1  }
0x12f: {  	v3 =	vmul.f32 v3, v1  }
0x130: {  	v1 =	vmul.f32 v61, v1;
	[tilespmem:s7+$0x20] =	vst v2  }
0x131: {  	[tilespmem:s7+$0x10] =	vst v3  }
0x132: {  	[tilespmem:s7+$0x0] =	vst v1;
	v2 =	vld [tilespmem:s7+$0x30]  }
0x133: {  	v1 =	vld.idx.msk [tilespmem:v62+s29+$0x0], $0xffff  }
0x134: {  	v3 =	vld [tilespmem:s7+$0x40]  }
0x135: {  	v63 =	vld [tilespmem:s7+$0x50];
	_ =	sdelay $0x2  }
0x136: {  	v2 =	vmul.f32 v2, v1  }
0x137: {  	v3 =	vmul.f32 v3, v1  }
0x138: {  	v1 =	vmul.f32 v63, v1;
	[tilespmem:s7+$0x30] =	vst v2  }
0x139: {  	[tilespmem:s7+$0x40] =	vst v3  }
0x13a: {  	[tilespmem:s7+$0x50] =	vst v1  }
0x13b: {  	[spmem:s2] =	stream.indirect.scatter.add.f32 [tilespmem:s28], [sflag:$0x2], $0x30, s6, s30, $0xb8;
	[tilespmem:$0x13200] =	vst v63  }
0x13c: {  	s0 =	sadd.s32 $0x1, s0;
	_ =	swait.ge [sflag:s21], $0x1800  }
0x13d: {  	p0 =	sne.s32 s0, $0x4F;
	[sflag:s21] =	ssyncset.done $0x0  }
.Ltmp2:
0x13e: {  	[sflag:s21] =	ssyncadd.s32 $0xFFFFE800;
	(pc) =	sbr.rel @p0 .LBB2_4-.Ltmp2, $4  }
0x13f: {  	[spmem:s3] =	stream.indirect.scatter.add.f32 [tilespmem:s29], [sflag:$0x2], $0x1, s6, s30, $0xb8;
	[tilespmem:$0x13200] =	vst v63  }
0x140: {  	_ =	swait.ge [sflag:s21], $0x80  }
0x141: {  	[sflag:s21] =	ssyncset.done $0x0  }
0x142: {  	[sflag:s21] =	ssyncadd.s32 $0xFFFFFF80  }
0x143: {  	s0 =	stileid.u32  }
0x144: {  	s0 =	sshll.u32 s0, $0x6  }
0x145: {  	[bflag:$0x0] =	sbarrier.arrive $0xFFFF;
	s6 =	sshrl.u32 s10, $0x3;
	s0 =	sor.u32 $0x1C02, s0  }
0x146: {  	[hbm:s22], [sflag:s0] =	dma.local [spmem:s6], $0xF00  }
0x147: {  	s1 =	sadd.s32 $0x1, s1;
	_ =	swait.ge [sflag:s21], $0xF00  }
0x148: {  	p0 =	sne.s32 s1, s20;
	[sflag:s21] =	ssyncset.done $0x0  }
.Ltmp3:
0x149: {  	s12 =	sshrl.u32 s11, $0x3;
	[sflag:s21] =	ssyncadd.s32 $0xFFFFF100;
	(pc) =	sbr.rel @p0 .LBB2_1-.Ltmp3, $4  }
0x14a: {  	[hbm:s24], [sflag:s0] =	dma.local [spmem:s12], $0x50  }
0x14b: {  	_ =	swait.ge [sflag:s21], $0x50  }
0x14c: {  	[sflag:s21] =	ssyncset.done $0x0  }
0x14d: {  	[sflag:s21] =	ssyncadd.s32 $0xFFFFFFB0  }
0x14e: {  	_ =	sfence.sel $0x180000  }
0x14f: {  	[bflag:$0x0] =	sbarrier.arrive $0xFFFF  }
0x150: {  	_ =	strace $0x9000004A  }
0x151: {  	s0 =	stileid.u32;
	[bflag:$0x2] =	sbarrier.arrive $0xFFFF  }
0x152: {  	p0 =	sne.s32 s0, $0x0;
	s0 =	rddreg [dreg:$0x4]  }
0x153: {  	s0 =	sadd.s32 @!p0 $0x100000, s0  }
0x154: {  	[sflag:s0] =	ssyncadd.tile.s32 @!p0 $0x1;
	_ =	shalt  }
.Lfunc_end2:
_tile_overlayer_lowered:
.L_overlay_start_2:
0x155: {  	(tag) =	ssettag $0x2  }
0x156: {  	s0 =	rddreg [dreg:$0x0];
	s2 =	stileid.u32  }
0x157: {  	s1 =	rddreg [dreg:$0x1];
	p0 =	sne.s32 s2, $0x0  }
0x158: {  	s3 =	rddreg [dreg:$0x2];
	[bflag:$0x3] =	sbarrier.arrive $0xFFFF;
	s2 =	simm.s32 @!p0 $0x1C02  }
0x159: {  	[timem:s3], [sflag:s2] =	dma.local @!p0 [hbm:s0], s1  }
0x15a: {  	s0 =	simm.s32 @!p0 $0x2  }
0x15b: {  	_ =	swait.ge @!p0 [sflag:s0], s1  }
0x15c: {  	s1 =	ssub.s32 @!p0 $0x0, s1;
	[sflag:s0] =	ssyncset.done @!p0 $0x0  }
0x15d: {  	[sflag:s0] =	ssyncadd.s32 @!p0 s1  }
0x15e: {  	[bflag:$0x3] =	sbarrier.arrive $0xFFFF  }
0x15f: {  	_ =	shalt  }

// kernel: kernel.7.cloned.1.call-start
scs
__scs_entry_jumppad:
0x0: {  	(pc) =	sbr.rel $0x88, $3  }
0x1: {  	(tag) =	ssettag $0x0;
	lr =	simm.s32 $0x1  }
0x2: {  	[smem:$0x3F9B] =	sst lr;
	_ =	strace $0xD0000000  }
0x3: {  	_ = 	snop  }
0x4: {  	_ = 	snop  }
0x5: {  	_ = 	snop  }
0x6: {  	_ = 	snop  }
0x7: {  	_ = 	snop  }
__scs_overlays_trampoline_lowered:
0x8: {  	[smem:$0x3FAA] =	sst s0  }
0x9: {  	[smem:$0x3FAB] =	sst s1  }
0xa: {  	[smem:$0x3FAC] =	sst s2  }
0xb: {  	[smem:$0x3FAD] =	sst s3  }
0xc: {  	[smem:$0x3FAE] =	sst s4  }
0xd: {  	[smem:$0x3FAF] =	sst s5  }
0xe: {  	[smem:$0x3FB0] =	sst s6  }
0xf: {  	[smem:$0x3FB1] =	sst s7  }
0x10: {  	[smem:$0x3FB2] =	sst s8  }
0x11: {  	[smem:$0x3FB3] =	sst s9;
	s0 =	simm.s32 @!p0 $0x0  }
0x12: {  	s1 =	sld [smem:$0x3F99];
	s0 =	simm.s32 @p0 $0x1  }
0x13: {  	[smem:$0x3FB4] =	sst s0;
	s0 =	simm.s32 @!p1 $0x0  }
0x14: {  	s2 =	sld [smem:$0x3F98];
	s0 =	simm.s32 @p1 $0x1  }
0x15: {  	[smem:$0x3FB5] =	sst s0;
	s0 =	simm.s32 @!p2 $0x0  }
0x16: {  	s3 =	sld [smem:$0x3FDB];
	s0 =	simm.s32 @p2 $0x1  }
0x17: {  	s4 =	simm.s32 $0x1BF5;
	[smem:$0x3FB7] =	sst s0  }
0x18: {  	s0 =	sld [smem:$0x3F9A];
	_ =	swait.ge [sflag:s4], $0x0  }
0x19: {  	s7 =	sld [smem:$0x3F9B]  }
0x1a: {  	s8 =	sadd.s32 $0xFFFFE003, lr  }
0x1b: {  	s9 =	sadd.s32 $0xFFFFFEF7, lr;
	s5 =	simm.s32 $0xFFFFFFFF;
	p2 =	slt.u32 s8, $0xFFFFF086  }
0x1c: {  	p1 =	slt.u32 s9, $0xF7A;
	s5 =	simm.s32 @!p2 $0x0  }
0x1d: {  	s5 =	simm.s32 @p1 $0x1;
	p0 =	seq.s32 s7, s2  }
0x1e: {  	s7 =	smul.u32 @!p0 $0xF7A, s2;
	p2 =	seq.s32 @!p0 s5, $0x0  }
0x1f: {  	s9 =	smul.u32 $0xF7A, s1;
	s8 =	simm.s32 @!p0 $0x1BF5;
	p2 =	por !p2, p0  }
0x20: {  	[sflag:s8] =	ssyncset.s32 @!p0 $0xFFFFF086;
	s6 =	sadd.s32 @!p0 s3, s7;
	s7 =	simm.s32 @!p0 $0x108  }
0x21: {  	s3 =	sadd.s32 s3, s9;
	s6 =	sadd.s32 @!p0 $0x88, s6;
	s7 =	simm.s32 @p2 $0x1082  }
0x22: {  	[simem:s7], [sflag:s8] =	dma.local @!p0 [hbm:s6], $0xF7A  }
0x23: {  	s9 =	sor.u32 $0xD0000000, s2;
	s6 =	simm.s32 $0x108;
	_ =	swait.ge @!p0 [sflag:s8], $0x0  }
0x24: {  	s3 =	sadd.s32 $0x88, s3;
	s6 =	simm.s32 @!p1 $0x1082;
	[sflag:s4] =	ssyncset.s32 $0xFFFFF086  }
0x25: {  	[simem:s6], [sflag:s4] =	dma.local [hbm:s3], $0xF7A  }
0x26: {  	[smem:$0x3F9B] =	sst s1;
	(tag) =	ssettag s2;
	_ =	strace s9  }
0x27: {  	s1 =	sld [smem:$0x3FAB]  }
0x28: {  	s2 =	sld [smem:$0x3FAC]  }
0x29: {  	s4 =	sld [smem:$0x3FAE]  }
0x2a: {  	p0 =	seq.s32 s5, $0x0;
	s5 =	sld [smem:$0x3FAF]  }
0x2b: {  	s6 =	sld [smem:$0x3FB0]  }
0x2c: {  	s7 =	sld [smem:$0x3FB1]  }
0x2d: {  	s3 =	simm.s32 $0x108;
	s8 =	sld [smem:$0x3FB2]  }
0x2e: {  	s3 =	simm.s32 @!p0 $0x1082;
	s9 =	sld [smem:$0x3FB3]  }
0x2f: {  	lr =	sadd.s32 s0, s3;
	s0 =	sld [smem:$0x3FAA]  }
0x30: {  	s3 =	sld [smem:$0x3FAD]  }
0x31: {  	[smem:$0x3FB6] =	sst s10  }
0x32: {  	s10 =	sld [smem:$0x3FB4];
	_ =	sdelay $0x3  }
0x33: {  	p0 =	seq.s32 s10, $0x1;
	s10 =	sld [smem:$0x3FB6];
	_ =	sdelay $0x3  }
0x34: {  	[smem:$0x3FB6] =	sst s10  }
0x35: {  	s10 =	sld [smem:$0x3FB5];
	_ =	sdelay $0x3  }
0x36: {  	p1 =	seq.s32 s10, $0x1;
	s10 =	sld [smem:$0x3FB6];
	_ =	sdelay $0x3  }
0x37: {  	[smem:$0x3FB6] =	sst s10  }
0x38: {  	s10 =	sld [smem:$0x3FB7]  }
0x39: {  	_ = 	snop;
	(pc) =	sbr.ind lr, $3  }
0x3a: {  	_ = 	snop  }
0x3b: {  	_ = 	snop  }
0x3c: {  	p2 =	seq.s32 s10, $0x1;
	s10 =	sld [smem:$0x3FB6]  }
0x3d: {  	_ =	shalt  }
0x3e: {  	_ =	shalt  }
0x3f: {  	_ =	shalt  }
0x40: {  	_ =	shalt  }
0x41: {  	_ =	shalt  }
0x42: {  	_ =	shalt  }
0x43: {  	_ =	shalt  }
0x44: {  	_ =	shalt  }
0x45: {  	_ =	shalt  }
0x46: {  	_ =	shalt  }
0x47: {  	_ =	shalt  }
0x48: {  	_ =	shalt  }
0x49: {  	_ =	shalt  }
0x4a: {  	_ =	shalt  }
0x4b: {  	_ =	shalt  }
0x4c: {  	_ =	shalt  }
0x4d: {  	_ =	shalt  }
0x4e: {  	_ =	shalt  }
0x4f: {  	_ =	shalt  }
0x50: {  	_ =	shalt  }
0x51: {  	_ =	shalt  }
0x52: {  	_ =	shalt  }
0x53: {  	_ =	shalt  }
0x54: {  	_ =	shalt  }
0x55: {  	_ =	shalt  }
0x56: {  	_ =	shalt  }
0x57: {  	_ =	shalt  }
0x58: {  	_ =	shalt  }
0x59: {  	_ =	shalt  }
0x5a: {  	_ =	shalt  }
0x5b: {  	_ =	shalt  }
0x5c: {  	_ =	shalt  }
0x5d: {  	_ =	shalt  }
0x5e: {  	_ =	shalt  }
0x5f: {  	_ =	shalt  }
0x60: {  	_ =	shalt  }
0x61: {  	_ =	shalt  }
0x62: {  	_ =	shalt  }
0x63: {  	_ =	shalt  }
0x64: {  	_ =	shalt  }
0x65: {  	_ =	shalt  }
0x66: {  	_ =	shalt  }
0x67: {  	_ =	shalt  }
0x68: {  	_ =	shalt  }
0x69: {  	_ =	shalt  }
0x6a: {  	_ =	shalt  }
0x6b: {  	_ =	shalt  }
0x6c: {  	_ =	shalt  }
0x6d: {  	_ =	shalt  }
0x6e: {  	_ =	shalt  }
0x6f: {  	_ =	shalt  }
0x70: {  	_ =	shalt  }
0x71: {  	_ =	shalt  }
0x72: {  	_ =	shalt  }
0x73: {  	_ =	shalt  }
0x74: {  	_ =	shalt  }
0x75: {  	_ =	shalt  }
0x76: {  	_ =	shalt  }
0x77: {  	_ =	shalt  }
0x78: {  	_ =	shalt  }
0x79: {  	_ =	shalt  }
0x7a: {  	_ =	shalt  }
0x7b: {  	_ =	shalt  }
0x7c: {  	_ =	shalt  }
0x7d: {  	_ =	shalt  }
0x7e: {  	_ =	shalt  }
0x7f: {  	_ =	shalt  }
0x80: {  	_ =	shalt  }
0x81: {  	_ =	shalt  }
0x82: {  	_ =	shalt  }
0x83: {  	_ =	shalt  }
0x84: {  	_ =	shalt  }
0x85: {  	_ =	shalt  }
0x86: {  	_ =	shalt  }
0x87: {  	_ =	shalt  }
.Lfunc_end0:
.L_simem_size_0:
called_computation_lowered:
.L_overlay_start_0:
0x88: {  	s2 =	sld [smem:$0x3FD9]  }
0x89: {  	s3 =	sld [smem:$0x3FFE];
	_ =	sdelay $0x1  }
0x8a: {  	s1 =	srdreg.scid  }
0x8b: {  	s0 =	sand.u32 $0x1, s1  }
0x8c: {  	s16 =	sshll.u32 s0, $0xA;
	s2 =	sadd.s32 s3, s2  }
0x8d: {  	s2 =	sadd.s32 s2, s16  }
0x8e: {  	[smem:$0x3FC2] =	sst s2  }
0x8f: {  	_ = 	snop  }
0x90: {  	(tm) =	ssettm $0x1  }
0x91: {  	s17 =	sld [smem:$0x3FFB];
	_ =	sdelay $0x3  }
0x92: {  	_ =	strace s17  }
0x93: {  	s2 =	sld [smem:$0x3FFC];
	_ =	sdelay $0x3  }
0x94: {  	_ =	strace s2  }
0x95: {  	s2 =	sld [smem:$0x3FFD];
	_ =	sdelay $0x3  }
0x96: {  	_ =	strace s2  }
0x97: {  	_ =	strace $0x8FFFFFFF  }
0x98: {  	s18 =	sld [smem:$0x3FDB];
	_ =	sdelay $0x1  }
0x99: {  	s19 =	simm.s32 $_scs_section_size  }
0x9a: {  	s4 =	simm.s32 $_size__tile_overlayer_lowered;
	s5 =	simm.s32 $_tile_overlayer_lowered  }
0x9b: {  	s22 =	simm.s32 $0x1BFF;
	s21 =	sshll.u32 s5, $0x1;
	s2 =	sadd.s32 s19, s18  }
0x9c: {  	s6 =	simm.s32 $0x0;
	s20 =	sshll.u32 s4, $0x1;
	s4 =	sadd.s32 s21, s2  }
0x9d: {  	[timem:s6], [sflag:s22] =	dma.local [hbm:s4], s20  }
0x9e: {  	_ =	swait.ge [sflag:s22], s20  }
0x9f: {  	s3 =	ssub.s32 $0x0, s20;
	[sflag:s22] =	ssyncset.done $0x0  }
0xa0: {  	[sflag:s22] =	ssyncadd.s32 s3;
	_ =	sdelay $0x1  }
0xa1: {  	s23 =	simm.s32 $0x1B8B  }
0xa2: {  	_ =	swait.ge [sflag:s23], $0x1  }
0xa3: {  	[sflag:s23] =	ssyncset.done $0x0  }
0xa4: {  	s25 =	simm.s32 $0x1B8E;
	s24 =	sld [smem:$0x3FFE];
	[sflag:s23] =	ssyncadd.s32 $0xFFFFFFFF  }
0xa5: {  	s26 =	simm.s32 $execute0_lowered;
	[smem:$0x3FD2] =	sst s25  }
0xa6: {  	s4 =	sshll.u32 s26, $0x1;
	_ =	strace $0x80000046;
	[dreg:$0x1] =	wrdreg $0xFFFFFFFF  }
0xa7: {  	s28 =	simm.s32 $_size_execute0_lowered;
	s2 =	sadd.s32 s2, s4;
	[dreg:$0x0] =	wrdreg $0x0  }
0xa8: {  	s4 =	sshll.u32 s28, $0x1;
	[dreg:$0x2] =	wrdreg s2  }
0xa9: {  	[dreg:$0x3] =	wrdreg s4  }
0xaa: {  	[dreg:$0x4] =	wrdreg $0xC0  }
0xab: {  	_ =	task [dreg:s6], $0x5FFFF  }
0xac: {  	[dreg:$0x1] =	wrdreg $0xFFFFFFFF  }
0xad: {  	[dreg:$0x0] =	wrdreg $0x60  }
0xae: {  	[dreg:$0x2] =	wrdreg s24  }
0xaf: {  	[dreg:$0x3] =	wrdreg $0x14D800  }
0xb0: {  	[dreg:$0x4] =	wrdreg $0x1ED800  }
0xb1: {  	[dreg:$0x5] =	wrdreg $0x9  }
0xb2: {  	_ =	task.clear_ibuf [dreg:s6], $0x6FFFF;
	_ =	strace $0x90000046  }
0xb3: {  	s29 =	simm.s32 $0x9;
	_ =	strace $0x80000048  }
0xb4: {  	_ =	swait.ge [sflag:s29], $0x1  }
0xb5: {  	[sflag:s29] =	ssyncadd.s32 $0xFFFFFFFF  }
0xb6: {  	_ =	strace $0x90000048  }
0xb7: {  	_ =	sfence  }
0xb8: {  	s30 =	sld [smem:$0x0];
	_ =	sdelay $0x2  }
0xb9: {  	s31 =	sshll.u32 s1, $0xD;
	s1 =	sshrl.u32 s1, $0x2  }
0xba: {  	s3 =	sand.u32 $0x4000, s31;
	s1 =	sadd.s32 s1, s30  }
0xbb: {  	s0 =	sor.u32 s3, s0;
	s1 =	sshll.u32 s1, $0x11  }
0xbc: {  	s0 =	sor.u32 s1, s0  }
0xbd: {  	s0 =	sadd.s32 $0x8F2B, s0  }
0xbe: {  	[sflag:s0] =	ssyncadd.remote.s32 $0x1  }
0xbf: {  	_ =	sfence.sel $0xFFFF  }
0xc0: {  	[dreg:$0x0] =	wrdreg $0xFFFFFFFF;
	(pc) =	sbr.abs _section_cstart, $3  }
0xc1: {  	[dreg:$0x1] =	wrdreg $0xFFFFFFFF  }
0xc2: {  	_ =	task.clear_ibuf [dreg:s6], $0x2FFFF;
	_ =	strace $0x9FFFFFFF  }
0xc3: {  	(tm) =	ssettm $0x7FFFFFFF  }
tec
execute0_lowered:
.L_overlay_start_1:
0x0: {  	(tag) =	ssettag $0x1  }
0x1: {  	s0 =	rddreg [dreg:$0x0]  }
0x2: {  	s1 =	rddreg [dreg:$0x1]  }
0x3: {  	s3 =	rddreg [dreg:$0x2]  }
0x4: {  	s2 =	simm.s32 $0x0;
	s11 =	stileid.u32;
	s6 =	srdreg.scid  }
0x5: {  	s28 =	simm.s32 $0x1;
	s29 =	simm.s32 $0x0;
	[smem:$0x7FF] =	sst s2  }
0x6: {  	s15 =	smul.u32 $0x9D0, s11;
	s4 =	sadd.s32 $0x1600, s0;
	s5 =	sadd.s32 $0x50C00, s0  }
0x7: {  	s7 =	sadd.s32 $0x4F800, s0;
	s6 =	sand.u32 $0x1, s6;
	s13 =	smul.u32 $0x280, s11  }
0x8: {  	s8 =	sadd.s32 $0x52000, s0;
	_ =	strace $0x80000047;
	s14 =	smul.u32 $0xA00, s6  }
0x9: {  	s9 =	ssub.s32 $0x2, s6;
	s19 =	sshllo.u32 s6, $0x1;
	s6 =	smul.u32 $0x14000, s6  }
0xa: {  	s2 =	sadd.s32 s15, s0;
	s0 =	sadd.s32 $0x3D200, s0;
	s10 =	sshrl.u32 s9, $0x1  }
0xb: {  	s26 =	sshrl.u32 s13, $0x3;
	s31 =	sadd.s32 $0x180, s13;
	s15 =	ssub.s32 s9, s10  }
0xc: {  	s16 =	sadd.s32 $0x29600, s2;
	s2 =	sadd.s32 $0x33400, s2;
	s17 =	sadd.s32 s5, s14  }
0xd: {  	s18 =	sadd.s32 s7, s14;
	s10 =	sadd.s32 s13, s3;
	[dreg:$0x4] =	wrdreg s16  }
0xe: {  	s20 =	sadd.s32 s8, s6;
	s16 =	smul.u32 $0x5000, s11;
	[dreg:$0x5] =	wrdreg s2  }
0xf: {  	s24 =	sadd.s32 s0, s14;
	[dreg:$0x7] =	wrdreg s18;
	s18 =	smul.u32 $0xA000, s19  }
0x10: {  	[dreg:$0x6] =	wrdreg s17;
	s17 =	sadd.s32 $0x80, s13;
	s2 =	smul.u32 $0x500, s19  }
0x11: {  	s11 =	sadd.s32 s4, s6;
	s30 =	sadd.s32 s26, s24;
	s19 =	sadd.s32 $0x50000, s1  }
0x12: {  	s24 =	sshll.u32 s31, $0x5;
	s23 =	sshll.u32 s17, $0x5;
	[dreg:$0xc] =	wrdreg s30  }
0x13: {  	s30 =	sadd.s32 s31, s3;
	s9 =	sadd.s32 s16, s1;
	s12 =	sadd.s32 s4, s18  }
0x14: {  	s21 =	sadd.s32 s8, s18;
	s5 =	sadd.s32 s5, s2;
	[dreg:$0x18] =	wrdreg s30  }
0x15: {  	s8 =	sadd.s32 $0x100, s13;
	s22 =	sadd.s32 s7, s2;
	[dreg:$0x8] =	wrdreg s5  }
0x16: {  	s0 =	sadd.s32 s0, s2;
	s6 =	sadd.s32 s23, s1;
	[dreg:$0x9] =	wrdreg s22  }
0x17: {  	s25 =	sshrl.u32 s16, $0x3;
	s7 =	sadd.s32 s23, s19;
	[dreg:$0xe] =	wrdreg s6  }
0x18: {  	s4 =	sadd.s32 s25, s20;
	s2 =	sadd.s32 s25, s21;
	[dreg:$0xf] =	wrdreg s7  }
0x19: {  	s0 =	sadd.s32 s26, s0;
	s20 =	sadd.s32 s16, s19;
	[dreg:$0xa] =	wrdreg s4  }
0x1a: {  	s21 =	sadd.s32 $0x2800, s3;
	s14 =	sshll.u32 s8, $0x5;
	[dreg:$0xb] =	wrdreg s2  }
0x1b: {  	s18 =	sadd.s32 s8, s3;
	s25 =	sadd.s32 s24, s1;
	[dreg:$0xd] =	wrdreg s0  }
0x1c: {  	s2 =	sadd.s32 $0x200, s13;
	s22 =	sadd.s32 s13, s21;
	[dreg:$0x14] =	wrdreg s18  }
0x1d: {  	s13 =	sadd.s32 s17, s3;
	s16 =	sadd.s32 s17, s21;
	[dreg:$0x16] =	wrdreg s25  }
0x1e: {  	s17 =	sadd.s32 s14, s1;
	s4 =	sadd.s32 s14, s19;
	[dreg:$0x10] =	wrdreg s13  }
0x1f: {  	s23 =	sadd.s32 s8, s21;
	s0 =	sadd.s32 s31, s21;
	[dreg:$0x11] =	wrdreg s16  }
0x20: {  	s14 =	smax.u32 s15, $0x1;
	s15 =	simm.s32 $0x2;
	[dreg:$0x12] =	wrdreg s17  }
0x21: {  	s18 =	simm.s32 $0x13D00;
	s25 =	simm.s32 $0x11500;
	[dreg:$0x13] =	wrdreg s4  }
0x22: {  	[dreg:$0x15] =	wrdreg s23;
	s4 =	sadd.s32 s24, s19;
	s26 =	sshll.u32 s2, $0x5  }
0x23: {  	[dreg:$0x19] =	wrdreg s0;
	s8 =	sadd.s32 s2, s3;
	s13 =	sadd.s32 s2, s21  }
0x24: {  	s16 =	simm.s32 $0x9D00;
	s17 =	simm.s32 $0xED00;
	s23 =	simm.s32 $0x14D00  }
0x25: {  	s24 =	simm.s32 $0xC500;
	[dreg:$0x17] =	wrdreg s4;
	s31 =	sadd.s32 s26, s1  }
0x26: {  	v0 =	vimm.f32 $0.0e+00;
	s7 =	sadd.s32 s26, s19;
	s26 =	simm.s32 $0x80;
	[dreg:$0x1a] =	wrdreg s31  }
.LBB2_1:
0x27: {  	s0 =	simm.s32 $0x0;
	s2 =	rddreg [dreg:$0x4]  }
0x28: {  	[tilespmem:s0], [sflag:$0x2] =	stream.linear.gather [hbm4b:s2+s0], $0x4E80, $0x38;
	[tilespmem:$0x1F280] =	vst v63  }
0x29: {  	_ =	swait.ge [sflag:s15], $0x4E80  }
0x2a: {  	[sflag:s15] =	ssyncset.done $0x0  }
0x2b: {  	s4 =	simm.s32 $0x4E80;
	s31 =	rddreg [dreg:$0x5];
	[sflag:s15] =	ssyncadd.s32 $0xFFFFB180  }
0x2c: {  	[tilespmem:s4], [sflag:$0x2] =	stream.linear.gather [hbm4b:s31+s0], $0x4E80, $0x38;
	[tilespmem:$0x1F280] =	vst v63  }
0x2d: {  	_ =	swait.ge [sflag:s15], $0x4E80  }
0x2e: {  	[sflag:s15] =	ssyncset.done $0x0  }
0x2f: {  	s2 =	simm.s32 $0x0;
	s0 =	simm.s32 $0x80;
	[sflag:s15] =	ssyncadd.s32 $0xFFFFB180  }
.LBB2_2:
0x30: {  	p0 =	sne.s32 s0, $0x3F80;
	[tilespmem:s2+$0x13D00] =	vst v0;
	s4 =	smov.u32 s0;
	s0 =	sadd.s32 $0x80, s0  }
.Ltmp0:
0x31: {  	[tilespmem:s2+$0x13D10] =	vst v0;
	(pc) =	sbr.rel @p0 .LBB2_2-.Ltmp0, $2  }
0x32: {  	_ =	sdelay $0x2  }
0x33: {  	s2 =	sshra.s32 s4, $0x2  }
0x34: {  	[tilespmem:s2+$0x13D00] =	vst v0  }
0x35: {  	[tilespmem:s2+$0x13D10] =	vst v0  }
0x36: {  	[tilespmem:$0x14D00] =	vst v0  }
0x37: {  	[tilespmem:$0x14D10] =	vst v0  }
0x38: {  	[tilespmem:$0x14D20] =	vst v0  }
0x39: {  	[tilespmem:$0x14D30] =	vst v0  }
0x3a: {  	[tilespmem:$0x14D40] =	vst v0  }
0x3b: {  	[tilespmem:$0x14D50] =	vst v0  }
0x3c: {  	[tilespmem:$0x14D60] =	vst v0  }
0x3d: {  	s30 =	simm.s32 $0x0;
	s0 =	rddreg [dreg:$0x6];
	[tilespmem:$0x14D70] =	vst v0  }
0x3e: {  	[tilespmem:s16], [sflag:$0x2] =	stream.linear.gather [hbm4b:s0+s30], $0x2800, $0x38;
	[tilespmem:$0x1F280] =	vst v63  }
0x3f: {  	_ =	swait.ge [sflag:s15], $0x2800  }
0x40: {  	[sflag:s15] =	ssyncset.done $0x0  }
0x41: {  	s2 =	rddreg [dreg:$0x7];
	[sflag:s15] =	ssyncadd.s32 $0xFFFFD800  }
0x42: {  	[tilespmem:s17], [sflag:$0x2] =	stream.linear.gather [hbm4b:s2+s30], $0x2800, $0x38;
	[tilespmem:$0x1F280] =	vst v63  }
0x43: {  	_ =	swait.ge [sflag:s15], $0x2800  }
0x44: {  	[sflag:s15] =	ssyncset.done $0x0  }
0x45: {  	[sflag:s15] =	ssyncadd.s32 $0xFFFFD800  }
0x46: {  	[spmem:s9] =	stream.linear.scatter [tilespmem:s18], [sflag:$0x2], $0x1000, $0x38;
	[tilespmem:$0x1F280] =	vst v63  }
0x47: {  	_ =	swait.ge [sflag:s15], $0x1000  }
0x48: {  	[sflag:s15] =	ssyncset.done $0x0  }
0x49: {  	[sflag:s15] =	ssyncadd.s32 $0xFFFFF000  }
0x4a: {  	[spmem:s10] =	stream.linear.scatter [tilespmem:s23], [sflag:$0x2], $0x80, $0x38;
	[tilespmem:$0x1F280] =	vst v63  }
0x4b: {  	_ =	swait.ge [sflag:s15], $0x80  }
0x4c: {  	[sflag:s15] =	ssyncset.done $0x0  }
0x4d: {  	s4 =	rddreg [dreg:$0xe];
	[sflag:s15] =	ssyncadd.s32 $0xFFFFFF80  }
0x4e: {  	[spmem:s4] =	stream.linear.scatter [tilespmem:s18], [sflag:$0x2], $0x1000, $0x38;
	[tilespmem:$0x1F280] =	vst v63  }
0x4f: {  	_ =	swait.ge [sflag:s15], $0x1000  }
0x50: {  	[sflag:s15] =	ssyncset.done $0x0  }
0x51: {  	s5 =	rddreg [dreg:$0x10];
	[sflag:s15] =	ssyncadd.s32 $0xFFFFF000  }
0x52: {  	[spmem:s5] =	stream.linear.scatter [tilespmem:s23], [sflag:$0x2], $0x80, $0x38;
	[tilespmem:$0x1F280] =	vst v63  }
0x53: {  	_ =	swait.ge [sflag:s15], $0x80  }
0x54: {  	[sflag:s15] =	ssyncset.done $0x0  }
0x55: {  	s6 =	rddreg [dreg:$0x12];
	[sflag:s15] =	ssyncadd.s32 $0xFFFFFF80  }
0x56: {  	[spmem:s6] =	stream.linear.scatter [tilespmem:s18], [sflag:$0x2], $0x1000, $0x38;
	[tilespmem:$0x1F280] =	vst v63  }
0x57: {  	_ =	swait.ge [sflag:s15], $0x1000  }
0x58: {  	[sflag:s15] =	ssyncset.done $0x0  }
0x59: {  	s2 =	rddreg [dreg:$0x14];
	[sflag:s15] =	ssyncadd.s32 $0xFFFFF000  }
0x5a: {  	[spmem:s2] =	stream.linear.scatter [tilespmem:s23], [sflag:$0x2], $0x80, $0x38;
	[tilespmem:$0x1F280] =	vst v63  }
0x5b: {  	_ =	swait.ge [sflag:s15], $0x80  }
0x5c: {  	[sflag:s15] =	ssyncset.done $0x0  }
0x5d: {  	s4 =	rddreg [dreg:$0x16];
	[sflag:s15] =	ssyncadd.s32 $0xFFFFFF80  }
0x5e: {  	[spmem:s4] =	stream.linear.scatter [tilespmem:s18], [sflag:$0x2], $0x1000, $0x38;
	[tilespmem:$0x1F280] =	vst v63  }
0x5f: {  	_ =	swait.ge [sflag:s15], $0x1000  }
0x60: {  	[sflag:s15] =	ssyncset.done $0x0  }
0x61: {  	s5 =	rddreg [dreg:$0x18];
	[sflag:s15] =	ssyncadd.s32 $0xFFFFF000  }
0x62: {  	[spmem:s5] =	stream.linear.scatter [tilespmem:s23], [sflag:$0x2], $0x80, $0x38;
	[tilespmem:$0x1F280] =	vst v63  }
0x63: {  	_ =	swait.ge [sflag:s15], $0x80  }
0x64: {  	[sflag:s15] =	ssyncset.done $0x0  }
0x65: {  	s6 =	rddreg [dreg:$0x1a];
	[sflag:s15] =	ssyncadd.s32 $0xFFFFFF80  }
0x66: {  	[spmem:s6] =	stream.linear.scatter [tilespmem:s18], [sflag:$0x2], $0x1000, $0x38;
	[tilespmem:$0x1F280] =	vst v63  }
0x67: {  	_ =	swait.ge [sflag:s15], $0x1000  }
0x68: {  	[sflag:s15] =	ssyncset.done $0x0  }
0x69: {  	[sflag:s15] =	ssyncadd.s32 $0xFFFFF000  }
0x6a: {  	[spmem:s8] =	stream.linear.scatter [tilespmem:s23], [sflag:$0x2], $0x80, $0x38;
	[tilespmem:$0x1F280] =	vst v63  }
0x6b: {  	_ =	swait.ge [sflag:s15], $0x80  }
0x6c: {  	[sflag:s15] =	ssyncset.done $0x0  }
0x6d: {  	s2 =	rddreg [dreg:$0x8];
	[sflag:s15] =	ssyncadd.s32 $0xFFFFFF80  }
0x6e: {  	[tilespmem:s24], [sflag:$0x2] =	stream.linear.gather [hbm4b:s2+s30], $0x2800, $0x38;
	[tilespmem:$0x1F280] =	vst v63  }
0x6f: {  	_ =	swait.ge [sflag:s15], $0x2800  }
0x70: {  	[sflag:s15] =	ssyncset.done $0x0  }
0x71: {  	s4 =	rddreg [dreg:$0x9];
	[sflag:s15] =	ssyncadd.s32 $0xFFFFD800  }
0x72: {  	[tilespmem:s25], [sflag:$0x2] =	stream.linear.gather [hbm4b:s4+s30], $0x2800, $0x38;
	[tilespmem:$0x1F280] =	vst v63  }
0x73: {  	_ =	swait.ge [sflag:s15], $0x2800  }
0x74: {  	[sflag:s15] =	ssyncset.done $0x0  }
0x75: {  	[sflag:s15] =	ssyncadd.s32 $0xFFFFD800  }
0x76: {  	[spmem:s20] =	stream.linear.scatter [tilespmem:s18], [sflag:$0x2], $0x1000, $0x38;
	[tilespmem:$0x1F280] =	vst v63  }
0x77: {  	_ =	swait.ge [sflag:s15], $0x1000  }
0x78: {  	[sflag:s15] =	ssyncset.done $0x0  }
0x79: {  	[sflag:s15] =	ssyncadd.s32 $0xFFFFF000  }
0x7a: {  	[spmem:s22] =	stream.linear.scatter [tilespmem:s23], [sflag:$0x2], $0x80, $0x38;
	[tilespmem:$0x1F280] =	vst v63  }
0x7b: {  	_ =	swait.ge [sflag:s15], $0x80  }
0x7c: {  	[sflag:s15] =	ssyncset.done $0x0  }
0x7d: {  	s5 =	rddreg [dreg:$0xf];
	[sflag:s15] =	ssyncadd.s32 $0xFFFFFF80  }
0x7e: {  	[spmem:s5] =	stream.linear.scatter [tilespmem:s18], [sflag:$0x2], $0x1000, $0x38;
	[tilespmem:$0x1F280] =	vst v63  }
0x7f: {  	_ =	swait.ge [sflag:s15], $0x1000  }
0x80: {  	[sflag:s15] =	ssyncset.done $0x0  }
0x81: {  	s6 =	rddreg [dreg:$0x11];
	[sflag:s15] =	ssyncadd.s32 $0xFFFFF000  }
0x82: {  	[spmem:s6] =	stream.linear.scatter [tilespmem:s23], [sflag:$0x2], $0x80, $0x38;
	[tilespmem:$0x1F280] =	vst v63  }
0x83: {  	_ =	swait.ge [sflag:s15], $0x80  }
0x84: {  	[sflag:s15] =	ssyncset.done $0x0  }
0x85: {  	s2 =	rddreg [dreg:$0x13];
	[sflag:s15] =	ssyncadd.s32 $0xFFFFFF80  }
0x86: {  	[spmem:s2] =	stream.linear.scatter [tilespmem:s18], [sflag:$0x2], $0x1000, $0x38;
	[tilespmem:$0x1F280] =	vst v63  }
0x87: {  	_ =	swait.ge [sflag:s15], $0x1000  }
0x88: {  	[sflag:s15] =	ssyncset.done $0x0  }
0x89: {  	s4 =	rddreg [dreg:$0x15];
	[sflag:s15] =	ssyncadd.s32 $0xFFFFF000  }
0x8a: {  	[spmem:s4] =	stream.linear.scatter [tilespmem:s23], [sflag:$0x2], $0x80, $0x38;
	[tilespmem:$0x1F280] =	vst v63  }
0x8b: {  	_ =	swait.ge [sflag:s15], $0x80  }
0x8c: {  	[sflag:s15] =	ssyncset.done $0x0  }
0x8d: {  	s5 =	rddreg [dreg:$0x17];
	[sflag:s15] =	ssyncadd.s32 $0xFFFFFF80  }
0x8e: {  	[spmem:s5] =	stream.linear.scatter [tilespmem:s18], [sflag:$0x2], $0x1000, $0x38;
	[tilespmem:$0x1F280] =	vst v63  }
0x8f: {  	_ =	swait.ge [sflag:s15], $0x1000  }
0x90: {  	[sflag:s15] =	ssyncset.done $0x0  }
0x91: {  	s6 =	rddreg [dreg:$0x19];
	[sflag:s15] =	ssyncadd.s32 $0xFFFFF000  }
0x92: {  	[spmem:s6] =	stream.linear.scatter [tilespmem:s23], [sflag:$0x2], $0x80, $0x38;
	[tilespmem:$0x1F280] =	vst v63  }
0x93: {  	_ =	swait.ge [sflag:s15], $0x80  }
0x94: {  	[sflag:s15] =	ssyncset.done $0x0  }
0x95: {  	[sflag:s15] =	ssyncadd.s32 $0xFFFFFF80  }
0x96: {  	[spmem:s7] =	stream.linear.scatter [tilespmem:s18], [sflag:$0x2], $0x1000, $0x38;
	[tilespmem:$0x1F280] =	vst v63  }
0x97: {  	_ =	swait.ge [sflag:s15], $0x1000  }
0x98: {  	[sflag:s15] =	ssyncset.done $0x0  }
0x99: {  	[sflag:s15] =	ssyncadd.s32 $0xFFFFF000  }
0x9a: {  	[spmem:s13] =	stream.linear.scatter [tilespmem:s23], [sflag:$0x2], $0x80, $0x38;
	[tilespmem:$0x1F280] =	vst v63  }
0x9b: {  	_ =	swait.ge [sflag:s15], $0x80  }
0x9c: {  	[sflag:s15] =	ssyncset.done $0x0  }
0x9d: {  	[sflag:s15] =	ssyncadd.s32 $0xFFFFFF80  }
0x9e: {  	s31 =	simm.s32 $0x0;
	[bflag:$0x0] =	sbarrier.arrive $0xFFFF  }
.LBB2_4:
0x9f: {  	s0 =	sshll.u32 s31, $0x7  }
0xa0: {  	[tilespmem:s18], [sflag:$0x1] =	stream.indirect.gather [hbm4b:s11+s26], $0x20, s0, s26, $0xb8;
	[tilespmem:$0x1F280] =	vst v63  }
0xa1: {  	v1 =	vld [tilespmem:s0+$0x0]  }
0xa2: {  	v2 =	vld [tilespmem:s0+$0x4E80];
	_ =	sdelay $0x6  }
0xa3: {  	v1 =	vld.idx.msk [tilespmem:v1+s16+$0x0], $0xffff  }
0xa4: {  	v2 =	vld.idx.msk [tilespmem:v2+s17+$0x0], $0xffff;
	_ =	sdelay $0x4  }
0xa5: {  	v1 =	vadd.f32 v2, v1;
	_ =	sdelay $0x1  }
0xa6: {  	v2 =	vmul.f32 $2.000000030e-01, v1;
	_ =	sdelay $0x1  }
0xa7: {  	v1 =	vmax.f32 v1, v2  }
0xa8: {  	v1 =	vmul.f32 $1.442695020e+00, v1;
	_ =	sdelay $0x1  }
0xa9: {  	(erf) = vpow2.f32 v1;
	_ =	sdelay $0x8  }
0xaa: {  	v1 =	vpop (erf)  }
0xab: {  	[tilespmem:$0x14D00] =	vst v1  }
0xac: {  	v1 =	vld [tilespmem:s0+$0x10]  }
0xad: {  	v2 =	vld [tilespmem:s0+$0x4E90];
	_ =	sdelay $0x6  }
0xae: {  	v1 =	vld.idx.msk [tilespmem:v1+s16+$0x0], $0xffff  }
0xaf: {  	v2 =	vld.idx.msk [tilespmem:v2+s17+$0x0], $0xffff;
	_ =	sdelay $0x4  }
0xb0: {  	v1 =	vadd.f32 v2, v1;
	_ =	sdelay $0x1  }
0xb1: {  	v2 =	vmul.f32 $2.000000030e-01, v1;
	_ =	sdelay $0x1  }
0xb2: {  	v1 =	vmax.f32 v1, v2  }
0xb3: {  	v1 =	vmul.f32 $1.442695020e+00, v1;
	_ =	sdelay $0x1  }
0xb4: {  	(erf) = vpow2.f32 v1;
	_ =	sdelay $0x8  }
0xb5: {  	v1 =	vpop (erf)  }
0xb6: {  	[tilespmem:$0x14D10] =	vst v1  }
0xb7: {  	v1 =	vld [tilespmem:s0+$0x20]  }
0xb8: {  	v2 =	vld [tilespmem:s0+$0x4EA0];
	_ =	sdelay $0x6  }
0xb9: {  	v1 =	vld.idx.msk [tilespmem:v1+s16+$0x0], $0xffff  }
0xba: {  	v2 =	vld.idx.msk [tilespmem:v2+s17+$0x0], $0xffff;
	_ =	sdelay $0x4  }
0xbb: {  	v1 =	vadd.f32 v2, v1;
	_ =	sdelay $0x1  }
0xbc: {  	v2 =	vmul.f32 $2.000000030e-01, v1;
	_ =	sdelay $0x1  }
0xbd: {  	v1 =	vmax.f32 v1, v2  }
0xbe: {  	v1 =	vmul.f32 $1.442695020e+00, v1;
	_ =	sdelay $0x1  }
0xbf: {  	(erf) = vpow2.f32 v1;
	_ =	sdelay $0x8  }
0xc0: {  	v1 =	vpop (erf)  }
0xc1: {  	[tilespmem:$0x14D20] =	vst v1  }
0xc2: {  	v1 =	vld [tilespmem:s0+$0x30]  }
0xc3: {  	v2 =	vld [tilespmem:s0+$0x4EB0];
	_ =	sdelay $0x6  }
0xc4: {  	v1 =	vld.idx.msk [tilespmem:v1+s16+$0x0], $0xffff  }
0xc5: {  	v2 =	vld.idx.msk [tilespmem:v2+s17+$0x0], $0xffff;
	_ =	sdelay $0x4  }
0xc6: {  	v1 =	vadd.f32 v2, v1;
	_ =	sdelay $0x1  }
0xc7: {  	v2 =	vmul.f32 $2.000000030e-01, v1;
	_ =	sdelay $0x1  }
0xc8: {  	v1 =	vmax.f32 v1, v2  }
0xc9: {  	v1 =	vmul.f32 $1.442695020e+00, v1;
	_ =	sdelay $0x1  }
0xca: {  	(erf) = vpow2.f32 v1;
	_ =	sdelay $0x8  }
0xcb: {  	v1 =	vpop (erf)  }
0xcc: {  	[tilespmem:$0x14D30] =	vst v1  }
0xcd: {  	v1 =	vld [tilespmem:s0+$0x40]  }
0xce: {  	v2 =	vld [tilespmem:s0+$0x4EC0];
	_ =	sdelay $0x6  }
0xcf: {  	v1 =	vld.idx.msk [tilespmem:v1+s16+$0x0], $0xffff  }
0xd0: {  	v2 =	vld.idx.msk [tilespmem:v2+s17+$0x0], $0xffff;
	_ =	sdelay $0x4  }
0xd1: {  	v1 =	vadd.f32 v2, v1;
	_ =	sdelay $0x1  }
0xd2: {  	v2 =	vmul.f32 $2.000000030e-01, v1;
	_ =	sdelay $0x1  }
0xd3: {  	v1 =	vmax.f32 v1, v2  }
0xd4: {  	v1 =	vmul.f32 $1.442695020e+00, v1;
	_ =	sdelay $0x1  }
0xd5: {  	(erf) = vpow2.f32 v1;
	_ =	sdelay $0x8  }
0xd6: {  	v1 =	vpop (erf)  }
0xd7: {  	[tilespmem:$0x14D40] =	vst v1  }
0xd8: {  	v1 =	vld [tilespmem:s0+$0x50]  }
0xd9: {  	v2 =	vld [tilespmem:s0+$0x4ED0];
	_ =	sdelay $0x6  }
0xda: {  	v1 =	vld.idx.msk [tilespmem:v1+s16+$0x0], $0xffff  }
0xdb: {  	v2 =	vld.idx.msk [tilespmem:v2+s17+$0x0], $0xffff;
	_ =	sdelay $0x4  }
0xdc: {  	v1 =	vadd.f32 v2, v1;
	_ =	sdelay $0x1  }
0xdd: {  	v2 =	vmul.f32 $2.000000030e-01, v1;
	_ =	sdelay $0x1  }
0xde: {  	v1 =	vmax.f32 v1, v2  }
0xdf: {  	v1 =	vmul.f32 $1.442695020e+00, v1;
	_ =	sdelay $0x1  }
0xe0: {  	(erf) = vpow2.f32 v1;
	_ =	sdelay $0x8  }
0xe1: {  	v1 =	vpop (erf)  }
0xe2: {  	[tilespmem:$0x14D50] =	vst v1  }
0xe3: {  	v1 =	vld [tilespmem:s0+$0x60]  }
0xe4: {  	v2 =	vld [tilespmem:s0+$0x4EE0];
	_ =	sdelay $0x6  }
0xe5: {  	v1 =	vld.idx.msk [tilespmem:v1+s16+$0x0], $0xffff  }
0xe6: {  	v2 =	vld.idx.msk [tilespmem:v2+s17+$0x0], $0xffff;
	_ =	sdelay $0x4  }
0xe7: {  	v1 =	vadd.f32 v2, v1;
	_ =	sdelay $0x1  }
0xe8: {  	v2 =	vmul.f32 $2.000000030e-01, v1;
	_ =	sdelay $0x1  }
0xe9: {  	v1 =	vmax.f32 v1, v2  }
0xea: {  	v1 =	vmul.f32 $1.442695020e+00, v1;
	_ =	sdelay $0x1  }
0xeb: {  	(erf) = vpow2.f32 v1;
	_ =	sdelay $0x8  }
0xec: {  	v1 =	vpop (erf)  }
0xed: {  	[tilespmem:$0x14D60] =	vst v1  }
0xee: {  	v1 =	vld [tilespmem:s0+$0x70]  }
0xef: {  	v2 =	vld [tilespmem:s0+$0x4EF0];
	_ =	sdelay $0x6  }
0xf0: {  	v1 =	vld.idx.msk [tilespmem:v1+s16+$0x0], $0xffff  }
0xf1: {  	v2 =	vld.idx.msk [tilespmem:v2+s17+$0x0], $0xffff;
	_ =	sdelay $0x4  }
0xf2: {  	v1 =	vadd.f32 v2, v1;
	_ =	sdelay $0x1  }
0xf3: {  	v2 =	vmul.f32 $2.000000030e-01, v1;
	_ =	sdelay $0x1  }
0xf4: {  	v1 =	vmax.f32 v1, v2  }
0xf5: {  	v1 =	vmul.f32 $1.442695020e+00, v1;
	_ =	sdelay $0x1  }
0xf6: {  	(erf) = vpow2.f32 v1;
	_ =	sdelay $0x5  }
0xf7: {  	v1 =	vmov s30  }
0xf8: {  	v1 =	vand.u32 $0xFFFFFFFC, v1  }
0xf9: {  	v1 =	vbroadcast v1, $0x0  }
0xfa: {  	v2 =	vpop (erf)  }
0xfb: {  	[tilespmem:$0x14D70] =	vst v2  }
0xfc: {  	_ =	swait.ge [sflag:s28], $0x1000  }
0xfd: {  	[sflag:s28] =	ssyncset.done $0x0  }
0xfe: {  	[sflag:s28] =	ssyncadd.s32 $0xFFFFF000  }
0xff: {  	s2 =	simm.s32 $0x13D40;
	v1 =	vld.idx.msk [tilespmem:v1+s23+$0x0], $0xffff  }
0x100: {  	s4 =	simm.s32 $0x1;
	v2 =	vld [tilespmem:s2+$0xFFFFFFC0]  }
0x101: {  	v4 =	vmov s4;
	v3 =	vld [tilespmem:s2+$0xFFFFFFD0]  }
0x102: {  	v4 =	vand.u32 $0xFFFFFFFD, v4  }
0x103: {  	v4 =	vbroadcast v4, $0x0;
	_ =	sdelay $0x1  }
0x104: {  	v2 =	vmul.f32 v2, v1  }
0x105: {  	v1 =	vmul.f32 v3, v1  }
0x106: {  	[tilespmem:s2+$0xFFFFFFC0] =	vst v2  }
0x107: {  	[tilespmem:s2+$0xFFFFFFD0] =	vst v1;
	v2 =	vld [tilespmem:s2+$0xFFFFFFE0]  }
0x108: {  	s5 =	simm.s32 $0x2;
	v1 =	vld.idx.msk [tilespmem:v4+s23+$0x0], $0xffff  }
0x109: {  	v3 =	vld [tilespmem:s2+$0xFFFFFFF0];
	v4 =	vmov s5  }
0x10a: {  	v4 =	vand.u32 $0xFFFFFFFE, v4  }
0x10b: {  	v4 =	vbroadcast v4, $0x0;
	_ =	sdelay $0x1  }
0x10c: {  	v2 =	vmul.f32 v2, v1  }
0x10d: {  	v1 =	vmul.f32 v3, v1  }
0x10e: {  	[tilespmem:s2+$0xFFFFFFE0] =	vst v2  }
0x10f: {  	[tilespmem:s2+$0xFFFFFFF0] =	vst v1;
	v1 =	vld [tilespmem:s2+$0x10]  }
0x110: {  	v2 =	vld.idx.msk [tilespmem:v4+s23+$0x0], $0xffff  }
0x111: {  	v3 =	vld [tilespmem:s2+$0x0];
	_ =	sdelay $0x1  }
0x112: {  	s6 =	simm.s32 $0x3  }
0x113: {  	v4 =	vmov s6  }
0x114: {  	v1 =	vmul.f32 v1, v2  }
0x115: {  	v2 =	vmul.f32 v3, v2  }
0x116: {  	[tilespmem:s2+$0x10] =	vst v1  }
0x117: {  	[tilespmem:s2+$0x0] =	vst v2;
	v1 =	vld [tilespmem:s2+$0x30]  }
0x118: {  	v2 =	vld.idx.msk [tilespmem:v4+s23+$0x0], $0xffff  }
0x119: {  	s4 =	simm.s32 $0x4;
	v4 =	vld [tilespmem:s2+$0x20]  }
0x11a: {  	v3 =	vmov s4  }
0x11b: {  	v3 =	vand.u32 $0xFFFFFFFC, v3  }
0x11c: {  	s0 =	sadd.s32 $0x4E80, s0;
	s5 =	simm.s32 $0x8;
	v3 =	vbroadcast v3, $0x0  }
.LBB2_5:
0x11d: {  	p0 =	sne.s32 s5, $0x7C  }
0x11e: {  	v1 =	vmul.f32 v1, v2;
	v4 =	vmul.f32 v4, v2;
	_ =	sdelay $0x1  }
0x11f: {  	[tilespmem:s2+$0x20] =	vst v4  }
0x120: {  	[tilespmem:s2+$0x30] =	vst v1  }
0x121: {  	s2 =	sadd.s32 $0x80, s2;
	v1 =	vld.idx.msk [tilespmem:v3+s23+$0x0], $0xffff  }
0x122: {  	s6 =	sadd.s32 $0x1, s4;
	v2 =	vld [tilespmem:s2+$0xFFFFFFC0]  }
0x123: {  	v4 =	vmov s6;
	v3 =	vld [tilespmem:s2+$0xFFFFFFD0]  }
0x124: {  	v4 =	vand.u32 $0xFFFFFFFD, v4  }
0x125: {  	v4 =	vbroadcast v4, $0x0;
	_ =	sdelay $0x1  }
0x126: {  	v2 =	vmul.f32 v2, v1  }
0x127: {  	v1 =	vmul.f32 v3, v1  }
0x128: {  	[tilespmem:s2+$0xFFFFFFC0] =	vst v2  }
0x129: {  	[tilespmem:s2+$0xFFFFFFD0] =	vst v1  }
0x12a: {  	v1 =	vld.idx.msk [tilespmem:v4+s23+$0x0], $0xffff  }
0x12b: {  	s6 =	sadd.s32 $0x2, s4;
	v2 =	vld [tilespmem:s2+$0xFFFFFFE0]  }
0x12c: {  	v4 =	vmov s6;
	v3 =	vld [tilespmem:s2+$0xFFFFFFF0]  }
0x12d: {  	v4 =	vand.u32 $0xFFFFFFFE, v4  }
0x12e: {  	v4 =	vbroadcast v4, $0x0;
	_ =	sdelay $0x1  }
0x12f: {  	v2 =	vmul.f32 v2, v1  }
0x130: {  	v1 =	vmul.f32 v3, v1  }
0x131: {  	[tilespmem:s2+$0xFFFFFFE0] =	vst v2  }
0x132: {  	[tilespmem:s2+$0xFFFFFFF0] =	vst v1;
	v1 =	vld [tilespmem:s2+$0x10]  }
0x133: {  	v2 =	vld.idx.msk [tilespmem:v4+s23+$0x0], $0xffff  }
0x134: {  	v3 =	vld [tilespmem:s2+$0x0];
	_ =	sdelay $0x2  }
0x135: {  	s6 =	sadd.s32 $0x3, s4;
	s4 =	smov.u32 s5  }
0x136: {  	v4 =	vmov s6  }
0x137: {  	v1 =	vmul.f32 v1, v2;
	v3 =	vmul.f32 v3, v2;
	_ =	sdelay $0x1  }
0x138: {  	[tilespmem:s2+$0x10] =	vst v1  }
0x139: {  	[tilespmem:s2+$0x0] =	vst v3;
	v1 =	vld [tilespmem:s2+$0x30]  }
.Ltmp1:
0x13a: {  	v2 =	vld.idx.msk [tilespmem:v4+s23+$0x0], $0xffff;
	(pc) =	sbr.rel @p0 .LBB2_5-.Ltmp1, $4  }
0x13b: {  	v4 =	vld [tilespmem:s2+$0x20]  }
0x13c: {  	v3 =	vmov s5  }
0x13d: {  	v3 =	vand.u32 $0xFFFFFFFC, v3  }
0x13e: {  	s5 =	sadd.s32 $0x4, s5;
	v3 =	vbroadcast v3, $0x0  }
0x13f: {  	_ = 	snop  }
0x140: {  	v1 =	vmul.f32 v1, v2  }
0x141: {  	v4 =	vmul.f32 v4, v2  }
0x142: {  	[tilespmem:s2+$0x30] =	vst v1  }
0x143: {  	[tilespmem:s2+$0x20] =	vst v4  }
0x144: {  	s2 =	sadd.s32 $0x80, s2;
	v1 =	vld.idx.msk [tilespmem:v3+s23+$0x0], $0xffff  }
0x145: {  	s5 =	sadd.s32 $0x1, s4;
	v2 =	vld [tilespmem:s2+$0xFFFFFFC0]  }
0x146: {  	v61 =	vmov s5;
	v3 =	vld [tilespmem:s2+$0xFFFFFFD0]  }
0x147: {  	v4 =	vand.u32 $0xFFFFFFFD, v61  }
0x148: {  	v4 =	vbroadcast v4, $0x0;
	_ =	sdelay $0x1  }
0x149: {  	v2 =	vmul.f32 v2, v1  }
0x14a: {  	v1 =	vmul.f32 v3, v1  }
0x14b: {  	[tilespmem:s2+$0xFFFFFFC0] =	vst v2  }
0x14c: {  	[tilespmem:s2+$0xFFFFFFD0] =	vst v1;
	v2 =	vld [tilespmem:s2+$0xFFFFFFE0]  }
0x14d: {  	s6 =	sadd.s32 $0x2, s4;
	v1 =	vld.idx.msk [tilespmem:v4+s23+$0x0], $0xffff  }
0x14e: {  	v62 =	vmov s6;
	v3 =	vld [tilespmem:s2+$0xFFFFFFF0]  }
0x14f: {  	v4 =	vand.u32 $0xFFFFFFFE, v62  }
0x150: {  	v4 =	vbroadcast v4, $0x0;
	_ =	sdelay $0x1  }
0x151: {  	v2 =	vmul.f32 v2, v1  }
0x152: {  	v1 =	vmul.f32 v3, v1  }
0x153: {  	[tilespmem:s2+$0xFFFFFFE0] =	vst v2  }
0x154: {  	[tilespmem:s2+$0xFFFFFFF0] =	vst v1;
	v1 =	vld [tilespmem:s2+$0x10]  }
0x155: {  	v2 =	vld.idx.msk [tilespmem:v4+s23+$0x0], $0xffff  }
0x156: {  	v3 =	vld [tilespmem:s2+$0x0];
	_ =	sdelay $0x1  }
0x157: {  	s6 =	sadd.s32 $0x3, s4  }
0x158: {  	v63 =	vmov s6  }
0x159: {  	v1 =	vmul.f32 v1, v2  }
0x15a: {  	v2 =	vmul.f32 v3, v2  }
0x15b: {  	[tilespmem:s2+$0x10] =	vst v1  }
0x15c: {  	[tilespmem:s2+$0x0] =	vst v2;
	v2 =	vld [tilespmem:s2+$0x20]  }
0x15d: {  	v1 =	vld.idx.msk [tilespmem:v63+s23+$0x0], $0xffff  }
0x15e: {  	v3 =	vld [tilespmem:s2+$0x30];
	_ =	sdelay $0x3  }
0x15f: {  	v2 =	vmul.f32 v2, v1  }
0x160: {  	v1 =	vmul.f32 v3, v1  }
0x161: {  	[tilespmem:s2+$0x20] =	vst v2  }
0x162: {  	[tilespmem:s2+$0x30] =	vst v1  }
0x163: {  	[spmem:s1] =	stream.indirect.scatter.add.f32 [tilespmem:s18], [sflag:$0x2], $0x20, s0, s26, $0xb8;
	[tilespmem:$0x1F280] =	vst v63  }
0x164: {  	s31 =	sadd.s32 $0x1, s31;
	_ =	swait.ge [sflag:s15], $0x1000  }
0x165: {  	p0 =	seq.s32 s31, $0x9D;
	[sflag:s15] =	ssyncset.done $0x0  }
.Ltmp2:
0x166: {  	[sflag:s15] =	ssyncadd.s32 $0xFFFFF000;
	(pc) =	sbr.rel @!p0 .LBB2_4-.Ltmp2, $4  }
0x167: {  	[spmem:s3] =	stream.indirect.scatter.add.f32 [tilespmem:s23], [sflag:$0x2], $0x1, s0, s26, $0xb8;
	[tilespmem:$0x1F280] =	vst v63  }
0x168: {  	_ =	swait.ge [sflag:s15], $0x80  }
0x169: {  	[sflag:s15] =	ssyncset.done $0x0  }
0x16a: {  	[sflag:s15] =	ssyncadd.s32 $0xFFFFFF80  }
0x16b: {  	s30 =	simm.s32 $0x0;
	s31 =	simm.s32 $0x0  }
.LBB2_8:
0x16c: {  	s0 =	sshll.u32 s31, $0x7  }
0x16d: {  	[tilespmem:s18], [sflag:$0x1] =	stream.indirect.gather [hbm4b:s12+s26], $0x20, s0, s26, $0xb8;
	[tilespmem:$0x1F280] =	vst v63  }
0x16e: {  	v1 =	vld [tilespmem:s0+$0x0]  }
0x16f: {  	v2 =	vld [tilespmem:s0+$0x4E80];
	_ =	sdelay $0x6  }
0x170: {  	v1 =	vld.idx.msk [tilespmem:v1+s24+$0x0], $0xffff  }
0x171: {  	v2 =	vld.idx.msk [tilespmem:v2+s25+$0x0], $0xffff;
	_ =	sdelay $0x4  }
0x172: {  	v1 =	vadd.f32 v2, v1;
	_ =	sdelay $0x1  }
0x173: {  	v2 =	vmul.f32 $2.000000030e-01, v1;
	_ =	sdelay $0x1  }
0x174: {  	v1 =	vmax.f32 v1, v2  }
0x175: {  	v1 =	vmul.f32 $1.442695020e+00, v1;
	_ =	sdelay $0x1  }
0x176: {  	(erf) = vpow2.f32 v1;
	_ =	sdelay $0x8  }
0x177: {  	v1 =	vpop (erf)  }
0x178: {  	[tilespmem:$0x14D00] =	vst v1  }
0x179: {  	v1 =	vld [tilespmem:s0+$0x10]  }
0x17a: {  	v2 =	vld [tilespmem:s0+$0x4E90];
	_ =	sdelay $0x6  }
0x17b: {  	v1 =	vld.idx.msk [tilespmem:v1+s24+$0x0], $0xffff  }
0x17c: {  	v2 =	vld.idx.msk [tilespmem:v2+s25+$0x0], $0xffff;
	_ =	sdelay $0x4  }
0x17d: {  	v1 =	vadd.f32 v2, v1;
	_ =	sdelay $0x1  }
0x17e: {  	v2 =	vmul.f32 $2.000000030e-01, v1;
	_ =	sdelay $0x1  }
0x17f: {  	v1 =	vmax.f32 v1, v2  }
0x180: {  	v1 =	vmul.f32 $1.442695020e+00, v1;
	_ =	sdelay $0x1  }
0x181: {  	(erf) = vpow2.f32 v1;
	_ =	sdelay $0x8  }
0x182: {  	v1 =	vpop (erf)  }
0x183: {  	[tilespmem:$0x14D10] =	vst v1  }
0x184: {  	v1 =	vld [tilespmem:s0+$0x20]  }
0x185: {  	v2 =	vld [tilespmem:s0+$0x4EA0];
	_ =	sdelay $0x6  }
0x186: {  	v1 =	vld.idx.msk [tilespmem:v1+s24+$0x0], $0xffff  }
0x187: {  	v2 =	vld.idx.msk [tilespmem:v2+s25+$0x0], $0xffff;
	_ =	sdelay $0x4  }
0x188: {  	v1 =	vadd.f32 v2, v1;
	_ =	sdelay $0x1  }
0x189: {  	v2 =	vmul.f32 $2.000000030e-01, v1;
	_ =	sdelay $0x1  }
0x18a: {  	v1 =	vmax.f32 v1, v2  }
0x18b: {  	v1 =	vmul.f32 $1.442695020e+00, v1;
	_ =	sdelay $0x1  }
0x18c: {  	(erf) = vpow2.f32 v1;
	_ =	sdelay $0x8  }
0x18d: {  	v1 =	vpop (erf)  }
0x18e: {  	[tilespmem:$0x14D20] =	vst v1  }
0x18f: {  	v1 =	vld [tilespmem:s0+$0x30]  }
0x190: {  	v2 =	vld [tilespmem:s0+$0x4EB0];
	_ =	sdelay $0x6  }
0x191: {  	v1 =	vld.idx.msk [tilespmem:v1+s24+$0x0], $0xffff  }
0x192: {  	v2 =	vld.idx.msk [tilespmem:v2+s25+$0x0], $0xffff;
	_ =	sdelay $0x4  }
0x193: {  	v1 =	vadd.f32 v2, v1;
	_ =	sdelay $0x1  }
0x194: {  	v2 =	vmul.f32 $2.000000030e-01, v1;
	_ =	sdelay $0x1  }
0x195: {  	v1 =	vmax.f32 v1, v2  }
0x196: {  	v1 =	vmul.f32 $1.442695020e+00, v1;
	_ =	sdelay $0x1  }
0x197: {  	(erf) = vpow2.f32 v1;
	_ =	sdelay $0x8  }
0x198: {  	v1 =	vpop (erf)  }
0x199: {  	[tilespmem:$0x14D30] =	vst v1  }
0x19a: {  	v1 =	vld [tilespmem:s0+$0x40]  }
0x19b: {  	v2 =	vld [tilespmem:s0+$0x4EC0];
	_ =	sdelay $0x6  }
0x19c: {  	v1 =	vld.idx.msk [tilespmem:v1+s24+$0x0], $0xffff  }
0x19d: {  	v2 =	vld.idx.msk [tilespmem:v2+s25+$0x0], $0xffff;
	_ =	sdelay $0x4  }
0x19e: {  	v1 =	vadd.f32 v2, v1;
	_ =	sdelay $0x1  }
0x19f: {  	v2 =	vmul.f32 $2.000000030e-01, v1;
	_ =	sdelay $0x1  }
0x1a0: {  	v1 =	vmax.f32 v1, v2  }
0x1a1: {  	v1 =	vmul.f32 $1.442695020e+00, v1;
	_ =	sdelay $0x1  }
0x1a2: {  	(erf) = vpow2.f32 v1;
	_ =	sdelay $0x8  }
0x1a3: {  	v1 =	vpop (erf)  }
0x1a4: {  	[tilespmem:$0x14D40] =	vst v1  }
0x1a5: {  	v1 =	vld [tilespmem:s0+$0x50]  }
0x1a6: {  	v2 =	vld [tilespmem:s0+$0x4ED0];
	_ =	sdelay $0x6  }
0x1a7: {  	v1 =	vld.idx.msk [tilespmem:v1+s24+$0x0], $0xffff  }
0x1a8: {  	v2 =	vld.idx.msk [tilespmem:v2+s25+$0x0], $0xffff;
	_ =	sdelay $0x4  }
0x1a9: {  	v1 =	vadd.f32 v2, v1;
	_ =	sdelay $0x1  }
0x1aa: {  	v2 =	vmul.f32 $2.000000030e-01, v1;
	_ =	sdelay $0x1  }
0x1ab: {  	v1 =	vmax.f32 v1, v2  }
0x1ac: {  	v1 =	vmul.f32 $1.442695020e+00, v1;
	_ =	sdelay $0x1  }
0x1ad: {  	(erf) = vpow2.f32 v1;
	_ =	sdelay $0x8  }
0x1ae: {  	v1 =	vpop (erf)  }
0x1af: {  	[tilespmem:$0x14D50] =	vst v1  }
0x1b0: {  	v1 =	vld [tilespmem:s0+$0x60]  }
0x1b1: {  	v2 =	vld [tilespmem:s0+$0x4EE0];
	_ =	sdelay $0x6  }
0x1b2: {  	v1 =	vld.idx.msk [tilespmem:v1+s24+$0x0], $0xffff  }
0x1b3: {  	v2 =	vld.idx.msk [tilespmem:v2+s25+$0x0], $0xffff;
	_ =	sdelay $0x4  }
0x1b4: {  	v1 =	vadd.f32 v2, v1;
	_ =	sdelay $0x1  }
0x1b5: {  	v2 =	vmul.f32 $2.000000030e-01, v1;
	_ =	sdelay $0x1  }
0x1b6: {  	v1 =	vmax.f32 v1, v2  }
0x1b7: {  	v1 =	vmul.f32 $1.442695020e+00, v1;
	_ =	sdelay $0x1  }
0x1b8: {  	(erf) = vpow2.f32 v1;
	_ =	sdelay $0x8  }
0x1b9: {  	v1 =	vpop (erf)  }
0x1ba: {  	[tilespmem:$0x14D60] =	vst v1  }
0x1bb: {  	v1 =	vld [tilespmem:s0+$0x70]  }
0x1bc: {  	v2 =	vld [tilespmem:s0+$0x4EF0];
	_ =	sdelay $0x6  }
0x1bd: {  	v1 =	vld.idx.msk [tilespmem:v1+s24+$0x0], $0xffff  }
0x1be: {  	v2 =	vld.idx.msk [tilespmem:v2+s25+$0x0], $0xffff;
	_ =	sdelay $0x4  }
0x1bf: {  	v1 =	vadd.f32 v2, v1;
	_ =	sdelay $0x1  }
0x1c0: {  	v2 =	vmul.f32 $2.000000030e-01, v1;
	_ =	sdelay $0x1  }
0x1c1: {  	v1 =	vmax.f32 v1, v2  }
0x1c2: {  	v1 =	vmul.f32 $1.442695020e+00, v1;
	_ =	sdelay $0x1  }
0x1c3: {  	(erf) = vpow2.f32 v1;
	_ =	sdelay $0x5  }
0x1c4: {  	v1 =	vmov s30  }
0x1c5: {  	v1 =	vand.u32 $0xFFFFFFFC, v1  }
0x1c6: {  	v1 =	vbroadcast v1, $0x0  }
0x1c7: {  	v2 =	vpop (erf)  }
0x1c8: {  	[tilespmem:$0x14D70] =	vst v2  }
0x1c9: {  	_ =	swait.ge [sflag:s28], $0x1000  }
0x1ca: {  	[sflag:s28] =	ssyncset.done $0x0  }
0x1cb: {  	[sflag:s28] =	ssyncadd.s32 $0xFFFFF000  }
0x1cc: {  	s2 =	simm.s32 $0x13D40;
	v1 =	vld.idx.msk [tilespmem:v1+s23+$0x0], $0xffff  }
0x1cd: {  	s4 =	simm.s32 $0x1;
	v2 =	vld [tilespmem:s2+$0xFFFFFFC0]  }
0x1ce: {  	v4 =	vmov s4;
	v3 =	vld [tilespmem:s2+$0xFFFFFFD0]  }
0x1cf: {  	v4 =	vand.u32 $0xFFFFFFFD, v4  }
0x1d0: {  	v4 =	vbroadcast v4, $0x0;
	_ =	sdelay $0x1  }
0x1d1: {  	v2 =	vmul.f32 v2, v1  }
0x1d2: {  	v1 =	vmul.f32 v3, v1  }
0x1d3: {  	[tilespmem:s2+$0xFFFFFFC0] =	vst v2  }
0x1d4: {  	[tilespmem:s2+$0xFFFFFFD0] =	vst v1;
	v2 =	vld [tilespmem:s2+$0xFFFFFFE0]  }
0x1d5: {  	s5 =	simm.s32 $0x2;
	v1 =	vld.idx.msk [tilespmem:v4+s23+$0x0], $0xffff  }
0x1d6: {  	v3 =	vld [tilespmem:s2+$0xFFFFFFF0];
	v4 =	vmov s5  }
0x1d7: {  	v4 =	vand.u32 $0xFFFFFFFE, v4  }
0x1d8: {  	v4 =	vbroadcast v4, $0x0;
	_ =	sdelay $0x1  }
0x1d9: {  	v2 =	vmul.f32 v2, v1  }
0x1da: {  	v1 =	vmul.f32 v3, v1  }
0x1db: {  	[tilespmem:s2+$0xFFFFFFE0] =	vst v2  }
0x1dc: {  	[tilespmem:s2+$0xFFFFFFF0] =	vst v1;
	v1 =	vld [tilespmem:s2+$0x10]  }
0x1dd: {  	v2 =	vld.idx.msk [tilespmem:v4+s23+$0x0], $0xffff  }
0x1de: {  	v3 =	vld [tilespmem:s2+$0x0];
	_ =	sdelay $0x1  }
0x1df: {  	s6 =	simm.s32 $0x3  }
0x1e0: {  	v4 =	vmov s6  }
0x1e1: {  	v1 =	vmul.f32 v1, v2  }
0x1e2: {  	v2 =	vmul.f32 v3, v2  }
0x1e3: {  	[tilespmem:s2+$0x10] =	vst v1  }
0x1e4: {  	[tilespmem:s2+$0x0] =	vst v2;
	v1 =	vld [tilespmem:s2+$0x30]  }
0x1e5: {  	v2 =	vld.idx.msk [tilespmem:v4+s23+$0x0], $0xffff  }
0x1e6: {  	s4 =	simm.s32 $0x4;
	v4 =	vld [tilespmem:s2+$0x20]  }
0x1e7: {  	v3 =	vmov s4  }
0x1e8: {  	v3 =	vand.u32 $0xFFFFFFFC, v3  }
0x1e9: {  	s0 =	sadd.s32 $0x4E80, s0;
	s5 =	simm.s32 $0x8;
	v3 =	vbroadcast v3, $0x0  }
.LBB2_9:
0x1ea: {  	p0 =	sne.s32 s5, $0x7C  }
0x1eb: {  	v1 =	vmul.f32 v1, v2;
	v4 =	vmul.f32 v4, v2;
	_ =	sdelay $0x1  }
0x1ec: {  	[tilespmem:s2+$0x20] =	vst v4  }
0x1ed: {  	[tilespmem:s2+$0x30] =	vst v1  }
0x1ee: {  	s2 =	sadd.s32 $0x80, s2;
	v1 =	vld.idx.msk [tilespmem:v3+s23+$0x0], $0xffff  }
0x1ef: {  	s6 =	sadd.s32 $0x1, s4;
	v2 =	vld [tilespmem:s2+$0xFFFFFFC0]  }
0x1f0: {  	v4 =	vmov s6;
	v3 =	vld [tilespmem:s2+$0xFFFFFFD0]  }
0x1f1: {  	v4 =	vand.u32 $0xFFFFFFFD, v4  }
0x1f2: {  	v4 =	vbroadcast v4, $0x0;
	_ =	sdelay $0x1  }
0x1f3: {  	v2 =	vmul.f32 v2, v1  }
0x1f4: {  	v1 =	vmul.f32 v3, v1  }
0x1f5: {  	[tilespmem:s2+$0xFFFFFFC0] =	vst v2  }
0x1f6: {  	[tilespmem:s2+$0xFFFFFFD0] =	vst v1  }
0x1f7: {  	v1 =	vld.idx.msk [tilespmem:v4+s23+$0x0], $0xffff  }
0x1f8: {  	s6 =	sadd.s32 $0x2, s4;
	v2 =	vld [tilespmem:s2+$0xFFFFFFE0]  }
0x1f9: {  	v4 =	vmov s6;
	v3 =	vld [tilespmem:s2+$0xFFFFFFF0]  }
0x1fa: {  	v4 =	vand.u32 $0xFFFFFFFE, v4  }
0x1fb: {  	v4 =	vbroadcast v4, $0x0;
	_ =	sdelay $0x1  }
0x1fc: {  	v2 =	vmul.f32 v2, v1  }
0x1fd: {  	v1 =	vmul.f32 v3, v1  }
0x1fe: {  	[tilespmem:s2+$0xFFFFFFE0] =	vst v2  }
0x1ff: {  	[tilespmem:s2+$0xFFFFFFF0] =	vst v1;
	v1 =	vld [tilespmem:s2+$0x10]  }
0x200: {  	v2 =	vld.idx.msk [tilespmem:v4+s23+$0x0], $0xffff  }
0x201: {  	v3 =	vld [tilespmem:s2+$0x0];
	_ =	sdelay $0x2  }
0x202: {  	s6 =	sadd.s32 $0x3, s4;
	s4 =	smov.u32 s5  }
0x203: {  	v4 =	vmov s6  }
0x204: {  	v1 =	vmul.f32 v1, v2;
	v3 =	vmul.f32 v3, v2;
	_ =	sdelay $0x1  }
0x205: {  	[tilespmem:s2+$0x10] =	vst v1  }
0x206: {  	[tilespmem:s2+$0x0] =	vst v3;
	v1 =	vld [tilespmem:s2+$0x30]  }
.Ltmp3:
0x207: {  	v2 =	vld.idx.msk [tilespmem:v4+s23+$0x0], $0xffff;
	(pc) =	sbr.rel @p0 .LBB2_9-.Ltmp3, $4  }
0x208: {  	v4 =	vld [tilespmem:s2+$0x20]  }
0x209: {  	v3 =	vmov s5  }
0x20a: {  	v3 =	vand.u32 $0xFFFFFFFC, v3  }
0x20b: {  	s5 =	sadd.s32 $0x4, s5;
	v3 =	vbroadcast v3, $0x0  }
0x20c: {  	_ = 	snop  }
0x20d: {  	v1 =	vmul.f32 v1, v2  }
0x20e: {  	v4 =	vmul.f32 v4, v2  }
0x20f: {  	[tilespmem:s2+$0x30] =	vst v1  }
0x210: {  	[tilespmem:s2+$0x20] =	vst v4  }
0x211: {  	s2 =	sadd.s32 $0x80, s2;
	v1 =	vld.idx.msk [tilespmem:v3+s23+$0x0], $0xffff  }
0x212: {  	s5 =	sadd.s32 $0x1, s4;
	v2 =	vld [tilespmem:s2+$0xFFFFFFC0]  }
0x213: {  	v61 =	vmov s5;
	v3 =	vld [tilespmem:s2+$0xFFFFFFD0]  }
0x214: {  	v4 =	vand.u32 $0xFFFFFFFD, v61  }
0x215: {  	v4 =	vbroadcast v4, $0x0;
	_ =	sdelay $0x1  }
0x216: {  	v2 =	vmul.f32 v2, v1  }
0x217: {  	v1 =	vmul.f32 v3, v1  }
0x218: {  	[tilespmem:s2+$0xFFFFFFC0] =	vst v2  }
0x219: {  	[tilespmem:s2+$0xFFFFFFD0] =	vst v1;
	v2 =	vld [tilespmem:s2+$0xFFFFFFE0]  }
0x21a: {  	s6 =	sadd.s32 $0x2, s4;
	v1 =	vld.idx.msk [tilespmem:v4+s23+$0x0], $0xffff  }
0x21b: {  	v62 =	vmov s6;
	v3 =	vld [tilespmem:s2+$0xFFFFFFF0]  }
0x21c: {  	v4 =	vand.u32 $0xFFFFFFFE, v62  }
0x21d: {  	v4 =	vbroadcast v4, $0x0;
	_ =	sdelay $0x1  }
0x21e: {  	v2 =	vmul.f32 v2, v1  }
0x21f: {  	v1 =	vmul.f32 v3, v1  }
0x220: {  	[tilespmem:s2+$0xFFFFFFE0] =	vst v2  }
0x221: {  	[tilespmem:s2+$0xFFFFFFF0] =	vst v1;
	v1 =	vld [tilespmem:s2+$0x10]  }
0x222: {  	v2 =	vld.idx.msk [tilespmem:v4+s23+$0x0], $0xffff  }
0x223: {  	v3 =	vld [tilespmem:s2+$0x0];
	_ =	sdelay $0x1  }
0x224: {  	s6 =	sadd.s32 $0x3, s4  }
0x225: {  	v63 =	vmov s6  }
0x226: {  	v1 =	vmul.f32 v1, v2  }
0x227: {  	v2 =	vmul.f32 v3, v2  }
0x228: {  	[tilespmem:s2+$0x10] =	vst v1  }
0x229: {  	[tilespmem:s2+$0x0] =	vst v2;
	v2 =	vld [tilespmem:s2+$0x20]  }
0x22a: {  	v1 =	vld.idx.msk [tilespmem:v63+s23+$0x0], $0xffff  }
0x22b: {  	v3 =	vld [tilespmem:s2+$0x30];
	_ =	sdelay $0x3  }
0x22c: {  	v2 =	vmul.f32 v2, v1  }
0x22d: {  	v1 =	vmul.f32 v3, v1  }
0x22e: {  	[tilespmem:s2+$0x20] =	vst v2  }
0x22f: {  	[tilespmem:s2+$0x30] =	vst v1  }
0x230: {  	[spmem:s19] =	stream.indirect.scatter.add.f32 [tilespmem:s18], [sflag:$0x2], $0x20, s0, s26, $0xb8;
	[tilespmem:$0x1F280] =	vst v63  }
0x231: {  	s31 =	sadd.s32 $0x1, s31;
	_ =	swait.ge [sflag:s15], $0x1000  }
0x232: {  	p0 =	sne.s32 s31, $0x9D;
	[sflag:s15] =	ssyncset.done $0x0  }
.Ltmp4:
0x233: {  	[sflag:s15] =	ssyncadd.s32 $0xFFFFF000;
	(pc) =	sbr.rel @p0 .LBB2_8-.Ltmp4, $4  }
0x234: {  	[spmem:s21] =	stream.indirect.scatter.add.f32 [tilespmem:s23], [sflag:$0x2], $0x1, s0, s26, $0xb8;
	[tilespmem:$0x1F280] =	vst v63  }
0x235: {  	_ =	swait.ge [sflag:s15], $0x80  }
0x236: {  	[sflag:s15] =	ssyncset.done $0x0  }
0x237: {  	[sflag:s15] =	ssyncadd.s32 $0xFFFFFF80  }
0x238: {  	s0 =	stileid.u32  }
0x239: {  	[bflag:$0x0] =	sbarrier.arrive $0xFFFF;
	s0 =	sshll.u32 s0, $0x6  }
0x23a: {  	s2 =	sshrl.u32 s9, $0x3;
	s4 =	rddreg [dreg:$0xa];
	s0 =	sor.u32 $0x1C02, s0  }
0x23b: {  	[hbm:s4], [sflag:s0] =	dma.local [spmem:s2], $0xA00  }
0x23c: {  	_ =	swait.ge [sflag:s15], $0xA00  }
0x23d: {  	[sflag:s15] =	ssyncset.done $0x0  }
0x23e: {  	s30 =	sshrl.u32 s10, $0x3;
	s31 =	rddreg [dreg:$0xc];
	[sflag:s15] =	ssyncadd.s32 $0xFFFFF600  }
0x23f: {  	[hbm:s31], [sflag:s0] =	dma.local [spmem:s30], $0x50  }
0x240: {  	_ =	swait.ge [sflag:s15], $0x50  }
0x241: {  	[sflag:s15] =	ssyncset.done $0x0  }
0x242: {  	s5 =	sshrl.u32 s20, $0x3;
	s6 =	rddreg [dreg:$0xb];
	[sflag:s15] =	ssyncadd.s32 $0xFFFFFFB0  }
0x243: {  	[hbm:s6], [sflag:s0] =	dma.local [spmem:s5], $0xA00  }
0x244: {  	s29 =	sadd.s32 $0x1, s29;
	_ =	swait.ge [sflag:s15], $0xA00  }
0x245: {  	p0 =	sne.s32 s29, s14;
	s30 =	sshrl.u32 s22, $0x3;
	[sflag:s15] =	ssyncset.done $0x0  }
.Ltmp5:
0x246: {  	s31 =	rddreg [dreg:$0xd];
	[sflag:s15] =	ssyncadd.s32 $0xFFFFF600;
	(pc) =	sbr.rel @p0 .LBB2_1-.Ltmp5, $4  }
0x247: {  	[hbm:s31], [sflag:s0] =	dma.local [spmem:s30], $0x50  }
0x248: {  	_ =	swait.ge [sflag:s15], $0x50  }
0x249: {  	[sflag:s15] =	ssyncset.done $0x0  }
0x24a: {  	[sflag:s15] =	ssyncadd.s32 $0xFFFFFFB0  }
0x24b: {  	_ =	sfence.sel $0x180000  }
0x24c: {  	[bflag:$0x0] =	sbarrier.arrive $0xFFFF  }
0x24d: {  	_ =	strace $0x90000047  }
0x24e: {  	s0 =	stileid.u32;
	[bflag:$0x2] =	sbarrier.arrive $0xFFFF  }
0x24f: {  	p0 =	sne.s32 s0, $0x0;
	s0 =	rddreg [dreg:$0x3]  }
0x250: {  	s0 =	sadd.s32 @!p0 $0x100000, s0  }
0x251: {  	[sflag:s0] =	ssyncadd.tile.s32 @!p0 $0x1;
	_ =	shalt  }
.Lfunc_end2:
_tile_overlayer_lowered:
.L_overlay_start_2:
0x252: {  	(tag) =	ssettag $0x2  }
0x253: {  	s0 =	rddreg [dreg:$0x0];
	s2 =	stileid.u32  }
0x254: {  	s1 =	rddreg [dreg:$0x1];
	p0 =	sne.s32 s2, $0x0  }
0x255: {  	s3 =	rddreg [dreg:$0x2];
	[bflag:$0x3] =	sbarrier.arrive $0xFFFF;
	s2 =	simm.s32 @!p0 $0x1C02  }
0x256: {  	[timem:s3], [sflag:s2] =	dma.local @!p0 [hbm:s0], s1  }
0x257: {  	s0 =	simm.s32 @!p0 $0x2  }
0x258: {  	_ =	swait.ge @!p0 [sflag:s0], s1  }
0x259: {  	s1 =	ssub.s32 @!p0 $0x0, s1;
	[sflag:s0] =	ssyncset.done @!p0 $0x0  }
0x25a: {  	[sflag:s0] =	ssyncadd.s32 @!p0 s1  }
0x25b: {  	[bflag:$0x3] =	sbarrier.arrive $0xFFFF  }
0x25c: {  	_ =	shalt  }

</sc_bundles>
